<compile_context>
chip_gen: v7x
topology: tpu7x:2x2x1
jax: 0.10.2.dev20260603
libtpu: 0.0.44.dev20260713+nightly
codegen_flags: <defaults>
</compile_context>

<pallas_src>
import functools

import jax
import jax.numpy as jnp
from jax import lax
from jax.experimental import pallas as pl
from jax.experimental.pallas import tpu as pltpu
from jax.experimental.pallas import tpu_sc as plsc

NC = 2
NS = 16
NW = NC * NS
LANES = 16


@functools.cache
def _sc_bag_call(B, L, E):
    BPW = B // NW
    NBUF = 8
    RPI = NBUF // 2
    UNROLL = 4
    CH0 = min(128, L)
    CH1 = L - CH0
    assert 0 < CH1 <= 128 and CH0 % 8 == 0 and CH1 % 8 == 0
    assert CH0 % UNROLL == 0 and CH1 % UNROLL == 0
    assert E == 2 * LANES and BPW % RPI == 0

    mesh = plsc.VectorSubcoreMesh(
        core_axis_name="c", subcore_axis_name="s",
        num_cores=NC, num_subcores=NS)

    @functools.partial(
        pl.kernel,
        out_type=jax.ShapeDtypeStruct((B, E), jnp.float32),
        mesh=mesh,
        scratch_types=[
            pltpu.VMEM((BPW, L), jnp.int32),
            pltpu.VMEM((NBUF, CH0, E), jnp.float32),
            pltpu.VMEM((BPW, E), jnp.float32),
            pltpu.SemaphoreType.DMA((NBUF,)),
        ],
        compiler_params=pltpu.CompilerParams(
            use_tc_tiling_on_sc=False, needs_layout_passes=False),
    )
    def sc_bag(idx_h, emb_h, out, idx_v, g_v, acc_v, sems):
        wid = lax.axis_index("c") * NS + lax.axis_index("s")
        base = wid * BPW

        def ivec(b, half):
            if half:
                return idx_v.at[b, pl.ds(CH0, CH1)]
            return idx_v.at[b, pl.ds(0, CH0)]

        def gslot(slot, half):
            if half:
                return g_v.at[slot, pl.ds(0, CH1)]
            return g_v.at[slot]

        pltpu.sync_copy(idx_h.at[pl.ds(base, BPW)], idx_v)
        for k in range(NBUF):
            pltpu.async_copy(emb_h.at[ivec(k // 2, k % 2)],
                             gslot(k, k % 2), sems.at[k])

        def pair_body(j, carry):
            for q in range(RPI):
                b = RPI * j + q
                accs = [jnp.zeros((LANES,), jnp.float32) for _ in range(4)]
                for h in range(2):
                    slot = 2 * q + h
                    pltpu.make_async_copy(
                        emb_h.at[ivec(0, h)], gslot(slot, h),
                        sems.at[slot]).wait()

                    def acc_body(i, a, slot=slot):
                        a0, a1, a2, a3 = a
                        for u in range(0, UNROLL, 2):
                            r = i * UNROLL + u
                            a0 = a0 + g_v[slot, r, :LANES]
                            a1 = a1 + g_v[slot, r, LANES:]
                            a2 = a2 + g_v[slot, r + 1, :LANES]
                            a3 = a3 + g_v[slot, r + 1, LANES:]
                        return (a0, a1, a2, a3)

                    accs = list(lax.fori_loop(
                        0, (CH1 if h else CH0) // UNROLL,
                        acc_body, tuple(accs)))

                    @pl.when(b + RPI < BPW)
                    def _(b=b, h=h, slot=slot):
                        pltpu.async_copy(
                            emb_h.at[ivec(b + RPI, h)], gslot(slot, h),
                            sems.at[slot])

                acc_v[b, :LANES] = accs[0] + accs[2]
                acc_v[b, LANES:] = accs[1] + accs[3]
            return carry

        lax.fori_loop(0, BPW // RPI, pair_body, 0)

        pltpu.sync_copy(acc_v, out.at[pl.ds(base, BPW)])

    return sc_bag


@functools.cache
def _tc_mlp_call(B, L, E, H, O):
    BLK = 256

    def body(p0_ref, p1_ref, p2_ref, m_ref, w1_ref, b1_ref, w2_ref, b2_ref,
             o_ref):
        msum = jnp.sum(m_ref[...], axis=1, keepdims=True)
        p = jnp.concatenate([p0_ref[...], p1_ref[...], p2_ref[...]], axis=1)
        p = p / msum
        h = jnp.dot(p, w1_ref[...], preferred_element_type=jnp.float32)
        h = jnp.maximum(h + b1_ref[...], 0.0)
        o = jnp.dot(h, w2_ref[...], preferred_element_type=jnp.float32)
        o_ref[...] = o + b2_ref[...]

    return pl.pallas_call(
        body,
        grid=(B // BLK,),
        in_specs=[
            pl.BlockSpec((BLK, E), lambda i: (i, 0)),
            pl.BlockSpec((BLK, E), lambda i: (i, 0)),
            pl.BlockSpec((BLK, E), lambda i: (i, 0)),
            pl.BlockSpec((BLK, L), lambda i: (i, 0)),
            pl.BlockSpec((3 * E, H), lambda i: (0, 0)),
            pl.BlockSpec((1, H), lambda i: (0, 0)),
            pl.BlockSpec((H, O), lambda i: (0, 0)),
            pl.BlockSpec((1, O), lambda i: (0, 0)),
        ],
        out_specs=pl.BlockSpec((BLK, O), lambda i: (i, 0)),
        out_shape=jax.ShapeDtypeStruct((B, O), jnp.float32),
    )


def kernel(shapes, colors, clusters, mask, shape_emb, color_emb, cluster_emb,
           W1, b1, W2, b2):
    B, L = shapes.shape
    E = shape_emb.shape[1]

    bag = _sc_bag_call(B, L, E)
    p_s = bag(shapes, shape_emb)
    p_c = bag(colors, color_emb)
    p_k = bag(clusters, cluster_emb)

    H = W1.shape[1]
    O = W2.shape[1]
    return _tc_mlp_call(B, L, E, H, O)(
        p_s, p_c, p_k, mask, W1, b1.reshape(1, H), W2, b2.reshape(1, O))

# --- scband reference (transcript-rebuilt; emitter-appended) ---
"""Pipeline reference for scband-glyph-model-88648124990061 (READ-ONLY COPY).

The authoritative reference and input builder live on the scoring server;
editing this copy changes nothing except your own understanding.
"""

import jax, jax.numpy as jnp
import numpy as np

B, L = 4096, 200
VOCAB = 100000
EMB = 32
HID = 64
NCLS = 100

def setup_inputs(seed: int = 0) -> dict:
    key = jax.random.key(seed)
    ks = jax.random.split(key, 12)
    shapes = jax.random.randint(ks[0], (B, L), 0, VOCAB, dtype=jnp.int64 if jax.config.read('jax_enable_x64') else jnp.int32).astype(jnp.int32)
    colors = jax.random.randint(ks[1], (B, L), 0, VOCAB).astype(jnp.int32)
    clusters = jax.random.randint(ks[2], (B, L), 0, VOCAB).astype(jnp.int32)
    mask = jnp.ones((B, L), dtype=jnp.float32)
    shape_emb = jax.random.normal(ks[3], (VOCAB + 1, EMB), dtype=jnp.float32)
    color_emb = jax.random.normal(ks[4], (VOCAB + 1, EMB), dtype=jnp.float32)
    cluster_emb = jax.random.normal(ks[5], (VOCAB + 1, EMB), dtype=jnp.float32)
    W1 = jax.random.normal(ks[6], (EMB * 3, HID), dtype=jnp.float32) * (1.0 / np.sqrt(EMB * 3))
    b1 = jnp.zeros((HID,), dtype=jnp.float32)
    W2 = jax.random.normal(ks[7], (HID, NCLS), dtype=jnp.float32) * (1.0 / np.sqrt(HID))
    b2 = jnp.zeros((NCLS,), dtype=jnp.float32)
    return {"shapes": shapes, "colors": colors, "clusters": clusters, "mask": mask,
            "shape_emb": shape_emb, "color_emb": color_emb, "cluster_emb": cluster_emb,
            "W1": W1, "b1": b1, "W2": W2, "b2": b2}

def reference(shapes, colors, clusters, mask, shape_emb, color_emb, cluster_emb, W1, b1, W2, b2):
    # three embedding gathers (SparseCore-friendly)
    e = jnp.concatenate([
        jnp.take(shape_emb, shapes, axis=0),
        jnp.take(color_emb, colors, axis=0),
        jnp.take(cluster_emb, clusters, axis=0),
    ], axis=-1)  # [B, L, 3*EMB]
    m = mask[..., None]
    pooled = (e * m).sum(axis=1) / m.sum(axis=1)
    # dropout is identity in eval mode
    h = jax.nn.relu(pooled @ W1 + b1)
    out = h @ W2 + b2
    return out

if __name__ == "__main__":
    import jax
    _d = setup_inputs()
    print(jax.jit(kernel)(*tuple(_d.values())))

</pallas_src>

<mosaic_0001>
#map = affine_map<(d0, d1) -> (0, 0)>
module attributes {stable_mosaic.version = 14 : i64} {
  func.func @sc_bag(%arg0: i32, %arg1: i32, %arg2: memref<4096x200xi32, #tpu.memory_space<hbm>>, %arg3: memref<100001x32xf32, #tpu.memory_space<hbm>>, %arg4: memref<4096x32xf32, #tpu.memory_space<hbm>>, %arg5: memref<128x200xi32, #tpu.memory_space<vmem>>, %arg6: memref<8x128x32xf32, #tpu.memory_space<vmem>>, %arg7: memref<128x32xf32, #tpu.memory_space<vmem>>, %arg8: memref<8x!tpu.dma_semaphore, #tpu.memory_space<semaphore_mem>>) attributes {dimension_semantics = [#tpu.dimension_semantics<core_parallel>, #tpu.dimension_semantics<subcore_parallel>], iteration_bounds = array<i64: 2, 16>, scalar_prefetch = 0 : i64, scratch_operands = 4 : i64, tpu.core_type = #tpu.core_type<sc_vector_subcore>, window_params = [{transform_indices = #map}, {transform_indices = #map}, {transform_indices = #map}]} {
    %mul3A = arith.constant 16 : i32
    %mul3A_0 = arith.muli %arg0, %mul3A : i32
    %add3A = arith.addi %mul3A_0, %arg1 : i32
    %mul3A_1 = arith.constant 128 : i32
    %mul3A_2 = arith.muli %add3A, %mul3A_1 : i32
    "tpu.region"() ({
      %run_scoped3A = tpu.sem_alloc : memref<!tpu.dma_semaphore, #tpu.memory_space<semaphore_mem>>
      %dma_start3A_127 = arith.constant 0 : i32
      %dma_start3A_128 = tpu.memref_slice %arg2[%mul3A_2, %dma_start3A_127] : memref<4096x200xi32, #tpu.memory_space<hbm>> -> memref<128x200xi32, #tpu.memory_space<hbm>>
      %dma_start3A_129 = arith.constant 0 : i32
      %dma_start3A_130 = tpu.memref_slice %arg2[%mul3A_2, %dma_start3A_129] : memref<4096x200xi32, #tpu.memory_space<hbm>> -> memref<128x200xi32, #tpu.memory_space<hbm>>
      tpu.enqueue_dma source(%dma_start3A_130 : memref<128x200xi32, #tpu.memory_space<hbm>>) target(%arg5 : memref<128x200xi32, #tpu.memory_space<vmem>>) target_semaphore(%run_scoped3A : memref<!tpu.dma_semaphore, #tpu.memory_space<semaphore_mem>>)
      %dma_wait3A = arith.constant 0 : i32
      %dma_wait3A_131 = tpu.memref_slice %arg2[%mul3A_2, %dma_wait3A] : memref<4096x200xi32, #tpu.memory_space<hbm>> -> memref<128x200xi32, #tpu.memory_space<hbm>>
      %dma_wait3A_132 = arith.constant 0 : i32
      %dma_wait3A_133 = tpu.memref_slice %arg2[%mul3A_2, %dma_wait3A_132] : memref<4096x200xi32, #tpu.memory_space<hbm>> -> memref<128x200xi32, #tpu.memory_space<hbm>>
      tpu.wait_dma2 semaphore(%run_scoped3A : memref<!tpu.dma_semaphore, #tpu.memory_space<semaphore_mem>>) src(%dma_wait3A_133 : memref<128x200xi32, #tpu.memory_space<hbm>>) dst(%arg5 : memref<128x200xi32, #tpu.memory_space<vmem>>)
      tpu.yield
    }) : () -> ()
    %dma_start3A = arith.constant 0 : i32
    %dma_start3A_3 = arith.constant 0 : i32
    %dma_start3A_4 = arith.constant 0 : i32
    %dma_start3A_5 = arith.constant 0 : i32
    %dma_start3A_6 = arith.constant 0 : i32
    %dma_start3A_7 = tpu.memref_slice %arg6[%dma_start3A_3, %dma_start3A_5, %dma_start3A_6] : memref<8x128x32xf32, #tpu.memory_space<vmem>> -> memref<1x128x32xf32, #tpu.memory_space<vmem>>
    %dma_start3A_8 = tpu.memref_squeeze %dma_start3A_7 : memref<1x128x32xf32, #tpu.memory_space<vmem>> -> memref<128x32xf32, #tpu.memory_space<vmem>>
    %dma_start3A_9 = arith.constant 0 : i32
    %dma_start3A_10 = tpu.memref_slice %arg5[%dma_start3A, %dma_start3A_9] : memref<128x200xi32, #tpu.memory_space<vmem>> -> memref<1x128xi32, #tpu.memory_space<vmem>>
    %dma_start3A_11 = tpu.memref_squeeze %dma_start3A_10 : memref<1x128xi32, #tpu.memory_space<vmem>> -> memref<128xi32, #tpu.memory_space<vmem>>
    %dma_start3A_12 = arith.constant 0 : i32
    %dma_start3A_13 = arith.constant 0 : i32
    %dma_start3A_14 = tpu.memref_slice %arg3[%dma_start3A_12, %dma_start3A_13] : memref<100001x32xf32, #tpu.memory_space<hbm>> -> memref<100001x32xf32, #tpu.memory_space<hbm>>
    %dma_start3A_15 = tpu.memref_slice %arg8[%dma_start3A_4] : memref<8x!tpu.dma_semaphore, #tpu.memory_space<semaphore_mem>> -> memref<1x!tpu.dma_semaphore, #tpu.memory_space<semaphore_mem>>
    %dma_start3A_16 = tpu.memref_squeeze %dma_start3A_15 : memref<1x!tpu.dma_semaphore, #tpu.memory_space<semaphore_mem>> -> memref<!tpu.dma_semaphore, #tpu.memory_space<semaphore_mem>>
    tpu.enqueue_indirect_dma source(%dma_start3A_14 : memref<100001x32xf32, #tpu.memory_space<hbm>>) target(%dma_start3A_8 : memref<128x32xf32, #tpu.memory_space<vmem>>) offsets(%dma_start3A_11 : memref<128xi32, #tpu.memory_space<vmem>>) semaphore(%dma_start3A_16 : memref<!tpu.dma_semaphore, #tpu.memory_space<semaphore_mem>>)
    %dma_start3A_17 = arith.constant 0 : i32
    %dma_start3A_18 = arith.constant 1 : i32
    %dma_start3A_19 = arith.constant 1 : i32
    %dma_start3A_20 = arith.constant 0 : i32
    %dma_start3A_21 = arith.constant 0 : i32
    %dma_start3A_22 = tpu.memref_slice %arg6[%dma_start3A_18, %dma_start3A_20, %dma_start3A_21] : memref<8x128x32xf32, #tpu.memory_space<vmem>> -> memref<1x72x32xf32, #tpu.memory_space<vmem>>
    %dma_start3A_23 = tpu.memref_squeeze %dma_start3A_22 : memref<1x72x32xf32, #tpu.memory_space<vmem>> -> memref<72x32xf32, #tpu.memory_space<vmem>>
    %dma_start3A_24 = arith.constant 128 : i32
    %dma_start3A_25 = tpu.memref_slice %arg5[%dma_start3A_17, %dma_start3A_24] : memref<128x200xi32, #tpu.memory_space<vmem>> -> memref<1x72xi32, #tpu.memory_space<vmem>>
    %dma_start3A_26 = tpu.memref_squeeze %dma_start3A_25 : memref<1x72xi32, #tpu.memory_space<vmem>> -> memref<72xi32, #tpu.memory_space<vmem>>
    %dma_start3A_27 = arith.constant 0 : i32
    %dma_start3A_28 = arith.constant 0 : i32
    %dma_start3A_29 = tpu.memref_slice %arg3[%dma_start3A_27, %dma_start3A_28] : memref<100001x32xf32, #tpu.memory_space<hbm>> -> memref<100001x32xf32, #tpu.memory_space<hbm>>
    %dma_start3A_30 = tpu.memref_slice %arg8[%dma_start3A_19] : memref<8x!tpu.dma_semaphore, #tpu.memory_space<semaphore_mem>> -> memref<1x!tpu.dma_semaphore, #tpu.memory_space<semaphore_mem>>
    %dma_start3A_31 = tpu.memref_squeeze %dma_start3A_30 : memref<1x!tpu.dma_semaphore, #tpu.memory_space<semaphore_mem>> -> memref<!tpu.dma_semaphore, #tpu.memory_space<semaphore_mem>>
    tpu.enqueue_indirect_dma source(%dma_start3A_29 : memref<100001x32xf32, #tpu.memory_space<hbm>>) target(%dma_start3A_23 : memref<72x32xf32, #tpu.memory_space<vmem>>) offsets(%dma_start3A_26 : memref<72xi32, #tpu.memory_space<vmem>>) semaphore(%dma_start3A_31 : memref<!tpu.dma_semaphore, #tpu.memory_space<semaphore_mem>>)
    %dma_start3A_32 = arith.constant 1 : i32
    %dma_start3A_33 = arith.constant 2 : i32
    %dma_start3A_34 = arith.constant 2 : i32
    %dma_start3A_35 = arith.constant 0 : i32
    %dma_start3A_36 = arith.constant 0 : i32
    %dma_start3A_37 = tpu.memref_slice %arg6[%dma_start3A_33, %dma_start3A_35, %dma_start3A_36] : memref<8x128x32xf32, #tpu.memory_space<vmem>> -> memref<1x128x32xf32, #tpu.memory_space<vmem>>
    %dma_start3A_38 = tpu.memref_squeeze %dma_start3A_37 : memref<1x128x32xf32, #tpu.memory_space<vmem>> -> memref<128x32xf32, #tpu.memory_space<vmem>>
    %dma_start3A_39 = arith.constant 0 : i32
    %dma_start3A_40 = tpu.memref_slice %arg5[%dma_start3A_32, %dma_start3A_39] : memref<128x200xi32, #tpu.memory_space<vmem>> -> memref<1x128xi32, #tpu.memory_space<vmem>>
    %dma_start3A_41 = tpu.memref_squeeze %dma_start3A_40 : memref<1x128xi32, #tpu.memory_space<vmem>> -> memref<128xi32, #tpu.memory_space<vmem>>
    %dma_start3A_42 = arith.constant 0 : i32
    %dma_start3A_43 = arith.constant 0 : i32
    %dma_start3A_44 = tpu.memref_slice %arg3[%dma_start3A_42, %dma_start3A_43] : memref<100001x32xf32, #tpu.memory_space<hbm>> -> memref<100001x32xf32, #tpu.memory_space<hbm>>
    %dma_start3A_45 = tpu.memref_slice %arg8[%dma_start3A_34] : memref<8x!tpu.dma_semaphore, #tpu.memory_space<semaphore_mem>> -> memref<1x!tpu.dma_semaphore, #tpu.memory_space<semaphore_mem>>
    %dma_start3A_46 = tpu.memref_squeeze %dma_start3A_45 : memref<1x!tpu.dma_semaphore, #tpu.memory_space<semaphore_mem>> -> memref<!tpu.dma_semaphore, #tpu.memory_space<semaphore_mem>>
    tpu.enqueue_indirect_dma source(%dma_start3A_44 : memref<100001x32xf32, #tpu.memory_space<hbm>>) target(%dma_start3A_38 : memref<128x32xf32, #tpu.memory_space<vmem>>) offsets(%dma_start3A_41 : memref<128xi32, #tpu.memory_space<vmem>>) semaphore(%dma_start3A_46 : memref<!tpu.dma_semaphore, #tpu.memory_space<semaphore_mem>>)
    %dma_start3A_47 = arith.constant 1 : i32
    %dma_start3A_48 = arith.constant 3 : i32
    %dma_start3A_49 = arith.constant 3 : i32
    %dma_start3A_50 = arith.constant 0 : i32
    %dma_start3A_51 = arith.constant 0 : i32
    %dma_start3A_52 = tpu.memref_slice %arg6[%dma_start3A_48, %dma_start3A_50, %dma_start3A_51] : memref<8x128x32xf32, #tpu.memory_space<vmem>> -> memref<1x72x32xf32, #tpu.memory_space<vmem>>
    %dma_start3A_53 = tpu.memref_squeeze %dma_start3A_52 : memref<1x72x32xf32, #tpu.memory_space<vmem>> -> memref<72x32xf32, #tpu.memory_space<vmem>>
    %dma_start3A_54 = arith.constant 128 : i32
    %dma_start3A_55 = tpu.memref_slice %arg5[%dma_start3A_47, %dma_start3A_54] : memref<128x200xi32, #tpu.memory_space<vmem>> -> memref<1x72xi32, #tpu.memory_space<vmem>>
    %dma_start3A_56 = tpu.memref_squeeze %dma_start3A_55 : memref<1x72xi32, #tpu.memory_space<vmem>> -> memref<72xi32, #tpu.memory_space<vmem>>
    %dma_start3A_57 = arith.constant 0 : i32
    %dma_start3A_58 = arith.constant 0 : i32
    %dma_start3A_59 = tpu.memref_slice %arg3[%dma_start3A_57, %dma_start3A_58] : memref<100001x32xf32, #tpu.memory_space<hbm>> -> memref<100001x32xf32, #tpu.memory_space<hbm>>
    %dma_start3A_60 = tpu.memref_slice %arg8[%dma_start3A_49] : memref<8x!tpu.dma_semaphore, #tpu.memory_space<semaphore_mem>> -> memref<1x!tpu.dma_semaphore, #tpu.memory_space<semaphore_mem>>
    %dma_start3A_61 = tpu.memref_squeeze %dma_start3A_60 : memref<1x!tpu.dma_semaphore, #tpu.memory_space<semaphore_mem>> -> memref<!tpu.dma_semaphore, #tpu.memory_space<semaphore_mem>>
    tpu.enqueue_indirect_dma source(%dma_start3A_59 : memref<100001x32xf32, #tpu.memory_space<hbm>>) target(%dma_start3A_53 : memref<72x32xf32, #tpu.memory_space<vmem>>) offsets(%dma_start3A_56 : memref<72xi32, #tpu.memory_space<vmem>>) semaphore(%dma_start3A_61 : memref<!tpu.dma_semaphore, #tpu.memory_space<semaphore_mem>>)
    %dma_start3A_62 = arith.constant 2 : i32
    %dma_start3A_63 = arith.constant 4 : i32
    %dma_start3A_64 = arith.constant 4 : i32
    %dma_start3A_65 = arith.constant 0 : i32
    %dma_start3A_66 = arith.constant 0 : i32
    %dma_start3A_67 = tpu.memref_slice %arg6[%dma_start3A_63, %dma_start3A_65, %dma_start3A_66] : memref<8x128x32xf32, #tpu.memory_space<vmem>> -> memref<1x128x32xf32, #tpu.memory_space<vmem>>
    %dma_start3A_68 = tpu.memref_squeeze %dma_start3A_67 : memref<1x128x32xf32, #tpu.memory_space<vmem>> -> memref<128x32xf32, #tpu.memory_space<vmem>>
    %dma_start3A_69 = arith.constant 0 : i32
    %dma_start3A_70 = tpu.memref_slice %arg5[%dma_start3A_62, %dma_start3A_69] : memref<128x200xi32, #tpu.memory_space<vmem>> -> memref<1x128xi32, #tpu.memory_space<vmem>>
    %dma_start3A_71 = tpu.memref_squeeze %dma_start3A_70 : memref<1x128xi32, #tpu.memory_space<vmem>> -> memref<128xi32, #tpu.memory_space<vmem>>
    %dma_start3A_72 = arith.constant 0 : i32
    %dma_start3A_73 = arith.constant 0 : i32
    %dma_start3A_74 = tpu.memref_slice %arg3[%dma_start3A_72, %dma_start3A_73] : memref<100001x32xf32, #tpu.memory_space<hbm>> -> memref<100001x32xf32, #tpu.memory_space<hbm>>
    %dma_start3A_75 = tpu.memref_slice %arg8[%dma_start3A_64] : memref<8x!tpu.dma_semaphore, #tpu.memory_space<semaphore_mem>> -> memref<1x!tpu.dma_semaphore, #tpu.memory_space<semaphore_mem>>
    %dma_start3A_76 = tpu.memref_squeeze %dma_start3A_75 : memref<1x!tpu.dma_semaphore, #tpu.memory_space<semaphore_mem>> -> memref<!tpu.dma_semaphore, #tpu.memory_space<semaphore_mem>>
    tpu.enqueue_indirect_dma source(%dma_start3A_74 : memref<100001x32xf32, #tpu.memory_space<hbm>>) target(%dma_start3A_68 : memref<128x32xf32, #tpu.memory_space<vmem>>) offsets(%dma_start3A_71 : memref<128xi32, #tpu.memory_space<vmem>>) semaphore(%dma_start3A_76 : memref<!tpu.dma_semaphore, #tpu.memory_space<semaphore_mem>>)
    %dma_start3A_77 = arith.constant 2 : i32
    %dma_start3A_78 = arith.constant 5 : i32
    %dma_start3A_79 = arith.constant 5 : i32
    %dma_start3A_80 = arith.constant 0 : i32
    %dma_start3A_81 = arith.constant 0 : i32
    %dma_start3A_82 = tpu.memref_slice %arg6[%dma_start3A_78, %dma_start3A_80, %dma_start3A_81] : memref<8x128x32xf32, #tpu.memory_space<vmem>> -> memref<1x72x32xf32, #tpu.memory_space<vmem>>
    %dma_start3A_83 = tpu.memref_squeeze %dma_start3A_82 : memref<1x72x32xf32, #tpu.memory_space<vmem>> -> memref<72x32xf32, #tpu.memory_space<vmem>>
    %dma_start3A_84 = arith.constant 128 : i32
    %dma_start3A_85 = tpu.memref_slice %arg5[%dma_start3A_77, %dma_start3A_84] : memref<128x200xi32, #tpu.memory_space<vmem>> -> memref<1x72xi32, #tpu.memory_space<vmem>>
    %dma_start3A_86 = tpu.memref_squeeze %dma_start3A_85 : memref<1x72xi32, #tpu.memory_space<vmem>> -> memref<72xi32, #tpu.memory_space<vmem>>
    %dma_start3A_87 = arith.constant 0 : i32
    %dma_start3A_88 = arith.constant 0 : i32
    %dma_start3A_89 = tpu.memref_slice %arg3[%dma_start3A_87, %dma_start3A_88] : memref<100001x32xf32, #tpu.memory_space<hbm>> -> memref<100001x32xf32, #tpu.memory_space<hbm>>
    %dma_start3A_90 = tpu.memref_slice %arg8[%dma_start3A_79] : memref<8x!tpu.dma_semaphore, #tpu.memory_space<semaphore_mem>> -> memref<1x!tpu.dma_semaphore, #tpu.memory_space<semaphore_mem>>
    %dma_start3A_91 = tpu.memref_squeeze %dma_start3A_90 : memref<1x!tpu.dma_semaphore, #tpu.memory_space<semaphore_mem>> -> memref<!tpu.dma_semaphore, #tpu.memory_space<semaphore_mem>>
    tpu.enqueue_indirect_dma source(%dma_start3A_89 : memref<100001x32xf32, #tpu.memory_space<hbm>>) target(%dma_start3A_83 : memref<72x32xf32, #tpu.memory_space<vmem>>) offsets(%dma_start3A_86 : memref<72xi32, #tpu.memory_space<vmem>>) semaphore(%dma_start3A_91 : memref<!tpu.dma_semaphore, #tpu.memory_space<semaphore_mem>>)
    %dma_start3A_92 = arith.constant 3 : i32
    %dma_start3A_93 = arith.constant 6 : i32
    %dma_start3A_94 = arith.constant 6 : i32
    %dma_start3A_95 = arith.constant 0 : i32
    %dma_start3A_96 = arith.constant 0 : i32
    %dma_start3A_97 = tpu.memref_slice %arg6[%dma_start3A_93, %dma_start3A_95, %dma_start3A_96] : memref<8x128x32xf32, #tpu.memory_space<vmem>> -> memref<1x128x32xf32, #tpu.memory_space<vmem>>
    %dma_start3A_98 = tpu.memref_squeeze %dma_start3A_97 : memref<1x128x32xf32, #tpu.memory_space<vmem>> -> memref<128x32xf32, #tpu.memory_space<vmem>>
    %dma_start3A_99 = arith.constant 0 : i32
    %dma_start3A_100 = tpu.memref_slice %arg5[%dma_start3A_92, %dma_start3A_99] : memref<128x200xi32, #tpu.memory_space<vmem>> -> memref<1x128xi32, #tpu.memory_space<vmem>>
    %dma_start3A_101 = tpu.memref_squeeze %dma_start3A_100 : memref<1x128xi32, #tpu.memory_space<vmem>> -> memref<128xi32, #tpu.memory_space<vmem>>
    %dma_start3A_102 = arith.constant 0 : i32
    %dma_start3A_103 = arith.constant 0 : i32
    %dma_start3A_104 = tpu.memref_slice %arg3[%dma_start3A_102, %dma_start3A_103] : memref<100001x32xf32, #tpu.memory_space<hbm>> -> memref<100001x32xf32, #tpu.memory_space<hbm>>
    %dma_start3A_105 = tpu.memref_slice %arg8[%dma_start3A_94] : memref<8x!tpu.dma_semaphore, #tpu.memory_space<semaphore_mem>> -> memref<1x!tpu.dma_semaphore, #tpu.memory_space<semaphore_mem>>
    %dma_start3A_106 = tpu.memref_squeeze %dma_start3A_105 : memref<1x!tpu.dma_semaphore, #tpu.memory_space<semaphore_mem>> -> memref<!tpu.dma_semaphore, #tpu.memory_space<semaphore_mem>>
    tpu.enqueue_indirect_dma source(%dma_start3A_104 : memref<100001x32xf32, #tpu.memory_space<hbm>>) target(%dma_start3A_98 : memref<128x32xf32, #tpu.memory_space<vmem>>) offsets(%dma_start3A_101 : memref<128xi32, #tpu.memory_space<vmem>>) semaphore(%dma_start3A_106 : memref<!tpu.dma_semaphore, #tpu.memory_space<semaphore_mem>>)
    %dma_start3A_107 = arith.constant 3 : i32
    %dma_start3A_108 = arith.constant 7 : i32
    %dma_start3A_109 = arith.constant 7 : i32
    %dma_start3A_110 = arith.constant 0 : i32
    %dma_start3A_111 = arith.constant 0 : i32
    %dma_start3A_112 = tpu.memref_slice %arg6[%dma_start3A_108, %dma_start3A_110, %dma_start3A_111] : memref<8x128x32xf32, #tpu.memory_space<vmem>> -> memref<1x72x32xf32, #tpu.memory_space<vmem>>
    %dma_start3A_113 = tpu.memref_squeeze %dma_start3A_112 : memref<1x72x32xf32, #tpu.memory_space<vmem>> -> memref<72x32xf32, #tpu.memory_space<vmem>>
    %dma_start3A_114 = arith.constant 128 : i32
    %dma_start3A_115 = tpu.memref_slice %arg5[%dma_start3A_107, %dma_start3A_114] : memref<128x200xi32, #tpu.memory_space<vmem>> -> memref<1x72xi32, #tpu.memory_space<vmem>>
    %dma_start3A_116 = tpu.memref_squeeze %dma_start3A_115 : memref<1x72xi32, #tpu.memory_space<vmem>> -> memref<72xi32, #tpu.memory_space<vmem>>
    %dma_start3A_117 = arith.constant 0 : i32
    %dma_start3A_118 = arith.constant 0 : i32
    %dma_start3A_119 = tpu.memref_slice %arg3[%dma_start3A_117, %dma_start3A_118] : memref<100001x32xf32, #tpu.memory_space<hbm>> -> memref<100001x32xf32, #tpu.memory_space<hbm>>
    %dma_start3A_120 = tpu.memref_slice %arg8[%dma_start3A_109] : memref<8x!tpu.dma_semaphore, #tpu.memory_space<semaphore_mem>> -> memref<1x!tpu.dma_semaphore, #tpu.memory_space<semaphore_mem>>
    %dma_start3A_121 = tpu.memref_squeeze %dma_start3A_120 : memref<1x!tpu.dma_semaphore, #tpu.memory_space<semaphore_mem>> -> memref<!tpu.dma_semaphore, #tpu.memory_space<semaphore_mem>>
    tpu.enqueue_indirect_dma source(%dma_start3A_119 : memref<100001x32xf32, #tpu.memory_space<hbm>>) target(%dma_start3A_113 : memref<72x32xf32, #tpu.memory_space<vmem>>) offsets(%dma_start3A_116 : memref<72xi32, #tpu.memory_space<vmem>>) semaphore(%dma_start3A_121 : memref<!tpu.dma_semaphore, #tpu.memory_space<semaphore_mem>>)
    %scan3A = arith.constant 0 : i32
    %scan3A_122 = arith.constant 0 : i32
    %scan3A_123 = arith.constant 32 : i32
    %scan3A_124 = arith.addi %scan3A_122, %scan3A_123 : i32
    %scan3A_125 = arith.constant 1 : i32
    scf.for %scan3A_127 = %scan3A_122 to %scan3A_124 step %scan3A_125  : i32 {
      %mul3A_128 = arith.constant 4 : i32
      %mul3A_129 = arith.muli %mul3A_128, %scan3A_127 : i32
      %add3A_130 = arith.constant 0 : i32
      %add3A_131 = arith.addi %mul3A_129, %add3A_130 : i32
      %broadcast_in_dim3A = arith.constant 0.000000e+00 : f32
      %broadcast_in_dim3A_132 = vector.broadcast %broadcast_in_dim3A : f32 to vector<16xf32>
      %broadcast_in_dim3A_133 = arith.constant 0.000000e+00 : f32
      %broadcast_in_dim3A_134 = vector.broadcast %broadcast_in_dim3A_133 : f32 to vector<16xf32>
      %broadcast_in_dim3A_135 = arith.constant 0.000000e+00 : f32
      %broadcast_in_dim3A_136 = vector.broadcast %broadcast_in_dim3A_135 : f32 to vector<16xf32>
      %broadcast_in_dim3A_137 = arith.constant 0.000000e+00 : f32
      %broadcast_in_dim3A_138 = vector.broadcast %broadcast_in_dim3A_137 : f32 to vector<16xf32>
      %dma_wait3A = arith.constant 0 : i32
      %dma_wait3A_139 = arith.constant 0 : i32
      %dma_wait3A_140 = arith.constant 0 : i32
      %dma_wait3A_141 = arith.constant 0 : i32
      %dma_wait3A_142 = arith.constant 0 : i32
      %dma_wait3A_143 = tpu.memref_slice %arg6[%dma_wait3A_139, %dma_wait3A_141, %dma_wait3A_142] : memref<8x128x32xf32, #tpu.memory_space<vmem>> -> memref<1x128x32xf32, #tpu.memory_space<vmem>>
      %dma_wait3A_144 = tpu.memref_squeeze %dma_wait3A_143 : memref<1x128x32xf32, #tpu.memory_space<vmem>> -> memref<128x32xf32, #tpu.memory_space<vmem>>
      %dma_wait3A_145 = arith.constant 0 : i32
      %dma_wait3A_146 = tpu.memref_slice %arg5[%dma_wait3A, %dma_wait3A_145] : memref<128x200xi32, #tpu.memory_space<vmem>> -> memref<1x128xi32, #tpu.memory_space<vmem>>
      %dma_wait3A_147 = tpu.memref_squeeze %dma_wait3A_146 : memref<1x128xi32, #tpu.memory_space<vmem>> -> memref<128xi32, #tpu.memory_space<vmem>>
      %dma_wait3A_148 = arith.constant 0 : i32
      %dma_wait3A_149 = arith.constant 0 : i32
      %dma_wait3A_150 = tpu.memref_slice %arg3[%dma_wait3A_148, %dma_wait3A_149] : memref<100001x32xf32, #tpu.memory_space<hbm>> -> memref<100001x32xf32, #tpu.memory_space<hbm>>
      %dma_wait3A_151 = tpu.memref_slice %arg8[%dma_wait3A_140] : memref<8x!tpu.dma_semaphore, #tpu.memory_space<semaphore_mem>> -> memref<1x!tpu.dma_semaphore, #tpu.memory_space<semaphore_mem>>
      %dma_wait3A_152 = tpu.memref_squeeze %dma_wait3A_151 : memref<1x!tpu.dma_semaphore, #tpu.memory_space<semaphore_mem>> -> memref<!tpu.dma_semaphore, #tpu.memory_space<semaphore_mem>>
      tpu.wait_indirect_dma semaphore(%dma_wait3A_152 : memref<!tpu.dma_semaphore, #tpu.memory_space<semaphore_mem>>) src(%dma_wait3A_150 : memref<100001x32xf32, #tpu.memory_space<hbm>>) dst(%dma_wait3A_144 : memref<128x32xf32, #tpu.memory_space<vmem>>)
      %scan3A_153 = arith.constant 0 : i32
      %scan3A_154 = arith.constant 32 : i32
      %scan3A_155 = arith.addi %scan3A_153, %scan3A_154 : i32
      %scan3A_156 = arith.constant 1 : i32
      %scan3A_157:4 = scf.for %scan3A_426 = %scan3A_153 to %scan3A_155 step %scan3A_156 iter_args(%scan3A_427 = %broadcast_in_dim3A_132, %scan3A_428 = %broadcast_in_dim3A_134, %scan3A_429 = %broadcast_in_dim3A_136, %scan3A_430 = %broadcast_in_dim3A_138) -> (vector<16xf32>, vector<16xf32>, vector<16xf32>, vector<16xf32>)  : i32 {
        %mul3A_431 = arith.constant 4 : i32
        %mul3A_432 = arith.muli %scan3A_426, %mul3A_431 : i32
        %add3A_433 = arith.constant 0 : i32
        %add3A_434 = arith.addi %mul3A_432, %add3A_433 : i32
        %get3A = arith.constant 0 : i32
        %get3A_435 = arith.index_cast %get3A : i32 to index
        %get3A_436 = arith.index_cast %add3A_434 : i32 to index
        %get3A_437 = arith.constant 0 : index
        %get3A_438 = tpu.vector_load %arg6[%get3A_435, %get3A_436, %get3A_437] {strides = array<i32>} : memref<8x128x32xf32, #tpu.memory_space<vmem>>, vector<16xf32>,
        %add3A_439 = arith.addf %scan3A_427, %get3A_438 : vector<16xf32>
        %get3A_440 = arith.constant 0 : i32
        %get3A_441 = arith.index_cast %get3A_440 : i32 to index
        %get3A_442 = arith.index_cast %add3A_434 : i32 to index
        %get3A_443 = arith.constant 16 : index
        %get3A_444 = tpu.vector_load %arg6[%get3A_441, %get3A_442, %get3A_443] {strides = array<i32>} : memref<8x128x32xf32, #tpu.memory_space<vmem>>, vector<16xf32>,
        %add3A_445 = arith.addf %scan3A_428, %get3A_444 : vector<16xf32>
        %add3A_446 = arith.constant 1 : i32
        %add3A_447 = arith.addi %add3A_434, %add3A_446 : i32
        %get3A_448 = arith.constant 0 : i32
        %get3A_449 = arith.index_cast %get3A_448 : i32 to index
        %get3A_450 = arith.index_cast %add3A_447 : i32 to index
        %get3A_451 = arith.constant 0 : index
        %get3A_452 = tpu.vector_load %arg6[%get3A_449, %get3A_450, %get3A_451] {strides = array<i32>} : memref<8x128x32xf32, #tpu.memory_space<vmem>>, vector<16xf32>,
        %add3A_453 = arith.addf %scan3A_429, %get3A_452 : vector<16xf32>
        %add3A_454 = arith.constant 1 : i32
        %add3A_455 = arith.addi %add3A_434, %add3A_454 : i32
        %get3A_456 = arith.constant 0 : i32
        %get3A_457 = arith.index_cast %get3A_456 : i32 to index
        %get3A_458 = arith.index_cast %add3A_455 : i32 to index
        %get3A_459 = arith.constant 16 : index
        %get3A_460 = tpu.vector_load %arg6[%get3A_457, %get3A_458, %get3A_459] {strides = array<i32>} : memref<8x128x32xf32, #tpu.memory_space<vmem>>, vector<16xf32>,
        %add3A_461 = arith.addf %scan3A_430, %get3A_460 : vector<16xf32>
        %mul3A_462 = arith.constant 4 : i32
        %mul3A_463 = arith.muli %scan3A_426, %mul3A_462 : i32
        %add3A_464 = arith.constant 2 : i32
        %add3A_465 = arith.addi %mul3A_463, %add3A_464 : i32
        %get3A_466 = arith.constant 0 : i32
        %get3A_467 = arith.index_cast %get3A_466 : i32 to index
        %get3A_468 = arith.index_cast %add3A_465 : i32 to index
        %get3A_469 = arith.constant 0 : index
        %get3A_470 = tpu.vector_load %arg6[%get3A_467, %get3A_468, %get3A_469] {strides = array<i32>} : memref<8x128x32xf32, #tpu.memory_space<vmem>>, vector<16xf32>,
        %add3A_471 = arith.addf %add3A_439, %get3A_470 : vector<16xf32>
        %get3A_472 = arith.constant 0 : i32
        %get3A_473 = arith.index_cast %get3A_472 : i32 to index
        %get3A_474 = arith.index_cast %add3A_465 : i32 to index
        %get3A_475 = arith.constant 16 : index
        %get3A_476 = tpu.vector_load %arg6[%get3A_473, %get3A_474, %get3A_475] {strides = array<i32>} : memref<8x128x32xf32, #tpu.memory_space<vmem>>, vector<16xf32>,
        %add3A_477 = arith.addf %add3A_445, %get3A_476 : vector<16xf32>
        %add3A_478 = arith.constant 1 : i32
        %add3A_479 = arith.addi %add3A_465, %add3A_478 : i32
        %get3A_480 = arith.constant 0 : i32
        %get3A_481 = arith.index_cast %get3A_480 : i32 to index
        %get3A_482 = arith.index_cast %add3A_479 : i32 to index
        %get3A_483 = arith.constant 0 : index
        %get3A_484 = tpu.vector_load %arg6[%get3A_481, %get3A_482, %get3A_483] {strides = array<i32>} : memref<8x128x32xf32, #tpu.memory_space<vmem>>, vector<16xf32>,
        %add3A_485 = arith.addf %add3A_453, %get3A_484 : vector<16xf32>
        %add3A_486 = arith.constant 1 : i32
        %add3A_487 = arith.addi %add3A_465, %add3A_486 : i32
        %get3A_488 = arith.constant 0 : i32
        %get3A_489 = arith.index_cast %get3A_488 : i32 to index
        %get3A_490 = arith.index_cast %add3A_487 : i32 to index
        %get3A_491 = arith.constant 16 : index
        %get3A_492 = tpu.vector_load %arg6[%get3A_489, %get3A_490, %get3A_491] {strides = array<i32>} : memref<8x128x32xf32, #tpu.memory_space<vmem>>, vector<16xf32>,
        %add3A_493 = arith.addf %add3A_461, %get3A_492 : vector<16xf32>
        scf.yield %add3A_471, %add3A_477, %add3A_485, %add3A_493 : vector<16xf32>, vector<16xf32>, vector<16xf32>, vector<16xf32>
      }
      %scan3A_158 = arith.constant 32 : i32
      %add3A_159 = arith.constant 4 : i32
      %add3A_160 = arith.addi %add3A_131, %add3A_159 : i32
      %lt3A = arith.constant 128 : i32
      %lt3A_161 = arith.cmpi slt, %add3A_160, %lt3A : i32
      %convert_element_type3A = arith.extui %lt3A_161 : i1 to i32
      %cond3A = arith.constant 0 : i32
      %cond3A_162 = arith.cmpi ne, %convert_element_type3A, %cond3A : i32
      scf.if %cond3A_162 {
        %add3A_426 = arith.constant 4 : i32
        %add3A_427 = arith.addi %add3A_131, %add3A_426 : i32
        %dma_start3A_428 = arith.constant 0 : i32
        %dma_start3A_429 = arith.constant 0 : i32
        %dma_start3A_430 = arith.constant 0 : i32
        %dma_start3A_431 = arith.constant 0 : i32
        %dma_start3A_432 = tpu.memref_slice %arg6[%dma_start3A_428, %dma_start3A_430, %dma_start3A_431] : memref<8x128x32xf32, #tpu.memory_space<vmem>> -> memref<1x128x32xf32, #tpu.memory_space<vmem>>
        %dma_start3A_433 = tpu.memref_squeeze %dma_start3A_432 : memref<1x128x32xf32, #tpu.memory_space<vmem>> -> memref<128x32xf32, #tpu.memory_space<vmem>>
        %dma_start3A_434 = arith.constant 0 : i32
        %dma_start3A_435 = tpu.memref_slice %arg5[%add3A_427, %dma_start3A_434] : memref<128x200xi32, #tpu.memory_space<vmem>> -> memref<1x128xi32, #tpu.memory_space<vmem>>
        %dma_start3A_436 = tpu.memref_squeeze %dma_start3A_435 : memref<1x128xi32, #tpu.memory_space<vmem>> -> memref<128xi32, #tpu.memory_space<vmem>>
        %dma_start3A_437 = arith.constant 0 : i32
        %dma_start3A_438 = arith.constant 0 : i32
        %dma_start3A_439 = tpu.memref_slice %arg3[%dma_start3A_437, %dma_start3A_438] : memref<100001x32xf32, #tpu.memory_space<hbm>> -> memref<100001x32xf32, #tpu.memory_space<hbm>>
        %dma_start3A_440 = tpu.memref_slice %arg8[%dma_start3A_429] : memref<8x!tpu.dma_semaphore, #tpu.memory_space<semaphore_mem>> -> memref<1x!tpu.dma_semaphore, #tpu.memory_space<semaphore_mem>>
        %dma_start3A_441 = tpu.memref_squeeze %dma_start3A_440 : memref<1x!tpu.dma_semaphore, #tpu.memory_space<semaphore_mem>> -> memref<!tpu.dma_semaphore, #tpu.memory_space<semaphore_mem>>
        tpu.enqueue_indirect_dma source(%dma_start3A_439 : memref<100001x32xf32, #tpu.memory_space<hbm>>) target(%dma_start3A_433 : memref<128x32xf32, #tpu.memory_space<vmem>>) offsets(%dma_start3A_436 : memref<128xi32, #tpu.memory_space<vmem>>) semaphore(%dma_start3A_441 : memref<!tpu.dma_semaphore, #tpu.memory_space<semaphore_mem>>)
      } else {
      }
      %dma_wait3A_163 = arith.constant 0 : i32
      %dma_wait3A_164 = arith.constant 1 : i32
      %dma_wait3A_165 = arith.constant 1 : i32
      %dma_wait3A_166 = arith.constant 0 : i32
      %dma_wait3A_167 = arith.constant 0 : i32
      %dma_wait3A_168 = tpu.memref_slice %arg6[%dma_wait3A_164, %dma_wait3A_166, %dma_wait3A_167] : memref<8x128x32xf32, #tpu.memory_space<vmem>> -> memref<1x72x32xf32, #tpu.memory_space<vmem>>
      %dma_wait3A_169 = tpu.memref_squeeze %dma_wait3A_168 : memref<1x72x32xf32, #tpu.memory_space<vmem>> -> memref<72x32xf32, #tpu.memory_space<vmem>>
      %dma_wait3A_170 = arith.constant 128 : i32
      %dma_wait3A_171 = tpu.memref_slice %arg5[%dma_wait3A_163, %dma_wait3A_170] : memref<128x200xi32, #tpu.memory_space<vmem>> -> memref<1x72xi32, #tpu.memory_space<vmem>>
      %dma_wait3A_172 = tpu.memref_squeeze %dma_wait3A_171 : memref<1x72xi32, #tpu.memory_space<vmem>> -> memref<72xi32, #tpu.memory_space<vmem>>
      %dma_wait3A_173 = arith.constant 0 : i32
      %dma_wait3A_174 = arith.constant 0 : i32
      %dma_wait3A_175 = tpu.memref_slice %arg3[%dma_wait3A_173, %dma_wait3A_174] : memref<100001x32xf32, #tpu.memory_space<hbm>> -> memref<100001x32xf32, #tpu.memory_space<hbm>>
      %dma_wait3A_176 = tpu.memref_slice %arg8[%dma_wait3A_165] : memref<8x!tpu.dma_semaphore, #tpu.memory_space<semaphore_mem>> -> memref<1x!tpu.dma_semaphore, #tpu.memory_space<semaphore_mem>>
      %dma_wait3A_177 = tpu.memref_squeeze %dma_wait3A_176 : memref<1x!tpu.dma_semaphore, #tpu.memory_space<semaphore_mem>> -> memref<!tpu.dma_semaphore, #tpu.memory_space<semaphore_mem>>
      tpu.wait_indirect_dma semaphore(%dma_wait3A_177 : memref<!tpu.dma_semaphore, #tpu.memory_space<semaphore_mem>>) src(%dma_wait3A_175 : memref<100001x32xf32, #tpu.memory_space<hbm>>) dst(%dma_wait3A_169 : memref<72x32xf32, #tpu.memory_space<vmem>>)
      %scan3A_178 = arith.constant 0 : i32
      %scan3A_179 = arith.constant 18 : i32
      %scan3A_180 = arith.addi %scan3A_178, %scan3A_179 : i32
      %scan3A_181 = arith.constant 1 : i32
      %scan3A_182:4 = scf.for %scan3A_426 = %scan3A_178 to %scan3A_180 step %scan3A_181 iter_args(%scan3A_427 = %scan3A_157#0, %scan3A_428 = %scan3A_157#1, %scan3A_429 = %scan3A_157#2, %scan3A_430 = %scan3A_157#3) -> (vector<16xf32>, vector<16xf32>, vector<16xf32>, vector<16xf32>)  : i32 {
        %mul3A_431 = arith.constant 4 : i32
        %mul3A_432 = arith.muli %scan3A_426, %mul3A_431 : i32
        %add3A_433 = arith.constant 0 : i32
        %add3A_434 = arith.addi %mul3A_432, %add3A_433 : i32
        %get3A = arith.constant 1 : i32
        %get3A_435 = arith.index_cast %get3A : i32 to index
        %get3A_436 = arith.index_cast %add3A_434 : i32 to index
        %get3A_437 = arith.constant 0 : index
        %get3A_438 = tpu.vector_load %arg6[%get3A_435, %get3A_436, %get3A_437] {strides = array<i32>} : memref<8x128x32xf32, #tpu.memory_space<vmem>>, vector<16xf32>,
        %add3A_439 = arith.addf %scan3A_427, %get3A_438 : vector<16xf32>
        %get3A_440 = arith.constant 1 : i32
        %get3A_441 = arith.index_cast %get3A_440 : i32 to index
        %get3A_442 = arith.index_cast %add3A_434 : i32 to index
        %get3A_443 = arith.constant 16 : index
        %get3A_444 = tpu.vector_load %arg6[%get3A_441, %get3A_442, %get3A_443] {strides = array<i32>} : memref<8x128x32xf32, #tpu.memory_space<vmem>>, vector<16xf32>,
        %add3A_445 = arith.addf %scan3A_428, %get3A_444 : vector<16xf32>
        %add3A_446 = arith.constant 1 : i32
        %add3A_447 = arith.addi %add3A_434, %add3A_446 : i32
        %get3A_448 = arith.constant 1 : i32
        %get3A_449 = arith.index_cast %get3A_448 : i32 to index
        %get3A_450 = arith.index_cast %add3A_447 : i32 to index
        %get3A_451 = arith.constant 0 : index
        %get3A_452 = tpu.vector_load %arg6[%get3A_449, %get3A_450, %get3A_451] {strides = array<i32>} : memref<8x128x32xf32, #tpu.memory_space<vmem>>, vector<16xf32>,
        %add3A_453 = arith.addf %scan3A_429, %get3A_452 : vector<16xf32>
        %add3A_454 = arith.constant 1 : i32
        %add3A_455 = arith.addi %add3A_434, %add3A_454 : i32
        %get3A_456 = arith.constant 1 : i32
        %get3A_457 = arith.index_cast %get3A_456 : i32 to index
        %get3A_458 = arith.index_cast %add3A_455 : i32 to index
        %get3A_459 = arith.constant 16 : index
        %get3A_460 = tpu.vector_load %arg6[%get3A_457, %get3A_458, %get3A_459] {strides = array<i32>} : memref<8x128x32xf32, #tpu.memory_space<vmem>>, vector<16xf32>,
        %add3A_461 = arith.addf %scan3A_430, %get3A_460 : vector<16xf32>
        %mul3A_462 = arith.constant 4 : i32
        %mul3A_463 = arith.muli %scan3A_426, %mul3A_462 : i32
        %add3A_464 = arith.constant 2 : i32
        %add3A_465 = arith.addi %mul3A_463, %add3A_464 : i32
        %get3A_466 = arith.constant 1 : i32
        %get3A_467 = arith.index_cast %get3A_466 : i32 to index
        %get3A_468 = arith.index_cast %add3A_465 : i32 to index
        %get3A_469 = arith.constant 0 : index
        %get3A_470 = tpu.vector_load %arg6[%get3A_467, %get3A_468, %get3A_469] {strides = array<i32>} : memref<8x128x32xf32, #tpu.memory_space<vmem>>, vector<16xf32>,
        %add3A_471 = arith.addf %add3A_439, %get3A_470 : vector<16xf32>
        %get3A_472 = arith.constant 1 : i32
        %get3A_473 = arith.index_cast %get3A_472 : i32 to index
        %get3A_474 = arith.index_cast %add3A_465 : i32 to index
        %get3A_475 = arith.constant 16 : index
        %get3A_476 = tpu.vector_load %arg6[%get3A_473, %get3A_474, %get3A_475] {strides = array<i32>} : memref<8x128x32xf32, #tpu.memory_space<vmem>>, vector<16xf32>,
        %add3A_477 = arith.addf %add3A_445, %get3A_476 : vector<16xf32>
        %add3A_478 = arith.constant 1 : i32
        %add3A_479 = arith.addi %add3A_465, %add3A_478 : i32
        %get3A_480 = arith.constant 1 : i32
        %get3A_481 = arith.index_cast %get3A_480 : i32 to index
        %get3A_482 = arith.index_cast %add3A_479 : i32 to index
        %get3A_483 = arith.constant 0 : index
        %get3A_484 = tpu.vector_load %arg6[%get3A_481, %get3A_482, %get3A_483] {strides = array<i32>} : memref<8x128x32xf32, #tpu.memory_space<vmem>>, vector<16xf32>,
        %add3A_485 = arith.addf %add3A_453, %get3A_484 : vector<16xf32>
        %add3A_486 = arith.constant 1 : i32
        %add3A_487 = arith.addi %add3A_465, %add3A_486 : i32
        %get3A_488 = arith.constant 1 : i32
        %get3A_489 = arith.index_cast %get3A_488 : i32 to index
        %get3A_490 = arith.index_cast %add3A_487 : i32 to index
        %get3A_491 = arith.constant 16 : index
        %get3A_492 = tpu.vector_load %arg6[%get3A_489, %get3A_490, %get3A_491] {strides = array<i32>} : memref<8x128x32xf32, #tpu.memory_space<vmem>>, vector<16xf32>,
        %add3A_493 = arith.addf %add3A_461, %get3A_492 : vector<16xf32>
        scf.yield %add3A_471, %add3A_477, %add3A_485, %add3A_493 : vector<16xf32>, vector<16xf32>, vector<16xf32>, vector<16xf32>
      }
      %scan3A_183 = arith.constant 18 : i32
      %add3A_184 = arith.constant 4 : i32
      %add3A_185 = arith.addi %add3A_131, %add3A_184 : i32
      %lt3A_186 = arith.constant 128 : i32
      %lt3A_187 = arith.cmpi slt, %add3A_185, %lt3A_186 : i32
      %convert_element_type3A_188 = arith.extui %lt3A_187 : i1 to i32
      %cond3A_189 = arith.constant 0 : i32
      %cond3A_190 = arith.cmpi ne, %convert_element_type3A_188, %cond3A_189 : i32
      scf.if %cond3A_190 {
        %add3A_426 = arith.constant 4 : i32
        %add3A_427 = arith.addi %add3A_131, %add3A_426 : i32
        %dma_start3A_428 = arith.constant 1 : i32
        %dma_start3A_429 = arith.constant 1 : i32
        %dma_start3A_430 = arith.constant 0 : i32
        %dma_start3A_431 = arith.constant 0 : i32
        %dma_start3A_432 = tpu.memref_slice %arg6[%dma_start3A_428, %dma_start3A_430, %dma_start3A_431] : memref<8x128x32xf32, #tpu.memory_space<vmem>> -> memref<1x72x32xf32, #tpu.memory_space<vmem>>
        %dma_start3A_433 = tpu.memref_squeeze %dma_start3A_432 : memref<1x72x32xf32, #tpu.memory_space<vmem>> -> memref<72x32xf32, #tpu.memory_space<vmem>>
        %dma_start3A_434 = arith.constant 128 : i32
        %dma_start3A_435 = tpu.memref_slice %arg5[%add3A_427, %dma_start3A_434] : memref<128x200xi32, #tpu.memory_space<vmem>> -> memref<1x72xi32, #tpu.memory_space<vmem>>
        %dma_start3A_436 = tpu.memref_squeeze %dma_start3A_435 : memref<1x72xi32, #tpu.memory_space<vmem>> -> memref<72xi32, #tpu.memory_space<vmem>>
        %dma_start3A_437 = arith.constant 0 : i32
        %dma_start3A_438 = arith.constant 0 : i32
        %dma_start3A_439 = tpu.memref_slice %arg3[%dma_start3A_437, %dma_start3A_438] : memref<100001x32xf32, #tpu.memory_space<hbm>> -> memref<100001x32xf32, #tpu.memory_space<hbm>>
        %dma_start3A_440 = tpu.memref_slice %arg8[%dma_start3A_429] : memref<8x!tpu.dma_semaphore, #tpu.memory_space<semaphore_mem>> -> memref<1x!tpu.dma_semaphore, #tpu.memory_space<semaphore_mem>>
        %dma_start3A_441 = tpu.memref_squeeze %dma_start3A_440 : memref<1x!tpu.dma_semaphore, #tpu.memory_space<semaphore_mem>> -> memref<!tpu.dma_semaphore, #tpu.memory_space<semaphore_mem>>
        tpu.enqueue_indirect_dma source(%dma_start3A_439 : memref<100001x32xf32, #tpu.memory_space<hbm>>) target(%dma_start3A_433 : memref<72x32xf32, #tpu.memory_space<vmem>>) offsets(%dma_start3A_436 : memref<72xi32, #tpu.memory_space<vmem>>) semaphore(%dma_start3A_441 : memref<!tpu.dma_semaphore, #tpu.memory_space<semaphore_mem>>)
      } else {
      }
      %add3A_191 = arith.addf %scan3A_182#0, %scan3A_182#2 : vector<16xf32>
      %swap3A = arith.index_cast %add3A_131 : i32 to index
      %swap3A_192 = arith.constant 0 : index
      %swap3A_193 = tpu.vector_load %arg7[%swap3A, %swap3A_192] {strides = array<i32>} : memref<128x32xf32, #tpu.memory_space<vmem>>, vector<16xf32>,
      tpu.vector_store %arg7[%swap3A, %swap3A_192], %add3A_191 {strides = array<i32>} : memref<128x32xf32, #tpu.memory_space<vmem>>, vector<16xf32>,
      %add3A_194 = arith.addf %scan3A_182#1, %scan3A_182#3 : vector<16xf32>
      %swap3A_195 = arith.index_cast %add3A_131 : i32 to index
      %swap3A_196 = arith.constant 16 : index
      %swap3A_197 = tpu.vector_load %arg7[%swap3A_195, %swap3A_196] {strides = array<i32>} : memref<128x32xf32, #tpu.memory_space<vmem>>, vector<16xf32>,
      tpu.vector_store %arg7[%swap3A_195, %swap3A_196], %add3A_194 {strides = array<i32>} : memref<128x32xf32, #tpu.memory_space<vmem>>, vector<16xf32>,
      %mul3A_198 = arith.constant 4 : i32
      %mul3A_199 = arith.muli %mul3A_198, %scan3A_127 : i32
      %add3A_200 = arith.constant 1 : i32
      %add3A_201 = arith.addi %mul3A_199, %add3A_200 : i32
      %broadcast_in_dim3A_202 = arith.constant 0.000000e+00 : f32
      %broadcast_in_dim3A_203 = vector.broadcast %broadcast_in_dim3A_202 : f32 to vector<16xf32>
      %broadcast_in_dim3A_204 = arith.constant 0.000000e+00 : f32
      %broadcast_in_dim3A_205 = vector.broadcast %broadcast_in_dim3A_204 : f32 to vector<16xf32>
      %broadcast_in_dim3A_206 = arith.constant 0.000000e+00 : f32
      %broadcast_in_dim3A_207 = vector.broadcast %broadcast_in_dim3A_206 : f32 to vector<16xf32>
      %broadcast_in_dim3A_208 = arith.constant 0.000000e+00 : f32
      %broadcast_in_dim3A_209 = vector.broadcast %broadcast_in_dim3A_208 : f32 to vector<16xf32>
      %dma_wait3A_210 = arith.constant 0 : i32
      %dma_wait3A_211 = arith.constant 2 : i32
      %dma_wait3A_212 = arith.constant 2 : i32
      %dma_wait3A_213 = arith.constant 0 : i32
      %dma_wait3A_214 = arith.constant 0 : i32
      %dma_wait3A_215 = tpu.memref_slice %arg6[%dma_wait3A_211, %dma_wait3A_213, %dma_wait3A_214] : memref<8x128x32xf32, #tpu.memory_space<vmem>> -> memref<1x128x32xf32, #tpu.memory_space<vmem>>
      %dma_wait3A_216 = tpu.memref_squeeze %dma_wait3A_215 : memref<1x128x32xf32, #tpu.memory_space<vmem>> -> memref<128x32xf32, #tpu.memory_space<vmem>>
      %dma_wait3A_217 = arith.constant 0 : i32
      %dma_wait3A_218 = tpu.memref_slice %arg5[%dma_wait3A_210, %dma_wait3A_217] : memref<128x200xi32, #tpu.memory_space<vmem>> -> memref<1x128xi32, #tpu.memory_space<vmem>>
      %dma_wait3A_219 = tpu.memref_squeeze %dma_wait3A_218 : memref<1x128xi32, #tpu.memory_space<vmem>> -> memref<128xi32, #tpu.memory_space<vmem>>
      %dma_wait3A_220 = arith.constant 0 : i32
      %dma_wait3A_221 = arith.constant 0 : i32
      %dma_wait3A_222 = tpu.memref_slice %arg3[%dma_wait3A_220, %dma_wait3A_221] : memref<100001x32xf32, #tpu.memory_space<hbm>> -> memref<100001x32xf32, #tpu.memory_space<hbm>>
      %dma_wait3A_223 = tpu.memref_slice %arg8[%dma_wait3A_212] : memref<8x!tpu.dma_semaphore, #tpu.memory_space<semaphore_mem>> -> memref<1x!tpu.dma_semaphore, #tpu.memory_space<semaphore_mem>>
      %dma_wait3A_224 = tpu.memref_squeeze %dma_wait3A_223 : memref<1x!tpu.dma_semaphore, #tpu.memory_space<semaphore_mem>> -> memref<!tpu.dma_semaphore, #tpu.memory_space<semaphore_mem>>
      tpu.wait_indirect_dma semaphore(%dma_wait3A_224 : memref<!tpu.dma_semaphore, #tpu.memory_space<semaphore_mem>>) src(%dma_wait3A_222 : memref<100001x32xf32, #tpu.memory_space<hbm>>) dst(%dma_wait3A_216 : memref<128x32xf32, #tpu.memory_space<vmem>>)
      %scan3A_225 = arith.constant 0 : i32
      %scan3A_226 = arith.constant 32 : i32
      %scan3A_227 = arith.addi %scan3A_225, %scan3A_226 : i32
      %scan3A_228 = arith.constant 1 : i32
      %scan3A_229:4 = scf.for %scan3A_426 = %scan3A_225 to %scan3A_227 step %scan3A_228 iter_args(%scan3A_427 = %broadcast_in_dim3A_203, %scan3A_428 = %broadcast_in_dim3A_205, %scan3A_429 = %broadcast_in_dim3A_207, %scan3A_430 = %broadcast_in_dim3A_209) -> (vector<16xf32>, vector<16xf32>, vector<16xf32>, vector<16xf32>)  : i32 {
        %mul3A_431 = arith.constant 4 : i32
        %mul3A_432 = arith.muli %scan3A_426, %mul3A_431 : i32
        %add3A_433 = arith.constant 0 : i32
        %add3A_434 = arith.addi %mul3A_432, %add3A_433 : i32
        %get3A = arith.constant 2 : i32
        %get3A_435 = arith.index_cast %get3A : i32 to index
        %get3A_436 = arith.index_cast %add3A_434 : i32 to index
        %get3A_437 = arith.constant 0 : index
        %get3A_438 = tpu.vector_load %arg6[%get3A_435, %get3A_436, %get3A_437] {strides = array<i32>} : memref<8x128x32xf32, #tpu.memory_space<vmem>>, vector<16xf32>,
        %add3A_439 = arith.addf %scan3A_427, %get3A_438 : vector<16xf32>
        %get3A_440 = arith.constant 2 : i32
        %get3A_441 = arith.index_cast %get3A_440 : i32 to index
        %get3A_442 = arith.index_cast %add3A_434 : i32 to index
        %get3A_443 = arith.constant 16 : index
        %get3A_444 = tpu.vector_load %arg6[%get3A_441, %get3A_442, %get3A_443] {strides = array<i32>} : memref<8x128x32xf32, #tpu.memory_space<vmem>>, vector<16xf32>,
        %add3A_445 = arith.addf %scan3A_428, %get3A_444 : vector<16xf32>
        %add3A_446 = arith.constant 1 : i32
        %add3A_447 = arith.addi %add3A_434, %add3A_446 : i32
        %get3A_448 = arith.constant 2 : i32
        %get3A_449 = arith.index_cast %get3A_448 : i32 to index
        %get3A_450 = arith.index_cast %add3A_447 : i32 to index
        %get3A_451 = arith.constant 0 : index
        %get3A_452 = tpu.vector_load %arg6[%get3A_449, %get3A_450, %get3A_451] {strides = array<i32>} : memref<8x128x32xf32, #tpu.memory_space<vmem>>, vector<16xf32>,
        %add3A_453 = arith.addf %scan3A_429, %get3A_452 : vector<16xf32>
        %add3A_454 = arith.constant 1 : i32
        %add3A_455 = arith.addi %add3A_434, %add3A_454 : i32
        %get3A_456 = arith.constant 2 : i32
        %get3A_457 = arith.index_cast %get3A_456 : i32 to index
        %get3A_458 = arith.index_cast %add3A_455 : i32 to index
        %get3A_459 = arith.constant 16 : index
        %get3A_460 = tpu.vector_load %arg6[%get3A_457, %get3A_458, %get3A_459] {strides = array<i32>} : memref<8x128x32xf32, #tpu.memory_space<vmem>>, vector<16xf32>,
        %add3A_461 = arith.addf %scan3A_430, %get3A_460 : vector<16xf32>
        %mul3A_462 = arith.constant 4 : i32
        %mul3A_463 = arith.muli %scan3A_426, %mul3A_462 : i32
        %add3A_464 = arith.constant 2 : i32
        %add3A_465 = arith.addi %mul3A_463, %add3A_464 : i32
        %get3A_466 = arith.constant 2 : i32
        %get3A_467 = arith.index_cast %get3A_466 : i32 to index
        %get3A_468 = arith.index_cast %add3A_465 : i32 to index
        %get3A_469 = arith.constant 0 : index
        %get3A_470 = tpu.vector_load %arg6[%get3A_467, %get3A_468, %get3A_469] {strides = array<i32>} : memref<8x128x32xf32, #tpu.memory_space<vmem>>, vector<16xf32>,
        %add3A_471 = arith.addf %add3A_439, %get3A_470 : vector<16xf32>
        %get3A_472 = arith.constant 2 : i32
        %get3A_473 = arith.index_cast %get3A_472 : i32 to index
        %get3A_474 = arith.index_cast %add3A_465 : i32 to index
        %get3A_475 = arith.constant 16 : index
        %get3A_476 = tpu.vector_load %arg6[%get3A_473, %get3A_474, %get3A_475] {strides = array<i32>} : memref<8x128x32xf32, #tpu.memory_space<vmem>>, vector<16xf32>,
        %add3A_477 = arith.addf %add3A_445, %get3A_476 : vector<16xf32>
        %add3A_478 = arith.constant 1 : i32
        %add3A_479 = arith.addi %add3A_465, %add3A_478 : i32
        %get3A_480 = arith.constant 2 : i32
        %get3A_481 = arith.index_cast %get3A_480 : i32 to index
        %get3A_482 = arith.index_cast %add3A_479 : i32 to index
        %get3A_483 = arith.constant 0 : index
        %get3A_484 = tpu.vector_load %arg6[%get3A_481, %get3A_482, %get3A_483] {strides = array<i32>} : memref<8x128x32xf32, #tpu.memory_space<vmem>>, vector<16xf32>,
        %add3A_485 = arith.addf %add3A_453, %get3A_484 : vector<16xf32>
        %add3A_486 = arith.constant 1 : i32
        %add3A_487 = arith.addi %add3A_465, %add3A_486 : i32
        %get3A_488 = arith.constant 2 : i32
        %get3A_489 = arith.index_cast %get3A_488 : i32 to index
        %get3A_490 = arith.index_cast %add3A_487 : i32 to index
        %get3A_491 = arith.constant 16 : index
        %get3A_492 = tpu.vector_load %arg6[%get3A_489, %get3A_490, %get3A_491] {strides = array<i32>} : memref<8x128x32xf32, #tpu.memory_space<vmem>>, vector<16xf32>,
        %add3A_493 = arith.addf %add3A_461, %get3A_492 : vector<16xf32>
        scf.yield %add3A_471, %add3A_477, %add3A_485, %add3A_493 : vector<16xf32>, vector<16xf32>, vector<16xf32>, vector<16xf32>
      }
      %scan3A_230 = arith.constant 32 : i32
      %add3A_231 = arith.constant 4 : i32
      %add3A_232 = arith.addi %add3A_201, %add3A_231 : i32
      %lt3A_233 = arith.constant 128 : i32
      %lt3A_234 = arith.cmpi slt, %add3A_232, %lt3A_233 : i32
      %convert_element_type3A_235 = arith.extui %lt3A_234 : i1 to i32
      %cond3A_236 = arith.constant 0 : i32
      %cond3A_237 = arith.cmpi ne, %convert_element_type3A_235, %cond3A_236 : i32
      scf.if %cond3A_237 {
        %add3A_426 = arith.constant 4 : i32
        %add3A_427 = arith.addi %add3A_201, %add3A_426 : i32
        %dma_start3A_428 = arith.constant 2 : i32
        %dma_start3A_429 = arith.constant 2 : i32
        %dma_start3A_430 = arith.constant 0 : i32
        %dma_start3A_431 = arith.constant 0 : i32
        %dma_start3A_432 = tpu.memref_slice %arg6[%dma_start3A_428, %dma_start3A_430, %dma_start3A_431] : memref<8x128x32xf32, #tpu.memory_space<vmem>> -> memref<1x128x32xf32, #tpu.memory_space<vmem>>
        %dma_start3A_433 = tpu.memref_squeeze %dma_start3A_432 : memref<1x128x32xf32, #tpu.memory_space<vmem>> -> memref<128x32xf32, #tpu.memory_space<vmem>>
        %dma_start3A_434 = arith.constant 0 : i32
        %dma_start3A_435 = tpu.memref_slice %arg5[%add3A_427, %dma_start3A_434] : memref<128x200xi32, #tpu.memory_space<vmem>> -> memref<1x128xi32, #tpu.memory_space<vmem>>
        %dma_start3A_436 = tpu.memref_squeeze %dma_start3A_435 : memref<1x128xi32, #tpu.memory_space<vmem>> -> memref<128xi32, #tpu.memory_space<vmem>>
        %dma_start3A_437 = arith.constant 0 : i32
        %dma_start3A_438 = arith.constant 0 : i32
        %dma_start3A_439 = tpu.memref_slice %arg3[%dma_start3A_437, %dma_start3A_438] : memref<100001x32xf32, #tpu.memory_space<hbm>> -> memref<100001x32xf32, #tpu.memory_space<hbm>>
        %dma_start3A_440 = tpu.memref_slice %arg8[%dma_start3A_429] : memref<8x!tpu.dma_semaphore, #tpu.memory_space<semaphore_mem>> -> memref<1x!tpu.dma_semaphore, #tpu.memory_space<semaphore_mem>>
        %dma_start3A_441 = tpu.memref_squeeze %dma_start3A_440 : memref<1x!tpu.dma_semaphore, #tpu.memory_space<semaphore_mem>> -> memref<!tpu.dma_semaphore, #tpu.memory_space<semaphore_mem>>
        tpu.enqueue_indirect_dma source(%dma_start3A_439 : memref<100001x32xf32, #tpu.memory_space<hbm>>) target(%dma_start3A_433 : memref<128x32xf32, #tpu.memory_space<vmem>>) offsets(%dma_start3A_436 : memref<128xi32, #tpu.memory_space<vmem>>) semaphore(%dma_start3A_441 : memref<!tpu.dma_semaphore, #tpu.memory_space<semaphore_mem>>)
      } else {
      }
      %dma_wait3A_238 = arith.constant 0 : i32
      %dma_wait3A_239 = arith.constant 3 : i32
      %dma_wait3A_240 = arith.constant 3 : i32
      %dma_wait3A_241 = arith.constant 0 : i32
      %dma_wait3A_242 = arith.constant 0 : i32
      %dma_wait3A_243 = tpu.memref_slice %arg6[%dma_wait3A_239, %dma_wait3A_241, %dma_wait3A_242] : memref<8x128x32xf32, #tpu.memory_space<vmem>> -> memref<1x72x32xf32, #tpu.memory_space<vmem>>
      %dma_wait3A_244 = tpu.memref_squeeze %dma_wait3A_243 : memref<1x72x32xf32, #tpu.memory_space<vmem>> -> memref<72x32xf32, #tpu.memory_space<vmem>>
      %dma_wait3A_245 = arith.constant 128 : i32
      %dma_wait3A_246 = tpu.memref_slice %arg5[%dma_wait3A_238, %dma_wait3A_245] : memref<128x200xi32, #tpu.memory_space<vmem>> -> memref<1x72xi32, #tpu.memory_space<vmem>>
      %dma_wait3A_247 = tpu.memref_squeeze %dma_wait3A_246 : memref<1x72xi32, #tpu.memory_space<vmem>> -> memref<72xi32, #tpu.memory_space<vmem>>
      %dma_wait3A_248 = arith.constant 0 : i32
      %dma_wait3A_249 = arith.constant 0 : i32
      %dma_wait3A_250 = tpu.memref_slice %arg3[%dma_wait3A_248, %dma_wait3A_249] : memref<100001x32xf32, #tpu.memory_space<hbm>> -> memref<100001x32xf32, #tpu.memory_space<hbm>>
      %dma_wait3A_251 = tpu.memref_slice %arg8[%dma_wait3A_240] : memref<8x!tpu.dma_semaphore, #tpu.memory_space<semaphore_mem>> -> memref<1x!tpu.dma_semaphore, #tpu.memory_space<semaphore_mem>>
      %dma_wait3A_252 = tpu.memref_squeeze %dma_wait3A_251 : memref<1x!tpu.dma_semaphore, #tpu.memory_space<semaphore_mem>> -> memref<!tpu.dma_semaphore, #tpu.memory_space<semaphore_mem>>
      tpu.wait_indirect_dma semaphore(%dma_wait3A_252 : memref<!tpu.dma_semaphore, #tpu.memory_space<semaphore_mem>>) src(%dma_wait3A_250 : memref<100001x32xf32, #tpu.memory_space<hbm>>) dst(%dma_wait3A_244 : memref<72x32xf32, #tpu.memory_space<vmem>>)
      %scan3A_253 = arith.constant 0 : i32
      %scan3A_254 = arith.constant 18 : i32
      %scan3A_255 = arith.addi %scan3A_253, %scan3A_254 : i32
      %scan3A_256 = arith.constant 1 : i32
      %scan3A_257:4 = scf.for %scan3A_426 = %scan3A_253 to %scan3A_255 step %scan3A_256 iter_args(%scan3A_427 = %scan3A_229#0, %scan3A_428 = %scan3A_229#1, %scan3A_429 = %scan3A_229#2, %scan3A_430 = %scan3A_229#3) -> (vector<16xf32>, vector<16xf32>, vector<16xf32>, vector<16xf32>)  : i32 {
        %mul3A_431 = arith.constant 4 : i32
        %mul3A_432 = arith.muli %scan3A_426, %mul3A_431 : i32
        %add3A_433 = arith.constant 0 : i32
        %add3A_434 = arith.addi %mul3A_432, %add3A_433 : i32
        %get3A = arith.constant 3 : i32
        %get3A_435 = arith.index_cast %get3A : i32 to index
        %get3A_436 = arith.index_cast %add3A_434 : i32 to index
        %get3A_437 = arith.constant 0 : index
        %get3A_438 = tpu.vector_load %arg6[%get3A_435, %get3A_436, %get3A_437] {strides = array<i32>} : memref<8x128x32xf32, #tpu.memory_space<vmem>>, vector<16xf32>,
        %add3A_439 = arith.addf %scan3A_427, %get3A_438 : vector<16xf32>
        %get3A_440 = arith.constant 3 : i32
        %get3A_441 = arith.index_cast %get3A_440 : i32 to index
        %get3A_442 = arith.index_cast %add3A_434 : i32 to index
        %get3A_443 = arith.constant 16 : index
        %get3A_444 = tpu.vector_load %arg6[%get3A_441, %get3A_442, %get3A_443] {strides = array<i32>} : memref<8x128x32xf32, #tpu.memory_space<vmem>>, vector<16xf32>,
        %add3A_445 = arith.addf %scan3A_428, %get3A_444 : vector<16xf32>
        %add3A_446 = arith.constant 1 : i32
        %add3A_447 = arith.addi %add3A_434, %add3A_446 : i32
        %get3A_448 = arith.constant 3 : i32
        %get3A_449 = arith.index_cast %get3A_448 : i32 to index
        %get3A_450 = arith.index_cast %add3A_447 : i32 to index
        %get3A_451 = arith.constant 0 : index
        %get3A_452 = tpu.vector_load %arg6[%get3A_449, %get3A_450, %get3A_451] {strides = array<i32>} : memref<8x128x32xf32, #tpu.memory_space<vmem>>, vector<16xf32>,
        %add3A_453 = arith.addf %scan3A_429, %get3A_452 : vector<16xf32>
        %add3A_454 = arith.constant 1 : i32
        %add3A_455 = arith.addi %add3A_434, %add3A_454 : i32
        %get3A_456 = arith.constant 3 : i32
        %get3A_457 = arith.index_cast %get3A_456 : i32 to index
        %get3A_458 = arith.index_cast %add3A_455 : i32 to index
        %get3A_459 = arith.constant 16 : index
        %get3A_460 = tpu.vector_load %arg6[%get3A_457, %get3A_458, %get3A_459] {strides = array<i32>} : memref<8x128x32xf32, #tpu.memory_space<vmem>>, vector<16xf32>,
        %add3A_461 = arith.addf %scan3A_430, %get3A_460 : vector<16xf32>
        %mul3A_462 = arith.constant 4 : i32
        %mul3A_463 = arith.muli %scan3A_426, %mul3A_462 : i32
        %add3A_464 = arith.constant 2 : i32
        %add3A_465 = arith.addi %mul3A_463, %add3A_464 : i32
        %get3A_466 = arith.constant 3 : i32
        %get3A_467 = arith.index_cast %get3A_466 : i32 to index
        %get3A_468 = arith.index_cast %add3A_465 : i32 to index
        %get3A_469 = arith.constant 0 : index
        %get3A_470 = tpu.vector_load %arg6[%get3A_467, %get3A_468, %get3A_469] {strides = array<i32>} : memref<8x128x32xf32, #tpu.memory_space<vmem>>, vector<16xf32>,
        %add3A_471 = arith.addf %add3A_439, %get3A_470 : vector<16xf32>
        %get3A_472 = arith.constant 3 : i32
        %get3A_473 = arith.index_cast %get3A_472 : i32 to index
        %get3A_474 = arith.index_cast %add3A_465 : i32 to index
        %get3A_475 = arith.constant 16 : index
        %get3A_476 = tpu.vector_load %arg6[%get3A_473, %get3A_474, %get3A_475] {strides = array<i32>} : memref<8x128x32xf32, #tpu.memory_space<vmem>>, vector<16xf32>,
        %add3A_477 = arith.addf %add3A_445, %get3A_476 : vector<16xf32>
        %add3A_478 = arith.constant 1 : i32
        %add3A_479 = arith.addi %add3A_465, %add3A_478 : i32
        %get3A_480 = arith.constant 3 : i32
        %get3A_481 = arith.index_cast %get3A_480 : i32 to index
        %get3A_482 = arith.index_cast %add3A_479 : i32 to index
        %get3A_483 = arith.constant 0 : index
        %get3A_484 = tpu.vector_load %arg6[%get3A_481, %get3A_482, %get3A_483] {strides = array<i32>} : memref<8x128x32xf32, #tpu.memory_space<vmem>>, vector<16xf32>,
        %add3A_485 = arith.addf %add3A_453, %get3A_484 : vector<16xf32>
        %add3A_486 = arith.constant 1 : i32
        %add3A_487 = arith.addi %add3A_465, %add3A_486 : i32
        %get3A_488 = arith.constant 3 : i32
        %get3A_489 = arith.index_cast %get3A_488 : i32 to index
        %get3A_490 = arith.index_cast %add3A_487 : i32 to index
        %get3A_491 = arith.constant 16 : index
        %get3A_492 = tpu.vector_load %arg6[%get3A_489, %get3A_490, %get3A_491] {strides = array<i32>} : memref<8x128x32xf32, #tpu.memory_space<vmem>>, vector<16xf32>,
        %add3A_493 = arith.addf %add3A_461, %get3A_492 : vector<16xf32>
        scf.yield %add3A_471, %add3A_477, %add3A_485, %add3A_493 : vector<16xf32>, vector<16xf32>, vector<16xf32>, vector<16xf32>
      }
      %scan3A_258 = arith.constant 18 : i32
      %add3A_259 = arith.constant 4 : i32
      %add3A_260 = arith.addi %add3A_201, %add3A_259 : i32
      %lt3A_261 = arith.constant 128 : i32
      %lt3A_262 = arith.cmpi slt, %add3A_260, %lt3A_261 : i32
      %convert_element_type3A_263 = arith.extui %lt3A_262 : i1 to i32
      %cond3A_264 = arith.constant 0 : i32
      %cond3A_265 = arith.cmpi ne, %convert_element_type3A_263, %cond3A_264 : i32
      scf.if %cond3A_265 {
        %add3A_426 = arith.constant 4 : i32
        %add3A_427 = arith.addi %add3A_201, %add3A_426 : i32
        %dma_start3A_428 = arith.constant 3 : i32
        %dma_start3A_429 = arith.constant 3 : i32
        %dma_start3A_430 = arith.constant 0 : i32
        %dma_start3A_431 = arith.constant 0 : i32
        %dma_start3A_432 = tpu.memref_slice %arg6[%dma_start3A_428, %dma_start3A_430, %dma_start3A_431] : memref<8x128x32xf32, #tpu.memory_space<vmem>> -> memref<1x72x32xf32, #tpu.memory_space<vmem>>
        %dma_start3A_433 = tpu.memref_squeeze %dma_start3A_432 : memref<1x72x32xf32, #tpu.memory_space<vmem>> -> memref<72x32xf32, #tpu.memory_space<vmem>>
        %dma_start3A_434 = arith.constant 128 : i32
        %dma_start3A_435 = tpu.memref_slice %arg5[%add3A_427, %dma_start3A_434] : memref<128x200xi32, #tpu.memory_space<vmem>> -> memref<1x72xi32, #tpu.memory_space<vmem>>
        %dma_start3A_436 = tpu.memref_squeeze %dma_start3A_435 : memref<1x72xi32, #tpu.memory_space<vmem>> -> memref<72xi32, #tpu.memory_space<vmem>>
        %dma_start3A_437 = arith.constant 0 : i32
        %dma_start3A_438 = arith.constant 0 : i32
        %dma_start3A_439 = tpu.memref_slice %arg3[%dma_start3A_437, %dma_start3A_438] : memref<100001x32xf32, #tpu.memory_space<hbm>> -> memref<100001x32xf32, #tpu.memory_space<hbm>>
        %dma_start3A_440 = tpu.memref_slice %arg8[%dma_start3A_429] : memref<8x!tpu.dma_semaphore, #tpu.memory_space<semaphore_mem>> -> memref<1x!tpu.dma_semaphore, #tpu.memory_space<semaphore_mem>>
        %dma_start3A_441 = tpu.memref_squeeze %dma_start3A_440 : memref<1x!tpu.dma_semaphore, #tpu.memory_space<semaphore_mem>> -> memref<!tpu.dma_semaphore, #tpu.memory_space<semaphore_mem>>
        tpu.enqueue_indirect_dma source(%dma_start3A_439 : memref<100001x32xf32, #tpu.memory_space<hbm>>) target(%dma_start3A_433 : memref<72x32xf32, #tpu.memory_space<vmem>>) offsets(%dma_start3A_436 : memref<72xi32, #tpu.memory_space<vmem>>) semaphore(%dma_start3A_441 : memref<!tpu.dma_semaphore, #tpu.memory_space<semaphore_mem>>)
      } else {
      }
      %add3A_266 = arith.addf %scan3A_257#0, %scan3A_257#2 : vector<16xf32>
      %swap3A_267 = arith.index_cast %add3A_201 : i32 to index
      %swap3A_268 = arith.constant 0 : index
      %swap3A_269 = tpu.vector_load %arg7[%swap3A_267, %swap3A_268] {strides = array<i32>} : memref<128x32xf32, #tpu.memory_space<vmem>>, vector<16xf32>,
      tpu.vector_store %arg7[%swap3A_267, %swap3A_268], %add3A_266 {strides = array<i32>} : memref<128x32xf32, #tpu.memory_space<vmem>>, vector<16xf32>,
      %add3A_270 = arith.addf %scan3A_257#1, %scan3A_257#3 : vector<16xf32>
      %swap3A_271 = arith.index_cast %add3A_201 : i32 to index
      %swap3A_272 = arith.constant 16 : index
      %swap3A_273 = tpu.vector_load %arg7[%swap3A_271, %swap3A_272] {strides = array<i32>} : memref<128x32xf32, #tpu.memory_space<vmem>>, vector<16xf32>,
      tpu.vector_store %arg7[%swap3A_271, %swap3A_272], %add3A_270 {strides = array<i32>} : memref<128x32xf32, #tpu.memory_space<vmem>>, vector<16xf32>,
      %mul3A_274 = arith.constant 4 : i32
      %mul3A_275 = arith.muli %mul3A_274, %scan3A_127 : i32
      %add3A_276 = arith.constant 2 : i32
      %add3A_277 = arith.addi %mul3A_275, %add3A_276 : i32
      %broadcast_in_dim3A_278 = arith.constant 0.000000e+00 : f32
      %broadcast_in_dim3A_279 = vector.broadcast %broadcast_in_dim3A_278 : f32 to vector<16xf32>
      %broadcast_in_dim3A_280 = arith.constant 0.000000e+00 : f32
      %broadcast_in_dim3A_281 = vector.broadcast %broadcast_in_dim3A_280 : f32 to vector<16xf32>
      %broadcast_in_dim3A_282 = arith.constant 0.000000e+00 : f32
      %broadcast_in_dim3A_283 = vector.broadcast %broadcast_in_dim3A_282 : f32 to vector<16xf32>
      %broadcast_in_dim3A_284 = arith.constant 0.000000e+00 : f32
      %broadcast_in_dim3A_285 = vector.broadcast %broadcast_in_dim3A_284 : f32 to vector<16xf32>
      %dma_wait3A_286 = arith.constant 0 : i32
      %dma_wait3A_287 = arith.constant 4 : i32
      %dma_wait3A_288 = arith.constant 4 : i32
      %dma_wait3A_289 = arith.constant 0 : i32
      %dma_wait3A_290 = arith.constant 0 : i32
      %dma_wait3A_291 = tpu.memref_slice %arg6[%dma_wait3A_287, %dma_wait3A_289, %dma_wait3A_290] : memref<8x128x32xf32, #tpu.memory_space<vmem>> -> memref<1x128x32xf32, #tpu.memory_space<vmem>>
      %dma_wait3A_292 = tpu.memref_squeeze %dma_wait3A_291 : memref<1x128x32xf32, #tpu.memory_space<vmem>> -> memref<128x32xf32, #tpu.memory_space<vmem>>
      %dma_wait3A_293 = arith.constant 0 : i32
      %dma_wait3A_294 = tpu.memref_slice %arg5[%dma_wait3A_286, %dma_wait3A_293] : memref<128x200xi32, #tpu.memory_space<vmem>> -> memref<1x128xi32, #tpu.memory_space<vmem>>
      %dma_wait3A_295 = tpu.memref_squeeze %dma_wait3A_294 : memref<1x128xi32, #tpu.memory_space<vmem>> -> memref<128xi32, #tpu.memory_space<vmem>>
      %dma_wait3A_296 = arith.constant 0 : i32
      %dma_wait3A_297 = arith.constant 0 : i32
      %dma_wait3A_298 = tpu.memref_slice %arg3[%dma_wait3A_296, %dma_wait3A_297] : memref<100001x32xf32, #tpu.memory_space<hbm>> -> memref<100001x32xf32, #tpu.memory_space<hbm>>
      %dma_wait3A_299 = tpu.memref_slice %arg8[%dma_wait3A_288] : memref<8x!tpu.dma_semaphore, #tpu.memory_space<semaphore_mem>> -> memref<1x!tpu.dma_semaphore, #tpu.memory_space<semaphore_mem>>
      %dma_wait3A_300 = tpu.memref_squeeze %dma_wait3A_299 : memref<1x!tpu.dma_semaphore, #tpu.memory_space<semaphore_mem>> -> memref<!tpu.dma_semaphore, #tpu.memory_space<semaphore_mem>>
      tpu.wait_indirect_dma semaphore(%dma_wait3A_300 : memref<!tpu.dma_semaphore, #tpu.memory_space<semaphore_mem>>) src(%dma_wait3A_298 : memref<100001x32xf32, #tpu.memory_space<hbm>>) dst(%dma_wait3A_292 : memref<128x32xf32, #tpu.memory_space<vmem>>)
      %scan3A_301 = arith.constant 0 : i32
      %scan3A_302 = arith.constant 32 : i32
      %scan3A_303 = arith.addi %scan3A_301, %scan3A_302 : i32
      %scan3A_304 = arith.constant 1 : i32
      %scan3A_305:4 = scf.for %scan3A_426 = %scan3A_301 to %scan3A_303 step %scan3A_304 iter_args(%scan3A_427 = %broadcast_in_dim3A_279, %scan3A_428 = %broadcast_in_dim3A_281, %scan3A_429 = %broadcast_in_dim3A_283, %scan3A_430 = %broadcast_in_dim3A_285) -> (vector<16xf32>, vector<16xf32>, vector<16xf32>, vector<16xf32>)  : i32 {
        %mul3A_431 = arith.constant 4 : i32
        %mul3A_432 = arith.muli %scan3A_426, %mul3A_431 : i32
        %add3A_433 = arith.constant 0 : i32
        %add3A_434 = arith.addi %mul3A_432, %add3A_433 : i32
        %get3A = arith.constant 4 : i32
        %get3A_435 = arith.index_cast %get3A : i32 to index
        %get3A_436 = arith.index_cast %add3A_434 : i32 to index
        %get3A_437 = arith.constant 0 : index
        %get3A_438 = tpu.vector_load %arg6[%get3A_435, %get3A_436, %get3A_437] {strides = array<i32>} : memref<8x128x32xf32, #tpu.memory_space<vmem>>, vector<16xf32>,
        %add3A_439 = arith.addf %scan3A_427, %get3A_438 : vector<16xf32>
        %get3A_440 = arith.constant 4 : i32
        %get3A_441 = arith.index_cast %get3A_440 : i32 to index
        %get3A_442 = arith.index_cast %add3A_434 : i32 to index
        %get3A_443 = arith.constant 16 : index
        %get3A_444 = tpu.vector_load %arg6[%get3A_441, %get3A_442, %get3A_443] {strides = array<i32>} : memref<8x128x32xf32, #tpu.memory_space<vmem>>, vector<16xf32>,
        %add3A_445 = arith.addf %scan3A_428, %get3A_444 : vector<16xf32>
        %add3A_446 = arith.constant 1 : i32
        %add3A_447 = arith.addi %add3A_434, %add3A_446 : i32
        %get3A_448 = arith.constant 4 : i32
        %get3A_449 = arith.index_cast %get3A_448 : i32 to index
        %get3A_450 = arith.index_cast %add3A_447 : i32 to index
        %get3A_451 = arith.constant 0 : index
        %get3A_452 = tpu.vector_load %arg6[%get3A_449, %get3A_450, %get3A_451] {strides = array<i32>} : memref<8x128x32xf32, #tpu.memory_space<vmem>>, vector<16xf32>,
        %add3A_453 = arith.addf %scan3A_429, %get3A_452 : vector<16xf32>
        %add3A_454 = arith.constant 1 : i32
        %add3A_455 = arith.addi %add3A_434, %add3A_454 : i32
        %get3A_456 = arith.constant 4 : i32
        %get3A_457 = arith.index_cast %get3A_456 : i32 to index
        %get3A_458 = arith.index_cast %add3A_455 : i32 to index
        %get3A_459 = arith.constant 16 : index
        %get3A_460 = tpu.vector_load %arg6[%get3A_457, %get3A_458, %get3A_459] {strides = array<i32>} : memref<8x128x32xf32, #tpu.memory_space<vmem>>, vector<16xf32>,
        %add3A_461 = arith.addf %scan3A_430, %get3A_460 : vector<16xf32>
        %mul3A_462 = arith.constant 4 : i32
        %mul3A_463 = arith.muli %scan3A_426, %mul3A_462 : i32
        %add3A_464 = arith.constant 2 : i32
        %add3A_465 = arith.addi %mul3A_463, %add3A_464 : i32
        %get3A_466 = arith.constant 4 : i32
        %get3A_467 = arith.index_cast %get3A_466 : i32 to index
        %get3A_468 = arith.index_cast %add3A_465 : i32 to index
        %get3A_469 = arith.constant 0 : index
        %get3A_470 = tpu.vector_load %arg6[%get3A_467, %get3A_468, %get3A_469] {strides = array<i32>} : memref<8x128x32xf32, #tpu.memory_space<vmem>>, vector<16xf32>,
        %add3A_471 = arith.addf %add3A_439, %get3A_470 : vector<16xf32>
        %get3A_472 = arith.constant 4 : i32
        %get3A_473 = arith.index_cast %get3A_472 : i32 to index
        %get3A_474 = arith.index_cast %add3A_465 : i32 to index
        %get3A_475 = arith.constant 16 : index
        %get3A_476 = tpu.vector_load %arg6[%get3A_473, %get3A_474, %get3A_475] {strides = array<i32>} : memref<8x128x32xf32, #tpu.memory_space<vmem>>, vector<16xf32>,
        %add3A_477 = arith.addf %add3A_445, %get3A_476 : vector<16xf32>
        %add3A_478 = arith.constant 1 : i32
        %add3A_479 = arith.addi %add3A_465, %add3A_478 : i32
        %get3A_480 = arith.constant 4 : i32
        %get3A_481 = arith.index_cast %get3A_480 : i32 to index
        %get3A_482 = arith.index_cast %add3A_479 : i32 to index
        %get3A_483 = arith.constant 0 : index
        %get3A_484 = tpu.vector_load %arg6[%get3A_481, %get3A_482, %get3A_483] {strides = array<i32>} : memref<8x128x32xf32, #tpu.memory_space<vmem>>, vector<16xf32>,
        %add3A_485 = arith.addf %add3A_453, %get3A_484 : vector<16xf32>
        %add3A_486 = arith.constant 1 : i32
        %add3A_487 = arith.addi %add3A_465, %add3A_486 : i32
        %get3A_488 = arith.constant 4 : i32
        %get3A_489 = arith.index_cast %get3A_488 : i32 to index
        %get3A_490 = arith.index_cast %add3A_487 : i32 to index
        %get3A_491 = arith.constant 16 : index
        %get3A_492 = tpu.vector_load %arg6[%get3A_489, %get3A_490, %get3A_491] {strides = array<i32>} : memref<8x128x32xf32, #tpu.memory_space<vmem>>, vector<16xf32>,
        %add3A_493 = arith.addf %add3A_461, %get3A_492 : vector<16xf32>
        scf.yield %add3A_471, %add3A_477, %add3A_485, %add3A_493 : vector<16xf32>, vector<16xf32>, vector<16xf32>, vector<16xf32>
      }
      %scan3A_306 = arith.constant 32 : i32
      %add3A_307 = arith.constant 4 : i32
      %add3A_308 = arith.addi %add3A_277, %add3A_307 : i32
      %lt3A_309 = arith.constant 128 : i32
      %lt3A_310 = arith.cmpi slt, %add3A_308, %lt3A_309 : i32
      %convert_element_type3A_311 = arith.extui %lt3A_310 : i1 to i32
      %cond3A_312 = arith.constant 0 : i32
      %cond3A_313 = arith.cmpi ne, %convert_element_type3A_311, %cond3A_312 : i32
      scf.if %cond3A_313 {
        %add3A_426 = arith.constant 4 : i32
        %add3A_427 = arith.addi %add3A_277, %add3A_426 : i32
        %dma_start3A_428 = arith.constant 4 : i32
        %dma_start3A_429 = arith.constant 4 : i32
        %dma_start3A_430 = arith.constant 0 : i32
        %dma_start3A_431 = arith.constant 0 : i32
        %dma_start3A_432 = tpu.memref_slice %arg6[%dma_start3A_428, %dma_start3A_430, %dma_start3A_431] : memref<8x128x32xf32, #tpu.memory_space<vmem>> -> memref<1x128x32xf32, #tpu.memory_space<vmem>>
        %dma_start3A_433 = tpu.memref_squeeze %dma_start3A_432 : memref<1x128x32xf32, #tpu.memory_space<vmem>> -> memref<128x32xf32, #tpu.memory_space<vmem>>
        %dma_start3A_434 = arith.constant 0 : i32
        %dma_start3A_435 = tpu.memref_slice %arg5[%add3A_427, %dma_start3A_434] : memref<128x200xi32, #tpu.memory_space<vmem>> -> memref<1x128xi32, #tpu.memory_space<vmem>>
        %dma_start3A_436 = tpu.memref_squeeze %dma_start3A_435 : memref<1x128xi32, #tpu.memory_space<vmem>> -> memref<128xi32, #tpu.memory_space<vmem>>
        %dma_start3A_437 = arith.constant 0 : i32
        %dma_start3A_438 = arith.constant 0 : i32
        %dma_start3A_439 = tpu.memref_slice %arg3[%dma_start3A_437, %dma_start3A_438] : memref<100001x32xf32, #tpu.memory_space<hbm>> -> memref<100001x32xf32, #tpu.memory_space<hbm>>
        %dma_start3A_440 = tpu.memref_slice %arg8[%dma_start3A_429] : memref<8x!tpu.dma_semaphore, #tpu.memory_space<semaphore_mem>> -> memref<1x!tpu.dma_semaphore, #tpu.memory_space<semaphore_mem>>
        %dma_start3A_441 = tpu.memref_squeeze %dma_start3A_440 : memref<1x!tpu.dma_semaphore, #tpu.memory_space<semaphore_mem>> -> memref<!tpu.dma_semaphore, #tpu.memory_space<semaphore_mem>>
        tpu.enqueue_indirect_dma source(%dma_start3A_439 : memref<100001x32xf32, #tpu.memory_space<hbm>>) target(%dma_start3A_433 : memref<128x32xf32, #tpu.memory_space<vmem>>) offsets(%dma_start3A_436 : memref<128xi32, #tpu.memory_space<vmem>>) semaphore(%dma_start3A_441 : memref<!tpu.dma_semaphore, #tpu.memory_space<semaphore_mem>>)
      } else {
      }
      %dma_wait3A_314 = arith.constant 0 : i32
      %dma_wait3A_315 = arith.constant 5 : i32
      %dma_wait3A_316 = arith.constant 5 : i32
      %dma_wait3A_317 = arith.constant 0 : i32
      %dma_wait3A_318 = arith.constant 0 : i32
      %dma_wait3A_319 = tpu.memref_slice %arg6[%dma_wait3A_315, %dma_wait3A_317, %dma_wait3A_318] : memref<8x128x32xf32, #tpu.memory_space<vmem>> -> memref<1x72x32xf32, #tpu.memory_space<vmem>>
      %dma_wait3A_320 = tpu.memref_squeeze %dma_wait3A_319 : memref<1x72x32xf32, #tpu.memory_space<vmem>> -> memref<72x32xf32, #tpu.memory_space<vmem>>
      %dma_wait3A_321 = arith.constant 128 : i32
      %dma_wait3A_322 = tpu.memref_slice %arg5[%dma_wait3A_314, %dma_wait3A_321] : memref<128x200xi32, #tpu.memory_space<vmem>> -> memref<1x72xi32, #tpu.memory_space<vmem>>
      %dma_wait3A_323 = tpu.memref_squeeze %dma_wait3A_322 : memref<1x72xi32, #tpu.memory_space<vmem>> -> memref<72xi32, #tpu.memory_space<vmem>>
      %dma_wait3A_324 = arith.constant 0 : i32
      %dma_wait3A_325 = arith.constant 0 : i32
      %dma_wait3A_326 = tpu.memref_slice %arg3[%dma_wait3A_324, %dma_wait3A_325] : memref<100001x32xf32, #tpu.memory_space<hbm>> -> memref<100001x32xf32, #tpu.memory_space<hbm>>
      %dma_wait3A_327 = tpu.memref_slice %arg8[%dma_wait3A_316] : memref<8x!tpu.dma_semaphore, #tpu.memory_space<semaphore_mem>> -> memref<1x!tpu.dma_semaphore, #tpu.memory_space<semaphore_mem>>
      %dma_wait3A_328 = tpu.memref_squeeze %dma_wait3A_327 : memref<1x!tpu.dma_semaphore, #tpu.memory_space<semaphore_mem>> -> memref<!tpu.dma_semaphore, #tpu.memory_space<semaphore_mem>>
      tpu.wait_indirect_dma semaphore(%dma_wait3A_328 : memref<!tpu.dma_semaphore, #tpu.memory_space<semaphore_mem>>) src(%dma_wait3A_326 : memref<100001x32xf32, #tpu.memory_space<hbm>>) dst(%dma_wait3A_320 : memref<72x32xf32, #tpu.memory_space<vmem>>)
      %scan3A_329 = arith.constant 0 : i32
      %scan3A_330 = arith.constant 18 : i32
      %scan3A_331 = arith.addi %scan3A_329, %scan3A_330 : i32
      %scan3A_332 = arith.constant 1 : i32
      %scan3A_333:4 = scf.for %scan3A_426 = %scan3A_329 to %scan3A_331 step %scan3A_332 iter_args(%scan3A_427 = %scan3A_305#0, %scan3A_428 = %scan3A_305#1, %scan3A_429 = %scan3A_305#2, %scan3A_430 = %scan3A_305#3) -> (vector<16xf32>, vector<16xf32>, vector<16xf32>, vector<16xf32>)  : i32 {
        %mul3A_431 = arith.constant 4 : i32
        %mul3A_432 = arith.muli %scan3A_426, %mul3A_431 : i32
        %add3A_433 = arith.constant 0 : i32
        %add3A_434 = arith.addi %mul3A_432, %add3A_433 : i32
        %get3A = arith.constant 5 : i32
        %get3A_435 = arith.index_cast %get3A : i32 to index
        %get3A_436 = arith.index_cast %add3A_434 : i32 to index
        %get3A_437 = arith.constant 0 : index
        %get3A_438 = tpu.vector_load %arg6[%get3A_435, %get3A_436, %get3A_437] {strides = array<i32>} : memref<8x128x32xf32, #tpu.memory_space<vmem>>, vector<16xf32>,
        %add3A_439 = arith.addf %scan3A_427, %get3A_438 : vector<16xf32>
        %get3A_440 = arith.constant 5 : i32
        %get3A_441 = arith.index_cast %get3A_440 : i32 to index
        %get3A_442 = arith.index_cast %add3A_434 : i32 to index
        %get3A_443 = arith.constant 16 : index
        %get3A_444 = tpu.vector_load %arg6[%get3A_441, %get3A_442, %get3A_443] {strides = array<i32>} : memref<8x128x32xf32, #tpu.memory_space<vmem>>, vector<16xf32>,
        %add3A_445 = arith.addf %scan3A_428, %get3A_444 : vector<16xf32>
        %add3A_446 = arith.constant 1 : i32
        %add3A_447 = arith.addi %add3A_434, %add3A_446 : i32
        %get3A_448 = arith.constant 5 : i32
        %get3A_449 = arith.index_cast %get3A_448 : i32 to index
        %get3A_450 = arith.index_cast %add3A_447 : i32 to index
        %get3A_451 = arith.constant 0 : index
        %get3A_452 = tpu.vector_load %arg6[%get3A_449, %get3A_450, %get3A_451] {strides = array<i32>} : memref<8x128x32xf32, #tpu.memory_space<vmem>>, vector<16xf32>,
        %add3A_453 = arith.addf %scan3A_429, %get3A_452 : vector<16xf32>
        %add3A_454 = arith.constant 1 : i32
        %add3A_455 = arith.addi %add3A_434, %add3A_454 : i32
        %get3A_456 = arith.constant 5 : i32
        %get3A_457 = arith.index_cast %get3A_456 : i32 to index
        %get3A_458 = arith.index_cast %add3A_455 : i32 to index
        %get3A_459 = arith.constant 16 : index
        %get3A_460 = tpu.vector_load %arg6[%get3A_457, %get3A_458, %get3A_459] {strides = array<i32>} : memref<8x128x32xf32, #tpu.memory_space<vmem>>, vector<16xf32>,
        %add3A_461 = arith.addf %scan3A_430, %get3A_460 : vector<16xf32>
        %mul3A_462 = arith.constant 4 : i32
        %mul3A_463 = arith.muli %scan3A_426, %mul3A_462 : i32
        %add3A_464 = arith.constant 2 : i32
        %add3A_465 = arith.addi %mul3A_463, %add3A_464 : i32
        %get3A_466 = arith.constant 5 : i32
        %get3A_467 = arith.index_cast %get3A_466 : i32 to index
        %get3A_468 = arith.index_cast %add3A_465 : i32 to index
        %get3A_469 = arith.constant 0 : index
        %get3A_470 = tpu.vector_load %arg6[%get3A_467, %get3A_468, %get3A_469] {strides = array<i32>} : memref<8x128x32xf32, #tpu.memory_space<vmem>>, vector<16xf32>,
        %add3A_471 = arith.addf %add3A_439, %get3A_470 : vector<16xf32>
        %get3A_472 = arith.constant 5 : i32
        %get3A_473 = arith.index_cast %get3A_472 : i32 to index
        %get3A_474 = arith.index_cast %add3A_465 : i32 to index
        %get3A_475 = arith.constant 16 : index
        %get3A_476 = tpu.vector_load %arg6[%get3A_473, %get3A_474, %get3A_475] {strides = array<i32>} : memref<8x128x32xf32, #tpu.memory_space<vmem>>, vector<16xf32>,
        %add3A_477 = arith.addf %add3A_445, %get3A_476 : vector<16xf32>
        %add3A_478 = arith.constant 1 : i32
        %add3A_479 = arith.addi %add3A_465, %add3A_478 : i32
        %get3A_480 = arith.constant 5 : i32
        %get3A_481 = arith.index_cast %get3A_480 : i32 to index
        %get3A_482 = arith.index_cast %add3A_479 : i32 to index
        %get3A_483 = arith.constant 0 : index
        %get3A_484 = tpu.vector_load %arg6[%get3A_481, %get3A_482, %get3A_483] {strides = array<i32>} : memref<8x128x32xf32, #tpu.memory_space<vmem>>, vector<16xf32>,
        %add3A_485 = arith.addf %add3A_453, %get3A_484 : vector<16xf32>
        %add3A_486 = arith.constant 1 : i32
        %add3A_487 = arith.addi %add3A_465, %add3A_486 : i32
        %get3A_488 = arith.constant 5 : i32
        %get3A_489 = arith.index_cast %get3A_488 : i32 to index
        %get3A_490 = arith.index_cast %add3A_487 : i32 to index
        %get3A_491 = arith.constant 16 : index
        %get3A_492 = tpu.vector_load %arg6[%get3A_489, %get3A_490, %get3A_491] {strides = array<i32>} : memref<8x128x32xf32, #tpu.memory_space<vmem>>, vector<16xf32>,
        %add3A_493 = arith.addf %add3A_461, %get3A_492 : vector<16xf32>
        scf.yield %add3A_471, %add3A_477, %add3A_485, %add3A_493 : vector<16xf32>, vector<16xf32>, vector<16xf32>, vector<16xf32>
      }
      %scan3A_334 = arith.constant 18 : i32
      %add3A_335 = arith.constant 4 : i32
      %add3A_336 = arith.addi %add3A_277, %add3A_335 : i32
      %lt3A_337 = arith.constant 128 : i32
      %lt3A_338 = arith.cmpi slt, %add3A_336, %lt3A_337 : i32
      %convert_element_type3A_339 = arith.extui %lt3A_338 : i1 to i32
      %cond3A_340 = arith.constant 0 : i32
      %cond3A_341 = arith.cmpi ne, %convert_element_type3A_339, %cond3A_340 : i32
      scf.if %cond3A_341 {
        %add3A_426 = arith.constant 4 : i32
        %add3A_427 = arith.addi %add3A_277, %add3A_426 : i32
        %dma_start3A_428 = arith.constant 5 : i32
        %dma_start3A_429 = arith.constant 5 : i32
        %dma_start3A_430 = arith.constant 0 : i32
        %dma_start3A_431 = arith.constant 0 : i32
        %dma_start3A_432 = tpu.memref_slice %arg6[%dma_start3A_428, %dma_start3A_430, %dma_start3A_431] : memref<8x128x32xf32, #tpu.memory_space<vmem>> -> memref<1x72x32xf32, #tpu.memory_space<vmem>>
        %dma_start3A_433 = tpu.memref_squeeze %dma_start3A_432 : memref<1x72x32xf32, #tpu.memory_space<vmem>> -> memref<72x32xf32, #tpu.memory_space<vmem>>
        %dma_start3A_434 = arith.constant 128 : i32
        %dma_start3A_435 = tpu.memref_slice %arg5[%add3A_427, %dma_start3A_434] : memref<128x200xi32, #tpu.memory_space<vmem>> -> memref<1x72xi32, #tpu.memory_space<vmem>>
        %dma_start3A_436 = tpu.memref_squeeze %dma_start3A_435 : memref<1x72xi32, #tpu.memory_space<vmem>> -> memref<72xi32, #tpu.memory_space<vmem>>
        %dma_start3A_437 = arith.constant 0 : i32
        %dma_start3A_438 = arith.constant 0 : i32
        %dma_start3A_439 = tpu.memref_slice %arg3[%dma_start3A_437, %dma_start3A_438] : memref<100001x32xf32, #tpu.memory_space<hbm>> -> memref<100001x32xf32, #tpu.memory_space<hbm>>
        %dma_start3A_440 = tpu.memref_slice %arg8[%dma_start3A_429] : memref<8x!tpu.dma_semaphore, #tpu.memory_space<semaphore_mem>> -> memref<1x!tpu.dma_semaphore, #tpu.memory_space<semaphore_mem>>
        %dma_start3A_441 = tpu.memref_squeeze %dma_start3A_440 : memref<1x!tpu.dma_semaphore, #tpu.memory_space<semaphore_mem>> -> memref<!tpu.dma_semaphore, #tpu.memory_space<semaphore_mem>>
        tpu.enqueue_indirect_dma source(%dma_start3A_439 : memref<100001x32xf32, #tpu.memory_space<hbm>>) target(%dma_start3A_433 : memref<72x32xf32, #tpu.memory_space<vmem>>) offsets(%dma_start3A_436 : memref<72xi32, #tpu.memory_space<vmem>>) semaphore(%dma_start3A_441 : memref<!tpu.dma_semaphore, #tpu.memory_space<semaphore_mem>>)
      } else {
      }
      %add3A_342 = arith.addf %scan3A_333#0, %scan3A_333#2 : vector<16xf32>
      %swap3A_343 = arith.index_cast %add3A_277 : i32 to index
      %swap3A_344 = arith.constant 0 : index
      %swap3A_345 = tpu.vector_load %arg7[%swap3A_343, %swap3A_344] {strides = array<i32>} : memref<128x32xf32, #tpu.memory_space<vmem>>, vector<16xf32>,
      tpu.vector_store %arg7[%swap3A_343, %swap3A_344], %add3A_342 {strides = array<i32>} : memref<128x32xf32, #tpu.memory_space<vmem>>, vector<16xf32>,
      %add3A_346 = arith.addf %scan3A_333#1, %scan3A_333#3 : vector<16xf32>
      %swap3A_347 = arith.index_cast %add3A_277 : i32 to index
      %swap3A_348 = arith.constant 16 : index
      %swap3A_349 = tpu.vector_load %arg7[%swap3A_347, %swap3A_348] {strides = array<i32>} : memref<128x32xf32, #tpu.memory_space<vmem>>, vector<16xf32>,
      tpu.vector_store %arg7[%swap3A_347, %swap3A_348], %add3A_346 {strides = array<i32>} : memref<128x32xf32, #tpu.memory_space<vmem>>, vector<16xf32>,
      %mul3A_350 = arith.constant 4 : i32
      %mul3A_351 = arith.muli %mul3A_350, %scan3A_127 : i32
      %add3A_352 = arith.constant 3 : i32
      %add3A_353 = arith.addi %mul3A_351, %add3A_352 : i32
      %broadcast_in_dim3A_354 = arith.constant 0.000000e+00 : f32
      %broadcast_in_dim3A_355 = vector.broadcast %broadcast_in_dim3A_354 : f32 to vector<16xf32>
      %broadcast_in_dim3A_356 = arith.constant 0.000000e+00 : f32
      %broadcast_in_dim3A_357 = vector.broadcast %broadcast_in_dim3A_356 : f32 to vector<16xf32>
      %broadcast_in_dim3A_358 = arith.constant 0.000000e+00 : f32
      %broadcast_in_dim3A_359 = vector.broadcast %broadcast_in_dim3A_358 : f32 to vector<16xf32>
      %broadcast_in_dim3A_360 = arith.constant 0.000000e+00 : f32
      %broadcast_in_dim3A_361 = vector.broadcast %broadcast_in_dim3A_360 : f32 to vector<16xf32>
      %dma_wait3A_362 = arith.constant 0 : i32
      %dma_wait3A_363 = arith.constant 6 : i32
      %dma_wait3A_364 = arith.constant 6 : i32
      %dma_wait3A_365 = arith.constant 0 : i32
      %dma_wait3A_366 = arith.constant 0 : i32
      %dma_wait3A_367 = tpu.memref_slice %arg6[%dma_wait3A_363, %dma_wait3A_365, %dma_wait3A_366] : memref<8x128x32xf32, #tpu.memory_space<vmem>> -> memref<1x128x32xf32, #tpu.memory_space<vmem>>
      %dma_wait3A_368 = tpu.memref_squeeze %dma_wait3A_367 : memref<1x128x32xf32, #tpu.memory_space<vmem>> -> memref<128x32xf32, #tpu.memory_space<vmem>>
      %dma_wait3A_369 = arith.constant 0 : i32
      %dma_wait3A_370 = tpu.memref_slice %arg5[%dma_wait3A_362, %dma_wait3A_369] : memref<128x200xi32, #tpu.memory_space<vmem>> -> memref<1x128xi32, #tpu.memory_space<vmem>>
      %dma_wait3A_371 = tpu.memref_squeeze %dma_wait3A_370 : memref<1x128xi32, #tpu.memory_space<vmem>> -> memref<128xi32, #tpu.memory_space<vmem>>
      %dma_wait3A_372 = arith.constant 0 : i32
      %dma_wait3A_373 = arith.constant 0 : i32
      %dma_wait3A_374 = tpu.memref_slice %arg3[%dma_wait3A_372, %dma_wait3A_373] : memref<100001x32xf32, #tpu.memory_space<hbm>> -> memref<100001x32xf32, #tpu.memory_space<hbm>>
      %dma_wait3A_375 = tpu.memref_slice %arg8[%dma_wait3A_364] : memref<8x!tpu.dma_semaphore, #tpu.memory_space<semaphore_mem>> -> memref<1x!tpu.dma_semaphore, #tpu.memory_space<semaphore_mem>>
      %dma_wait3A_376 = tpu.memref_squeeze %dma_wait3A_375 : memref<1x!tpu.dma_semaphore, #tpu.memory_space<semaphore_mem>> -> memref<!tpu.dma_semaphore, #tpu.memory_space<semaphore_mem>>
      tpu.wait_indirect_dma semaphore(%dma_wait3A_376 : memref<!tpu.dma_semaphore, #tpu.memory_space<semaphore_mem>>) src(%dma_wait3A_374 : memref<100001x32xf32, #tpu.memory_space<hbm>>) dst(%dma_wait3A_368 : memref<128x32xf32, #tpu.memory_space<vmem>>)
      %scan3A_377 = arith.constant 0 : i32
      %scan3A_378 = arith.constant 32 : i32
      %scan3A_379 = arith.addi %scan3A_377, %scan3A_378 : i32
      %scan3A_380 = arith.constant 1 : i32
      %scan3A_381:4 = scf.for %scan3A_426 = %scan3A_377 to %scan3A_379 step %scan3A_380 iter_args(%scan3A_427 = %broadcast_in_dim3A_355, %scan3A_428 = %broadcast_in_dim3A_357, %scan3A_429 = %broadcast_in_dim3A_359, %scan3A_430 = %broadcast_in_dim3A_361) -> (vector<16xf32>, vector<16xf32>, vector<16xf32>, vector<16xf32>)  : i32 {
        %mul3A_431 = arith.constant 4 : i32
        %mul3A_432 = arith.muli %scan3A_426, %mul3A_431 : i32
        %add3A_433 = arith.constant 0 : i32
        %add3A_434 = arith.addi %mul3A_432, %add3A_433 : i32
        %get3A = arith.constant 6 : i32
        %get3A_435 = arith.index_cast %get3A : i32 to index
        %get3A_436 = arith.index_cast %add3A_434 : i32 to index
        %get3A_437 = arith.constant 0 : index
        %get3A_438 = tpu.vector_load %arg6[%get3A_435, %get3A_436, %get3A_437] {strides = array<i32>} : memref<8x128x32xf32, #tpu.memory_space<vmem>>, vector<16xf32>,
        %add3A_439 = arith.addf %scan3A_427, %get3A_438 : vector<16xf32>
        %get3A_440 = arith.constant 6 : i32
        %get3A_441 = arith.index_cast %get3A_440 : i32 to index
        %get3A_442 = arith.index_cast %add3A_434 : i32 to index
        %get3A_443 = arith.constant 16 : index
        %get3A_444 = tpu.vector_load %arg6[%get3A_441, %get3A_442, %get3A_443] {strides = array<i32>} : memref<8x128x32xf32, #tpu.memory_space<vmem>>, vector<16xf32>,
        %add3A_445 = arith.addf %scan3A_428, %get3A_444 : vector<16xf32>
        %add3A_446 = arith.constant 1 : i32
        %add3A_447 = arith.addi %add3A_434, %add3A_446 : i32
        %get3A_448 = arith.constant 6 : i32
        %get3A_449 = arith.index_cast %get3A_448 : i32 to index
        %get3A_450 = arith.index_cast %add3A_447 : i32 to index
        %get3A_451 = arith.constant 0 : index
        %get3A_452 = tpu.vector_load %arg6[%get3A_449, %get3A_450, %get3A_451] {strides = array<i32>} : memref<8x128x32xf32, #tpu.memory_space<vmem>>, vector<16xf32>,
        %add3A_453 = arith.addf %scan3A_429, %get3A_452 : vector<16xf32>
        %add3A_454 = arith.constant 1 : i32
        %add3A_455 = arith.addi %add3A_434, %add3A_454 : i32
        %get3A_456 = arith.constant 6 : i32
        %get3A_457 = arith.index_cast %get3A_456 : i32 to index
        %get3A_458 = arith.index_cast %add3A_455 : i32 to index
        %get3A_459 = arith.constant 16 : index
        %get3A_460 = tpu.vector_load %arg6[%get3A_457, %get3A_458, %get3A_459] {strides = array<i32>} : memref<8x128x32xf32, #tpu.memory_space<vmem>>, vector<16xf32>,
        %add3A_461 = arith.addf %scan3A_430, %get3A_460 : vector<16xf32>
        %mul3A_462 = arith.constant 4 : i32
        %mul3A_463 = arith.muli %scan3A_426, %mul3A_462 : i32
        %add3A_464 = arith.constant 2 : i32
        %add3A_465 = arith.addi %mul3A_463, %add3A_464 : i32
        %get3A_466 = arith.constant 6 : i32
        %get3A_467 = arith.index_cast %get3A_466 : i32 to index
        %get3A_468 = arith.index_cast %add3A_465 : i32 to index
        %get3A_469 = arith.constant 0 : index
        %get3A_470 = tpu.vector_load %arg6[%get3A_467, %get3A_468, %get3A_469] {strides = array<i32>} : memref<8x128x32xf32, #tpu.memory_space<vmem>>, vector<16xf32>,
        %add3A_471 = arith.addf %add3A_439, %get3A_470 : vector<16xf32>
        %get3A_472 = arith.constant 6 : i32
        %get3A_473 = arith.index_cast %get3A_472 : i32 to index
        %get3A_474 = arith.index_cast %add3A_465 : i32 to index
        %get3A_475 = arith.constant 16 : index
        %get3A_476 = tpu.vector_load %arg6[%get3A_473, %get3A_474, %get3A_475] {strides = array<i32>} : memref<8x128x32xf32, #tpu.memory_space<vmem>>, vector<16xf32>,
        %add3A_477 = arith.addf %add3A_445, %get3A_476 : vector<16xf32>
        %add3A_478 = arith.constant 1 : i32
        %add3A_479 = arith.addi %add3A_465, %add3A_478 : i32
        %get3A_480 = arith.constant 6 : i32
        %get3A_481 = arith.index_cast %get3A_480 : i32 to index
        %get3A_482 = arith.index_cast %add3A_479 : i32 to index
        %get3A_483 = arith.constant 0 : index
        %get3A_484 = tpu.vector_load %arg6[%get3A_481, %get3A_482, %get3A_483] {strides = array<i32>} : memref<8x128x32xf32, #tpu.memory_space<vmem>>, vector<16xf32>,
        %add3A_485 = arith.addf %add3A_453, %get3A_484 : vector<16xf32>
        %add3A_486 = arith.constant 1 : i32
        %add3A_487 = arith.addi %add3A_465, %add3A_486 : i32
        %get3A_488 = arith.constant 6 : i32
        %get3A_489 = arith.index_cast %get3A_488 : i32 to index
        %get3A_490 = arith.index_cast %add3A_487 : i32 to index
        %get3A_491 = arith.constant 16 : index
        %get3A_492 = tpu.vector_load %arg6[%get3A_489, %get3A_490, %get3A_491] {strides = array<i32>} : memref<8x128x32xf32, #tpu.memory_space<vmem>>, vector<16xf32>,
        %add3A_493 = arith.addf %add3A_461, %get3A_492 : vector<16xf32>
        scf.yield %add3A_471, %add3A_477, %add3A_485, %add3A_493 : vector<16xf32>, vector<16xf32>, vector<16xf32>, vector<16xf32>
      }
      %scan3A_382 = arith.constant 32 : i32
      %add3A_383 = arith.constant 4 : i32
      %add3A_384 = arith.addi %add3A_353, %add3A_383 : i32
      %lt3A_385 = arith.constant 128 : i32
      %lt3A_386 = arith.cmpi slt, %add3A_384, %lt3A_385 : i32
      %convert_element_type3A_387 = arith.extui %lt3A_386 : i1 to i32
      %cond3A_388 = arith.constant 0 : i32
      %cond3A_389 = arith.cmpi ne, %convert_element_type3A_387, %cond3A_388 : i32
      scf.if %cond3A_389 {
        %add3A_426 = arith.constant 4 : i32
        %add3A_427 = arith.addi %add3A_353, %add3A_426 : i32
        %dma_start3A_428 = arith.constant 6 : i32
        %dma_start3A_429 = arith.constant 6 : i32
        %dma_start3A_430 = arith.constant 0 : i32
        %dma_start3A_431 = arith.constant 0 : i32
        %dma_start3A_432 = tpu.memref_slice %arg6[%dma_start3A_428, %dma_start3A_430, %dma_start3A_431] : memref<8x128x32xf32, #tpu.memory_space<vmem>> -> memref<1x128x32xf32, #tpu.memory_space<vmem>>
        %dma_start3A_433 = tpu.memref_squeeze %dma_start3A_432 : memref<1x128x32xf32, #tpu.memory_space<vmem>> -> memref<128x32xf32, #tpu.memory_space<vmem>>
        %dma_start3A_434 = arith.constant 0 : i32
        %dma_start3A_435 = tpu.memref_slice %arg5[%add3A_427, %dma_start3A_434] : memref<128x200xi32, #tpu.memory_space<vmem>> -> memref<1x128xi32, #tpu.memory_space<vmem>>
        %dma_start3A_436 = tpu.memref_squeeze %dma_start3A_435 : memref<1x128xi32, #tpu.memory_space<vmem>> -> memref<128xi32, #tpu.memory_space<vmem>>
        %dma_start3A_437 = arith.constant 0 : i32
        %dma_start3A_438 = arith.constant 0 : i32
        %dma_start3A_439 = tpu.memref_slice %arg3[%dma_start3A_437, %dma_start3A_438] : memref<100001x32xf32, #tpu.memory_space<hbm>> -> memref<100001x32xf32, #tpu.memory_space<hbm>>
        %dma_start3A_440 = tpu.memref_slice %arg8[%dma_start3A_429] : memref<8x!tpu.dma_semaphore, #tpu.memory_space<semaphore_mem>> -> memref<1x!tpu.dma_semaphore, #tpu.memory_space<semaphore_mem>>
        %dma_start3A_441 = tpu.memref_squeeze %dma_start3A_440 : memref<1x!tpu.dma_semaphore, #tpu.memory_space<semaphore_mem>> -> memref<!tpu.dma_semaphore, #tpu.memory_space<semaphore_mem>>
        tpu.enqueue_indirect_dma source(%dma_start3A_439 : memref<100001x32xf32, #tpu.memory_space<hbm>>) target(%dma_start3A_433 : memref<128x32xf32, #tpu.memory_space<vmem>>) offsets(%dma_start3A_436 : memref<128xi32, #tpu.memory_space<vmem>>) semaphore(%dma_start3A_441 : memref<!tpu.dma_semaphore, #tpu.memory_space<semaphore_mem>>)
      } else {
      }
      %dma_wait3A_390 = arith.constant 0 : i32
      %dma_wait3A_391 = arith.constant 7 : i32
      %dma_wait3A_392 = arith.constant 7 : i32
      %dma_wait3A_393 = arith.constant 0 : i32
      %dma_wait3A_394 = arith.constant 0 : i32
      %dma_wait3A_395 = tpu.memref_slice %arg6[%dma_wait3A_391, %dma_wait3A_393, %dma_wait3A_394] : memref<8x128x32xf32, #tpu.memory_space<vmem>> -> memref<1x72x32xf32, #tpu.memory_space<vmem>>
      %dma_wait3A_396 = tpu.memref_squeeze %dma_wait3A_395 : memref<1x72x32xf32, #tpu.memory_space<vmem>> -> memref<72x32xf32, #tpu.memory_space<vmem>>
      %dma_wait3A_397 = arith.constant 128 : i32
      %dma_wait3A_398 = tpu.memref_slice %arg5[%dma_wait3A_390, %dma_wait3A_397] : memref<128x200xi32, #tpu.memory_space<vmem>> -> memref<1x72xi32, #tpu.memory_space<vmem>>
      %dma_wait3A_399 = tpu.memref_squeeze %dma_wait3A_398 : memref<1x72xi32, #tpu.memory_space<vmem>> -> memref<72xi32, #tpu.memory_space<vmem>>
      %dma_wait3A_400 = arith.constant 0 : i32
      %dma_wait3A_401 = arith.constant 0 : i32
      %dma_wait3A_402 = tpu.memref_slice %arg3[%dma_wait3A_400, %dma_wait3A_401] : memref<100001x32xf32, #tpu.memory_space<hbm>> -> memref<100001x32xf32, #tpu.memory_space<hbm>>
      %dma_wait3A_403 = tpu.memref_slice %arg8[%dma_wait3A_392] : memref<8x!tpu.dma_semaphore, #tpu.memory_space<semaphore_mem>> -> memref<1x!tpu.dma_semaphore, #tpu.memory_space<semaphore_mem>>
      %dma_wait3A_404 = tpu.memref_squeeze %dma_wait3A_403 : memref<1x!tpu.dma_semaphore, #tpu.memory_space<semaphore_mem>> -> memref<!tpu.dma_semaphore, #tpu.memory_space<semaphore_mem>>
      tpu.wait_indirect_dma semaphore(%dma_wait3A_404 : memref<!tpu.dma_semaphore, #tpu.memory_space<semaphore_mem>>) src(%dma_wait3A_402 : memref<100001x32xf32, #tpu.memory_space<hbm>>) dst(%dma_wait3A_396 : memref<72x32xf32, #tpu.memory_space<vmem>>)
      %scan3A_405 = arith.constant 0 : i32
      %scan3A_406 = arith.constant 18 : i32
      %scan3A_407 = arith.addi %scan3A_405, %scan3A_406 : i32
      %scan3A_408 = arith.constant 1 : i32
      %scan3A_409:4 = scf.for %scan3A_426 = %scan3A_405 to %scan3A_407 step %scan3A_408 iter_args(%scan3A_427 = %scan3A_381#0, %scan3A_428 = %scan3A_381#1, %scan3A_429 = %scan3A_381#2, %scan3A_430 = %scan3A_381#3) -> (vector<16xf32>, vector<16xf32>, vector<16xf32>, vector<16xf32>)  : i32 {
        %mul3A_431 = arith.constant 4 : i32
        %mul3A_432 = arith.muli %scan3A_426, %mul3A_431 : i32
        %add3A_433 = arith.constant 0 : i32
        %add3A_434 = arith.addi %mul3A_432, %add3A_433 : i32
        %get3A = arith.constant 7 : i32
        %get3A_435 = arith.index_cast %get3A : i32 to index
        %get3A_436 = arith.index_cast %add3A_434 : i32 to index
        %get3A_437 = arith.constant 0 : index
        %get3A_438 = tpu.vector_load %arg6[%get3A_435, %get3A_436, %get3A_437] {strides = array<i32>} : memref<8x128x32xf32, #tpu.memory_space<vmem>>, vector<16xf32>,
        %add3A_439 = arith.addf %scan3A_427, %get3A_438 : vector<16xf32>
        %get3A_440 = arith.constant 7 : i32
        %get3A_441 = arith.index_cast %get3A_440 : i32 to index
        %get3A_442 = arith.index_cast %add3A_434 : i32 to index
        %get3A_443 = arith.constant 16 : index
        %get3A_444 = tpu.vector_load %arg6[%get3A_441, %get3A_442, %get3A_443] {strides = array<i32>} : memref<8x128x32xf32, #tpu.memory_space<vmem>>, vector<16xf32>,
        %add3A_445 = arith.addf %scan3A_428, %get3A_444 : vector<16xf32>
        %add3A_446 = arith.constant 1 : i32
        %add3A_447 = arith.addi %add3A_434, %add3A_446 : i32
        %get3A_448 = arith.constant 7 : i32
        %get3A_449 = arith.index_cast %get3A_448 : i32 to index
        %get3A_450 = arith.index_cast %add3A_447 : i32 to index
        %get3A_451 = arith.constant 0 : index
        %get3A_452 = tpu.vector_load %arg6[%get3A_449, %get3A_450, %get3A_451] {strides = array<i32>} : memref<8x128x32xf32, #tpu.memory_space<vmem>>, vector<16xf32>,
        %add3A_453 = arith.addf %scan3A_429, %get3A_452 : vector<16xf32>
        %add3A_454 = arith.constant 1 : i32
        %add3A_455 = arith.addi %add3A_434, %add3A_454 : i32
        %get3A_456 = arith.constant 7 : i32
        %get3A_457 = arith.index_cast %get3A_456 : i32 to index
        %get3A_458 = arith.index_cast %add3A_455 : i32 to index
        %get3A_459 = arith.constant 16 : index
        %get3A_460 = tpu.vector_load %arg6[%get3A_457, %get3A_458, %get3A_459] {strides = array<i32>} : memref<8x128x32xf32, #tpu.memory_space<vmem>>, vector<16xf32>,
        %add3A_461 = arith.addf %scan3A_430, %get3A_460 : vector<16xf32>
        %mul3A_462 = arith.constant 4 : i32
        %mul3A_463 = arith.muli %scan3A_426, %mul3A_462 : i32
        %add3A_464 = arith.constant 2 : i32
        %add3A_465 = arith.addi %mul3A_463, %add3A_464 : i32
        %get3A_466 = arith.constant 7 : i32
        %get3A_467 = arith.index_cast %get3A_466 : i32 to index
        %get3A_468 = arith.index_cast %add3A_465 : i32 to index
        %get3A_469 = arith.constant 0 : index
        %get3A_470 = tpu.vector_load %arg6[%get3A_467, %get3A_468, %get3A_469] {strides = array<i32>} : memref<8x128x32xf32, #tpu.memory_space<vmem>>, vector<16xf32>,
        %add3A_471 = arith.addf %add3A_439, %get3A_470 : vector<16xf32>
        %get3A_472 = arith.constant 7 : i32
        %get3A_473 = arith.index_cast %get3A_472 : i32 to index
        %get3A_474 = arith.index_cast %add3A_465 : i32 to index
        %get3A_475 = arith.constant 16 : index
        %get3A_476 = tpu.vector_load %arg6[%get3A_473, %get3A_474, %get3A_475] {strides = array<i32>} : memref<8x128x32xf32, #tpu.memory_space<vmem>>, vector<16xf32>,
        %add3A_477 = arith.addf %add3A_445, %get3A_476 : vector<16xf32>
        %add3A_478 = arith.constant 1 : i32
        %add3A_479 = arith.addi %add3A_465, %add3A_478 : i32
        %get3A_480 = arith.constant 7 : i32
        %get3A_481 = arith.index_cast %get3A_480 : i32 to index
        %get3A_482 = arith.index_cast %add3A_479 : i32 to index
        %get3A_483 = arith.constant 0 : index
        %get3A_484 = tpu.vector_load %arg6[%get3A_481, %get3A_482, %get3A_483] {strides = array<i32>} : memref<8x128x32xf32, #tpu.memory_space<vmem>>, vector<16xf32>,
        %add3A_485 = arith.addf %add3A_453, %get3A_484 : vector<16xf32>
        %add3A_486 = arith.constant 1 : i32
        %add3A_487 = arith.addi %add3A_465, %add3A_486 : i32
        %get3A_488 = arith.constant 7 : i32
        %get3A_489 = arith.index_cast %get3A_488 : i32 to index
        %get3A_490 = arith.index_cast %add3A_487 : i32 to index
        %get3A_491 = arith.constant 16 : index
        %get3A_492 = tpu.vector_load %arg6[%get3A_489, %get3A_490, %get3A_491] {strides = array<i32>} : memref<8x128x32xf32, #tpu.memory_space<vmem>>, vector<16xf32>,
        %add3A_493 = arith.addf %add3A_461, %get3A_492 : vector<16xf32>
        scf.yield %add3A_471, %add3A_477, %add3A_485, %add3A_493 : vector<16xf32>, vector<16xf32>, vector<16xf32>, vector<16xf32>
      }
      %scan3A_410 = arith.constant 18 : i32
      %add3A_411 = arith.constant 4 : i32
      %add3A_412 = arith.addi %add3A_353, %add3A_411 : i32
      %lt3A_413 = arith.constant 128 : i32
      %lt3A_414 = arith.cmpi slt, %add3A_412, %lt3A_413 : i32
      %convert_element_type3A_415 = arith.extui %lt3A_414 : i1 to i32
      %cond3A_416 = arith.constant 0 : i32
      %cond3A_417 = arith.cmpi ne, %convert_element_type3A_415, %cond3A_416 : i32
      scf.if %cond3A_417 {
        %add3A_426 = arith.constant 4 : i32
        %add3A_427 = arith.addi %add3A_353, %add3A_426 : i32
        %dma_start3A_428 = arith.constant 7 : i32
        %dma_start3A_429 = arith.constant 7 : i32
        %dma_start3A_430 = arith.constant 0 : i32
        %dma_start3A_431 = arith.constant 0 : i32
        %dma_start3A_432 = tpu.memref_slice %arg6[%dma_start3A_428, %dma_start3A_430, %dma_start3A_431] : memref<8x128x32xf32, #tpu.memory_space<vmem>> -> memref<1x72x32xf32, #tpu.memory_space<vmem>>
        %dma_start3A_433 = tpu.memref_squeeze %dma_start3A_432 : memref<1x72x32xf32, #tpu.memory_space<vmem>> -> memref<72x32xf32, #tpu.memory_space<vmem>>
        %dma_start3A_434 = arith.constant 128 : i32
        %dma_start3A_435 = tpu.memref_slice %arg5[%add3A_427, %dma_start3A_434] : memref<128x200xi32, #tpu.memory_space<vmem>> -> memref<1x72xi32, #tpu.memory_space<vmem>>
        %dma_start3A_436 = tpu.memref_squeeze %dma_start3A_435 : memref<1x72xi32, #tpu.memory_space<vmem>> -> memref<72xi32, #tpu.memory_space<vmem>>
        %dma_start3A_437 = arith.constant 0 : i32
        %dma_start3A_438 = arith.constant 0 : i32
        %dma_start3A_439 = tpu.memref_slice %arg3[%dma_start3A_437, %dma_start3A_438] : memref<100001x32xf32, #tpu.memory_space<hbm>> -> memref<100001x32xf32, #tpu.memory_space<hbm>>
        %dma_start3A_440 = tpu.memref_slice %arg8[%dma_start3A_429] : memref<8x!tpu.dma_semaphore, #tpu.memory_space<semaphore_mem>> -> memref<1x!tpu.dma_semaphore, #tpu.memory_space<semaphore_mem>>
        %dma_start3A_441 = tpu.memref_squeeze %dma_start3A_440 : memref<1x!tpu.dma_semaphore, #tpu.memory_space<semaphore_mem>> -> memref<!tpu.dma_semaphore, #tpu.memory_space<semaphore_mem>>
        tpu.enqueue_indirect_dma source(%dma_start3A_439 : memref<100001x32xf32, #tpu.memory_space<hbm>>) target(%dma_start3A_433 : memref<72x32xf32, #tpu.memory_space<vmem>>) offsets(%dma_start3A_436 : memref<72xi32, #tpu.memory_space<vmem>>) semaphore(%dma_start3A_441 : memref<!tpu.dma_semaphore, #tpu.memory_space<semaphore_mem>>)
      } else {
      }
      %add3A_418 = arith.addf %scan3A_409#0, %scan3A_409#2 : vector<16xf32>
      %swap3A_419 = arith.index_cast %add3A_353 : i32 to index
      %swap3A_420 = arith.constant 0 : index
      %swap3A_421 = tpu.vector_load %arg7[%swap3A_419, %swap3A_420] {strides = array<i32>} : memref<128x32xf32, #tpu.memory_space<vmem>>, vector<16xf32>,
      tpu.vector_store %arg7[%swap3A_419, %swap3A_420], %add3A_418 {strides = array<i32>} : memref<128x32xf32, #tpu.memory_space<vmem>>, vector<16xf32>,
      %add3A_422 = arith.addf %scan3A_409#1, %scan3A_409#3 : vector<16xf32>
      %swap3A_423 = arith.index_cast %add3A_353 : i32 to index
      %swap3A_424 = arith.constant 16 : index
      %swap3A_425 = tpu.vector_load %arg7[%swap3A_423, %swap3A_424] {strides = array<i32>} : memref<128x32xf32, #tpu.memory_space<vmem>>, vector<16xf32>,
      tpu.vector_store %arg7[%swap3A_423, %swap3A_424], %add3A_422 {strides = array<i32>} : memref<128x32xf32, #tpu.memory_space<vmem>>, vector<16xf32>,
    }
    %scan3A_126 = arith.constant 32 : i32
    "tpu.region"() ({
      %run_scoped3A = tpu.sem_alloc : memref<!tpu.dma_semaphore, #tpu.memory_space<semaphore_mem>>
      %dma_start3A_127 = arith.constant 0 : i32
      %dma_start3A_128 = tpu.memref_slice %arg4[%mul3A_2, %dma_start3A_127] : memref<4096x32xf32, #tpu.memory_space<hbm>> -> memref<128x32xf32, #tpu.memory_space<hbm>>
      %dma_start3A_129 = arith.constant 0 : i32
      %dma_start3A_130 = tpu.memref_slice %arg4[%mul3A_2, %dma_start3A_129] : memref<4096x32xf32, #tpu.memory_space<hbm>> -> memref<128x32xf32, #tpu.memory_space<hbm>>
      tpu.enqueue_dma source(%arg7 : memref<128x32xf32, #tpu.memory_space<vmem>>) target(%dma_start3A_130 : memref<128x32xf32, #tpu.memory_space<hbm>>) target_semaphore(%run_scoped3A : memref<!tpu.dma_semaphore, #tpu.memory_space<semaphore_mem>>)
      %dma_wait3A = arith.constant 0 : i32
      %dma_wait3A_131 = tpu.memref_slice %arg4[%mul3A_2, %dma_wait3A] : memref<4096x32xf32, #tpu.memory_space<hbm>> -> memref<128x32xf32, #tpu.memory_space<hbm>>
      %dma_wait3A_132 = arith.constant 0 : i32
      %dma_wait3A_133 = tpu.memref_slice %arg4[%mul3A_2, %dma_wait3A_132] : memref<4096x32xf32, #tpu.memory_space<hbm>> -> memref<128x32xf32, #tpu.memory_space<hbm>>
      tpu.wait_dma2 semaphore(%run_scoped3A : memref<!tpu.dma_semaphore, #tpu.memory_space<semaphore_mem>>) src(%arg7 : memref<128x32xf32, #tpu.memory_space<vmem>>) dst(%dma_wait3A_133 : memref<128x32xf32, #tpu.memory_space<hbm>>)
      tpu.yield
    }) : () -> ()
    return
  }
}

#map = affine_map<(d0, d1) -> (0, 0)>
module attributes {stable_mosaic.version = 14 : i64} {
  func.func @sc_bag(%arg0: i32, %arg1: i32, %arg2: memref<4096x200xi32, #tpu.memory_space<hbm>>, %arg3: memref<100001x32xf32, #tpu.memory_space<hbm>>, %arg4: memref<4096x32xf32, #tpu.memory_space<hbm>>, %arg5: memref<128x200xi32, #tpu.memory_space<vmem>>, %arg6: memref<8x128x32xf32, #tpu.memory_space<vmem>>, %arg7: memref<128x32xf32, #tpu.memory_space<vmem>>, %arg8: memref<8x!tpu.dma_semaphore, #tpu.memory_space<semaphore_mem>>) attributes {dimension_semantics = [#tpu.dimension_semantics<core_parallel>, #tpu.dimension_semantics<subcore_parallel>], iteration_bounds = array<i64: 2, 16>, scalar_prefetch = 0 : i64, scratch_operands = 4 : i64, tpu.core_type = #tpu.core_type<sc_vector_subcore>, window_params = [{transform_indices = #map}, {transform_indices = #map}, {transform_indices = #map}]} {
    %mul3A = arith.constant 16 : i32
    %mul3A_0 = arith.muli %arg0, %mul3A : i32
    %add3A = arith.addi %mul3A_0, %arg1 : i32
    %mul3A_1 = arith.constant 128 : i32
    %mul3A_2 = arith.muli %add3A, %mul3A_1 : i32
    "tpu.region"() ({
      %run_scoped3A = tpu.sem_alloc : memref<!tpu.dma_semaphore, #tpu.memory_space<semaphore_mem>>
      %dma_start3A_127 = arith.constant 0 : i32
      %dma_start3A_128 = tpu.memref_slice %arg2[%mul3A_2, %dma_start3A_127] : memref<4096x200xi32, #tpu.memory_space<hbm>> -> memref<128x200xi32, #tpu.memory_space<hbm>>
      %dma_start3A_129 = arith.constant 0 : i32
      %dma_start3A_130 = tpu.memref_slice %arg2[%mul3A_2, %dma_start3A_129] : memref<4096x200xi32, #tpu.memory_space<hbm>> -> memref<128x200xi32, #tpu.memory_space<hbm>>
      tpu.enqueue_dma source(%dma_start3A_130 : memref<128x200xi32, #tpu.memory_space<hbm>>) target(%arg5 : memref<128x200xi32, #tpu.memory_space<vmem>>) target_semaphore(%run_scoped3A : memref<!tpu.dma_semaphore, #tpu.memory_space<semaphore_mem>>)
      %dma_wait3A = arith.constant 0 : i32
      %dma_wait3A_131 = tpu.memref_slice %arg2[%mul3A_2, %dma_wait3A] : memref<4096x200xi32, #tpu.memory_space<hbm>> -> memref<128x200xi32, #tpu.memory_space<hbm>>
      %dma_wait3A_132 = arith.constant 0 : i32
      %dma_wait3A_133 = tpu.memref_slice %arg2[%mul3A_2, %dma_wait3A_132] : memref<4096x200xi32, #tpu.memory_space<hbm>> -> memref<128x200xi32, #tpu.memory_space<hbm>>
      tpu.wait_dma2 semaphore(%run_scoped3A : memref<!tpu.dma_semaphore, #tpu.memory_space<semaphore_mem>>) src(%dma_wait3A_133 : memref<128x200xi32, #tpu.memory_space<hbm>>) dst(%arg5 : memref<128x200xi32, #tpu.memory_space<vmem>>)
      tpu.yield
    }) : () -> ()
    %dma_start3A = arith.constant 0 : i32
    %dma_start3A_3 = arith.constant 0 : i32
    %dma_start3A_4 = arith.constant 0 : i32
    %dma_start3A_5 = arith.constant 0 : i32
    %dma_start3A_6 = arith.constant 0 : i32
    %dma_start3A_7 = tpu.memref_slice %arg6[%dma_start3A_3, %dma_start3A_5, %dma_start3A_6] : memref<8x128x32xf32, #tpu.memory_space<vmem>> -> memref<1x128x32xf32, #tpu.memory_space<vmem>>
    %dma_start3A_8 = tpu.memref_squeeze %dma_start3A_7 : memref<1x128x32xf32, #tpu.memory_space<vmem>> -> memref<128x32xf32, #tpu.memory_space<vmem>>
    %dma_start3A_9 = arith.constant 0 : i32
    %dma_start3A_10 = tpu.memref_slice %arg5[%dma_start3A, %dma_start3A_9] : memref<128x200xi32, #tpu.memory_space<vmem>> -> memref<1x128xi32, #tpu.memory_space<vmem>>
    %dma_start3A_11 = tpu.memref_squeeze %dma_start3A_10 : memref<1x128xi32, #tpu.memory_space<vmem>> -> memref<128xi32, #tpu.memory_space<vmem>>
    %dma_start3A_12 = arith.constant 0 : i32
    %dma_start3A_13 = arith.constant 0 : i32
    %dma_start3A_14 = tpu.memref_slice %arg3[%dma_start3A_12, %dma_start3A_13] : memref<100001x32xf32, #tpu.memory_space<hbm>> -> memref<100001x32xf32, #tpu.memory_space<hbm>>
    %dma_start3A_15 = tpu.memref_slice %arg8[%dma_start3A_4] : memref<8x!tpu.dma_semaphore, #tpu.memory_space<semaphore_mem>> -> memref<1x!tpu.dma_semaphore, #tpu.memory_space<semaphore_mem>>
    %dma_start3A_16 = tpu.memref_squeeze %dma_start3A_15 : memref<1x!tpu.dma_semaphore, #tpu.memory_space<semaphore_mem>> -> memref<!tpu.dma_semaphore, #tpu.memory_space<semaphore_mem>>
    tpu.enqueue_indirect_dma source(%dma_start3A_14 : memref<100001x32xf32, #tpu.memory_space<hbm>>) target(%dma_start3A_8 : memref<128x32xf32, #tpu.memory_space<vmem>>) offsets(%dma_start3A_11 : memref<128xi32, #tpu.memory_space<vmem>>) semaphore(%dma_start3A_16 : memref<!tpu.dma_semaphore, #tpu.memory_space<semaphore_mem>>)
    %dma_start3A_17 = arith.constant 0 : i32
    %dma_start3A_18 = arith.constant 1 : i32
    %dma_start3A_19 = arith.constant 1 : i32
    %dma_start3A_20 = arith.constant 0 : i32
    %dma_start3A_21 = arith.constant 0 : i32
    %dma_start3A_22 = tpu.memref_slice %arg6[%dma_start3A_18, %dma_start3A_20, %dma_start3A_21] : memref<8x128x32xf32, #tpu.memory_space<vmem>> -> memref<1x72x32xf32, #tpu.memory_space<vmem>>
    %dma_start3A_23 = tpu.memref_squeeze %dma_start3A_22 : memref<1x72x32xf32, #tpu.memory_space<vmem>> -> memref<72x32xf32, #tpu.memory_space<vmem>>
    %dma_start3A_24 = arith.constant 128 : i32
    %dma_start3A_25 = tpu.memref_slice %arg5[%dma_start3A_17, %dma_start3A_24] : memref<128x200xi32, #tpu.memory_space<vmem>> -> memref<1x72xi32, #tpu.memory_space<vmem>>
    %dma_start3A_26 = tpu.memref_squeeze %dma_start3A_25 : memref<1x72xi32, #tpu.memory_space<vmem>> -> memref<72xi32, #tpu.memory_space<vmem>>
    %dma_start3A_27 = arith.constant 0 : i32
    %dma_start3A_28 = arith.constant 0 : i32
    %dma_start3A_29 = tpu.memref_slice %arg3[%dma_start3A_27, %dma_start3A_28] : memref<100001x32xf32, #tpu.memory_space<hbm>> -> memref<100001x32xf32, #tpu.memory_space<hbm>>
    %dma_start3A_30 = tpu.memref_slice %arg8[%dma_start3A_19] : memref<8x!tpu.dma_semaphore, #tpu.memory_space<semaphore_mem>> -> memref<1x!tpu.dma_semaphore, #tpu.memory_space<semaphore_mem>>
    %dma_start3A_31 = tpu.memref_squeeze %dma_start3A_30 : memref<1x!tpu.dma_semaphore, #tpu.memory_space<semaphore_mem>> -> memref<!tpu.dma_semaphore, #tpu.memory_space<semaphore_mem>>
    tpu.enqueue_indirect_dma source(%dma_start3A_29 : memref<100001x32xf32, #tpu.memory_space<hbm>>) target(%dma_start3A_23 : memref<72x32xf32, #tpu.memory_space<vmem>>) offsets(%dma_start3A_26 : memref<72xi32, #tpu.memory_space<vmem>>) semaphore(%dma_start3A_31 : memref<!tpu.dma_semaphore, #tpu.memory_space<semaphore_mem>>)
    %dma_start3A_32 = arith.constant 1 : i32
    %dma_start3A_33 = arith.constant 2 : i32
    %dma_start3A_34 = arith.constant 2 : i32
    %dma_start3A_35 = arith.constant 0 : i32
    %dma_start3A_36 = arith.constant 0 : i32
    %dma_start3A_37 = tpu.memref_slice %arg6[%dma_start3A_33, %dma_start3A_35, %dma_start3A_36] : memref<8x128x32xf32, #tpu.memory_space<vmem>> -> memref<1x128x32xf32, #tpu.memory_space<vmem>>
    %dma_start3A_38 = tpu.memref_squeeze %dma_start3A_37 : memref<1x128x32xf32, #tpu.memory_space<vmem>> -> memref<128x32xf32, #tpu.memory_space<vmem>>
    %dma_start3A_39 = arith.constant 0 : i32
    %dma_start3A_40 = tpu.memref_slice %arg5[%dma_start3A_32, %dma_start3A_39] : memref<128x200xi32, #tpu.memory_space<vmem>> -> memref<1x128xi32, #tpu.memory_space<vmem>>
    %dma_start3A_41 = tpu.memref_squeeze %dma_start3A_40 : memref<1x128xi32, #tpu.memory_space<vmem>> -> memref<128xi32, #tpu.memory_space<vmem>>
    %dma_start3A_42 = arith.constant 0 : i32
    %dma_start3A_43 = arith.constant 0 : i32
    %dma_start3A_44 = tpu.memref_slice %arg3[%dma_start3A_42, %dma_start3A_43] : memref<100001x32xf32, #tpu.memory_space<hbm>> -> memref<100001x32xf32, #tpu.memory_space<hbm>>
    %dma_start3A_45 = tpu.memref_slice %arg8[%dma_start3A_34] : memref<8x!tpu.dma_semaphore, #tpu.memory_space<semaphore_mem>> -> memref<1x!tpu.dma_semaphore, #tpu.memory_space<semaphore_mem>>
    %dma_start3A_46 = tpu.memref_squeeze %dma_start3A_45 : memref<1x!tpu.dma_semaphore, #tpu.memory_space<semaphore_mem>> -> memref<!tpu.dma_semaphore, #tpu.memory_space<semaphore_mem>>
    tpu.enqueue_indirect_dma source(%dma_start3A_44 : memref<100001x32xf32, #tpu.memory_space<hbm>>) target(%dma_start3A_38 : memref<128x32xf32, #tpu.memory_space<vmem>>) offsets(%dma_start3A_41 : memref<128xi32, #tpu.memory_space<vmem>>) semaphore(%dma_start3A_46 : memref<!tpu.dma_semaphore, #tpu.memory_space<semaphore_mem>>)
    %dma_start3A_47 = arith.constant 1 : i32
    %dma_start3A_48 = arith.constant 3 : i32
    %dma_start3A_49 = arith.constant 3 : i32
    %dma_start3A_50 = arith.constant 0 : i32
    %dma_start3A_51 = arith.constant 0 : i32
    %dma_start3A_52 = tpu.memref_slice %arg6[%dma_start3A_48, %dma_start3A_50, %dma_start3A_51] : memref<8x128x32xf32, #tpu.memory_space<vmem>> -> memref<1x72x32xf32, #tpu.memory_space<vmem>>
    %dma_start3A_53 = tpu.memref_squeeze %dma_start3A_52 : memref<1x72x32xf32, #tpu.memory_space<vmem>> -> memref<72x32xf32, #tpu.memory_space<vmem>>
    %dma_start3A_54 = arith.constant 128 : i32
    %dma_start3A_55 = tpu.memref_slice %arg5[%dma_start3A_47, %dma_start3A_54] : memref<128x200xi32, #tpu.memory_space<vmem>> -> memref<1x72xi32, #tpu.memory_space<vmem>>
    %dma_start3A_56 = tpu.memref_squeeze %dma_start3A_55 : memref<1x72xi32, #tpu.memory_space<vmem>> -> memref<72xi32, #tpu.memory_space<vmem>>
    %dma_start3A_57 = arith.constant 0 : i32
    %dma_start3A_58 = arith.constant 0 : i32
    %dma_start3A_59 = tpu.memref_slice %arg3[%dma_start3A_57, %dma_start3A_58] : memref<100001x32xf32, #tpu.memory_space<hbm>> -> memref<100001x32xf32, #tpu.memory_space<hbm>>
    %dma_start3A_60 = tpu.memref_slice %arg8[%dma_start3A_49] : memref<8x!tpu.dma_semaphore, #tpu.memory_space<semaphore_mem>> -> memref<1x!tpu.dma_semaphore, #tpu.memory_space<semaphore_mem>>
    %dma_start3A_61 = tpu.memref_squeeze %dma_start3A_60 : memref<1x!tpu.dma_semaphore, #tpu.memory_space<semaphore_mem>> -> memref<!tpu.dma_semaphore, #tpu.memory_space<semaphore_mem>>
    tpu.enqueue_indirect_dma source(%dma_start3A_59 : memref<100001x32xf32, #tpu.memory_space<hbm>>) target(%dma_start3A_53 : memref<72x32xf32, #tpu.memory_space<vmem>>) offsets(%dma_start3A_56 : memref<72xi32, #tpu.memory_space<vmem>>) semaphore(%dma_start3A_61 : memref<!tpu.dma_semaphore, #tpu.memory_space<semaphore_mem>>)
    %dma_start3A_62 = arith.constant 2 : i32
    %dma_start3A_63 = arith.constant 4 : i32
    %dma_start3A_64 = arith.constant 4 : i32
    %dma_start3A_65 = arith.constant 0 : i32
    %dma_start3A_66 = arith.constant 0 : i32
    %dma_start3A_67 = tpu.memref_slice %arg6[%dma_start3A_63, %dma_start3A_65, %dma_start3A_66] : memref<8x128x32xf32, #tpu.memory_space<vmem>> -> memref<1x128x32xf32, #tpu.memory_space<vmem>>
    %dma_start3A_68 = tpu.memref_squeeze %dma_start3A_67 : memref<1x128x32xf32, #tpu.memory_space<vmem>> -> memref<128x32xf32, #tpu.memory_space<vmem>>
    %dma_start3A_69 = arith.constant 0 : i32
    %dma_start3A_70 = tpu.memref_slice %arg5[%dma_start3A_62, %dma_start3A_69] : memref<128x200xi32, #tpu.memory_space<vmem>> -> memref<1x128xi32, #tpu.memory_space<vmem>>
    %dma_start3A_71 = tpu.memref_squeeze %dma_start3A_70 : memref<1x128xi32, #tpu.memory_space<vmem>> -> memref<128xi32, #tpu.memory_space<vmem>>
    %dma_start3A_72 = arith.constant 0 : i32
    %dma_start3A_73 = arith.constant 0 : i32
    %dma_start3A_74 = tpu.memref_slice %arg3[%dma_start3A_72, %dma_start3A_73] : memref<100001x32xf32, #tpu.memory_space<hbm>> -> memref<100001x32xf32, #tpu.memory_space<hbm>>
    %dma_start3A_75 = tpu.memref_slice %arg8[%dma_start3A_64] : memref<8x!tpu.dma_semaphore, #tpu.memory_space<semaphore_mem>> -> memref<1x!tpu.dma_semaphore, #tpu.memory_space<semaphore_mem>>
    %dma_start3A_76 = tpu.memref_squeeze %dma_start3A_75 : memref<1x!tpu.dma_semaphore, #tpu.memory_space<semaphore_mem>> -> memref<!tpu.dma_semaphore, #tpu.memory_space<semaphore_mem>>
    tpu.enqueue_indirect_dma source(%dma_start3A_74 : memref<100001x32xf32, #tpu.memory_space<hbm>>) target(%dma_start3A_68 : memref<128x32xf32, #tpu.memory_space<vmem>>) offsets(%dma_start3A_71 : memref<128xi32, #tpu.memory_space<vmem>>) semaphore(%dma_start3A_76 : memref<!tpu.dma_semaphore, #tpu.memory_space<semaphore_mem>>)
    %dma_start3A_77 = arith.constant 2 : i32
    %dma_start3A_78 = arith.constant 5 : i32
    %dma_start3A_79 = arith.constant 5 : i32
    %dma_start3A_80 = arith.constant 0 : i32
    %dma_start3A_81 = arith.constant 0 : i32
    %dma_start3A_82 = tpu.memref_slice %arg6[%dma_start3A_78, %dma_start3A_80, %dma_start3A_81] : memref<8x128x32xf32, #tpu.memory_space<vmem>> -> memref<1x72x32xf32, #tpu.memory_space<vmem>>
    %dma_start3A_83 = tpu.memref_squeeze %dma_start3A_82 : memref<1x72x32xf32, #tpu.memory_space<vmem>> -> memref<72x32xf32, #tpu.memory_space<vmem>>
    %dma_start3A_84 = arith.constant 128 : i32
    %dma_start3A_85 = tpu.memref_slice %arg5[%dma_start3A_77, %dma_start3A_84] : memref<128x200xi32, #tpu.memory_space<vmem>> -> memref<1x72xi32, #tpu.memory_space<vmem>>
    %dma_start3A_86 = tpu.memref_squeeze %dma_start3A_85 : memref<1x72xi32, #tpu.memory_space<vmem>> -> memref<72xi32, #tpu.memory_space<vmem>>
    %dma_start3A_87 = arith.constant 0 : i32
    %dma_start3A_88 = arith.constant 0 : i32
    %dma_start3A_89 = tpu.memref_slice %arg3[%dma_start3A_87, %dma_start3A_88] : memref<100001x32xf32, #tpu.memory_space<hbm>> -> memref<100001x32xf32, #tpu.memory_space<hbm>>
    %dma_start3A_90 = tpu.memref_slice %arg8[%dma_start3A_79] : memref<8x!tpu.dma_semaphore, #tpu.memory_space<semaphore_mem>> -> memref<1x!tpu.dma_semaphore, #tpu.memory_space<semaphore_mem>>
    %dma_start3A_91 = tpu.memref_squeeze %dma_start3A_90 : memref<1x!tpu.dma_semaphore, #tpu.memory_space<semaphore_mem>> -> memref<!tpu.dma_semaphore, #tpu.memory_space<semaphore_mem>>
    tpu.enqueue_indirect_dma source(%dma_start3A_89 : memref<100001x32xf32, #tpu.memory_space<hbm>>) target(%dma_start3A_83 : memref<72x32xf32, #tpu.memory_space<vmem>>) offsets(%dma_start3A_86 : memref<72xi32, #tpu.memory_space<vmem>>) semaphore(%dma_start3A_91 : memref<!tpu.dma_semaphore, #tpu.memory_space<semaphore_mem>>)
    %dma_start3A_92 = arith.constant 3 : i32
    %dma_start3A_93 = arith.constant 6 : i32
    %dma_start3A_94 = arith.constant 6 : i32
    %dma_start3A_95 = arith.constant 0 : i32
    %dma_start3A_96 = arith.constant 0 : i32
    %dma_start3A_97 = tpu.memref_slice %arg6[%dma_start3A_93, %dma_start3A_95, %dma_start3A_96] : memref<8x128x32xf32, #tpu.memory_space<vmem>> -> memref<1x128x32xf32, #tpu.memory_space<vmem>>
    %dma_start3A_98 = tpu.memref_squeeze %dma_start3A_97 : memref<1x128x32xf32, #tpu.memory_space<vmem>> -> memref<128x32xf32, #tpu.memory_space<vmem>>
    %dma_start3A_99 = arith.constant 0 : i32
    %dma_start3A_100 = tpu.memref_slice %arg5[%dma_start3A_92, %dma_start3A_99] : memref<128x200xi32, #tpu.memory_space<vmem>> -> memref<1x128xi32, #tpu.memory_space<vmem>>
    %dma_start3A_101 = tpu.memref_squeeze %dma_start3A_100 : memref<1x128xi32, #tpu.memory_space<vmem>> -> memref<128xi32, #tpu.memory_space<vmem>>
    %dma_start3A_102 = arith.constant 0 : i32
    %dma_start3A_103 = arith.constant 0 : i32
    %dma_start3A_104 = tpu.memref_slice %arg3[%dma_start3A_102, %dma_start3A_103] : memref<100001x32xf32, #tpu.memory_space<hbm>> -> memref<100001x32xf32, #tpu.memory_space<hbm>>
    %dma_start3A_105 = tpu.memref_slice %arg8[%dma_start3A_94] : memref<8x!tpu.dma_semaphore, #tpu.memory_space<semaphore_mem>> -> memref<1x!tpu.dma_semaphore, #tpu.memory_space<semaphore_mem>>
    %dma_start3A_106 = tpu.memref_squeeze %dma_start3A_105 : memref<1x!tpu.dma_semaphore, #tpu.memory_space<semaphore_mem>> -> memref<!tpu.dma_semaphore, #tpu.memory_space<semaphore_mem>>
    tpu.enqueue_indirect_dma source(%dma_start3A_104 : memref<100001x32xf32, #tpu.memory_space<hbm>>) target(%dma_start3A_98 : memref<128x32xf32, #tpu.memory_space<vmem>>) offsets(%dma_start3A_101 : memref<128xi32, #tpu.memory_space<vmem>>) semaphore(%dma_start3A_106 : memref<!tpu.dma_semaphore, #tpu.memory_space<semaphore_mem>>)
    %dma_start3A_107 = arith.constant 3 : i32
    %dma_start3A_108 = arith.constant 7 : i32
    %dma_start3A_109 = arith.constant 7 : i32
    %dma_start3A_110 = arith.constant 0 : i32
    %dma_start3A_111 = arith.constant 0 : i32
    %dma_start3A_112 = tpu.memref_slice %arg6[%dma_start3A_108, %dma_start3A_110, %dma_start3A_111] : memref<8x128x32xf32, #tpu.memory_space<vmem>> -> memref<1x72x32xf32, #tpu.memory_space<vmem>>
    %dma_start3A_113 = tpu.memref_squeeze %dma_start3A_112 : memref<1x72x32xf32, #tpu.memory_space<vmem>> -> memref<72x32xf32, #tpu.memory_space<vmem>>
    %dma_start3A_114 = arith.constant 128 : i32
    %dma_start3A_115 = tpu.memref_slice %arg5[%dma_start3A_107, %dma_start3A_114] : memref<128x200xi32, #tpu.memory_space<vmem>> -> memref<1x72xi32, #tpu.memory_space<vmem>>
    %dma_start3A_116 = tpu.memref_squeeze %dma_start3A_115 : memref<1x72xi32, #tpu.memory_space<vmem>> -> memref<72xi32, #tpu.memory_space<vmem>>
    %dma_start3A_117 = arith.constant 0 : i32
    %dma_start3A_118 = arith.constant 0 : i32
    %dma_start3A_119 = tpu.memref_slice %arg3[%dma_start3A_117, %dma_start3A_118] : memref<100001x32xf32, #tpu.memory_space<hbm>> -> memref<100001x32xf32, #tpu.memory_space<hbm>>
    %dma_start3A_120 = tpu.memref_slice %arg8[%dma_start3A_109] : memref<8x!tpu.dma_semaphore, #tpu.memory_space<semaphore_mem>> -> memref<1x!tpu.dma_semaphore, #tpu.memory_space<semaphore_mem>>
    %dma_start3A_121 = tpu.memref_squeeze %dma_start3A_120 : memref<1x!tpu.dma_semaphore, #tpu.memory_space<semaphore_mem>> -> memref<!tpu.dma_semaphore, #tpu.memory_space<semaphore_mem>>
    tpu.enqueue_indirect_dma source(%dma_start3A_119 : memref<100001x32xf32, #tpu.memory_space<hbm>>) target(%dma_start3A_113 : memref<72x32xf32, #tpu.memory_space<vmem>>) offsets(%dma_start3A_116 : memref<72xi32, #tpu.memory_space<vmem>>) semaphore(%dma_start3A_121 : memref<!tpu.dma_semaphore, #tpu.memory_space<semaphore_mem>>)
    %scan3A = arith.constant 0 : i32
    %scan3A_122 = arith.constant 0 : i32
    %scan3A_123 = arith.constant 32 : i32
    %scan3A_124 = arith.addi %scan3A_122, %scan3A_123 : i32
    %scan3A_125 = arith.constant 1 : i32
    scf.for %scan3A_127 = %scan3A_122 to %scan3A_124 step %scan3A_125  : i32 {
      %mul3A_128 = arith.constant 4 : i32
      %mul3A_129 = arith.muli %mul3A_128, %scan3A_127 : i32
      %add3A_130 = arith.constant 0 : i32
      %add3A_131 = arith.addi %mul3A_129, %add3A_130 : i32
      %broadcast_in_dim3A = arith.constant 0.000000e+00 : f32
      %broadcast_in_dim3A_132 = vector.broadcast %broadcast_in_dim3A : f32 to vector<16xf32>
      %broadcast_in_dim3A_133 = arith.constant 0.000000e+00 : f32
      %broadcast_in_dim3A_134 = vector.broadcast %broadcast_in_dim3A_133 : f32 to vector<16xf32>
      %broadcast_in_dim3A_135 = arith.constant 0.000000e+00 : f32
      %broadcast_in_dim3A_136 = vector.broadcast %broadcast_in_dim3A_135 : f32 to vector<16xf32>
      %broadcast_in_dim3A_137 = arith.constant 0.000000e+00 : f32
      %broadcast_in_dim3A_138 = vector.broadcast %broadcast_in_dim3A_137 : f32 to vector<16xf32>
      %dma_wait3A = arith.constant 0 : i32
      %dma_wait3A_139 = arith.constant 0 : i32
      %dma_wait3A_140 = arith.constant 0 : i32
      %dma_wait3A_141 = arith.constant 0 : i32
      %dma_wait3A_142 = arith.constant 0 : i32
      %dma_wait3A_143 = tpu.memref_slice %arg6[%dma_wait3A_139, %dma_wait3A_141, %dma_wait3A_142] : memref<8x128x32xf32, #tpu.memory_space<vmem>> -> memref<1x128x32xf32, #tpu.memory_space<vmem>>
      %dma_wait3A_144 = tpu.memref_squeeze %dma_wait3A_143 : memref<1x128x32xf32, #tpu.memory_space<vmem>> -> memref<128x32xf32, #tpu.memory_space<vmem>>
      %dma_wait3A_145 = arith.constant 0 : i32
      %dma_wait3A_146 = tpu.memref_slice %arg5[%dma_wait3A, %dma_wait3A_145] : memref<128x200xi32, #tpu.memory_space<vmem>> -> memref<1x128xi32, #tpu.memory_space<vmem>>
      %dma_wait3A_147 = tpu.memref_squeeze %dma_wait3A_146 : memref<1x128xi32, #tpu.memory_space<vmem>> -> memref<128xi32, #tpu.memory_space<vmem>>
      %dma_wait3A_148 = arith.constant 0 : i32
      %dma_wait3A_149 = arith.constant 0 : i32
      %dma_wait3A_150 = tpu.memref_slice %arg3[%dma_wait3A_148, %dma_wait3A_149] : memref<100001x32xf32, #tpu.memory_space<hbm>> -> memref<100001x32xf32, #tpu.memory_space<hbm>>
      %dma_wait3A_151 = tpu.memref_slice %arg8[%dma_wait3A_140] : memref<8x!tpu.dma_semaphore, #tpu.memory_space<semaphore_mem>> -> memref<1x!tpu.dma_semaphore, #tpu.memory_space<semaphore_mem>>
      %dma_wait3A_152 = tpu.memref_squeeze %dma_wait3A_151 : memref<1x!tpu.dma_semaphore, #tpu.memory_space<semaphore_mem>> -> memref<!tpu.dma_semaphore, #tpu.memory_space<semaphore_mem>>
      tpu.wait_indirect_dma semaphore(%dma_wait3A_152 : memref<!tpu.dma_semaphore, #tpu.memory_space<semaphore_mem>>) src(%dma_wait3A_150 : memref<100001x32xf32, #tpu.memory_space<hbm>>) dst(%dma_wait3A_144 : memref<128x32xf32, #tpu.memory_space<vmem>>)
      %scan3A_153 = arith.constant 0 : i32
      %scan3A_154 = arith.constant 32 : i32
      %scan3A_155 = arith.addi %scan3A_153, %scan3A_154 : i32
      %scan3A_156 = arith.constant 1 : i32
      %scan3A_157:4 = scf.for %scan3A_426 = %scan3A_153 to %scan3A_155 step %scan3A_156 iter_args(%scan3A_427 = %broadcast_in_dim3A_132, %scan3A_428 = %broadcast_in_dim3A_134, %scan3A_429 = %broadcast_in_dim3A_136, %scan3A_430 = %broadcast_in_dim3A_138) -> (vector<16xf32>, vector<16xf32>, vector<16xf32>, vector<16xf32>)  : i32 {
        %mul3A_431 = arith.constant 4 : i32
        %mul3A_432 = arith.muli %scan3A_426, %mul3A_431 : i32
        %add3A_433 = arith.constant 0 : i32
        %add3A_434 = arith.addi %mul3A_432, %add3A_433 : i32
        %get3A = arith.constant 0 : i32
        %get3A_435 = arith.index_cast %get3A : i32 to index
        %get3A_436 = arith.index_cast %add3A_434 : i32 to index
        %get3A_437 = arith.constant 0 : index
        %get3A_438 = tpu.vector_load %arg6[%get3A_435, %get3A_436, %get3A_437] {strides = array<i32>} : memref<8x128x32xf32, #tpu.memory_space<vmem>>, vector<16xf32>,
        %add3A_439 = arith.addf %scan3A_427, %get3A_438 : vector<16xf32>
        %get3A_440 = arith.constant 0 : i32
        %get3A_441 = arith.index_cast %get3A_440 : i32 to index
        %get3A_442 = arith.index_cast %add3A_434 : i32 to index
        %get3A_443 = arith.constant 16 : index
        %get3A_444 = tpu.vector_load %arg6[%get3A_441, %get3A_442, %get3A_443] {strides = array<i32>} : memref<8x128x32xf32, #tpu.memory_space<vmem>>, vector<16xf32>,
        %add3A_445 = arith.addf %scan3A_428, %get3A_444 : vector<16xf32>
        %add3A_446 = arith.constant 1 : i32
        %add3A_447 = arith.addi %add3A_434, %add3A_446 : i32
        %get3A_448 = arith.constant 0 : i32
        %get3A_449 = arith.index_cast %get3A_448 : i32 to index
        %get3A_450 = arith.index_cast %add3A_447 : i32 to index
        %get3A_451 = arith.constant 0 : index
        %get3A_452 = tpu.vector_load %arg6[%get3A_449, %get3A_450, %get3A_451] {strides = array<i32>} : memref<8x128x32xf32, #tpu.memory_space<vmem>>, vector<16xf32>,
        %add3A_453 = arith.addf %scan3A_429, %get3A_452 : vector<16xf32>
        %add3A_454 = arith.constant 1 : i32
        %add3A_455 = arith.addi %add3A_434, %add3A_454 : i32
        %get3A_456 = arith.constant 0 : i32
        %get3A_457 = arith.index_cast %get3A_456 : i32 to index
        %get3A_458 = arith.index_cast %add3A_455 : i32 to index
        %get3A_459 = arith.constant 16 : index
        %get3A_460 = tpu.vector_load %arg6[%get3A_457, %get3A_458, %get3A_459] {strides = array<i32>} : memref<8x128x32xf32, #tpu.memory_space<vmem>>, vector<16xf32>,
        %add3A_461 = arith.addf %scan3A_430, %get3A_460 : vector<16xf32>
        %mul3A_462 = arith.constant 4 : i32
        %mul3A_463 = arith.muli %scan3A_426, %mul3A_462 : i32
        %add3A_464 = arith.constant 2 : i32
        %add3A_465 = arith.addi %mul3A_463, %add3A_464 : i32
        %get3A_466 = arith.constant 0 : i32
        %get3A_467 = arith.index_cast %get3A_466 : i32 to index
        %get3A_468 = arith.index_cast %add3A_465 : i32 to index
        %get3A_469 = arith.constant 0 : index
        %get3A_470 = tpu.vector_load %arg6[%get3A_467, %get3A_468, %get3A_469] {strides = array<i32>} : memref<8x128x32xf32, #tpu.memory_space<vmem>>, vector<16xf32>,
        %add3A_471 = arith.addf %add3A_439, %get3A_470 : vector<16xf32>
        %get3A_472 = arith.constant 0 : i32
        %get3A_473 = arith.index_cast %get3A_472 : i32 to index
        %get3A_474 = arith.index_cast %add3A_465 : i32 to index
        %get3A_475 = arith.constant 16 : index
        %get3A_476 = tpu.vector_load %arg6[%get3A_473, %get3A_474, %get3A_475] {strides = array<i32>} : memref<8x128x32xf32, #tpu.memory_space<vmem>>, vector<16xf32>,
        %add3A_477 = arith.addf %add3A_445, %get3A_476 : vector<16xf32>
        %add3A_478 = arith.constant 1 : i32
        %add3A_479 = arith.addi %add3A_465, %add3A_478 : i32
        %get3A_480 = arith.constant 0 : i32
        %get3A_481 = arith.index_cast %get3A_480 : i32 to index
        %get3A_482 = arith.index_cast %add3A_479 : i32 to index
        %get3A_483 = arith.constant 0 : index
        %get3A_484 = tpu.vector_load %arg6[%get3A_481, %get3A_482, %get3A_483] {strides = array<i32>} : memref<8x128x32xf32, #tpu.memory_space<vmem>>, vector<16xf32>,
        %add3A_485 = arith.addf %add3A_453, %get3A_484 : vector<16xf32>
        %add3A_486 = arith.constant 1 : i32
        %add3A_487 = arith.addi %add3A_465, %add3A_486 : i32
        %get3A_488 = arith.constant 0 : i32
        %get3A_489 = arith.index_cast %get3A_488 : i32 to index
        %get3A_490 = arith.index_cast %add3A_487 : i32 to index
        %get3A_491 = arith.constant 16 : index
        %get3A_492 = tpu.vector_load %arg6[%get3A_489, %get3A_490, %get3A_491] {strides = array<i32>} : memref<8x128x32xf32, #tpu.memory_space<vmem>>, vector<16xf32>,
        %add3A_493 = arith.addf %add3A_461, %get3A_492 : vector<16xf32>
        scf.yield %add3A_471, %add3A_477, %add3A_485, %add3A_493 : vector<16xf32>, vector<16xf32>, vector<16xf32>, vector<16xf32>
      }
      %scan3A_158 = arith.constant 32 : i32
      %add3A_159 = arith.constant 4 : i32
      %add3A_160 = arith.addi %add3A_131, %add3A_159 : i32
      %lt3A = arith.constant 128 : i32
      %lt3A_161 = arith.cmpi slt, %add3A_160, %lt3A : i32
      %convert_element_type3A = arith.extui %lt3A_161 : i1 to i32
      %cond3A = arith.constant 0 : i32
      %cond3A_162 = arith.cmpi ne, %convert_element_type3A, %cond3A : i32
      scf.if %cond3A_162 {
        %add3A_426 = arith.constant 4 : i32
        %add3A_427 = arith.addi %add3A_131, %add3A_426 : i32
        %dma_start3A_428 = arith.constant 0 : i32
        %dma_start3A_429 = arith.constant 0 : i32
        %dma_start3A_430 = arith.constant 0 : i32
        %dma_start3A_431 = arith.constant 0 : i32
        %dma_start3A_432 = tpu.memref_slice %arg6[%dma_start3A_428, %dma_start3A_430, %dma_start3A_431] : memref<8x128x32xf32, #tpu.memory_space<vmem>> -> memref<1x128x32xf32, #tpu.memory_space<vmem>>
        %dma_start3A_433 = tpu.memref_squeeze %dma_start3A_432 : memref<1x128x32xf32, #tpu.memory_space<vmem>> -> memref<128x32xf32, #tpu.memory_space<vmem>>
        %dma_start3A_434 = arith.constant 0 : i32
        %dma_start3A_435 = tpu.memref_slice %arg5[%add3A_427, %dma_start3A_434] : memref<128x200xi32, #tpu.memory_space<vmem>> -> memref<1x128xi32, #tpu.memory_space<vmem>>
        %dma_start3A_436 = tpu.memref_squeeze %dma_start3A_435 : memref<1x128xi32, #tpu.memory_space<vmem>> -> memref<128xi32, #tpu.memory_space<vmem>>
        %dma_start3A_437 = arith.constant 0 : i32
        %dma_start3A_438 = arith.constant 0 : i32
        %dma_start3A_439 = tpu.memref_slice %arg3[%dma_start3A_437, %dma_start3A_438] : memref<100001x32xf32, #tpu.memory_space<hbm>> -> memref<100001x32xf32, #tpu.memory_space<hbm>>
        %dma_start3A_440 = tpu.memref_slice %arg8[%dma_start3A_429] : memref<8x!tpu.dma_semaphore, #tpu.memory_space<semaphore_mem>> -> memref<1x!tpu.dma_semaphore, #tpu.memory_space<semaphore_mem>>
        %dma_start3A_441 = tpu.memref_squeeze %dma_start3A_440 : memref<1x!tpu.dma_semaphore, #tpu.memory_space<semaphore_mem>> -> memref<!tpu.dma_semaphore, #tpu.memory_space<semaphore_mem>>
        tpu.enqueue_indirect_dma source(%dma_start3A_439 : memref<100001x32xf32, #tpu.memory_space<hbm>>) target(%dma_start3A_433 : memref<128x32xf32, #tpu.memory_space<vmem>>) offsets(%dma_start3A_436 : memref<128xi32, #tpu.memory_space<vmem>>) semaphore(%dma_start3A_441 : memref<!tpu.dma_semaphore, #tpu.memory_space<semaphore_mem>>)
      } else {
      }
      %dma_wait3A_163 = arith.constant 0 : i32
      %dma_wait3A_164 = arith.constant 1 : i32
      %dma_wait3A_165 = arith.constant 1 : i32
      %dma_wait3A_166 = arith.constant 0 : i32
      %dma_wait3A_167 = arith.constant 0 : i32
      %dma_wait3A_168 = tpu.memref_slice %arg6[%dma_wait3A_164, %dma_wait3A_166, %dma_wait3A_167] : memref<8x128x32xf32, #tpu.memory_space<vmem>> -> memref<1x72x32xf32, #tpu.memory_space<vmem>>
      %dma_wait3A_169 = tpu.memref_squeeze %dma_wait3A_168 : memref<1x72x32xf32, #tpu.memory_space<vmem>> -> memref<72x32xf32, #tpu.memory_space<vmem>>
      %dma_wait3A_170 = arith.constant 128 : i32
      %dma_wait3A_171 = tpu.memref_slice %arg5[%dma_wait3A_163, %dma_wait3A_170] : memref<128x200xi32, #tpu.memory_space<vmem>> -> memref<1x72xi32, #tpu.memory_space<vmem>>
      %dma_wait3A_172 = tpu.memref_squeeze %dma_wait3A_171 : memref<1x72xi32, #tpu.memory_space<vmem>> -> memref<72xi32, #tpu.memory_space<vmem>>
      %dma_wait3A_173 = arith.constant 0 : i32
      %dma_wait3A_174 = arith.constant 0 : i32
      %dma_wait3A_175 = tpu.memref_slice %arg3[%dma_wait3A_173, %dma_wait3A_174] : memref<100001x32xf32, #tpu.memory_space<hbm>> -> memref<100001x32xf32, #tpu.memory_space<hbm>>
      %dma_wait3A_176 = tpu.memref_slice %arg8[%dma_wait3A_165] : memref<8x!tpu.dma_semaphore, #tpu.memory_space<semaphore_mem>> -> memref<1x!tpu.dma_semaphore, #tpu.memory_space<semaphore_mem>>
      %dma_wait3A_177 = tpu.memref_squeeze %dma_wait3A_176 : memref<1x!tpu.dma_semaphore, #tpu.memory_space<semaphore_mem>> -> memref<!tpu.dma_semaphore, #tpu.memory_space<semaphore_mem>>
      tpu.wait_indirect_dma semaphore(%dma_wait3A_177 : memref<!tpu.dma_semaphore, #tpu.memory_space<semaphore_mem>>) src(%dma_wait3A_175 : memref<100001x32xf32, #tpu.memory_space<hbm>>) dst(%dma_wait3A_169 : memref<72x32xf32, #tpu.memory_space<vmem>>)
      %scan3A_178 = arith.constant 0 : i32
      %scan3A_179 = arith.constant 18 : i32
      %scan3A_180 = arith.addi %scan3A_178, %scan3A_179 : i32
      %scan3A_181 = arith.constant 1 : i32
      %scan3A_182:4 = scf.for %scan3A_426 = %scan3A_178 to %scan3A_180 step %scan3A_181 iter_args(%scan3A_427 = %scan3A_157#0, %scan3A_428 = %scan3A_157#1, %scan3A_429 = %scan3A_157#2, %scan3A_430 = %scan3A_157#3) -> (vector<16xf32>, vector<16xf32>, vector<16xf32>, vector<16xf32>)  : i32 {
        %mul3A_431 = arith.constant 4 : i32
        %mul3A_432 = arith.muli %scan3A_426, %mul3A_431 : i32
        %add3A_433 = arith.constant 0 : i32
        %add3A_434 = arith.addi %mul3A_432, %add3A_433 : i32
        %get3A = arith.constant 1 : i32
        %get3A_435 = arith.index_cast %get3A : i32 to index
        %get3A_436 = arith.index_cast %add3A_434 : i32 to index
        %get3A_437 = arith.constant 0 : index
        %get3A_438 = tpu.vector_load %arg6[%get3A_435, %get3A_436, %get3A_437] {strides = array<i32>} : memref<8x128x32xf32, #tpu.memory_space<vmem>>, vector<16xf32>,
        %add3A_439 = arith.addf %scan3A_427, %get3A_438 : vector<16xf32>
        %get3A_440 = arith.constant 1 : i32
        %get3A_441 = arith.index_cast %get3A_440 : i32 to index
        %get3A_442 = arith.index_cast %add3A_434 : i32 to index
        %get3A_443 = arith.constant 16 : index
        %get3A_444 = tpu.vector_load %arg6[%get3A_441, %get3A_442, %get3A_443] {strides = array<i32>} : memref<8x128x32xf32, #tpu.memory_space<vmem>>, vector<16xf32>,
        %add3A_445 = arith.addf %scan3A_428, %get3A_444 : vector<16xf32>
        %add3A_446 = arith.constant 1 : i32
        %add3A_447 = arith.addi %add3A_434, %add3A_446 : i32
        %get3A_448 = arith.constant 1 : i32
        %get3A_449 = arith.index_cast %get3A_448 : i32 to index
        %get3A_450 = arith.index_cast %add3A_447 : i32 to index
        %get3A_451 = arith.constant 0 : index
        %get3A_452 = tpu.vector_load %arg6[%get3A_449, %get3A_450, %get3A_451] {strides = array<i32>} : memref<8x128x32xf32, #tpu.memory_space<vmem>>, vector<16xf32>,
        %add3A_453 = arith.addf %scan3A_429, %get3A_452 : vector<16xf32>
        %add3A_454 = arith.constant 1 : i32
        %add3A_455 = arith.addi %add3A_434, %add3A_454 : i32
        %get3A_456 = arith.constant 1 : i32
        %get3A_457 = arith.index_cast %get3A_456 : i32 to index
        %get3A_458 = arith.index_cast %add3A_455 : i32 to index
        %get3A_459 = arith.constant 16 : index
        %get3A_460 = tpu.vector_load %arg6[%get3A_457, %get3A_458, %get3A_459] {strides = array<i32>} : memref<8x128x32xf32, #tpu.memory_space<vmem>>, vector<16xf32>,
        %add3A_461 = arith.addf %scan3A_430, %get3A_460 : vector<16xf32>
        %mul3A_462 = arith.constant 4 : i32
        %mul3A_463 = arith.muli %scan3A_426, %mul3A_462 : i32
        %add3A_464 = arith.constant 2 : i32
        %add3A_465 = arith.addi %mul3A_463, %add3A_464 : i32
        %get3A_466 = arith.constant 1 : i32
        %get3A_467 = arith.index_cast %get3A_466 : i32 to index
        %get3A_468 = arith.index_cast %add3A_465 : i32 to index
        %get3A_469 = arith.constant 0 : index
        %get3A_470 = tpu.vector_load %arg6[%get3A_467, %get3A_468, %get3A_469] {strides = array<i32>} : memref<8x128x32xf32, #tpu.memory_space<vmem>>, vector<16xf32>,
        %add3A_471 = arith.addf %add3A_439, %get3A_470 : vector<16xf32>
        %get3A_472 = arith.constant 1 : i32
        %get3A_473 = arith.index_cast %get3A_472 : i32 to index
        %get3A_474 = arith.index_cast %add3A_465 : i32 to index
        %get3A_475 = arith.constant 16 : index
        %get3A_476 = tpu.vector_load %arg6[%get3A_473, %get3A_474, %get3A_475] {strides = array<i32>} : memref<8x128x32xf32, #tpu.memory_space<vmem>>, vector<16xf32>,
        %add3A_477 = arith.addf %add3A_445, %get3A_476 : vector<16xf32>
        %add3A_478 = arith.constant 1 : i32
        %add3A_479 = arith.addi %add3A_465, %add3A_478 : i32
        %get3A_480 = arith.constant 1 : i32
        %get3A_481 = arith.index_cast %get3A_480 : i32 to index
        %get3A_482 = arith.index_cast %add3A_479 : i32 to index
        %get3A_483 = arith.constant 0 : index
        %get3A_484 = tpu.vector_load %arg6[%get3A_481, %get3A_482, %get3A_483] {strides = array<i32>} : memref<8x128x32xf32, #tpu.memory_space<vmem>>, vector<16xf32>,
        %add3A_485 = arith.addf %add3A_453, %get3A_484 : vector<16xf32>
        %add3A_486 = arith.constant 1 : i32
        %add3A_487 = arith.addi %add3A_465, %add3A_486 : i32
        %get3A_488 = arith.constant 1 : i32
        %get3A_489 = arith.index_cast %get3A_488 : i32 to index
        %get3A_490 = arith.index_cast %add3A_487 : i32 to index
        %get3A_491 = arith.constant 16 : index
        %get3A_492 = tpu.vector_load %arg6[%get3A_489, %get3A_490, %get3A_491] {strides = array<i32>} : memref<8x128x32xf32, #tpu.memory_space<vmem>>, vector<16xf32>,
        %add3A_493 = arith.addf %add3A_461, %get3A_492 : vector<16xf32>
        scf.yield %add3A_471, %add3A_477, %add3A_485, %add3A_493 : vector<16xf32>, vector<16xf32>, vector<16xf32>, vector<16xf32>
      }
      %scan3A_183 = arith.constant 18 : i32
      %add3A_184 = arith.constant 4 : i32
      %add3A_185 = arith.addi %add3A_131, %add3A_184 : i32
      %lt3A_186 = arith.constant 128 : i32
      %lt3A_187 = arith.cmpi slt, %add3A_185, %lt3A_186 : i32
      %convert_element_type3A_188 = arith.extui %lt3A_187 : i1 to i32
      %cond3A_189 = arith.constant 0 : i32
      %cond3A_190 = arith.cmpi ne, %convert_element_type3A_188, %cond3A_189 : i32
      scf.if %cond3A_190 {
        %add3A_426 = arith.constant 4 : i32
        %add3A_427 = arith.addi %add3A_131, %add3A_426 : i32
        %dma_start3A_428 = arith.constant 1 : i32
        %dma_start3A_429 = arith.constant 1 : i32
        %dma_start3A_430 = arith.constant 0 : i32
        %dma_start3A_431 = arith.constant 0 : i32
        %dma_start3A_432 = tpu.memref_slice %arg6[%dma_start3A_428, %dma_start3A_430, %dma_start3A_431] : memref<8x128x32xf32, #tpu.memory_space<vmem>> -> memref<1x72x32xf32, #tpu.memory_space<vmem>>
        %dma_start3A_433 = tpu.memref_squeeze %dma_start3A_432 : memref<1x72x32xf32, #tpu.memory_space<vmem>> -> memref<72x32xf32, #tpu.memory_space<vmem>>
        %dma_start3A_434 = arith.constant 128 : i32
        %dma_start3A_435 = tpu.memref_slice %arg5[%add3A_427, %dma_start3A_434] : memref<128x200xi32, #tpu.memory_space<vmem>> -> memref<1x72xi32, #tpu.memory_space<vmem>>
        %dma_start3A_436 = tpu.memref_squeeze %dma_start3A_435 : memref<1x72xi32, #tpu.memory_space<vmem>> -> memref<72xi32, #tpu.memory_space<vmem>>
        %dma_start3A_437 = arith.constant 0 : i32
        %dma_start3A_438 = arith.constant 0 : i32
        %dma_start3A_439 = tpu.memref_slice %arg3[%dma_start3A_437, %dma_start3A_438] : memref<100001x32xf32, #tpu.memory_space<hbm>> -> memref<100001x32xf32, #tpu.memory_space<hbm>>
        %dma_start3A_440 = tpu.memref_slice %arg8[%dma_start3A_429] : memref<8x!tpu.dma_semaphore, #tpu.memory_space<semaphore_mem>> -> memref<1x!tpu.dma_semaphore, #tpu.memory_space<semaphore_mem>>
        %dma_start3A_441 = tpu.memref_squeeze %dma_start3A_440 : memref<1x!tpu.dma_semaphore, #tpu.memory_space<semaphore_mem>> -> memref<!tpu.dma_semaphore, #tpu.memory_space<semaphore_mem>>
        tpu.enqueue_indirect_dma source(%dma_start3A_439 : memref<100001x32xf32, #tpu.memory_space<hbm>>) target(%dma_start3A_433 : memref<72x32xf32, #tpu.memory_space<vmem>>) offsets(%dma_start3A_436 : memref<72xi32, #tpu.memory_space<vmem>>) semaphore(%dma_start3A_441 : memref<!tpu.dma_semaphore, #tpu.memory_space<semaphore_mem>>)
      } else {
      }
      %add3A_191 = arith.addf %scan3A_182#0, %scan3A_182#2 : vector<16xf32>
      %swap3A = arith.index_cast %add3A_131 : i32 to index
      %swap3A_192 = arith.constant 0 : index
      %swap3A_193 = tpu.vector_load %arg7[%swap3A, %swap3A_192] {strides = array<i32>} : memref<128x32xf32, #tpu.memory_space<vmem>>, vector<16xf32>,
      tpu.vector_store %arg7[%swap3A, %swap3A_192], %add3A_191 {strides = array<i32>} : memref<128x32xf32, #tpu.memory_space<vmem>>, vector<16xf32>,
      %add3A_194 = arith.addf %scan3A_182#1, %scan3A_182#3 : vector<16xf32>
      %swap3A_195 = arith.index_cast %add3A_131 : i32 to index
      %swap3A_196 = arith.constant 16 : index
      %swap3A_197 = tpu.vector_load %arg7[%swap3A_195, %swap3A_196] {strides = array<i32>} : memref<128x32xf32, #tpu.memory_space<vmem>>, vector<16xf32>,
      tpu.vector_store %arg7[%swap3A_195, %swap3A_196], %add3A_194 {strides = array<i32>} : memref<128x32xf32, #tpu.memory_space<vmem>>, vector<16xf32>,
      %mul3A_198 = arith.constant 4 : i32
      %mul3A_199 = arith.muli %mul3A_198, %scan3A_127 : i32
      %add3A_200 = arith.constant 1 : i32
      %add3A_201 = arith.addi %mul3A_199, %add3A_200 : i32
      %broadcast_in_dim3A_202 = arith.constant 0.000000e+00 : f32
      %broadcast_in_dim3A_203 = vector.broadcast %broadcast_in_dim3A_202 : f32 to vector<16xf32>
      %broadcast_in_dim3A_204 = arith.constant 0.000000e+00 : f32
      %broadcast_in_dim3A_205 = vector.broadcast %broadcast_in_dim3A_204 : f32 to vector<16xf32>
      %broadcast_in_dim3A_206 = arith.constant 0.000000e+00 : f32
      %broadcast_in_dim3A_207 = vector.broadcast %broadcast_in_dim3A_206 : f32 to vector<16xf32>
      %broadcast_in_dim3A_208 = arith.constant 0.000000e+00 : f32
      %broadcast_in_dim3A_209 = vector.broadcast %broadcast_in_dim3A_208 : f32 to vector<16xf32>
      %dma_wait3A_210 = arith.constant 0 : i32
      %dma_wait3A_211 = arith.constant 2 : i32
      %dma_wait3A_212 = arith.constant 2 : i32
      %dma_wait3A_213 = arith.constant 0 : i32
      %dma_wait3A_214 = arith.constant 0 : i32
      %dma_wait3A_215 = tpu.memref_slice %arg6[%dma_wait3A_211, %dma_wait3A_213, %dma_wait3A_214] : memref<8x128x32xf32, #tpu.memory_space<vmem>> -> memref<1x128x32xf32, #tpu.memory_space<vmem>>
      %dma_wait3A_216 = tpu.memref_squeeze %dma_wait3A_215 : memref<1x128x32xf32, #tpu.memory_space<vmem>> -> memref<128x32xf32, #tpu.memory_space<vmem>>
      %dma_wait3A_217 = arith.constant 0 : i32
      %dma_wait3A_218 = tpu.memref_slice %arg5[%dma_wait3A_210, %dma_wait3A_217] : memref<128x200xi32, #tpu.memory_space<vmem>> -> memref<1x128xi32, #tpu.memory_space<vmem>>
      %dma_wait3A_219 = tpu.memref_squeeze %dma_wait3A_218 : memref<1x128xi32, #tpu.memory_space<vmem>> -> memref<128xi32, #tpu.memory_space<vmem>>
      %dma_wait3A_220 = arith.constant 0 : i32
      %dma_wait3A_221 = arith.constant 0 : i32
      %dma_wait3A_222 = tpu.memref_slice %arg3[%dma_wait3A_220, %dma_wait3A_221] : memref<100001x32xf32, #tpu.memory_space<hbm>> -> memref<100001x32xf32, #tpu.memory_space<hbm>>
      %dma_wait3A_223 = tpu.memref_slice %arg8[%dma_wait3A_212] : memref<8x!tpu.dma_semaphore, #tpu.memory_space<semaphore_mem>> -> memref<1x!tpu.dma_semaphore, #tpu.memory_space<semaphore_mem>>
      %dma_wait3A_224 = tpu.memref_squeeze %dma_wait3A_223 : memref<1x!tpu.dma_semaphore, #tpu.memory_space<semaphore_mem>> -> memref<!tpu.dma_semaphore, #tpu.memory_space<semaphore_mem>>
      tpu.wait_indirect_dma semaphore(%dma_wait3A_224 : memref<!tpu.dma_semaphore, #tpu.memory_space<semaphore_mem>>) src(%dma_wait3A_222 : memref<100001x32xf32, #tpu.memory_space<hbm>>) dst(%dma_wait3A_216 : memref<128x32xf32, #tpu.memory_space<vmem>>)
      %scan3A_225 = arith.constant 0 : i32
      %scan3A_226 = arith.constant 32 : i32
      %scan3A_227 = arith.addi %scan3A_225, %scan3A_226 : i32
      %scan3A_228 = arith.constant 1 : i32
      %scan3A_229:4 = scf.for %scan3A_426 = %scan3A_225 to %scan3A_227 step %scan3A_228 iter_args(%scan3A_427 = %broadcast_in_dim3A_203, %scan3A_428 = %broadcast_in_dim3A_205, %scan3A_429 = %broadcast_in_dim3A_207, %scan3A_430 = %broadcast_in_dim3A_209) -> (vector<16xf32>, vector<16xf32>, vector<16xf32>, vector<16xf32>)  : i32 {
        %mul3A_431 = arith.constant 4 : i32
        %mul3A_432 = arith.muli %scan3A_426, %mul3A_431 : i32
        %add3A_433 = arith.constant 0 : i32
        %add3A_434 = arith.addi %mul3A_432, %add3A_433 : i32
        %get3A = arith.constant 2 : i32
        %get3A_435 = arith.index_cast %get3A : i32 to index
        %get3A_436 = arith.index_cast %add3A_434 : i32 to index
        %get3A_437 = arith.constant 0 : index
        %get3A_438 = tpu.vector_load %arg6[%get3A_435, %get3A_436, %get3A_437] {strides = array<i32>} : memref<8x128x32xf32, #tpu.memory_space<vmem>>, vector<16xf32>,
        %add3A_439 = arith.addf %scan3A_427, %get3A_438 : vector<16xf32>
        %get3A_440 = arith.constant 2 : i32
        %get3A_441 = arith.index_cast %get3A_440 : i32 to index
        %get3A_442 = arith.index_cast %add3A_434 : i32 to index
        %get3A_443 = arith.constant 16 : index
        %get3A_444 = tpu.vector_load %arg6[%get3A_441, %get3A_442, %get3A_443] {strides = array<i32>} : memref<8x128x32xf32, #tpu.memory_space<vmem>>, vector<16xf32>,
        %add3A_445 = arith.addf %scan3A_428, %get3A_444 : vector<16xf32>
        %add3A_446 = arith.constant 1 : i32
        %add3A_447 = arith.addi %add3A_434, %add3A_446 : i32
        %get3A_448 = arith.constant 2 : i32
        %get3A_449 = arith.index_cast %get3A_448 : i32 to index
        %get3A_450 = arith.index_cast %add3A_447 : i32 to index
        %get3A_451 = arith.constant 0 : index
        %get3A_452 = tpu.vector_load %arg6[%get3A_449, %get3A_450, %get3A_451] {strides = array<i32>} : memref<8x128x32xf32, #tpu.memory_space<vmem>>, vector<16xf32>,
        %add3A_453 = arith.addf %scan3A_429, %get3A_452 : vector<16xf32>
        %add3A_454 = arith.constant 1 : i32
        %add3A_455 = arith.addi %add3A_434, %add3A_454 : i32
        %get3A_456 = arith.constant 2 : i32
        %get3A_457 = arith.index_cast %get3A_456 : i32 to index
        %get3A_458 = arith.index_cast %add3A_455 : i32 to index
        %get3A_459 = arith.constant 16 : index
        %get3A_460 = tpu.vector_load %arg6[%get3A_457, %get3A_458, %get3A_459] {strides = array<i32>} : memref<8x128x32xf32, #tpu.memory_space<vmem>>, vector<16xf32>,
        %add3A_461 = arith.addf %scan3A_430, %get3A_460 : vector<16xf32>
        %mul3A_462 = arith.constant 4 : i32
        %mul3A_463 = arith.muli %scan3A_426, %mul3A_462 : i32
        %add3A_464 = arith.constant 2 : i32
        %add3A_465 = arith.addi %mul3A_463, %add3A_464 : i32
        %get3A_466 = arith.constant 2 : i32
        %get3A_467 = arith.index_cast %get3A_466 : i32 to index
        %get3A_468 = arith.index_cast %add3A_465 : i32 to index
        %get3A_469 = arith.constant 0 : index
        %get3A_470 = tpu.vector_load %arg6[%get3A_467, %get3A_468, %get3A_469] {strides = array<i32>} : memref<8x128x32xf32, #tpu.memory_space<vmem>>, vector<16xf32>,
        %add3A_471 = arith.addf %add3A_439, %get3A_470 : vector<16xf32>
        %get3A_472 = arith.constant 2 : i32
        %get3A_473 = arith.index_cast %get3A_472 : i32 to index
        %get3A_474 = arith.index_cast %add3A_465 : i32 to index
        %get3A_475 = arith.constant 16 : index
        %get3A_476 = tpu.vector_load %arg6[%get3A_473, %get3A_474, %get3A_475] {strides = array<i32>} : memref<8x128x32xf32, #tpu.memory_space<vmem>>, vector<16xf32>,
        %add3A_477 = arith.addf %add3A_445, %get3A_476 : vector<16xf32>
        %add3A_478 = arith.constant 1 : i32
        %add3A_479 = arith.addi %add3A_465, %add3A_478 : i32
        %get3A_480 = arith.constant 2 : i32
        %get3A_481 = arith.index_cast %get3A_480 : i32 to index
        %get3A_482 = arith.index_cast %add3A_479 : i32 to index
        %get3A_483 = arith.constant 0 : index
        %get3A_484 = tpu.vector_load %arg6[%get3A_481, %get3A_482, %get3A_483] {strides = array<i32>} : memref<8x128x32xf32, #tpu.memory_space<vmem>>, vector<16xf32>,
        %add3A_485 = arith.addf %add3A_453, %get3A_484 : vector<16xf32>
        %add3A_486 = arith.constant 1 : i32
        %add3A_487 = arith.addi %add3A_465, %add3A_486 : i32
        %get3A_488 = arith.constant 2 : i32
        %get3A_489 = arith.index_cast %get3A_488 : i32 to index
        %get3A_490 = arith.index_cast %add3A_487 : i32 to index
        %get3A_491 = arith.constant 16 : index
        %get3A_492 = tpu.vector_load %arg6[%get3A_489, %get3A_490, %get3A_491] {strides = array<i32>} : memref<8x128x32xf32, #tpu.memory_space<vmem>>, vector<16xf32>,
        %add3A_493 = arith.addf %add3A_461, %get3A_492 : vector<16xf32>
        scf.yield %add3A_471, %add3A_477, %add3A_485, %add3A_493 : vector<16xf32>, vector<16xf32>, vector<16xf32>, vector<16xf32>
      }
      %scan3A_230 = arith.constant 32 : i32
      %add3A_231 = arith.constant 4 : i32
      %add3A_232 = arith.addi %add3A_201, %add3A_231 : i32
      %lt3A_233 = arith.constant 128 : i32
      %lt3A_234 = arith.cmpi slt, %add3A_232, %lt3A_233 : i32
      %convert_element_type3A_235 = arith.extui %lt3A_234 : i1 to i32
      %cond3A_236 = arith.constant 0 : i32
      %cond3A_237 = arith.cmpi ne, %convert_element_type3A_235, %cond3A_236 : i32
      scf.if %cond3A_237 {
        %add3A_426 = arith.constant 4 : i32
        %add3A_427 = arith.addi %add3A_201, %add3A_426 : i32
        %dma_start3A_428 = arith.constant 2 : i32
        %dma_start3A_429 = arith.constant 2 : i32
        %dma_start3A_430 = arith.constant 0 : i32
        %dma_start3A_431 = arith.constant 0 : i32
        %dma_start3A_432 = tpu.memref_slice %arg6[%dma_start3A_428, %dma_start3A_430, %dma_start3A_431] : memref<8x128x32xf32, #tpu.memory_space<vmem>> -> memref<1x128x32xf32, #tpu.memory_space<vmem>>
        %dma_start3A_433 = tpu.memref_squeeze %dma_start3A_432 : memref<1x128x32xf32, #tpu.memory_space<vmem>> -> memref<128x32xf32, #tpu.memory_space<vmem>>
        %dma_start3A_434 = arith.constant 0 : i32
        %dma_start3A_435 = tpu.memref_slice %arg5[%add3A_427, %dma_start3A_434] : memref<128x200xi32, #tpu.memory_space<vmem>> -> memref<1x128xi32, #tpu.memory_space<vmem>>
        %dma_start3A_436 = tpu.memref_squeeze %dma_start3A_435 : memref<1x128xi32, #tpu.memory_space<vmem>> -> memref<128xi32, #tpu.memory_space<vmem>>
        %dma_start3A_437 = arith.constant 0 : i32
        %dma_start3A_438 = arith.constant 0 : i32
        %dma_start3A_439 = tpu.memref_slice %arg3[%dma_start3A_437, %dma_start3A_438] : memref<100001x32xf32, #tpu.memory_space<hbm>> -> memref<100001x32xf32, #tpu.memory_space<hbm>>
        %dma_start3A_440 = tpu.memref_slice %arg8[%dma_start3A_429] : memref<8x!tpu.dma_semaphore, #tpu.memory_space<semaphore_mem>> -> memref<1x!tpu.dma_semaphore, #tpu.memory_space<semaphore_mem>>
        %dma_start3A_441 = tpu.memref_squeeze %dma_start3A_440 : memref<1x!tpu.dma_semaphore, #tpu.memory_space<semaphore_mem>> -> memref<!tpu.dma_semaphore, #tpu.memory_space<semaphore_mem>>
        tpu.enqueue_indirect_dma source(%dma_start3A_439 : memref<100001x32xf32, #tpu.memory_space<hbm>>) target(%dma_start3A_433 : memref<128x32xf32, #tpu.memory_space<vmem>>) offsets(%dma_start3A_436 : memref<128xi32, #tpu.memory_space<vmem>>) semaphore(%dma_start3A_441 : memref<!tpu.dma_semaphore, #tpu.memory_space<semaphore_mem>>)
      } else {
      }
      %dma_wait3A_238 = arith.constant 0 : i32
      %dma_wait3A_239 = arith.constant 3 : i32
      %dma_wait3A_240 = arith.constant 3 : i32
      %dma_wait3A_241 = arith.constant 0 : i32
      %dma_wait3A_242 = arith.constant 0 : i32
      %dma_wait3A_243 = tpu.memref_slice %arg6[%dma_wait3A_239, %dma_wait3A_241, %dma_wait3A_242] : memref<8x128x32xf32, #tpu.memory_space<vmem>> -> memref<1x72x32xf32, #tpu.memory_space<vmem>>
      %dma_wait3A_244 = tpu.memref_squeeze %dma_wait3A_243 : memref<1x72x32xf32, #tpu.memory_space<vmem>> -> memref<72x32xf32, #tpu.memory_space<vmem>>
      %dma_wait3A_245 = arith.constant 128 : i32
      %dma_wait3A_246 = tpu.memref_slice %arg5[%dma_wait3A_238, %dma_wait3A_245] : memref<128x200xi32, #tpu.memory_space<vmem>> -> memref<1x72xi32, #tpu.memory_space<vmem>>
      %dma_wait3A_247 = tpu.memref_squeeze %dma_wait3A_246 : memref<1x72xi32, #tpu.memory_space<vmem>> -> memref<72xi32, #tpu.memory_space<vmem>>
      %dma_wait3A_248 = arith.constant 0 : i32
      %dma_wait3A_249 = arith.constant 0 : i32
      %dma_wait3A_250 = tpu.memref_slice %arg3[%dma_wait3A_248, %dma_wait3A_249] : memref<100001x32xf32, #tpu.memory_space<hbm>> -> memref<100001x32xf32, #tpu.memory_space<hbm>>
      %dma_wait3A_251 = tpu.memref_slice %arg8[%dma_wait3A_240] : memref<8x!tpu.dma_semaphore, #tpu.memory_space<semaphore_mem>> -> memref<1x!tpu.dma_semaphore, #tpu.memory_space<semaphore_mem>>
      %dma_wait3A_252 = tpu.memref_squeeze %dma_wait3A_251 : memref<1x!tpu.dma_semaphore, #tpu.memory_space<semaphore_mem>> -> memref<!tpu.dma_semaphore, #tpu.memory_space<semaphore_mem>>
      tpu.wait_indirect_dma semaphore(%dma_wait3A_252 : memref<!tpu.dma_semaphore, #tpu.memory_space<semaphore_mem>>) src(%dma_wait3A_250 : memref<100001x32xf32, #tpu.memory_space<hbm>>) dst(%dma_wait3A_244 : memref<72x32xf32, #tpu.memory_space<vmem>>)
      %scan3A_253 = arith.constant 0 : i32
      %scan3A_254 = arith.constant 18 : i32
      %scan3A_255 = arith.addi %scan3A_253, %scan3A_254 : i32
      %scan3A_256 = arith.constant 1 : i32
      %scan3A_257:4 = scf.for %scan3A_426 = %scan3A_253 to %scan3A_255 step %scan3A_256 iter_args(%scan3A_427 = %scan3A_229#0, %scan3A_428 = %scan3A_229#1, %scan3A_429 = %scan3A_229#2, %scan3A_430 = %scan3A_229#3) -> (vector<16xf32>, vector<16xf32>, vector<16xf32>, vector<16xf32>)  : i32 {
        %mul3A_431 = arith.constant 4 : i32
        %mul3A_432 = arith.muli %scan3A_426, %mul3A_431 : i32
        %add3A_433 = arith.constant 0 : i32
        %add3A_434 = arith.addi %mul3A_432, %add3A_433 : i32
        %get3A = arith.constant 3 : i32
        %get3A_435 = arith.index_cast %get3A : i32 to index
        %get3A_436 = arith.index_cast %add3A_434 : i32 to index
        %get3A_437 = arith.constant 0 : index
        %get3A_438 = tpu.vector_load %arg6[%get3A_435, %get3A_436, %get3A_437] {strides = array<i32>} : memref<8x128x32xf32, #tpu.memory_space<vmem>>, vector<16xf32>,
        %add3A_439 = arith.addf %scan3A_427, %get3A_438 : vector<16xf32>
        %get3A_440 = arith.constant 3 : i32
        %get3A_441 = arith.index_cast %get3A_440 : i32 to index
        %get3A_442 = arith.index_cast %add3A_434 : i32 to index
        %get3A_443 = arith.constant 16 : index
        %get3A_444 = tpu.vector_load %arg6[%get3A_441, %get3A_442, %get3A_443] {strides = array<i32>} : memref<8x128x32xf32, #tpu.memory_space<vmem>>, vector<16xf32>,
        %add3A_445 = arith.addf %scan3A_428, %get3A_444 : vector<16xf32>
        %add3A_446 = arith.constant 1 : i32
        %add3A_447 = arith.addi %add3A_434, %add3A_446 : i32
        %get3A_448 = arith.constant 3 : i32
        %get3A_449 = arith.index_cast %get3A_448 : i32 to index
        %get3A_450 = arith.index_cast %add3A_447 : i32 to index
        %get3A_451 = arith.constant 0 : index
        %get3A_452 = tpu.vector_load %arg6[%get3A_449, %get3A_450, %get3A_451] {strides = array<i32>} : memref<8x128x32xf32, #tpu.memory_space<vmem>>, vector<16xf32>,
        %add3A_453 = arith.addf %scan3A_429, %get3A_452 : vector<16xf32>
        %add3A_454 = arith.constant 1 : i32
        %add3A_455 = arith.addi %add3A_434, %add3A_454 : i32
        %get3A_456 = arith.constant 3 : i32
        %get3A_457 = arith.index_cast %get3A_456 : i32 to index
        %get3A_458 = arith.index_cast %add3A_455 : i32 to index
        %get3A_459 = arith.constant 16 : index
        %get3A_460 = tpu.vector_load %arg6[%get3A_457, %get3A_458, %get3A_459] {strides = array<i32>} : memref<8x128x32xf32, #tpu.memory_space<vmem>>, vector<16xf32>,
        %add3A_461 = arith.addf %scan3A_430, %get3A_460 : vector<16xf32>
        %mul3A_462 = arith.constant 4 : i32
        %mul3A_463 = arith.muli %scan3A_426, %mul3A_462 : i32
        %add3A_464 = arith.constant 2 : i32
        %add3A_465 = arith.addi %mul3A_463, %add3A_464 : i32
        %get3A_466 = arith.constant 3 : i32
        %get3A_467 = arith.index_cast %get3A_466 : i32 to index
        %get3A_468 = arith.index_cast %add3A_465 : i32 to index
        %get3A_469 = arith.constant 0 : index
        %get3A_470 = tpu.vector_load %arg6[%get3A_467, %get3A_468, %get3A_469] {strides = array<i32>} : memref<8x128x32xf32, #tpu.memory_space<vmem>>, vector<16xf32>,
        %add3A_471 = arith.addf %add3A_439, %get3A_470 : vector<16xf32>
        %get3A_472 = arith.constant 3 : i32
        %get3A_473 = arith.index_cast %get3A_472 : i32 to index
        %get3A_474 = arith.index_cast %add3A_465 : i32 to index
        %get3A_475 = arith.constant 16 : index
        %get3A_476 = tpu.vector_load %arg6[%get3A_473, %get3A_474, %get3A_475] {strides = array<i32>} : memref<8x128x32xf32, #tpu.memory_space<vmem>>, vector<16xf32>,
        %add3A_477 = arith.addf %add3A_445, %get3A_476 : vector<16xf32>
        %add3A_478 = arith.constant 1 : i32
        %add3A_479 = arith.addi %add3A_465, %add3A_478 : i32
        %get3A_480 = arith.constant 3 : i32
        %get3A_481 = arith.index_cast %get3A_480 : i32 to index
        %get3A_482 = arith.index_cast %add3A_479 : i32 to index
        %get3A_483 = arith.constant 0 : index
        %get3A_484 = tpu.vector_load %arg6[%get3A_481, %get3A_482, %get3A_483] {strides = array<i32>} : memref<8x128x32xf32, #tpu.memory_space<vmem>>, vector<16xf32>,
        %add3A_485 = arith.addf %add3A_453, %get3A_484 : vector<16xf32>
        %add3A_486 = arith.constant 1 : i32
        %add3A_487 = arith.addi %add3A_465, %add3A_486 : i32
        %get3A_488 = arith.constant 3 : i32
        %get3A_489 = arith.index_cast %get3A_488 : i32 to index
        %get3A_490 = arith.index_cast %add3A_487 : i32 to index
        %get3A_491 = arith.constant 16 : index
        %get3A_492 = tpu.vector_load %arg6[%get3A_489, %get3A_490, %get3A_491] {strides = array<i32>} : memref<8x128x32xf32, #tpu.memory_space<vmem>>, vector<16xf32>,
        %add3A_493 = arith.addf %add3A_461, %get3A_492 : vector<16xf32>
        scf.yield %add3A_471, %add3A_477, %add3A_485, %add3A_493 : vector<16xf32>, vector<16xf32>, vector<16xf32>, vector<16xf32>
      }
      %scan3A_258 = arith.constant 18 : i32
      %add3A_259 = arith.constant 4 : i32
      %add3A_260 = arith.addi %add3A_201, %add3A_259 : i32
      %lt3A_261 = arith.constant 128 : i32
      %lt3A_262 = arith.cmpi slt, %add3A_260, %lt3A_261 : i32
      %convert_element_type3A_263 = arith.extui %lt3A_262 : i1 to i32
      %cond3A_264 = arith.constant 0 : i32
      %cond3A_265 = arith.cmpi ne, %convert_element_type3A_263, %cond3A_264 : i32
      scf.if %cond3A_265 {
        %add3A_426 = arith.constant 4 : i32
        %add3A_427 = arith.addi %add3A_201, %add3A_426 : i32
        %dma_start3A_428 = arith.constant 3 : i32
        %dma_start3A_429 = arith.constant 3 : i32
        %dma_start3A_430 = arith.constant 0 : i32
        %dma_start3A_431 = arith.constant 0 : i32
        %dma_start3A_432 = tpu.memref_slice %arg6[%dma_start3A_428, %dma_start3A_430, %dma_start3A_431] : memref<8x128x32xf32, #tpu.memory_space<vmem>> -> memref<1x72x32xf32, #tpu.memory_space<vmem>>
        %dma_start3A_433 = tpu.memref_squeeze %dma_start3A_432 : memref<1x72x32xf32, #tpu.memory_space<vmem>> -> memref<72x32xf32, #tpu.memory_space<vmem>>
        %dma_start3A_434 = arith.constant 128 : i32
        %dma_start3A_435 = tpu.memref_slice %arg5[%add3A_427, %dma_start3A_434] : memref<128x200xi32, #tpu.memory_space<vmem>> -> memref<1x72xi32, #tpu.memory_space<vmem>>
        %dma_start3A_436 = tpu.memref_squeeze %dma_start3A_435 : memref<1x72xi32, #tpu.memory_space<vmem>> -> memref<72xi32, #tpu.memory_space<vmem>>
        %dma_start3A_437 = arith.constant 0 : i32
        %dma_start3A_438 = arith.constant 0 : i32
        %dma_start3A_439 = tpu.memref_slice %arg3[%dma_start3A_437, %dma_start3A_438] : memref<100001x32xf32, #tpu.memory_space<hbm>> -> memref<100001x32xf32, #tpu.memory_space<hbm>>
        %dma_start3A_440 = tpu.memref_slice %arg8[%dma_start3A_429] : memref<8x!tpu.dma_semaphore, #tpu.memory_space<semaphore_mem>> -> memref<1x!tpu.dma_semaphore, #tpu.memory_space<semaphore_mem>>
        %dma_start3A_441 = tpu.memref_squeeze %dma_start3A_440 : memref<1x!tpu.dma_semaphore, #tpu.memory_space<semaphore_mem>> -> memref<!tpu.dma_semaphore, #tpu.memory_space<semaphore_mem>>
        tpu.enqueue_indirect_dma source(%dma_start3A_439 : memref<100001x32xf32, #tpu.memory_space<hbm>>) target(%dma_start3A_433 : memref<72x32xf32, #tpu.memory_space<vmem>>) offsets(%dma_start3A_436 : memref<72xi32, #tpu.memory_space<vmem>>) semaphore(%dma_start3A_441 : memref<!tpu.dma_semaphore, #tpu.memory_space<semaphore_mem>>)
      } else {
      }
      %add3A_266 = arith.addf %scan3A_257#0, %scan3A_257#2 : vector<16xf32>
      %swap3A_267 = arith.index_cast %add3A_201 : i32 to index
      %swap3A_268 = arith.constant 0 : index
      %swap3A_269 = tpu.vector_load %arg7[%swap3A_267, %swap3A_268] {strides = array<i32>} : memref<128x32xf32, #tpu.memory_space<vmem>>, vector<16xf32>,
      tpu.vector_store %arg7[%swap3A_267, %swap3A_268], %add3A_266 {strides = array<i32>} : memref<128x32xf32, #tpu.memory_space<vmem>>, vector<16xf32>,
      %add3A_270 = arith.addf %scan3A_257#1, %scan3A_257#3 : vector<16xf32>
      %swap3A_271 = arith.index_cast %add3A_201 : i32 to index
      %swap3A_272 = arith.constant 16 : index
      %swap3A_273 = tpu.vector_load %arg7[%swap3A_271, %swap3A_272] {strides = array<i32>} : memref<128x32xf32, #tpu.memory_space<vmem>>, vector<16xf32>,
      tpu.vector_store %arg7[%swap3A_271, %swap3A_272], %add3A_270 {strides = array<i32>} : memref<128x32xf32, #tpu.memory_space<vmem>>, vector<16xf32>,
      %mul3A_274 = arith.constant 4 : i32
      %mul3A_275 = arith.muli %mul3A_274, %scan3A_127 : i32
      %add3A_276 = arith.constant 2 : i32
      %add3A_277 = arith.addi %mul3A_275, %add3A_276 : i32
      %broadcast_in_dim3A_278 = arith.constant 0.000000e+00 : f32
      %broadcast_in_dim3A_279 = vector.broadcast %broadcast_in_dim3A_278 : f32 to vector<16xf32>
      %broadcast_in_dim3A_280 = arith.constant 0.000000e+00 : f32
      %broadcast_in_dim3A_281 = vector.broadcast %broadcast_in_dim3A_280 : f32 to vector<16xf32>
      %broadcast_in_dim3A_282 = arith.constant 0.000000e+00 : f32
      %broadcast_in_dim3A_283 = vector.broadcast %broadcast_in_dim3A_282 : f32 to vector<16xf32>
      %broadcast_in_dim3A_284 = arith.constant 0.000000e+00 : f32
      %broadcast_in_dim3A_285 = vector.broadcast %broadcast_in_dim3A_284 : f32 to vector<16xf32>
      %dma_wait3A_286 = arith.constant 0 : i32
      %dma_wait3A_287 = arith.constant 4 : i32
      %dma_wait3A_288 = arith.constant 4 : i32
      %dma_wait3A_289 = arith.constant 0 : i32
      %dma_wait3A_290 = arith.constant 0 : i32
      %dma_wait3A_291 = tpu.memref_slice %arg6[%dma_wait3A_287, %dma_wait3A_289, %dma_wait3A_290] : memref<8x128x32xf32, #tpu.memory_space<vmem>> -> memref<1x128x32xf32, #tpu.memory_space<vmem>>
      %dma_wait3A_292 = tpu.memref_squeeze %dma_wait3A_291 : memref<1x128x32xf32, #tpu.memory_space<vmem>> -> memref<128x32xf32, #tpu.memory_space<vmem>>
      %dma_wait3A_293 = arith.constant 0 : i32
      %dma_wait3A_294 = tpu.memref_slice %arg5[%dma_wait3A_286, %dma_wait3A_293] : memref<128x200xi32, #tpu.memory_space<vmem>> -> memref<1x128xi32, #tpu.memory_space<vmem>>
      %dma_wait3A_295 = tpu.memref_squeeze %dma_wait3A_294 : memref<1x128xi32, #tpu.memory_space<vmem>> -> memref<128xi32, #tpu.memory_space<vmem>>
      %dma_wait3A_296 = arith.constant 0 : i32
      %dma_wait3A_297 = arith.constant 0 : i32
      %dma_wait3A_298 = tpu.memref_slice %arg3[%dma_wait3A_296, %dma_wait3A_297] : memref<100001x32xf32, #tpu.memory_space<hbm>> -> memref<100001x32xf32, #tpu.memory_space<hbm>>
      %dma_wait3A_299 = tpu.memref_slice %arg8[%dma_wait3A_288] : memref<8x!tpu.dma_semaphore, #tpu.memory_space<semaphore_mem>> -> memref<1x!tpu.dma_semaphore, #tpu.memory_space<semaphore_mem>>
      %dma_wait3A_300 = tpu.memref_squeeze %dma_wait3A_299 : memref<1x!tpu.dma_semaphore, #tpu.memory_space<semaphore_mem>> -> memref<!tpu.dma_semaphore, #tpu.memory_space<semaphore_mem>>
      tpu.wait_indirect_dma semaphore(%dma_wait3A_300 : memref<!tpu.dma_semaphore, #tpu.memory_space<semaphore_mem>>) src(%dma_wait3A_298 : memref<100001x32xf32, #tpu.memory_space<hbm>>) dst(%dma_wait3A_292 : memref<128x32xf32, #tpu.memory_space<vmem>>)
      %scan3A_301 = arith.constant 0 : i32
      %scan3A_302 = arith.constant 32 : i32
      %scan3A_303 = arith.addi %scan3A_301, %scan3A_302 : i32
      %scan3A_304 = arith.constant 1 : i32
      %scan3A_305:4 = scf.for %scan3A_426 = %scan3A_301 to %scan3A_303 step %scan3A_304 iter_args(%scan3A_427 = %broadcast_in_dim3A_279, %scan3A_428 = %broadcast_in_dim3A_281, %scan3A_429 = %broadcast_in_dim3A_283, %scan3A_430 = %broadcast_in_dim3A_285) -> (vector<16xf32>, vector<16xf32>, vector<16xf32>, vector<16xf32>)  : i32 {
        %mul3A_431 = arith.constant 4 : i32
        %mul3A_432 = arith.muli %scan3A_426, %mul3A_431 : i32
        %add3A_433 = arith.constant 0 : i32
        %add3A_434 = arith.addi %mul3A_432, %add3A_433 : i32
        %get3A = arith.constant 4 : i32
        %get3A_435 = arith.index_cast %get3A : i32 to index
        %get3A_436 = arith.index_cast %add3A_434 : i32 to index
        %get3A_437 = arith.constant 0 : index
        %get3A_438 = tpu.vector_load %arg6[%get3A_435, %get3A_436, %get3A_437] {strides = array<i32>} : memref<8x128x32xf32, #tpu.memory_space<vmem>>, vector<16xf32>,
        %add3A_439 = arith.addf %scan3A_427, %get3A_438 : vector<16xf32>
        %get3A_440 = arith.constant 4 : i32
        %get3A_441 = arith.index_cast %get3A_440 : i32 to index
        %get3A_442 = arith.index_cast %add3A_434 : i32 to index
        %get3A_443 = arith.constant 16 : index
        %get3A_444 = tpu.vector_load %arg6[%get3A_441, %get3A_442, %get3A_443] {strides = array<i32>} : memref<8x128x32xf32, #tpu.memory_space<vmem>>, vector<16xf32>,
        %add3A_445 = arith.addf %scan3A_428, %get3A_444 : vector<16xf32>
        %add3A_446 = arith.constant 1 : i32
        %add3A_447 = arith.addi %add3A_434, %add3A_446 : i32
        %get3A_448 = arith.constant 4 : i32
        %get3A_449 = arith.index_cast %get3A_448 : i32 to index
        %get3A_450 = arith.index_cast %add3A_447 : i32 to index
        %get3A_451 = arith.constant 0 : index
        %get3A_452 = tpu.vector_load %arg6[%get3A_449, %get3A_450, %get3A_451] {strides = array<i32>} : memref<8x128x32xf32, #tpu.memory_space<vmem>>, vector<16xf32>,
        %add3A_453 = arith.addf %scan3A_429, %get3A_452 : vector<16xf32>
        %add3A_454 = arith.constant 1 : i32
        %add3A_455 = arith.addi %add3A_434, %add3A_454 : i32
        %get3A_456 = arith.constant 4 : i32
        %get3A_457 = arith.index_cast %get3A_456 : i32 to index
        %get3A_458 = arith.index_cast %add3A_455 : i32 to index
        %get3A_459 = arith.constant 16 : index
        %get3A_460 = tpu.vector_load %arg6[%get3A_457, %get3A_458, %get3A_459] {strides = array<i32>} : memref<8x128x32xf32, #tpu.memory_space<vmem>>, vector<16xf32>,
        %add3A_461 = arith.addf %scan3A_430, %get3A_460 : vector<16xf32>
        %mul3A_462 = arith.constant 4 : i32
        %mul3A_463 = arith.muli %scan3A_426, %mul3A_462 : i32
        %add3A_464 = arith.constant 2 : i32
        %add3A_465 = arith.addi %mul3A_463, %add3A_464 : i32
        %get3A_466 = arith.constant 4 : i32
        %get3A_467 = arith.index_cast %get3A_466 : i32 to index
        %get3A_468 = arith.index_cast %add3A_465 : i32 to index
        %get3A_469 = arith.constant 0 : index
        %get3A_470 = tpu.vector_load %arg6[%get3A_467, %get3A_468, %get3A_469] {strides = array<i32>} : memref<8x128x32xf32, #tpu.memory_space<vmem>>, vector<16xf32>,
        %add3A_471 = arith.addf %add3A_439, %get3A_470 : vector<16xf32>
        %get3A_472 = arith.constant 4 : i32
        %get3A_473 = arith.index_cast %get3A_472 : i32 to index
        %get3A_474 = arith.index_cast %add3A_465 : i32 to index
        %get3A_475 = arith.constant 16 : index
        %get3A_476 = tpu.vector_load %arg6[%get3A_473, %get3A_474, %get3A_475] {strides = array<i32>} : memref<8x128x32xf32, #tpu.memory_space<vmem>>, vector<16xf32>,
        %add3A_477 = arith.addf %add3A_445, %get3A_476 : vector<16xf32>
        %add3A_478 = arith.constant 1 : i32
        %add3A_479 = arith.addi %add3A_465, %add3A_478 : i32
        %get3A_480 = arith.constant 4 : i32
        %get3A_481 = arith.index_cast %get3A_480 : i32 to index
        %get3A_482 = arith.index_cast %add3A_479 : i32 to index
        %get3A_483 = arith.constant 0 : index
        %get3A_484 = tpu.vector_load %arg6[%get3A_481, %get3A_482, %get3A_483] {strides = array<i32>} : memref<8x128x32xf32, #tpu.memory_space<vmem>>, vector<16xf32>,
        %add3A_485 = arith.addf %add3A_453, %get3A_484 : vector<16xf32>
        %add3A_486 = arith.constant 1 : i32
        %add3A_487 = arith.addi %add3A_465, %add3A_486 : i32
        %get3A_488 = arith.constant 4 : i32
        %get3A_489 = arith.index_cast %get3A_488 : i32 to index
        %get3A_490 = arith.index_cast %add3A_487 : i32 to index
        %get3A_491 = arith.constant 16 : index
        %get3A_492 = tpu.vector_load %arg6[%get3A_489, %get3A_490, %get3A_491] {strides = array<i32>} : memref<8x128x32xf32, #tpu.memory_space<vmem>>, vector<16xf32>,
        %add3A_493 = arith.addf %add3A_461, %get3A_492 : vector<16xf32>
        scf.yield %add3A_471, %add3A_477, %add3A_485, %add3A_493 : vector<16xf32>, vector<16xf32>, vector<16xf32>, vector<16xf32>
      }
      %scan3A_306 = arith.constant 32 : i32
      %add3A_307 = arith.constant 4 : i32
      %add3A_308 = arith.addi %add3A_277, %add3A_307 : i32
      %lt3A_309 = arith.constant 128 : i32
      %lt3A_310 = arith.cmpi slt, %add3A_308, %lt3A_309 : i32
      %convert_element_type3A_311 = arith.extui %lt3A_310 : i1 to i32
      %cond3A_312 = arith.constant 0 : i32
      %cond3A_313 = arith.cmpi ne, %convert_element_type3A_311, %cond3A_312 : i32
      scf.if %cond3A_313 {
        %add3A_426 = arith.constant 4 : i32
        %add3A_427 = arith.addi %add3A_277, %add3A_426 : i32
        %dma_start3A_428 = arith.constant 4 : i32
        %dma_start3A_429 = arith.constant 4 : i32
        %dma_start3A_430 = arith.constant 0 : i32
        %dma_start3A_431 = arith.constant 0 : i32
        %dma_start3A_432 = tpu.memref_slice %arg6[%dma_start3A_428, %dma_start3A_430, %dma_start3A_431] : memref<8x128x32xf32, #tpu.memory_space<vmem>> -> memref<1x128x32xf32, #tpu.memory_space<vmem>>
        %dma_start3A_433 = tpu.memref_squeeze %dma_start3A_432 : memref<1x128x32xf32, #tpu.memory_space<vmem>> -> memref<128x32xf32, #tpu.memory_space<vmem>>
        %dma_start3A_434 = arith.constant 0 : i32
        %dma_start3A_435 = tpu.memref_slice %arg5[%add3A_427, %dma_start3A_434] : memref<128x200xi32, #tpu.memory_space<vmem>> -> memref<1x128xi32, #tpu.memory_space<vmem>>
        %dma_start3A_436 = tpu.memref_squeeze %dma_start3A_435 : memref<1x128xi32, #tpu.memory_space<vmem>> -> memref<128xi32, #tpu.memory_space<vmem>>
        %dma_start3A_437 = arith.constant 0 : i32
        %dma_start3A_438 = arith.constant 0 : i32
        %dma_start3A_439 = tpu.memref_slice %arg3[%dma_start3A_437, %dma_start3A_438] : memref<100001x32xf32, #tpu.memory_space<hbm>> -> memref<100001x32xf32, #tpu.memory_space<hbm>>
        %dma_start3A_440 = tpu.memref_slice %arg8[%dma_start3A_429] : memref<8x!tpu.dma_semaphore, #tpu.memory_space<semaphore_mem>> -> memref<1x!tpu.dma_semaphore, #tpu.memory_space<semaphore_mem>>
        %dma_start3A_441 = tpu.memref_squeeze %dma_start3A_440 : memref<1x!tpu.dma_semaphore, #tpu.memory_space<semaphore_mem>> -> memref<!tpu.dma_semaphore, #tpu.memory_space<semaphore_mem>>
        tpu.enqueue_indirect_dma source(%dma_start3A_439 : memref<100001x32xf32, #tpu.memory_space<hbm>>) target(%dma_start3A_433 : memref<128x32xf32, #tpu.memory_space<vmem>>) offsets(%dma_start3A_436 : memref<128xi32, #tpu.memory_space<vmem>>) semaphore(%dma_start3A_441 : memref<!tpu.dma_semaphore, #tpu.memory_space<semaphore_mem>>)
      } else {
      }
      %dma_wait3A_314 = arith.constant 0 : i32
      %dma_wait3A_315 = arith.constant 5 : i32
      %dma_wait3A_316 = arith.constant 5 : i32
      %dma_wait3A_317 = arith.constant 0 : i32
      %dma_wait3A_318 = arith.constant 0 : i32
      %dma_wait3A_319 = tpu.memref_slice %arg6[%dma_wait3A_315, %dma_wait3A_317, %dma_wait3A_318] : memref<8x128x32xf32, #tpu.memory_space<vmem>> -> memref<1x72x32xf32, #tpu.memory_space<vmem>>
      %dma_wait3A_320 = tpu.memref_squeeze %dma_wait3A_319 : memref<1x72x32xf32, #tpu.memory_space<vmem>> -> memref<72x32xf32, #tpu.memory_space<vmem>>
      %dma_wait3A_321 = arith.constant 128 : i32
      %dma_wait3A_322 = tpu.memref_slice %arg5[%dma_wait3A_314, %dma_wait3A_321] : memref<128x200xi32, #tpu.memory_space<vmem>> -> memref<1x72xi32, #tpu.memory_space<vmem>>
      %dma_wait3A_323 = tpu.memref_squeeze %dma_wait3A_322 : memref<1x72xi32, #tpu.memory_space<vmem>> -> memref<72xi32, #tpu.memory_space<vmem>>
      %dma_wait3A_324 = arith.constant 0 : i32
      %dma_wait3A_325 = arith.constant 0 : i32
      %dma_wait3A_326 = tpu.memref_slice %arg3[%dma_wait3A_324, %dma_wait3A_325] : memref<100001x32xf32, #tpu.memory_space<hbm>> -> memref<100001x32xf32, #tpu.memory_space<hbm>>
      %dma_wait3A_327 = tpu.memref_slice %arg8[%dma_wait3A_316] : memref<8x!tpu.dma_semaphore, #tpu.memory_space<semaphore_mem>> -> memref<1x!tpu.dma_semaphore, #tpu.memory_space<semaphore_mem>>
      %dma_wait3A_328 = tpu.memref_squeeze %dma_wait3A_327 : memref<1x!tpu.dma_semaphore, #tpu.memory_space<semaphore_mem>> -> memref<!tpu.dma_semaphore, #tpu.memory_space<semaphore_mem>>
      tpu.wait_indirect_dma semaphore(%dma_wait3A_328 : memref<!tpu.dma_semaphore, #tpu.memory_space<semaphore_mem>>) src(%dma_wait3A_326 : memref<100001x32xf32, #tpu.memory_space<hbm>>) dst(%dma_wait3A_320 : memref<72x32xf32, #tpu.memory_space<vmem>>)
      %scan3A_329 = arith.constant 0 : i32
      %scan3A_330 = arith.constant 18 : i32
      %scan3A_331 = arith.addi %scan3A_329, %scan3A_330 : i32
      %scan3A_332 = arith.constant 1 : i32
      %scan3A_333:4 = scf.for %scan3A_426 = %scan3A_329 to %scan3A_331 step %scan3A_332 iter_args(%scan3A_427 = %scan3A_305#0, %scan3A_428 = %scan3A_305#1, %scan3A_429 = %scan3A_305#2, %scan3A_430 = %scan3A_305#3) -> (vector<16xf32>, vector<16xf32>, vector<16xf32>, vector<16xf32>)  : i32 {
        %mul3A_431 = arith.constant 4 : i32
        %mul3A_432 = arith.muli %scan3A_426, %mul3A_431 : i32
        %add3A_433 = arith.constant 0 : i32
        %add3A_434 = arith.addi %mul3A_432, %add3A_433 : i32
        %get3A = arith.constant 5 : i32
        %get3A_435 = arith.index_cast %get3A : i32 to index
        %get3A_436 = arith.index_cast %add3A_434 : i32 to index
        %get3A_437 = arith.constant 0 : index
        %get3A_438 = tpu.vector_load %arg6[%get3A_435, %get3A_436, %get3A_437] {strides = array<i32>} : memref<8x128x32xf32, #tpu.memory_space<vmem>>, vector<16xf32>,
        %add3A_439 = arith.addf %scan3A_427, %get3A_438 : vector<16xf32>
        %get3A_440 = arith.constant 5 : i32
        %get3A_441 = arith.index_cast %get3A_440 : i32 to index
        %get3A_442 = arith.index_cast %add3A_434 : i32 to index
        %get3A_443 = arith.constant 16 : index
        %get3A_444 = tpu.vector_load %arg6[%get3A_441, %get3A_442, %get3A_443] {strides = array<i32>} : memref<8x128x32xf32, #tpu.memory_space<vmem>>, vector<16xf32>,
        %add3A_445 = arith.addf %scan3A_428, %get3A_444 : vector<16xf32>
        %add3A_446 = arith.constant 1 : i32
        %add3A_447 = arith.addi %add3A_434, %add3A_446 : i32
        %get3A_448 = arith.constant 5 : i32
        %get3A_449 = arith.index_cast %get3A_448 : i32 to index
        %get3A_450 = arith.index_cast %add3A_447 : i32 to index
        %get3A_451 = arith.constant 0 : index
        %get3A_452 = tpu.vector_load %arg6[%get3A_449, %get3A_450, %get3A_451] {strides = array<i32>} : memref<8x128x32xf32, #tpu.memory_space<vmem>>, vector<16xf32>,
        %add3A_453 = arith.addf %scan3A_429, %get3A_452 : vector<16xf32>
        %add3A_454 = arith.constant 1 : i32
        %add3A_455 = arith.addi %add3A_434, %add3A_454 : i32
        %get3A_456 = arith.constant 5 : i32
        %get3A_457 = arith.index_cast %get3A_456 : i32 to index
        %get3A_458 = arith.index_cast %add3A_455 : i32 to index
        %get3A_459 = arith.constant 16 : index
        %get3A_460 = tpu.vector_load %arg6[%get3A_457, %get3A_458, %get3A_459] {strides = array<i32>} : memref<8x128x32xf32, #tpu.memory_space<vmem>>, vector<16xf32>,
        %add3A_461 = arith.addf %scan3A_430, %get3A_460 : vector<16xf32>
        %mul3A_462 = arith.constant 4 : i32
        %mul3A_463 = arith.muli %scan3A_426, %mul3A_462 : i32
        %add3A_464 = arith.constant 2 : i32
        %add3A_465 = arith.addi %mul3A_463, %add3A_464 : i32
        %get3A_466 = arith.constant 5 : i32
        %get3A_467 = arith.index_cast %get3A_466 : i32 to index
        %get3A_468 = arith.index_cast %add3A_465 : i32 to index
        %get3A_469 = arith.constant 0 : index
        %get3A_470 = tpu.vector_load %arg6[%get3A_467, %get3A_468, %get3A_469] {strides = array<i32>} : memref<8x128x32xf32, #tpu.memory_space<vmem>>, vector<16xf32>,
        %add3A_471 = arith.addf %add3A_439, %get3A_470 : vector<16xf32>
        %get3A_472 = arith.constant 5 : i32
        %get3A_473 = arith.index_cast %get3A_472 : i32 to index
        %get3A_474 = arith.index_cast %add3A_465 : i32 to index
        %get3A_475 = arith.constant 16 : index
        %get3A_476 = tpu.vector_load %arg6[%get3A_473, %get3A_474, %get3A_475] {strides = array<i32>} : memref<8x128x32xf32, #tpu.memory_space<vmem>>, vector<16xf32>,
        %add3A_477 = arith.addf %add3A_445, %get3A_476 : vector<16xf32>
        %add3A_478 = arith.constant 1 : i32
        %add3A_479 = arith.addi %add3A_465, %add3A_478 : i32
        %get3A_480 = arith.constant 5 : i32
        %get3A_481 = arith.index_cast %get3A_480 : i32 to index
        %get3A_482 = arith.index_cast %add3A_479 : i32 to index
        %get3A_483 = arith.constant 0 : index
        %get3A_484 = tpu.vector_load %arg6[%get3A_481, %get3A_482, %get3A_483] {strides = array<i32>} : memref<8x128x32xf32, #tpu.memory_space<vmem>>, vector<16xf32>,
        %add3A_485 = arith.addf %add3A_453, %get3A_484 : vector<16xf32>
        %add3A_486 = arith.constant 1 : i32
        %add3A_487 = arith.addi %add3A_465, %add3A_486 : i32
        %get3A_488 = arith.constant 5 : i32
        %get3A_489 = arith.index_cast %get3A_488 : i32 to index
        %get3A_490 = arith.index_cast %add3A_487 : i32 to index
        %get3A_491 = arith.constant 16 : index
        %get3A_492 = tpu.vector_load %arg6[%get3A_489, %get3A_490, %get3A_491] {strides = array<i32>} : memref<8x128x32xf32, #tpu.memory_space<vmem>>, vector<16xf32>,
        %add3A_493 = arith.addf %add3A_461, %get3A_492 : vector<16xf32>
        scf.yield %add3A_471, %add3A_477, %add3A_485, %add3A_493 : vector<16xf32>, vector<16xf32>, vector<16xf32>, vector<16xf32>
      }
      %scan3A_334 = arith.constant 18 : i32
      %add3A_335 = arith.constant 4 : i32
      %add3A_336 = arith.addi %add3A_277, %add3A_335 : i32
      %lt3A_337 = arith.constant 128 : i32
      %lt3A_338 = arith.cmpi slt, %add3A_336, %lt3A_337 : i32
      %convert_element_type3A_339 = arith.extui %lt3A_338 : i1 to i32
      %cond3A_340 = arith.constant 0 : i32
      %cond3A_341 = arith.cmpi ne, %convert_element_type3A_339, %cond3A_340 : i32
      scf.if %cond3A_341 {
        %add3A_426 = arith.constant 4 : i32
        %add3A_427 = arith.addi %add3A_277, %add3A_426 : i32
        %dma_start3A_428 = arith.constant 5 : i32
        %dma_start3A_429 = arith.constant 5 : i32
        %dma_start3A_430 = arith.constant 0 : i32
        %dma_start3A_431 = arith.constant 0 : i32
        %dma_start3A_432 = tpu.memref_slice %arg6[%dma_start3A_428, %dma_start3A_430, %dma_start3A_431] : memref<8x128x32xf32, #tpu.memory_space<vmem>> -> memref<1x72x32xf32, #tpu.memory_space<vmem>>
        %dma_start3A_433 = tpu.memref_squeeze %dma_start3A_432 : memref<1x72x32xf32, #tpu.memory_space<vmem>> -> memref<72x32xf32, #tpu.memory_space<vmem>>
        %dma_start3A_434 = arith.constant 128 : i32
        %dma_start3A_435 = tpu.memref_slice %arg5[%add3A_427, %dma_start3A_434] : memref<128x200xi32, #tpu.memory_space<vmem>> -> memref<1x72xi32, #tpu.memory_space<vmem>>
        %dma_start3A_436 = tpu.memref_squeeze %dma_start3A_435 : memref<1x72xi32, #tpu.memory_space<vmem>> -> memref<72xi32, #tpu.memory_space<vmem>>
        %dma_start3A_437 = arith.constant 0 : i32
        %dma_start3A_438 = arith.constant 0 : i32
        %dma_start3A_439 = tpu.memref_slice %arg3[%dma_start3A_437, %dma_start3A_438] : memref<100001x32xf32, #tpu.memory_space<hbm>> -> memref<100001x32xf32, #tpu.memory_space<hbm>>
        %dma_start3A_440 = tpu.memref_slice %arg8[%dma_start3A_429] : memref<8x!tpu.dma_semaphore, #tpu.memory_space<semaphore_mem>> -> memref<1x!tpu.dma_semaphore, #tpu.memory_space<semaphore_mem>>
        %dma_start3A_441 = tpu.memref_squeeze %dma_start3A_440 : memref<1x!tpu.dma_semaphore, #tpu.memory_space<semaphore_mem>> -> memref<!tpu.dma_semaphore, #tpu.memory_space<semaphore_mem>>
        tpu.enqueue_indirect_dma source(%dma_start3A_439 : memref<100001x32xf32, #tpu.memory_space<hbm>>) target(%dma_start3A_433 : memref<72x32xf32, #tpu.memory_space<vmem>>) offsets(%dma_start3A_436 : memref<72xi32, #tpu.memory_space<vmem>>) semaphore(%dma_start3A_441 : memref<!tpu.dma_semaphore, #tpu.memory_space<semaphore_mem>>)
      } else {
      }
      %add3A_342 = arith.addf %scan3A_333#0, %scan3A_333#2 : vector<16xf32>
      %swap3A_343 = arith.index_cast %add3A_277 : i32 to index
      %swap3A_344 = arith.constant 0 : index
      %swap3A_345 = tpu.vector_load %arg7[%swap3A_343, %swap3A_344] {strides = array<i32>} : memref<128x32xf32, #tpu.memory_space<vmem>>, vector<16xf32>,
      tpu.vector_store %arg7[%swap3A_343, %swap3A_344], %add3A_342 {strides = array<i32>} : memref<128x32xf32, #tpu.memory_space<vmem>>, vector<16xf32>,
      %add3A_346 = arith.addf %scan3A_333#1, %scan3A_333#3 : vector<16xf32>
      %swap3A_347 = arith.index_cast %add3A_277 : i32 to index
      %swap3A_348 = arith.constant 16 : index
      %swap3A_349 = tpu.vector_load %arg7[%swap3A_347, %swap3A_348] {strides = array<i32>} : memref<128x32xf32, #tpu.memory_space<vmem>>, vector<16xf32>,
      tpu.vector_store %arg7[%swap3A_347, %swap3A_348], %add3A_346 {strides = array<i32>} : memref<128x32xf32, #tpu.memory_space<vmem>>, vector<16xf32>,
      %mul3A_350 = arith.constant 4 : i32
      %mul3A_351 = arith.muli %mul3A_350, %scan3A_127 : i32
      %add3A_352 = arith.constant 3 : i32
      %add3A_353 = arith.addi %mul3A_351, %add3A_352 : i32
      %broadcast_in_dim3A_354 = arith.constant 0.000000e+00 : f32
      %broadcast_in_dim3A_355 = vector.broadcast %broadcast_in_dim3A_354 : f32 to vector<16xf32>
      %broadcast_in_dim3A_356 = arith.constant 0.000000e+00 : f32
      %broadcast_in_dim3A_357 = vector.broadcast %broadcast_in_dim3A_356 : f32 to vector<16xf32>
      %broadcast_in_dim3A_358 = arith.constant 0.000000e+00 : f32
      %broadcast_in_dim3A_359 = vector.broadcast %broadcast_in_dim3A_358 : f32 to vector<16xf32>
      %broadcast_in_dim3A_360 = arith.constant 0.000000e+00 : f32
      %broadcast_in_dim3A_361 = vector.broadcast %broadcast_in_dim3A_360 : f32 to vector<16xf32>
      %dma_wait3A_362 = arith.constant 0 : i32
      %dma_wait3A_363 = arith.constant 6 : i32
      %dma_wait3A_364 = arith.constant 6 : i32
      %dma_wait3A_365 = arith.constant 0 : i32
      %dma_wait3A_366 = arith.constant 0 : i32
      %dma_wait3A_367 = tpu.memref_slice %arg6[%dma_wait3A_363, %dma_wait3A_365, %dma_wait3A_366] : memref<8x128x32xf32, #tpu.memory_space<vmem>> -> memref<1x128x32xf32, #tpu.memory_space<vmem>>
      %dma_wait3A_368 = tpu.memref_squeeze %dma_wait3A_367 : memref<1x128x32xf32, #tpu.memory_space<vmem>> -> memref<128x32xf32, #tpu.memory_space<vmem>>
      %dma_wait3A_369 = arith.constant 0 : i32
      %dma_wait3A_370 = tpu.memref_slice %arg5[%dma_wait3A_362, %dma_wait3A_369] : memref<128x200xi32, #tpu.memory_space<vmem>> -> memref<1x128xi32, #tpu.memory_space<vmem>>
      %dma_wait3A_371 = tpu.memref_squeeze %dma_wait3A_370 : memref<1x128xi32, #tpu.memory_space<vmem>> -> memref<128xi32, #tpu.memory_space<vmem>>
      %dma_wait3A_372 = arith.constant 0 : i32
      %dma_wait3A_373 = arith.constant 0 : i32
      %dma_wait3A_374 = tpu.memref_slice %arg3[%dma_wait3A_372, %dma_wait3A_373] : memref<100001x32xf32, #tpu.memory_space<hbm>> -> memref<100001x32xf32, #tpu.memory_space<hbm>>
      %dma_wait3A_375 = tpu.memref_slice %arg8[%dma_wait3A_364] : memref<8x!tpu.dma_semaphore, #tpu.memory_space<semaphore_mem>> -> memref<1x!tpu.dma_semaphore, #tpu.memory_space<semaphore_mem>>
      %dma_wait3A_376 = tpu.memref_squeeze %dma_wait3A_375 : memref<1x!tpu.dma_semaphore, #tpu.memory_space<semaphore_mem>> -> memref<!tpu.dma_semaphore, #tpu.memory_space<semaphore_mem>>
      tpu.wait_indirect_dma semaphore(%dma_wait3A_376 : memref<!tpu.dma_semaphore, #tpu.memory_space<semaphore_mem>>) src(%dma_wait3A_374 : memref<100001x32xf32, #tpu.memory_space<hbm>>) dst(%dma_wait3A_368 : memref<128x32xf32, #tpu.memory_space<vmem>>)
      %scan3A_377 = arith.constant 0 : i32
      %scan3A_378 = arith.constant 32 : i32
      %scan3A_379 = arith.addi %scan3A_377, %scan3A_378 : i32
      %scan3A_380 = arith.constant 1 : i32
      %scan3A_381:4 = scf.for %scan3A_426 = %scan3A_377 to %scan3A_379 step %scan3A_380 iter_args(%scan3A_427 = %broadcast_in_dim3A_355, %scan3A_428 = %broadcast_in_dim3A_357, %scan3A_429 = %broadcast_in_dim3A_359, %scan3A_430 = %broadcast_in_dim3A_361) -> (vector<16xf32>, vector<16xf32>, vector<16xf32>, vector<16xf32>)  : i32 {
        %mul3A_431 = arith.constant 4 : i32
        %mul3A_432 = arith.muli %scan3A_426, %mul3A_431 : i32
        %add3A_433 = arith.constant 0 : i32
        %add3A_434 = arith.addi %mul3A_432, %add3A_433 : i32
        %get3A = arith.constant 6 : i32
        %get3A_435 = arith.index_cast %get3A : i32 to index
        %get3A_436 = arith.index_cast %add3A_434 : i32 to index
        %get3A_437 = arith.constant 0 : index
        %get3A_438 = tpu.vector_load %arg6[%get3A_435, %get3A_436, %get3A_437] {strides = array<i32>} : memref<8x128x32xf32, #tpu.memory_space<vmem>>, vector<16xf32>,
        %add3A_439 = arith.addf %scan3A_427, %get3A_438 : vector<16xf32>
        %get3A_440 = arith.constant 6 : i32
        %get3A_441 = arith.index_cast %get3A_440 : i32 to index
        %get3A_442 = arith.index_cast %add3A_434 : i32 to index
        %get3A_443 = arith.constant 16 : index
        %get3A_444 = tpu.vector_load %arg6[%get3A_441, %get3A_442, %get3A_443] {strides = array<i32>} : memref<8x128x32xf32, #tpu.memory_space<vmem>>, vector<16xf32>,
        %add3A_445 = arith.addf %scan3A_428, %get3A_444 : vector<16xf32>
        %add3A_446 = arith.constant 1 : i32
        %add3A_447 = arith.addi %add3A_434, %add3A_446 : i32
        %get3A_448 = arith.constant 6 : i32
        %get3A_449 = arith.index_cast %get3A_448 : i32 to index
        %get3A_450 = arith.index_cast %add3A_447 : i32 to index
        %get3A_451 = arith.constant 0 : index
        %get3A_452 = tpu.vector_load %arg6[%get3A_449, %get3A_450, %get3A_451] {strides = array<i32>} : memref<8x128x32xf32, #tpu.memory_space<vmem>>, vector<16xf32>,
        %add3A_453 = arith.addf %scan3A_429, %get3A_452 : vector<16xf32>
        %add3A_454 = arith.constant 1 : i32
        %add3A_455 = arith.addi %add3A_434, %add3A_454 : i32
        %get3A_456 = arith.constant 6 : i32
        %get3A_457 = arith.index_cast %get3A_456 : i32 to index
        %get3A_458 = arith.index_cast %add3A_455 : i32 to index
        %get3A_459 = arith.constant 16 : index
        %get3A_460 = tpu.vector_load %arg6[%get3A_457, %get3A_458, %get3A_459] {strides = array<i32>} : memref<8x128x32xf32, #tpu.memory_space<vmem>>, vector<16xf32>,
        %add3A_461 = arith.addf %scan3A_430, %get3A_460 : vector<16xf32>
        %mul3A_462 = arith.constant 4 : i32
        %mul3A_463 = arith.muli %scan3A_426, %mul3A_462 : i32
        %add3A_464 = arith.constant 2 : i32
        %add3A_465 = arith.addi %mul3A_463, %add3A_464 : i32
        %get3A_466 = arith.constant 6 : i32
        %get3A_467 = arith.index_cast %get3A_466 : i32 to index
        %get3A_468 = arith.index_cast %add3A_465 : i32 to index
        %get3A_469 = arith.constant 0 : index
        %get3A_470 = tpu.vector_load %arg6[%get3A_467, %get3A_468, %get3A_469] {strides = array<i32>} : memref<8x128x32xf32, #tpu.memory_space<vmem>>, vector<16xf32>,
        %add3A_471 = arith.addf %add3A_439, %get3A_470 : vector<16xf32>
        %get3A_472 = arith.constant 6 : i32
        %get3A_473 = arith.index_cast %get3A_472 : i32 to index
        %get3A_474 = arith.index_cast %add3A_465 : i32 to index
        %get3A_475 = arith.constant 16 : index
        %get3A_476 = tpu.vector_load %arg6[%get3A_473, %get3A_474, %get3A_475] {strides = array<i32>} : memref<8x128x32xf32, #tpu.memory_space<vmem>>, vector<16xf32>,
        %add3A_477 = arith.addf %add3A_445, %get3A_476 : vector<16xf32>
        %add3A_478 = arith.constant 1 : i32
        %add3A_479 = arith.addi %add3A_465, %add3A_478 : i32
        %get3A_480 = arith.constant 6 : i32
        %get3A_481 = arith.index_cast %get3A_480 : i32 to index
        %get3A_482 = arith.index_cast %add3A_479 : i32 to index
        %get3A_483 = arith.constant 0 : index
        %get3A_484 = tpu.vector_load %arg6[%get3A_481, %get3A_482, %get3A_483] {strides = array<i32>} : memref<8x128x32xf32, #tpu.memory_space<vmem>>, vector<16xf32>,
        %add3A_485 = arith.addf %add3A_453, %get3A_484 : vector<16xf32>
        %add3A_486 = arith.constant 1 : i32
        %add3A_487 = arith.addi %add3A_465, %add3A_486 : i32
        %get3A_488 = arith.constant 6 : i32
        %get3A_489 = arith.index_cast %get3A_488 : i32 to index
        %get3A_490 = arith.index_cast %add3A_487 : i32 to index
        %get3A_491 = arith.constant 16 : index
        %get3A_492 = tpu.vector_load %arg6[%get3A_489, %get3A_490, %get3A_491] {strides = array<i32>} : memref<8x128x32xf32, #tpu.memory_space<vmem>>, vector<16xf32>,
        %add3A_493 = arith.addf %add3A_461, %get3A_492 : vector<16xf32>
        scf.yield %add3A_471, %add3A_477, %add3A_485, %add3A_493 : vector<16xf32>, vector<16xf32>, vector<16xf32>, vector<16xf32>
      }
      %scan3A_382 = arith.constant 32 : i32
      %add3A_383 = arith.constant 4 : i32
      %add3A_384 = arith.addi %add3A_353, %add3A_383 : i32
      %lt3A_385 = arith.constant 128 : i32
      %lt3A_386 = arith.cmpi slt, %add3A_384, %lt3A_385 : i32
      %convert_element_type3A_387 = arith.extui %lt3A_386 : i1 to i32
      %cond3A_388 = arith.constant 0 : i32
      %cond3A_389 = arith.cmpi ne, %convert_element_type3A_387, %cond3A_388 : i32
      scf.if %cond3A_389 {
        %add3A_426 = arith.constant 4 : i32
        %add3A_427 = arith.addi %add3A_353, %add3A_426 : i32
        %dma_start3A_428 = arith.constant 6 : i32
        %dma_start3A_429 = arith.constant 6 : i32
        %dma_start3A_430 = arith.constant 0 : i32
        %dma_start3A_431 = arith.constant 0 : i32
        %dma_start3A_432 = tpu.memref_slice %arg6[%dma_start3A_428, %dma_start3A_430, %dma_start3A_431] : memref<8x128x32xf32, #tpu.memory_space<vmem>> -> memref<1x128x32xf32, #tpu.memory_space<vmem>>
        %dma_start3A_433 = tpu.memref_squeeze %dma_start3A_432 : memref<1x128x32xf32, #tpu.memory_space<vmem>> -> memref<128x32xf32, #tpu.memory_space<vmem>>
        %dma_start3A_434 = arith.constant 0 : i32
        %dma_start3A_435 = tpu.memref_slice %arg5[%add3A_427, %dma_start3A_434] : memref<128x200xi32, #tpu.memory_space<vmem>> -> memref<1x128xi32, #tpu.memory_space<vmem>>
        %dma_start3A_436 = tpu.memref_squeeze %dma_start3A_435 : memref<1x128xi32, #tpu.memory_space<vmem>> -> memref<128xi32, #tpu.memory_space<vmem>>
        %dma_start3A_437 = arith.constant 0 : i32
        %dma_start3A_438 = arith.constant 0 : i32
        %dma_start3A_439 = tpu.memref_slice %arg3[%dma_start3A_437, %dma_start3A_438] : memref<100001x32xf32, #tpu.memory_space<hbm>> -> memref<100001x32xf32, #tpu.memory_space<hbm>>
        %dma_start3A_440 = tpu.memref_slice %arg8[%dma_start3A_429] : memref<8x!tpu.dma_semaphore, #tpu.memory_space<semaphore_mem>> -> memref<1x!tpu.dma_semaphore, #tpu.memory_space<semaphore_mem>>
        %dma_start3A_441 = tpu.memref_squeeze %dma_start3A_440 : memref<1x!tpu.dma_semaphore, #tpu.memory_space<semaphore_mem>> -> memref<!tpu.dma_semaphore, #tpu.memory_space<semaphore_mem>>
        tpu.enqueue_indirect_dma source(%dma_start3A_439 : memref<100001x32xf32, #tpu.memory_space<hbm>>) target(%dma_start3A_433 : memref<128x32xf32, #tpu.memory_space<vmem>>) offsets(%dma_start3A_436 : memref<128xi32, #tpu.memory_space<vmem>>) semaphore(%dma_start3A_441 : memref<!tpu.dma_semaphore, #tpu.memory_space<semaphore_mem>>)
      } else {
      }
      %dma_wait3A_390 = arith.constant 0 : i32
      %dma_wait3A_391 = arith.constant 7 : i32
      %dma_wait3A_392 = arith.constant 7 : i32
      %dma_wait3A_393 = arith.constant 0 : i32
      %dma_wait3A_394 = arith.constant 0 : i32
      %dma_wait3A_395 = tpu.memref_slice %arg6[%dma_wait3A_391, %dma_wait3A_393, %dma_wait3A_394] : memref<8x128x32xf32, #tpu.memory_space<vmem>> -> memref<1x72x32xf32, #tpu.memory_space<vmem>>
      %dma_wait3A_396 = tpu.memref_squeeze %dma_wait3A_395 : memref<1x72x32xf32, #tpu.memory_space<vmem>> -> memref<72x32xf32, #tpu.memory_space<vmem>>
      %dma_wait3A_397 = arith.constant 128 : i32
      %dma_wait3A_398 = tpu.memref_slice %arg5[%dma_wait3A_390, %dma_wait3A_397] : memref<128x200xi32, #tpu.memory_space<vmem>> -> memref<1x72xi32, #tpu.memory_space<vmem>>
      %dma_wait3A_399 = tpu.memref_squeeze %dma_wait3A_398 : memref<1x72xi32, #tpu.memory_space<vmem>> -> memref<72xi32, #tpu.memory_space<vmem>>
      %dma_wait3A_400 = arith.constant 0 : i32
      %dma_wait3A_401 = arith.constant 0 : i32
      %dma_wait3A_402 = tpu.memref_slice %arg3[%dma_wait3A_400, %dma_wait3A_401] : memref<100001x32xf32, #tpu.memory_space<hbm>> -> memref<100001x32xf32, #tpu.memory_space<hbm>>
      %dma_wait3A_403 = tpu.memref_slice %arg8[%dma_wait3A_392] : memref<8x!tpu.dma_semaphore, #tpu.memory_space<semaphore_mem>> -> memref<1x!tpu.dma_semaphore, #tpu.memory_space<semaphore_mem>>
      %dma_wait3A_404 = tpu.memref_squeeze %dma_wait3A_403 : memref<1x!tpu.dma_semaphore, #tpu.memory_space<semaphore_mem>> -> memref<!tpu.dma_semaphore, #tpu.memory_space<semaphore_mem>>
      tpu.wait_indirect_dma semaphore(%dma_wait3A_404 : memref<!tpu.dma_semaphore, #tpu.memory_space<semaphore_mem>>) src(%dma_wait3A_402 : memref<100001x32xf32, #tpu.memory_space<hbm>>) dst(%dma_wait3A_396 : memref<72x32xf32, #tpu.memory_space<vmem>>)
      %scan3A_405 = arith.constant 0 : i32
      %scan3A_406 = arith.constant 18 : i32
      %scan3A_407 = arith.addi %scan3A_405, %scan3A_406 : i32
      %scan3A_408 = arith.constant 1 : i32
      %scan3A_409:4 = scf.for %scan3A_426 = %scan3A_405 to %scan3A_407 step %scan3A_408 iter_args(%scan3A_427 = %scan3A_381#0, %scan3A_428 = %scan3A_381#1, %scan3A_429 = %scan3A_381#2, %scan3A_430 = %scan3A_381#3) -> (vector<16xf32>, vector<16xf32>, vector<16xf32>, vector<16xf32>)  : i32 {
        %mul3A_431 = arith.constant 4 : i32
        %mul3A_432 = arith.muli %scan3A_426, %mul3A_431 : i32
        %add3A_433 = arith.constant 0 : i32
        %add3A_434 = arith.addi %mul3A_432, %add3A_433 : i32
        %get3A = arith.constant 7 : i32
        %get3A_435 = arith.index_cast %get3A : i32 to index
        %get3A_436 = arith.index_cast %add3A_434 : i32 to index
        %get3A_437 = arith.constant 0 : index
        %get3A_438 = tpu.vector_load %arg6[%get3A_435, %get3A_436, %get3A_437] {strides = array<i32>} : memref<8x128x32xf32, #tpu.memory_space<vmem>>, vector<16xf32>,
        %add3A_439 = arith.addf %scan3A_427, %get3A_438 : vector<16xf32>
        %get3A_440 = arith.constant 7 : i32
        %get3A_441 = arith.index_cast %get3A_440 : i32 to index
        %get3A_442 = arith.index_cast %add3A_434 : i32 to index
        %get3A_443 = arith.constant 16 : index
        %get3A_444 = tpu.vector_load %arg6[%get3A_441, %get3A_442, %get3A_443] {strides = array<i32>} : memref<8x128x32xf32, #tpu.memory_space<vmem>>, vector<16xf32>,
        %add3A_445 = arith.addf %scan3A_428, %get3A_444 : vector<16xf32>
        %add3A_446 = arith.constant 1 : i32
        %add3A_447 = arith.addi %add3A_434, %add3A_446 : i32
        %get3A_448 = arith.constant 7 : i32
        %get3A_449 = arith.index_cast %get3A_448 : i32 to index
        %get3A_450 = arith.index_cast %add3A_447 : i32 to index
        %get3A_451 = arith.constant 0 : index
        %get3A_452 = tpu.vector_load %arg6[%get3A_449, %get3A_450, %get3A_451] {strides = array<i32>} : memref<8x128x32xf32, #tpu.memory_space<vmem>>, vector<16xf32>,
        %add3A_453 = arith.addf %scan3A_429, %get3A_452 : vector<16xf32>
        %add3A_454 = arith.constant 1 : i32
        %add3A_455 = arith.addi %add3A_434, %add3A_454 : i32
        %get3A_456 = arith.constant 7 : i32
        %get3A_457 = arith.index_cast %get3A_456 : i32 to index
        %get3A_458 = arith.index_cast %add3A_455 : i32 to index
        %get3A_459 = arith.constant 16 : index
        %get3A_460 = tpu.vector_load %arg6[%get3A_457, %get3A_458, %get3A_459] {strides = array<i32>} : memref<8x128x32xf32, #tpu.memory_space<vmem>>, vector<16xf32>,
        %add3A_461 = arith.addf %scan3A_430, %get3A_460 : vector<16xf32>
        %mul3A_462 = arith.constant 4 : i32
        %mul3A_463 = arith.muli %scan3A_426, %mul3A_462 : i32
        %add3A_464 = arith.constant 2 : i32
        %add3A_465 = arith.addi %mul3A_463, %add3A_464 : i32
        %get3A_466 = arith.constant 7 : i32
        %get3A_467 = arith.index_cast %get3A_466 : i32 to index
        %get3A_468 = arith.index_cast %add3A_465 : i32 to index
        %get3A_469 = arith.constant 0 : index
        %get3A_470 = tpu.vector_load %arg6[%get3A_467, %get3A_468, %get3A_469] {strides = array<i32>} : memref<8x128x32xf32, #tpu.memory_space<vmem>>, vector<16xf32>,
        %add3A_471 = arith.addf %add3A_439, %get3A_470 : vector<16xf32>
        %get3A_472 = arith.constant 7 : i32
        %get3A_473 = arith.index_cast %get3A_472 : i32 to index
        %get3A_474 = arith.index_cast %add3A_465 : i32 to index
        %get3A_475 = arith.constant 16 : index
        %get3A_476 = tpu.vector_load %arg6[%get3A_473, %get3A_474, %get3A_475] {strides = array<i32>} : memref<8x128x32xf32, #tpu.memory_space<vmem>>, vector<16xf32>,
        %add3A_477 = arith.addf %add3A_445, %get3A_476 : vector<16xf32>
        %add3A_478 = arith.constant 1 : i32
        %add3A_479 = arith.addi %add3A_465, %add3A_478 : i32
        %get3A_480 = arith.constant 7 : i32
        %get3A_481 = arith.index_cast %get3A_480 : i32 to index
        %get3A_482 = arith.index_cast %add3A_479 : i32 to index
        %get3A_483 = arith.constant 0 : index
        %get3A_484 = tpu.vector_load %arg6[%get3A_481, %get3A_482, %get3A_483] {strides = array<i32>} : memref<8x128x32xf32, #tpu.memory_space<vmem>>, vector<16xf32>,
        %add3A_485 = arith.addf %add3A_453, %get3A_484 : vector<16xf32>
        %add3A_486 = arith.constant 1 : i32
        %add3A_487 = arith.addi %add3A_465, %add3A_486 : i32
        %get3A_488 = arith.constant 7 : i32
        %get3A_489 = arith.index_cast %get3A_488 : i32 to index
        %get3A_490 = arith.index_cast %add3A_487 : i32 to index
        %get3A_491 = arith.constant 16 : index
        %get3A_492 = tpu.vector_load %arg6[%get3A_489, %get3A_490, %get3A_491] {strides = array<i32>} : memref<8x128x32xf32, #tpu.memory_space<vmem>>, vector<16xf32>,
        %add3A_493 = arith.addf %add3A_461, %get3A_492 : vector<16xf32>
        scf.yield %add3A_471, %add3A_477, %add3A_485, %add3A_493 : vector<16xf32>, vector<16xf32>, vector<16xf32>, vector<16xf32>
      }
      %scan3A_410 = arith.constant 18 : i32
      %add3A_411 = arith.constant 4 : i32
      %add3A_412 = arith.addi %add3A_353, %add3A_411 : i32
      %lt3A_413 = arith.constant 128 : i32
      %lt3A_414 = arith.cmpi slt, %add3A_412, %lt3A_413 : i32
      %convert_element_type3A_415 = arith.extui %lt3A_414 : i1 to i32
      %cond3A_416 = arith.constant 0 : i32
      %cond3A_417 = arith.cmpi ne, %convert_element_type3A_415, %cond3A_416 : i32
      scf.if %cond3A_417 {
        %add3A_426 = arith.constant 4 : i32
        %add3A_427 = arith.addi %add3A_353, %add3A_426 : i32
        %dma_start3A_428 = arith.constant 7 : i32
        %dma_start3A_429 = arith.constant 7 : i32
        %dma_start3A_430 = arith.constant 0 : i32
        %dma_start3A_431 = arith.constant 0 : i32
        %dma_start3A_432 = tpu.memref_slice %arg6[%dma_start3A_428, %dma_start3A_430, %dma_start3A_431] : memref<8x128x32xf32, #tpu.memory_space<vmem>> -> memref<1x72x32xf32, #tpu.memory_space<vmem>>
        %dma_start3A_433 = tpu.memref_squeeze %dma_start3A_432 : memref<1x72x32xf32, #tpu.memory_space<vmem>> -> memref<72x32xf32, #tpu.memory_space<vmem>>
        %dma_start3A_434 = arith.constant 128 : i32
        %dma_start3A_435 = tpu.memref_slice %arg5[%add3A_427, %dma_start3A_434] : memref<128x200xi32, #tpu.memory_space<vmem>> -> memref<1x72xi32, #tpu.memory_space<vmem>>
        %dma_start3A_436 = tpu.memref_squeeze %dma_start3A_435 : memref<1x72xi32, #tpu.memory_space<vmem>> -> memref<72xi32, #tpu.memory_space<vmem>>
        %dma_start3A_437 = arith.constant 0 : i32
        %dma_start3A_438 = arith.constant 0 : i32
        %dma_start3A_439 = tpu.memref_slice %arg3[%dma_start3A_437, %dma_start3A_438] : memref<100001x32xf32, #tpu.memory_space<hbm>> -> memref<100001x32xf32, #tpu.memory_space<hbm>>
        %dma_start3A_440 = tpu.memref_slice %arg8[%dma_start3A_429] : memref<8x!tpu.dma_semaphore, #tpu.memory_space<semaphore_mem>> -> memref<1x!tpu.dma_semaphore, #tpu.memory_space<semaphore_mem>>
        %dma_start3A_441 = tpu.memref_squeeze %dma_start3A_440 : memref<1x!tpu.dma_semaphore, #tpu.memory_space<semaphore_mem>> -> memref<!tpu.dma_semaphore, #tpu.memory_space<semaphore_mem>>
        tpu.enqueue_indirect_dma source(%dma_start3A_439 : memref<100001x32xf32, #tpu.memory_space<hbm>>) target(%dma_start3A_433 : memref<72x32xf32, #tpu.memory_space<vmem>>) offsets(%dma_start3A_436 : memref<72xi32, #tpu.memory_space<vmem>>) semaphore(%dma_start3A_441 : memref<!tpu.dma_semaphore, #tpu.memory_space<semaphore_mem>>)
      } else {
      }
      %add3A_418 = arith.addf %scan3A_409#0, %scan3A_409#2 : vector<16xf32>
      %swap3A_419 = arith.index_cast %add3A_353 : i32 to index
      %swap3A_420 = arith.constant 0 : index
      %swap3A_421 = tpu.vector_load %arg7[%swap3A_419, %swap3A_420] {strides = array<i32>} : memref<128x32xf32, #tpu.memory_space<vmem>>, vector<16xf32>,
      tpu.vector_store %arg7[%swap3A_419, %swap3A_420], %add3A_418 {strides = array<i32>} : memref<128x32xf32, #tpu.memory_space<vmem>>, vector<16xf32>,
      %add3A_422 = arith.addf %scan3A_409#1, %scan3A_409#3 : vector<16xf32>
      %swap3A_423 = arith.index_cast %add3A_353 : i32 to index
      %swap3A_424 = arith.constant 16 : index
      %swap3A_425 = tpu.vector_load %arg7[%swap3A_423, %swap3A_424] {strides = array<i32>} : memref<128x32xf32, #tpu.memory_space<vmem>>, vector<16xf32>,
      tpu.vector_store %arg7[%swap3A_423, %swap3A_424], %add3A_422 {strides = array<i32>} : memref<128x32xf32, #tpu.memory_space<vmem>>, vector<16xf32>,
    }
    %scan3A_126 = arith.constant 32 : i32
    "tpu.region"() ({
      %run_scoped3A = tpu.sem_alloc : memref<!tpu.dma_semaphore, #tpu.memory_space<semaphore_mem>>
      %dma_start3A_127 = arith.constant 0 : i32
      %dma_start3A_128 = tpu.memref_slice %arg4[%mul3A_2, %dma_start3A_127] : memref<4096x32xf32, #tpu.memory_space<hbm>> -> memref<128x32xf32, #tpu.memory_space<hbm>>
      %dma_start3A_129 = arith.constant 0 : i32
      %dma_start3A_130 = tpu.memref_slice %arg4[%mul3A_2, %dma_start3A_129] : memref<4096x32xf32, #tpu.memory_space<hbm>> -> memref<128x32xf32, #tpu.memory_space<hbm>>
      tpu.enqueue_dma source(%arg7 : memref<128x32xf32, #tpu.memory_space<vmem>>) target(%dma_start3A_130 : memref<128x32xf32, #tpu.memory_space<hbm>>) target_semaphore(%run_scoped3A : memref<!tpu.dma_semaphore, #tpu.memory_space<semaphore_mem>>)
      %dma_wait3A = arith.constant 0 : i32
      %dma_wait3A_131 = tpu.memref_slice %arg4[%mul3A_2, %dma_wait3A] : memref<4096x32xf32, #tpu.memory_space<hbm>> -> memref<128x32xf32, #tpu.memory_space<hbm>>
      %dma_wait3A_132 = arith.constant 0 : i32
      %dma_wait3A_133 = tpu.memref_slice %arg4[%mul3A_2, %dma_wait3A_132] : memref<4096x32xf32, #tpu.memory_space<hbm>> -> memref<128x32xf32, #tpu.memory_space<hbm>>
      tpu.wait_dma2 semaphore(%run_scoped3A : memref<!tpu.dma_semaphore, #tpu.memory_space<semaphore_mem>>) src(%arg7 : memref<128x32xf32, #tpu.memory_space<vmem>>) dst(%dma_wait3A_133 : memref<128x32xf32, #tpu.memory_space<hbm>>)
      tpu.yield
    }) : () -> ()
    return
  }
}

#map = affine_map<(d0, d1) -> (0, 0)>
module attributes {stable_mosaic.version = 14 : i64} {
  func.func @sc_bag(%arg0: i32, %arg1: i32, %arg2: memref<4096x200xi32, #tpu.memory_space<hbm>>, %arg3: memref<100001x32xf32, #tpu.memory_space<hbm>>, %arg4: memref<4096x32xf32, #tpu.memory_space<hbm>>, %arg5: memref<128x200xi32, #tpu.memory_space<vmem>>, %arg6: memref<8x128x32xf32, #tpu.memory_space<vmem>>, %arg7: memref<128x32xf32, #tpu.memory_space<vmem>>, %arg8: memref<8x!tpu.dma_semaphore, #tpu.memory_space<semaphore_mem>>) attributes {dimension_semantics = [#tpu.dimension_semantics<core_parallel>, #tpu.dimension_semantics<subcore_parallel>], iteration_bounds = array<i64: 2, 16>, scalar_prefetch = 0 : i64, scratch_operands = 4 : i64, tpu.core_type = #tpu.core_type<sc_vector_subcore>, window_params = [{transform_indices = #map}, {transform_indices = #map}, {transform_indices = #map}]} {
    %mul3A = arith.constant 16 : i32
    %mul3A_0 = arith.muli %arg0, %mul3A : i32
    %add3A = arith.addi %mul3A_0, %arg1 : i32
    %mul3A_1 = arith.constant 128 : i32
    %mul3A_2 = arith.muli %add3A, %mul3A_1 : i32
    "tpu.region"() ({
      %run_scoped3A = tpu.sem_alloc : memref<!tpu.dma_semaphore, #tpu.memory_space<semaphore_mem>>
      %dma_start3A_127 = arith.constant 0 : i32
      %dma_start3A_128 = tpu.memref_slice %arg2[%mul3A_2, %dma_start3A_127] : memref<4096x200xi32, #tpu.memory_space<hbm>> -> memref<128x200xi32, #tpu.memory_space<hbm>>
      %dma_start3A_129 = arith.constant 0 : i32
      %dma_start3A_130 = tpu.memref_slice %arg2[%mul3A_2, %dma_start3A_129] : memref<4096x200xi32, #tpu.memory_space<hbm>> -> memref<128x200xi32, #tpu.memory_space<hbm>>
      tpu.enqueue_dma source(%dma_start3A_130 : memref<128x200xi32, #tpu.memory_space<hbm>>) target(%arg5 : memref<128x200xi32, #tpu.memory_space<vmem>>) target_semaphore(%run_scoped3A : memref<!tpu.dma_semaphore, #tpu.memory_space<semaphore_mem>>)
      %dma_wait3A = arith.constant 0 : i32
      %dma_wait3A_131 = tpu.memref_slice %arg2[%mul3A_2, %dma_wait3A] : memref<4096x200xi32, #tpu.memory_space<hbm>> -> memref<128x200xi32, #tpu.memory_space<hbm>>
      %dma_wait3A_132 = arith.constant 0 : i32
      %dma_wait3A_133 = tpu.memref_slice %arg2[%mul3A_2, %dma_wait3A_132] : memref<4096x200xi32, #tpu.memory_space<hbm>> -> memref<128x200xi32, #tpu.memory_space<hbm>>
      tpu.wait_dma2 semaphore(%run_scoped3A : memref<!tpu.dma_semaphore, #tpu.memory_space<semaphore_mem>>) src(%dma_wait3A_133 : memref<128x200xi32, #tpu.memory_space<hbm>>) dst(%arg5 : memref<128x200xi32, #tpu.memory_space<vmem>>)
      tpu.yield
    }) : () -> ()
    %dma_start3A = arith.constant 0 : i32
    %dma_start3A_3 = arith.constant 0 : i32
    %dma_start3A_4 = arith.constant 0 : i32
    %dma_start3A_5 = arith.constant 0 : i32
    %dma_start3A_6 = arith.constant 0 : i32
    %dma_start3A_7 = tpu.memref_slice %arg6[%dma_start3A_3, %dma_start3A_5, %dma_start3A_6] : memref<8x128x32xf32, #tpu.memory_space<vmem>> -> memref<1x128x32xf32, #tpu.memory_space<vmem>>
    %dma_start3A_8 = tpu.memref_squeeze %dma_start3A_7 : memref<1x128x32xf32, #tpu.memory_space<vmem>> -> memref<128x32xf32, #tpu.memory_space<vmem>>
    %dma_start3A_9 = arith.constant 0 : i32
    %dma_start3A_10 = tpu.memref_slice %arg5[%dma_start3A, %dma_start3A_9] : memref<128x200xi32, #tpu.memory_space<vmem>> -> memref<1x128xi32, #tpu.memory_space<vmem>>
    %dma_start3A_11 = tpu.memref_squeeze %dma_start3A_10 : memref<1x128xi32, #tpu.memory_space<vmem>> -> memref<128xi32, #tpu.memory_space<vmem>>
    %dma_start3A_12 = arith.constant 0 : i32
    %dma_start3A_13 = arith.constant 0 : i32
    %dma_start3A_14 = tpu.memref_slice %arg3[%dma_start3A_12, %dma_start3A_13] : memref<100001x32xf32, #tpu.memory_space<hbm>> -> memref<100001x32xf32, #tpu.memory_space<hbm>>
    %dma_start3A_15 = tpu.memref_slice %arg8[%dma_start3A_4] : memref<8x!tpu.dma_semaphore, #tpu.memory_space<semaphore_mem>> -> memref<1x!tpu.dma_semaphore, #tpu.memory_space<semaphore_mem>>
    %dma_start3A_16 = tpu.memref_squeeze %dma_start3A_15 : memref<1x!tpu.dma_semaphore, #tpu.memory_space<semaphore_mem>> -> memref<!tpu.dma_semaphore, #tpu.memory_space<semaphore_mem>>
    tpu.enqueue_indirect_dma source(%dma_start3A_14 : memref<100001x32xf32, #tpu.memory_space<hbm>>) target(%dma_start3A_8 : memref<128x32xf32, #tpu.memory_space<vmem>>) offsets(%dma_start3A_11 : memref<128xi32, #tpu.memory_space<vmem>>) semaphore(%dma_start3A_16 : memref<!tpu.dma_semaphore, #tpu.memory_space<semaphore_mem>>)
    %dma_start3A_17 = arith.constant 0 : i32
    %dma_start3A_18 = arith.constant 1 : i32
    %dma_start3A_19 = arith.constant 1 : i32
    %dma_start3A_20 = arith.constant 0 : i32
    %dma_start3A_21 = arith.constant 0 : i32
    %dma_start3A_22 = tpu.memref_slice %arg6[%dma_start3A_18, %dma_start3A_20, %dma_start3A_21] : memref<8x128x32xf32, #tpu.memory_space<vmem>> -> memref<1x72x32xf32, #tpu.memory_space<vmem>>
    %dma_start3A_23 = tpu.memref_squeeze %dma_start3A_22 : memref<1x72x32xf32, #tpu.memory_space<vmem>> -> memref<72x32xf32, #tpu.memory_space<vmem>>
    %dma_start3A_24 = arith.constant 128 : i32
    %dma_start3A_25 = tpu.memref_slice %arg5[%dma_start3A_17, %dma_start3A_24] : memref<128x200xi32, #tpu.memory_space<vmem>> -> memref<1x72xi32, #tpu.memory_space<vmem>>
    %dma_start3A_26 = tpu.memref_squeeze %dma_start3A_25 : memref<1x72xi32, #tpu.memory_space<vmem>> -> memref<72xi32, #tpu.memory_space<vmem>>
    %dma_start3A_27 = arith.constant 0 : i32
    %dma_start3A_28 = arith.constant 0 : i32
    %dma_start3A_29 = tpu.memref_slice %arg3[%dma_start3A_27, %dma_start3A_28] : memref<100001x32xf32, #tpu.memory_space<hbm>> -> memref<100001x32xf32, #tpu.memory_space<hbm>>
    %dma_start3A_30 = tpu.memref_slice %arg8[%dma_start3A_19] : memref<8x!tpu.dma_semaphore, #tpu.memory_space<semaphore_mem>> -> memref<1x!tpu.dma_semaphore, #tpu.memory_space<semaphore_mem>>
    %dma_start3A_31 = tpu.memref_squeeze %dma_start3A_30 : memref<1x!tpu.dma_semaphore, #tpu.memory_space<semaphore_mem>> -> memref<!tpu.dma_semaphore, #tpu.memory_space<semaphore_mem>>
    tpu.enqueue_indirect_dma source(%dma_start3A_29 : memref<100001x32xf32, #tpu.memory_space<hbm>>) target(%dma_start3A_23 : memref<72x32xf32, #tpu.memory_space<vmem>>) offsets(%dma_start3A_26 : memref<72xi32, #tpu.memory_space<vmem>>) semaphore(%dma_start3A_31 : memref<!tpu.dma_semaphore, #tpu.memory_space<semaphore_mem>>)
    %dma_start3A_32 = arith.constant 1 : i32
    %dma_start3A_33 = arith.constant 2 : i32
    %dma_start3A_34 = arith.constant 2 : i32
    %dma_start3A_35 = arith.constant 0 : i32
    %dma_start3A_36 = arith.constant 0 : i32
    %dma_start3A_37 = tpu.memref_slice %arg6[%dma_start3A_33, %dma_start3A_35, %dma_start3A_36] : memref<8x128x32xf32, #tpu.memory_space<vmem>> -> memref<1x128x32xf32, #tpu.memory_space<vmem>>
    %dma_start3A_38 = tpu.memref_squeeze %dma_start3A_37 : memref<1x128x32xf32, #tpu.memory_space<vmem>> -> memref<128x32xf32, #tpu.memory_space<vmem>>
    %dma_start3A_39 = arith.constant 0 : i32
    %dma_start3A_40 = tpu.memref_slice %arg5[%dma_start3A_32, %dma_start3A_39] : memref<128x200xi32, #tpu.memory_space<vmem>> -> memref<1x128xi32, #tpu.memory_space<vmem>>
    %dma_start3A_41 = tpu.memref_squeeze %dma_start3A_40 : memref<1x128xi32, #tpu.memory_space<vmem>> -> memref<128xi32, #tpu.memory_space<vmem>>
    %dma_start3A_42 = arith.constant 0 : i32
    %dma_start3A_43 = arith.constant 0 : i32
    %dma_start3A_44 = tpu.memref_slice %arg3[%dma_start3A_42, %dma_start3A_43] : memref<100001x32xf32, #tpu.memory_space<hbm>> -> memref<100001x32xf32, #tpu.memory_space<hbm>>
    %dma_start3A_45 = tpu.memref_slice %arg8[%dma_start3A_34] : memref<8x!tpu.dma_semaphore, #tpu.memory_space<semaphore_mem>> -> memref<1x!tpu.dma_semaphore, #tpu.memory_space<semaphore_mem>>
    %dma_start3A_46 = tpu.memref_squeeze %dma_start3A_45 : memref<1x!tpu.dma_semaphore, #tpu.memory_space<semaphore_mem>> -> memref<!tpu.dma_semaphore, #tpu.memory_space<semaphore_mem>>
    tpu.enqueue_indirect_dma source(%dma_start3A_44 : memref<100001x32xf32, #tpu.memory_space<hbm>>) target(%dma_start3A_38 : memref<128x32xf32, #tpu.memory_space<vmem>>) offsets(%dma_start3A_41 : memref<128xi32, #tpu.memory_space<vmem>>) semaphore(%dma_start3A_46 : memref<!tpu.dma_semaphore, #tpu.memory_space<semaphore_mem>>)
    %dma_start3A_47 = arith.constant 1 : i32
    %dma_start3A_48 = arith.constant 3 : i32
    %dma_start3A_49 = arith.constant 3 : i32
    %dma_start3A_50 = arith.constant 0 : i32
    %dma_start3A_51 = arith.constant 0 : i32
    %dma_start3A_52 = tpu.memref_slice %arg6[%dma_start3A_48, %dma_start3A_50, %dma_start3A_51] : memref<8x128x32xf32, #tpu.memory_space<vmem>> -> memref<1x72x32xf32, #tpu.memory_space<vmem>>
    %dma_start3A_53 = tpu.memref_squeeze %dma_start3A_52 : memref<1x72x32xf32, #tpu.memory_space<vmem>> -> memref<72x32xf32, #tpu.memory_space<vmem>>
    %dma_start3A_54 = arith.constant 128 : i32
    %dma_start3A_55 = tpu.memref_slice %arg5[%dma_start3A_47, %dma_start3A_54] : memref<128x200xi32, #tpu.memory_space<vmem>> -> memref<1x72xi32, #tpu.memory_space<vmem>>
    %dma_start3A_56 = tpu.memref_squeeze %dma_start3A_55 : memref<1x72xi32, #tpu.memory_space<vmem>> -> memref<72xi32, #tpu.memory_space<vmem>>
    %dma_start3A_57 = arith.constant 0 : i32
    %dma_start3A_58 = arith.constant 0 : i32
    %dma_start3A_59 = tpu.memref_slice %arg3[%dma_start3A_57, %dma_start3A_58] : memref<100001x32xf32, #tpu.memory_space<hbm>> -> memref<100001x32xf32, #tpu.memory_space<hbm>>
    %dma_start3A_60 = tpu.memref_slice %arg8[%dma_start3A_49] : memref<8x!tpu.dma_semaphore, #tpu.memory_space<semaphore_mem>> -> memref<1x!tpu.dma_semaphore, #tpu.memory_space<semaphore_mem>>
    %dma_start3A_61 = tpu.memref_squeeze %dma_start3A_60 : memref<1x!tpu.dma_semaphore, #tpu.memory_space<semaphore_mem>> -> memref<!tpu.dma_semaphore, #tpu.memory_space<semaphore_mem>>
    tpu.enqueue_indirect_dma source(%dma_start3A_59 : memref<100001x32xf32, #tpu.memory_space<hbm>>) target(%dma_start3A_53 : memref<72x32xf32, #tpu.memory_space<vmem>>) offsets(%dma_start3A_56 : memref<72xi32, #tpu.memory_space<vmem>>) semaphore(%dma_start3A_61 : memref<!tpu.dma_semaphore, #tpu.memory_space<semaphore_mem>>)
    %dma_start3A_62 = arith.constant 2 : i32
    %dma_start3A_63 = arith.constant 4 : i32
    %dma_start3A_64 = arith.constant 4 : i32
    %dma_start3A_65 = arith.constant 0 : i32
    %dma_start3A_66 = arith.constant 0 : i32
    %dma_start3A_67 = tpu.memref_slice %arg6[%dma_start3A_63, %dma_start3A_65, %dma_start3A_66] : memref<8x128x32xf32, #tpu.memory_space<vmem>> -> memref<1x128x32xf32, #tpu.memory_space<vmem>>
    %dma_start3A_68 = tpu.memref_squeeze %dma_start3A_67 : memref<1x128x32xf32, #tpu.memory_space<vmem>> -> memref<128x32xf32, #tpu.memory_space<vmem>>
    %dma_start3A_69 = arith.constant 0 : i32
    %dma_start3A_70 = tpu.memref_slice %arg5[%dma_start3A_62, %dma_start3A_69] : memref<128x200xi32, #tpu.memory_space<vmem>> -> memref<1x128xi32, #tpu.memory_space<vmem>>
    %dma_start3A_71 = tpu.memref_squeeze %dma_start3A_70 : memref<1x128xi32, #tpu.memory_space<vmem>> -> memref<128xi32, #tpu.memory_space<vmem>>
    %dma_start3A_72 = arith.constant 0 : i32
    %dma_start3A_73 = arith.constant 0 : i32
    %dma_start3A_74 = tpu.memref_slice %arg3[%dma_start3A_72, %dma_start3A_73] : memref<100001x32xf32, #tpu.memory_space<hbm>> -> memref<100001x32xf32, #tpu.memory_space<hbm>>
    %dma_start3A_75 = tpu.memref_slice %arg8[%dma_start3A_64] : memref<8x!tpu.dma_semaphore, #tpu.memory_space<semaphore_mem>> -> memref<1x!tpu.dma_semaphore, #tpu.memory_space<semaphore_mem>>
    %dma_start3A_76 = tpu.memref_squeeze %dma_start3A_75 : memref<1x!tpu.dma_semaphore, #tpu.memory_space<semaphore_mem>> -> memref<!tpu.dma_semaphore, #tpu.memory_space<semaphore_mem>>
    tpu.enqueue_indirect_dma source(%dma_start3A_74 : memref<100001x32xf32, #tpu.memory_space<hbm>>) target(%dma_start3A_68 : memref<128x32xf32, #tpu.memory_space<vmem>>) offsets(%dma_start3A_71 : memref<128xi32, #tpu.memory_space<vmem>>) semaphore(%dma_start3A_76 : memref<!tpu.dma_semaphore, #tpu.memory_space<semaphore_mem>>)
    %dma_start3A_77 = arith.constant 2 : i32
    %dma_start3A_78 = arith.constant 5 : i32
    %dma_start3A_79 = arith.constant 5 : i32
    %dma_start3A_80 = arith.constant 0 : i32
    %dma_start3A_81 = arith.constant 0 : i32
    %dma_start3A_82 = tpu.memref_slice %arg6[%dma_start3A_78, %dma_start3A_80, %dma_start3A_81] : memref<8x128x32xf32, #tpu.memory_space<vmem>> -> memref<1x72x32xf32, #tpu.memory_space<vmem>>
    %dma_start3A_83 = tpu.memref_squeeze %dma_start3A_82 : memref<1x72x32xf32, #tpu.memory_space<vmem>> -> memref<72x32xf32, #tpu.memory_space<vmem>>
    %dma_start3A_84 = arith.constant 128 : i32
    %dma_start3A_85 = tpu.memref_slice %arg5[%dma_start3A_77, %dma_start3A_84] : memref<128x200xi32, #tpu.memory_space<vmem>> -> memref<1x72xi32, #tpu.memory_space<vmem>>
    %dma_start3A_86 = tpu.memref_squeeze %dma_start3A_85 : memref<1x72xi32, #tpu.memory_space<vmem>> -> memref<72xi32, #tpu.memory_space<vmem>>
    %dma_start3A_87 = arith.constant 0 : i32
    %dma_start3A_88 = arith.constant 0 : i32
    %dma_start3A_89 = tpu.memref_slice %arg3[%dma_start3A_87, %dma_start3A_88] : memref<100001x32xf32, #tpu.memory_space<hbm>> -> memref<100001x32xf32, #tpu.memory_space<hbm>>
    %dma_start3A_90 = tpu.memref_slice %arg8[%dma_start3A_79] : memref<8x!tpu.dma_semaphore, #tpu.memory_space<semaphore_mem>> -> memref<1x!tpu.dma_semaphore, #tpu.memory_space<semaphore_mem>>
    %dma_start3A_91 = tpu.memref_squeeze %dma_start3A_90 : memref<1x!tpu.dma_semaphore, #tpu.memory_space<semaphore_mem>> -> memref<!tpu.dma_semaphore, #tpu.memory_space<semaphore_mem>>
    tpu.enqueue_indirect_dma source(%dma_start3A_89 : memref<100001x32xf32, #tpu.memory_space<hbm>>) target(%dma_start3A_83 : memref<72x32xf32, #tpu.memory_space<vmem>>) offsets(%dma_start3A_86 : memref<72xi32, #tpu.memory_space<vmem>>) semaphore(%dma_start3A_91 : memref<!tpu.dma_semaphore, #tpu.memory_space<semaphore_mem>>)
    %dma_start3A_92 = arith.constant 3 : i32
    %dma_start3A_93 = arith.constant 6 : i32
    %dma_start3A_94 = arith.constant 6 : i32
    %dma_start3A_95 = arith.constant 0 : i32
    %dma_start3A_96 = arith.constant 0 : i32
    %dma_start3A_97 = tpu.memref_slice %arg6[%dma_start3A_93, %dma_start3A_95, %dma_start3A_96] : memref<8x128x32xf32, #tpu.memory_space<vmem>> -> memref<1x128x32xf32, #tpu.memory_space<vmem>>
    %dma_start3A_98 = tpu.memref_squeeze %dma_start3A_97 : memref<1x128x32xf32, #tpu.memory_space<vmem>> -> memref<128x32xf32, #tpu.memory_space<vmem>>
    %dma_start3A_99 = arith.constant 0 : i32
    %dma_start3A_100 = tpu.memref_slice %arg5[%dma_start3A_92, %dma_start3A_99] : memref<128x200xi32, #tpu.memory_space<vmem>> -> memref<1x128xi32, #tpu.memory_space<vmem>>
    %dma_start3A_101 = tpu.memref_squeeze %dma_start3A_100 : memref<1x128xi32, #tpu.memory_space<vmem>> -> memref<128xi32, #tpu.memory_space<vmem>>
    %dma_start3A_102 = arith.constant 0 : i32
    %dma_start3A_103 = arith.constant 0 : i32
    %dma_start3A_104 = tpu.memref_slice %arg3[%dma_start3A_102, %dma_start3A_103] : memref<100001x32xf32, #tpu.memory_space<hbm>> -> memref<100001x32xf32, #tpu.memory_space<hbm>>
    %dma_start3A_105 = tpu.memref_slice %arg8[%dma_start3A_94] : memref<8x!tpu.dma_semaphore, #tpu.memory_space<semaphore_mem>> -> memref<1x!tpu.dma_semaphore, #tpu.memory_space<semaphore_mem>>
    %dma_start3A_106 = tpu.memref_squeeze %dma_start3A_105 : memref<1x!tpu.dma_semaphore, #tpu.memory_space<semaphore_mem>> -> memref<!tpu.dma_semaphore, #tpu.memory_space<semaphore_mem>>
    tpu.enqueue_indirect_dma source(%dma_start3A_104 : memref<100001x32xf32, #tpu.memory_space<hbm>>) target(%dma_start3A_98 : memref<128x32xf32, #tpu.memory_space<vmem>>) offsets(%dma_start3A_101 : memref<128xi32, #tpu.memory_space<vmem>>) semaphore(%dma_start3A_106 : memref<!tpu.dma_semaphore, #tpu.memory_space<semaphore_mem>>)
    %dma_start3A_107 = arith.constant 3 : i32
    %dma_start3A_108 = arith.constant 7 : i32
    %dma_start3A_109 = arith.constant 7 : i32
    %dma_start3A_110 = arith.constant 0 : i32
    %dma_start3A_111 = arith.constant 0 : i32
    %dma_start3A_112 = tpu.memref_slice %arg6[%dma_start3A_108, %dma_start3A_110, %dma_start3A_111] : memref<8x128x32xf32, #tpu.memory_space<vmem>> -> memref<1x72x32xf32, #tpu.memory_space<vmem>>
    %dma_start3A_113 = tpu.memref_squeeze %dma_start3A_112 : memref<1x72x32xf32, #tpu.memory_space<vmem>> -> memref<72x32xf32, #tpu.memory_space<vmem>>
    %dma_start3A_114 = arith.constant 128 : i32
    %dma_start3A_115 = tpu.memref_slice %arg5[%dma_start3A_107, %dma_start3A_114] : memref<128x200xi32, #tpu.memory_space<vmem>> -> memref<1x72xi32, #tpu.memory_space<vmem>>
    %dma_start3A_116 = tpu.memref_squeeze %dma_start3A_115 : memref<1x72xi32, #tpu.memory_space<vmem>> -> memref<72xi32, #tpu.memory_space<vmem>>
    %dma_start3A_117 = arith.constant 0 : i32
    %dma_start3A_118 = arith.constant 0 : i32
    %dma_start3A_119 = tpu.memref_slice %arg3[%dma_start3A_117, %dma_start3A_118] : memref<100001x32xf32, #tpu.memory_space<hbm>> -> memref<100001x32xf32, #tpu.memory_space<hbm>>
    %dma_start3A_120 = tpu.memref_slice %arg8[%dma_start3A_109] : memref<8x!tpu.dma_semaphore, #tpu.memory_space<semaphore_mem>> -> memref<1x!tpu.dma_semaphore, #tpu.memory_space<semaphore_mem>>
    %dma_start3A_121 = tpu.memref_squeeze %dma_start3A_120 : memref<1x!tpu.dma_semaphore, #tpu.memory_space<semaphore_mem>> -> memref<!tpu.dma_semaphore, #tpu.memory_space<semaphore_mem>>
    tpu.enqueue_indirect_dma source(%dma_start3A_119 : memref<100001x32xf32, #tpu.memory_space<hbm>>) target(%dma_start3A_113 : memref<72x32xf32, #tpu.memory_space<vmem>>) offsets(%dma_start3A_116 : memref<72xi32, #tpu.memory_space<vmem>>) semaphore(%dma_start3A_121 : memref<!tpu.dma_semaphore, #tpu.memory_space<semaphore_mem>>)
    %scan3A = arith.constant 0 : i32
    %scan3A_122 = arith.constant 0 : i32
    %scan3A_123 = arith.constant 32 : i32
    %scan3A_124 = arith.addi %scan3A_122, %scan3A_123 : i32
    %scan3A_125 = arith.constant 1 : i32
    scf.for %scan3A_127 = %scan3A_122 to %scan3A_124 step %scan3A_125  : i32 {
      %mul3A_128 = arith.constant 4 : i32
      %mul3A_129 = arith.muli %mul3A_128, %scan3A_127 : i32
      %add3A_130 = arith.constant 0 : i32
      %add3A_131 = arith.addi %mul3A_129, %add3A_130 : i32
      %broadcast_in_dim3A = arith.constant 0.000000e+00 : f32
      %broadcast_in_dim3A_132 = vector.broadcast %broadcast_in_dim3A : f32 to vector<16xf32>
      %broadcast_in_dim3A_133 = arith.constant 0.000000e+00 : f32
      %broadcast_in_dim3A_134 = vector.broadcast %broadcast_in_dim3A_133 : f32 to vector<16xf32>
      %broadcast_in_dim3A_135 = arith.constant 0.000000e+00 : f32
      %broadcast_in_dim3A_136 = vector.broadcast %broadcast_in_dim3A_135 : f32 to vector<16xf32>
      %broadcast_in_dim3A_137 = arith.constant 0.000000e+00 : f32
      %broadcast_in_dim3A_138 = vector.broadcast %broadcast_in_dim3A_137 : f32 to vector<16xf32>
      %dma_wait3A = arith.constant 0 : i32
      %dma_wait3A_139 = arith.constant 0 : i32
      %dma_wait3A_140 = arith.constant 0 : i32
      %dma_wait3A_141 = arith.constant 0 : i32
      %dma_wait3A_142 = arith.constant 0 : i32
      %dma_wait3A_143 = tpu.memref_slice %arg6[%dma_wait3A_139, %dma_wait3A_141, %dma_wait3A_142] : memref<8x128x32xf32, #tpu.memory_space<vmem>> -> memref<1x128x32xf32, #tpu.memory_space<vmem>>
      %dma_wait3A_144 = tpu.memref_squeeze %dma_wait3A_143 : memref<1x128x32xf32, #tpu.memory_space<vmem>> -> memref<128x32xf32, #tpu.memory_space<vmem>>
      %dma_wait3A_145 = arith.constant 0 : i32
      %dma_wait3A_146 = tpu.memref_slice %arg5[%dma_wait3A, %dma_wait3A_145] : memref<128x200xi32, #tpu.memory_space<vmem>> -> memref<1x128xi32, #tpu.memory_space<vmem>>
      %dma_wait3A_147 = tpu.memref_squeeze %dma_wait3A_146 : memref<1x128xi32, #tpu.memory_space<vmem>> -> memref<128xi32, #tpu.memory_space<vmem>>
      %dma_wait3A_148 = arith.constant 0 : i32
      %dma_wait3A_149 = arith.constant 0 : i32
      %dma_wait3A_150 = tpu.memref_slice %arg3[%dma_wait3A_148, %dma_wait3A_149] : memref<100001x32xf32, #tpu.memory_space<hbm>> -> memref<100001x32xf32, #tpu.memory_space<hbm>>
      %dma_wait3A_151 = tpu.memref_slice %arg8[%dma_wait3A_140] : memref<8x!tpu.dma_semaphore, #tpu.memory_space<semaphore_mem>> -> memref<1x!tpu.dma_semaphore, #tpu.memory_space<semaphore_mem>>
      %dma_wait3A_152 = tpu.memref_squeeze %dma_wait3A_151 : memref<1x!tpu.dma_semaphore, #tpu.memory_space<semaphore_mem>> -> memref<!tpu.dma_semaphore, #tpu.memory_space<semaphore_mem>>
      tpu.wait_indirect_dma semaphore(%dma_wait3A_152 : memref<!tpu.dma_semaphore, #tpu.memory_space<semaphore_mem>>) src(%dma_wait3A_150 : memref<100001x32xf32, #tpu.memory_space<hbm>>) dst(%dma_wait3A_144 : memref<128x32xf32, #tpu.memory_space<vmem>>)
      %scan3A_153 = arith.constant 0 : i32
      %scan3A_154 = arith.constant 32 : i32
      %scan3A_155 = arith.addi %scan3A_153, %scan3A_154 : i32
      %scan3A_156 = arith.constant 1 : i32
      %scan3A_157:4 = scf.for %scan3A_426 = %scan3A_153 to %scan3A_155 step %scan3A_156 iter_args(%scan3A_427 = %broadcast_in_dim3A_132, %scan3A_428 = %broadcast_in_dim3A_134, %scan3A_429 = %broadcast_in_dim3A_136, %scan3A_430 = %broadcast_in_dim3A_138) -> (vector<16xf32>, vector<16xf32>, vector<16xf32>, vector<16xf32>)  : i32 {
        %mul3A_431 = arith.constant 4 : i32
        %mul3A_432 = arith.muli %scan3A_426, %mul3A_431 : i32
        %add3A_433 = arith.constant 0 : i32
        %add3A_434 = arith.addi %mul3A_432, %add3A_433 : i32
        %get3A = arith.constant 0 : i32
        %get3A_435 = arith.index_cast %get3A : i32 to index
        %get3A_436 = arith.index_cast %add3A_434 : i32 to index
        %get3A_437 = arith.constant 0 : index
        %get3A_438 = tpu.vector_load %arg6[%get3A_435, %get3A_436, %get3A_437] {strides = array<i32>} : memref<8x128x32xf32, #tpu.memory_space<vmem>>, vector<16xf32>,
        %add3A_439 = arith.addf %scan3A_427, %get3A_438 : vector<16xf32>
        %get3A_440 = arith.constant 0 : i32
        %get3A_441 = arith.index_cast %get3A_440 : i32 to index
        %get3A_442 = arith.index_cast %add3A_434 : i32 to index
        %get3A_443 = arith.constant 16 : index
        %get3A_444 = tpu.vector_load %arg6[%get3A_441, %get3A_442, %get3A_443] {strides = array<i32>} : memref<8x128x32xf32, #tpu.memory_space<vmem>>, vector<16xf32>,
        %add3A_445 = arith.addf %scan3A_428, %get3A_444 : vector<16xf32>
        %add3A_446 = arith.constant 1 : i32
        %add3A_447 = arith.addi %add3A_434, %add3A_446 : i32
        %get3A_448 = arith.constant 0 : i32
        %get3A_449 = arith.index_cast %get3A_448 : i32 to index
        %get3A_450 = arith.index_cast %add3A_447 : i32 to index
        %get3A_451 = arith.constant 0 : index
        %get3A_452 = tpu.vector_load %arg6[%get3A_449, %get3A_450, %get3A_451] {strides = array<i32>} : memref<8x128x32xf32, #tpu.memory_space<vmem>>, vector<16xf32>,
        %add3A_453 = arith.addf %scan3A_429, %get3A_452 : vector<16xf32>
        %add3A_454 = arith.constant 1 : i32
        %add3A_455 = arith.addi %add3A_434, %add3A_454 : i32
        %get3A_456 = arith.constant 0 : i32
        %get3A_457 = arith.index_cast %get3A_456 : i32 to index
        %get3A_458 = arith.index_cast %add3A_455 : i32 to index
        %get3A_459 = arith.constant 16 : index
        %get3A_460 = tpu.vector_load %arg6[%get3A_457, %get3A_458, %get3A_459] {strides = array<i32>} : memref<8x128x32xf32, #tpu.memory_space<vmem>>, vector<16xf32>,
        %add3A_461 = arith.addf %scan3A_430, %get3A_460 : vector<16xf32>
        %mul3A_462 = arith.constant 4 : i32
        %mul3A_463 = arith.muli %scan3A_426, %mul3A_462 : i32
        %add3A_464 = arith.constant 2 : i32
        %add3A_465 = arith.addi %mul3A_463, %add3A_464 : i32
        %get3A_466 = arith.constant 0 : i32
        %get3A_467 = arith.index_cast %get3A_466 : i32 to index
        %get3A_468 = arith.index_cast %add3A_465 : i32 to index
        %get3A_469 = arith.constant 0 : index
        %get3A_470 = tpu.vector_load %arg6[%get3A_467, %get3A_468, %get3A_469] {strides = array<i32>} : memref<8x128x32xf32, #tpu.memory_space<vmem>>, vector<16xf32>,
        %add3A_471 = arith.addf %add3A_439, %get3A_470 : vector<16xf32>
        %get3A_472 = arith.constant 0 : i32
        %get3A_473 = arith.index_cast %get3A_472 : i32 to index
        %get3A_474 = arith.index_cast %add3A_465 : i32 to index
        %get3A_475 = arith.constant 16 : index
        %get3A_476 = tpu.vector_load %arg6[%get3A_473, %get3A_474, %get3A_475] {strides = array<i32>} : memref<8x128x32xf32, #tpu.memory_space<vmem>>, vector<16xf32>,
        %add3A_477 = arith.addf %add3A_445, %get3A_476 : vector<16xf32>
        %add3A_478 = arith.constant 1 : i32
        %add3A_479 = arith.addi %add3A_465, %add3A_478 : i32
        %get3A_480 = arith.constant 0 : i32
        %get3A_481 = arith.index_cast %get3A_480 : i32 to index
        %get3A_482 = arith.index_cast %add3A_479 : i32 to index
        %get3A_483 = arith.constant 0 : index
        %get3A_484 = tpu.vector_load %arg6[%get3A_481, %get3A_482, %get3A_483] {strides = array<i32>} : memref<8x128x32xf32, #tpu.memory_space<vmem>>, vector<16xf32>,
        %add3A_485 = arith.addf %add3A_453, %get3A_484 : vector<16xf32>
        %add3A_486 = arith.constant 1 : i32
        %add3A_487 = arith.addi %add3A_465, %add3A_486 : i32
        %get3A_488 = arith.constant 0 : i32
        %get3A_489 = arith.index_cast %get3A_488 : i32 to index
        %get3A_490 = arith.index_cast %add3A_487 : i32 to index
        %get3A_491 = arith.constant 16 : index
        %get3A_492 = tpu.vector_load %arg6[%get3A_489, %get3A_490, %get3A_491] {strides = array<i32>} : memref<8x128x32xf32, #tpu.memory_space<vmem>>, vector<16xf32>,
        %add3A_493 = arith.addf %add3A_461, %get3A_492 : vector<16xf32>
        scf.yield %add3A_471, %add3A_477, %add3A_485, %add3A_493 : vector<16xf32>, vector<16xf32>, vector<16xf32>, vector<16xf32>
      }
      %scan3A_158 = arith.constant 32 : i32
      %add3A_159 = arith.constant 4 : i32
      %add3A_160 = arith.addi %add3A_131, %add3A_159 : i32
      %lt3A = arith.constant 128 : i32
      %lt3A_161 = arith.cmpi slt, %add3A_160, %lt3A : i32
      %convert_element_type3A = arith.extui %lt3A_161 : i1 to i32
      %cond3A = arith.constant 0 : i32
      %cond3A_162 = arith.cmpi ne, %convert_element_type3A, %cond3A : i32
      scf.if %cond3A_162 {
        %add3A_426 = arith.constant 4 : i32
        %add3A_427 = arith.addi %add3A_131, %add3A_426 : i32
        %dma_start3A_428 = arith.constant 0 : i32
        %dma_start3A_429 = arith.constant 0 : i32
        %dma_start3A_430 = arith.constant 0 : i32
        %dma_start3A_431 = arith.constant 0 : i32
        %dma_start3A_432 = tpu.memref_slice %arg6[%dma_start3A_428, %dma_start3A_430, %dma_start3A_431] : memref<8x128x32xf32, #tpu.memory_space<vmem>> -> memref<1x128x32xf32, #tpu.memory_space<vmem>>
        %dma_start3A_433 = tpu.memref_squeeze %dma_start3A_432 : memref<1x128x32xf32, #tpu.memory_space<vmem>> -> memref<128x32xf32, #tpu.memory_space<vmem>>
        %dma_start3A_434 = arith.constant 0 : i32
        %dma_start3A_435 = tpu.memref_slice %arg5[%add3A_427, %dma_start3A_434] : memref<128x200xi32, #tpu.memory_space<vmem>> -> memref<1x128xi32, #tpu.memory_space<vmem>>
        %dma_start3A_436 = tpu.memref_squeeze %dma_start3A_435 : memref<1x128xi32, #tpu.memory_space<vmem>> -> memref<128xi32, #tpu.memory_space<vmem>>
        %dma_start3A_437 = arith.constant 0 : i32
        %dma_start3A_438 = arith.constant 0 : i32
        %dma_start3A_439 = tpu.memref_slice %arg3[%dma_start3A_437, %dma_start3A_438] : memref<100001x32xf32, #tpu.memory_space<hbm>> -> memref<100001x32xf32, #tpu.memory_space<hbm>>
        %dma_start3A_440 = tpu.memref_slice %arg8[%dma_start3A_429] : memref<8x!tpu.dma_semaphore, #tpu.memory_space<semaphore_mem>> -> memref<1x!tpu.dma_semaphore, #tpu.memory_space<semaphore_mem>>
        %dma_start3A_441 = tpu.memref_squeeze %dma_start3A_440 : memref<1x!tpu.dma_semaphore, #tpu.memory_space<semaphore_mem>> -> memref<!tpu.dma_semaphore, #tpu.memory_space<semaphore_mem>>
        tpu.enqueue_indirect_dma source(%dma_start3A_439 : memref<100001x32xf32, #tpu.memory_space<hbm>>) target(%dma_start3A_433 : memref<128x32xf32, #tpu.memory_space<vmem>>) offsets(%dma_start3A_436 : memref<128xi32, #tpu.memory_space<vmem>>) semaphore(%dma_start3A_441 : memref<!tpu.dma_semaphore, #tpu.memory_space<semaphore_mem>>)
      } else {
      }
      %dma_wait3A_163 = arith.constant 0 : i32
      %dma_wait3A_164 = arith.constant 1 : i32
      %dma_wait3A_165 = arith.constant 1 : i32
      %dma_wait3A_166 = arith.constant 0 : i32
      %dma_wait3A_167 = arith.constant 0 : i32
      %dma_wait3A_168 = tpu.memref_slice %arg6[%dma_wait3A_164, %dma_wait3A_166, %dma_wait3A_167] : memref<8x128x32xf32, #tpu.memory_space<vmem>> -> memref<1x72x32xf32, #tpu.memory_space<vmem>>
      %dma_wait3A_169 = tpu.memref_squeeze %dma_wait3A_168 : memref<1x72x32xf32, #tpu.memory_space<vmem>> -> memref<72x32xf32, #tpu.memory_space<vmem>>
      %dma_wait3A_170 = arith.constant 128 : i32
      %dma_wait3A_171 = tpu.memref_slice %arg5[%dma_wait3A_163, %dma_wait3A_170] : memref<128x200xi32, #tpu.memory_space<vmem>> -> memref<1x72xi32, #tpu.memory_space<vmem>>
      %dma_wait3A_172 = tpu.memref_squeeze %dma_wait3A_171 : memref<1x72xi32, #tpu.memory_space<vmem>> -> memref<72xi32, #tpu.memory_space<vmem>>
      %dma_wait3A_173 = arith.constant 0 : i32
      %dma_wait3A_174 = arith.constant 0 : i32
      %dma_wait3A_175 = tpu.memref_slice %arg3[%dma_wait3A_173, %dma_wait3A_174] : memref<100001x32xf32, #tpu.memory_space<hbm>> -> memref<100001x32xf32, #tpu.memory_space<hbm>>
      %dma_wait3A_176 = tpu.memref_slice %arg8[%dma_wait3A_165] : memref<8x!tpu.dma_semaphore, #tpu.memory_space<semaphore_mem>> -> memref<1x!tpu.dma_semaphore, #tpu.memory_space<semaphore_mem>>
      %dma_wait3A_177 = tpu.memref_squeeze %dma_wait3A_176 : memref<1x!tpu.dma_semaphore, #tpu.memory_space<semaphore_mem>> -> memref<!tpu.dma_semaphore, #tpu.memory_space<semaphore_mem>>
      tpu.wait_indirect_dma semaphore(%dma_wait3A_177 : memref<!tpu.dma_semaphore, #tpu.memory_space<semaphore_mem>>) src(%dma_wait3A_175 : memref<100001x32xf32, #tpu.memory_space<hbm>>) dst(%dma_wait3A_169 : memref<72x32xf32, #tpu.memory_space<vmem>>)
      %scan3A_178 = arith.constant 0 : i32
      %scan3A_179 = arith.constant 18 : i32
      %scan3A_180 = arith.addi %scan3A_178, %scan3A_179 : i32
      %scan3A_181 = arith.constant 1 : i32
      %scan3A_182:4 = scf.for %scan3A_426 = %scan3A_178 to %scan3A_180 step %scan3A_181 iter_args(%scan3A_427 = %scan3A_157#0, %scan3A_428 = %scan3A_157#1, %scan3A_429 = %scan3A_157#2, %scan3A_430 = %scan3A_157#3) -> (vector<16xf32>, vector<16xf32>, vector<16xf32>, vector<16xf32>)  : i32 {
        %mul3A_431 = arith.constant 4 : i32
        %mul3A_432 = arith.muli %scan3A_426, %mul3A_431 : i32
        %add3A_433 = arith.constant 0 : i32
        %add3A_434 = arith.addi %mul3A_432, %add3A_433 : i32
        %get3A = arith.constant 1 : i32
        %get3A_435 = arith.index_cast %get3A : i32 to index
        %get3A_436 = arith.index_cast %add3A_434 : i32 to index
        %get3A_437 = arith.constant 0 : index
        %get3A_438 = tpu.vector_load %arg6[%get3A_435, %get3A_436, %get3A_437] {strides = array<i32>} : memref<8x128x32xf32, #tpu.memory_space<vmem>>, vector<16xf32>,
        %add3A_439 = arith.addf %scan3A_427, %get3A_438 : vector<16xf32>
        %get3A_440 = arith.constant 1 : i32
        %get3A_441 = arith.index_cast %get3A_440 : i32 to index
        %get3A_442 = arith.index_cast %add3A_434 : i32 to index
        %get3A_443 = arith.constant 16 : index
        %get3A_444 = tpu.vector_load %arg6[%get3A_441, %get3A_442, %get3A_443] {strides = array<i32>} : memref<8x128x32xf32, #tpu.memory_space<vmem>>, vector<16xf32>,
        %add3A_445 = arith.addf %scan3A_428, %get3A_444 : vector<16xf32>
        %add3A_446 = arith.constant 1 : i32
        %add3A_447 = arith.addi %add3A_434, %add3A_446 : i32
        %get3A_448 = arith.constant 1 : i32
        %get3A_449 = arith.index_cast %get3A_448 : i32 to index
        %get3A_450 = arith.index_cast %add3A_447 : i32 to index
        %get3A_451 = arith.constant 0 : index
        %get3A_452 = tpu.vector_load %arg6[%get3A_449, %get3A_450, %get3A_451] {strides = array<i32>} : memref<8x128x32xf32, #tpu.memory_space<vmem>>, vector<16xf32>,
        %add3A_453 = arith.addf %scan3A_429, %get3A_452 : vector<16xf32>
        %add3A_454 = arith.constant 1 : i32
        %add3A_455 = arith.addi %add3A_434, %add3A_454 : i32
        %get3A_456 = arith.constant 1 : i32
        %get3A_457 = arith.index_cast %get3A_456 : i32 to index
        %get3A_458 = arith.index_cast %add3A_455 : i32 to index
        %get3A_459 = arith.constant 16 : index
        %get3A_460 = tpu.vector_load %arg6[%get3A_457, %get3A_458, %get3A_459] {strides = array<i32>} : memref<8x128x32xf32, #tpu.memory_space<vmem>>, vector<16xf32>,
        %add3A_461 = arith.addf %scan3A_430, %get3A_460 : vector<16xf32>
        %mul3A_462 = arith.constant 4 : i32
        %mul3A_463 = arith.muli %scan3A_426, %mul3A_462 : i32
        %add3A_464 = arith.constant 2 : i32
        %add3A_465 = arith.addi %mul3A_463, %add3A_464 : i32
        %get3A_466 = arith.constant 1 : i32
        %get3A_467 = arith.index_cast %get3A_466 : i32 to index
        %get3A_468 = arith.index_cast %add3A_465 : i32 to index
        %get3A_469 = arith.constant 0 : index
        %get3A_470 = tpu.vector_load %arg6[%get3A_467, %get3A_468, %get3A_469] {strides = array<i32>} : memref<8x128x32xf32, #tpu.memory_space<vmem>>, vector<16xf32>,
        %add3A_471 = arith.addf %add3A_439, %get3A_470 : vector<16xf32>
        %get3A_472 = arith.constant 1 : i32
        %get3A_473 = arith.index_cast %get3A_472 : i32 to index
        %get3A_474 = arith.index_cast %add3A_465 : i32 to index
        %get3A_475 = arith.constant 16 : index
        %get3A_476 = tpu.vector_load %arg6[%get3A_473, %get3A_474, %get3A_475] {strides = array<i32>} : memref<8x128x32xf32, #tpu.memory_space<vmem>>, vector<16xf32>,
        %add3A_477 = arith.addf %add3A_445, %get3A_476 : vector<16xf32>
        %add3A_478 = arith.constant 1 : i32
        %add3A_479 = arith.addi %add3A_465, %add3A_478 : i32
        %get3A_480 = arith.constant 1 : i32
        %get3A_481 = arith.index_cast %get3A_480 : i32 to index
        %get3A_482 = arith.index_cast %add3A_479 : i32 to index
        %get3A_483 = arith.constant 0 : index
        %get3A_484 = tpu.vector_load %arg6[%get3A_481, %get3A_482, %get3A_483] {strides = array<i32>} : memref<8x128x32xf32, #tpu.memory_space<vmem>>, vector<16xf32>,
        %add3A_485 = arith.addf %add3A_453, %get3A_484 : vector<16xf32>
        %add3A_486 = arith.constant 1 : i32
        %add3A_487 = arith.addi %add3A_465, %add3A_486 : i32
        %get3A_488 = arith.constant 1 : i32
        %get3A_489 = arith.index_cast %get3A_488 : i32 to index
        %get3A_490 = arith.index_cast %add3A_487 : i32 to index
        %get3A_491 = arith.constant 16 : index
        %get3A_492 = tpu.vector_load %arg6[%get3A_489, %get3A_490, %get3A_491] {strides = array<i32>} : memref<8x128x32xf32, #tpu.memory_space<vmem>>, vector<16xf32>,
        %add3A_493 = arith.addf %add3A_461, %get3A_492 : vector<16xf32>
        scf.yield %add3A_471, %add3A_477, %add3A_485, %add3A_493 : vector<16xf32>, vector<16xf32>, vector<16xf32>, vector<16xf32>
      }
      %scan3A_183 = arith.constant 18 : i32
      %add3A_184 = arith.constant 4 : i32
      %add3A_185 = arith.addi %add3A_131, %add3A_184 : i32
      %lt3A_186 = arith.constant 128 : i32
      %lt3A_187 = arith.cmpi slt, %add3A_185, %lt3A_186 : i32
      %convert_element_type3A_188 = arith.extui %lt3A_187 : i1 to i32
      %cond3A_189 = arith.constant 0 : i32
      %cond3A_190 = arith.cmpi ne, %convert_element_type3A_188, %cond3A_189 : i32
      scf.if %cond3A_190 {
        %add3A_426 = arith.constant 4 : i32
        %add3A_427 = arith.addi %add3A_131, %add3A_426 : i32
        %dma_start3A_428 = arith.constant 1 : i32
        %dma_start3A_429 = arith.constant 1 : i32
        %dma_start3A_430 = arith.constant 0 : i32
        %dma_start3A_431 = arith.constant 0 : i32
        %dma_start3A_432 = tpu.memref_slice %arg6[%dma_start3A_428, %dma_start3A_430, %dma_start3A_431] : memref<8x128x32xf32, #tpu.memory_space<vmem>> -> memref<1x72x32xf32, #tpu.memory_space<vmem>>
        %dma_start3A_433 = tpu.memref_squeeze %dma_start3A_432 : memref<1x72x32xf32, #tpu.memory_space<vmem>> -> memref<72x32xf32, #tpu.memory_space<vmem>>
        %dma_start3A_434 = arith.constant 128 : i32
        %dma_start3A_435 = tpu.memref_slice %arg5[%add3A_427, %dma_start3A_434] : memref<128x200xi32, #tpu.memory_space<vmem>> -> memref<1x72xi32, #tpu.memory_space<vmem>>
        %dma_start3A_436 = tpu.memref_squeeze %dma_start3A_435 : memref<1x72xi32, #tpu.memory_space<vmem>> -> memref<72xi32, #tpu.memory_space<vmem>>
        %dma_start3A_437 = arith.constant 0 : i32
        %dma_start3A_438 = arith.constant 0 : i32
        %dma_start3A_439 = tpu.memref_slice %arg3[%dma_start3A_437, %dma_start3A_438] : memref<100001x32xf32, #tpu.memory_space<hbm>> -> memref<100001x32xf32, #tpu.memory_space<hbm>>
        %dma_start3A_440 = tpu.memref_slice %arg8[%dma_start3A_429] : memref<8x!tpu.dma_semaphore, #tpu.memory_space<semaphore_mem>> -> memref<1x!tpu.dma_semaphore, #tpu.memory_space<semaphore_mem>>
        %dma_start3A_441 = tpu.memref_squeeze %dma_start3A_440 : memref<1x!tpu.dma_semaphore, #tpu.memory_space<semaphore_mem>> -> memref<!tpu.dma_semaphore, #tpu.memory_space<semaphore_mem>>
        tpu.enqueue_indirect_dma source(%dma_start3A_439 : memref<100001x32xf32, #tpu.memory_space<hbm>>) target(%dma_start3A_433 : memref<72x32xf32, #tpu.memory_space<vmem>>) offsets(%dma_start3A_436 : memref<72xi32, #tpu.memory_space<vmem>>) semaphore(%dma_start3A_441 : memref<!tpu.dma_semaphore, #tpu.memory_space<semaphore_mem>>)
      } else {
      }
      %add3A_191 = arith.addf %scan3A_182#0, %scan3A_182#2 : vector<16xf32>
      %swap3A = arith.index_cast %add3A_131 : i32 to index
      %swap3A_192 = arith.constant 0 : index
      %swap3A_193 = tpu.vector_load %arg7[%swap3A, %swap3A_192] {strides = array<i32>} : memref<128x32xf32, #tpu.memory_space<vmem>>, vector<16xf32>,
      tpu.vector_store %arg7[%swap3A, %swap3A_192], %add3A_191 {strides = array<i32>} : memref<128x32xf32, #tpu.memory_space<vmem>>, vector<16xf32>,
      %add3A_194 = arith.addf %scan3A_182#1, %scan3A_182#3 : vector<16xf32>
      %swap3A_195 = arith.index_cast %add3A_131 : i32 to index
      %swap3A_196 = arith.constant 16 : index
      %swap3A_197 = tpu.vector_load %arg7[%swap3A_195, %swap3A_196] {strides = array<i32>} : memref<128x32xf32, #tpu.memory_space<vmem>>, vector<16xf32>,
      tpu.vector_store %arg7[%swap3A_195, %swap3A_196], %add3A_194 {strides = array<i32>} : memref<128x32xf32, #tpu.memory_space<vmem>>, vector<16xf32>,
      %mul3A_198 = arith.constant 4 : i32
      %mul3A_199 = arith.muli %mul3A_198, %scan3A_127 : i32
      %add3A_200 = arith.constant 1 : i32
      %add3A_201 = arith.addi %mul3A_199, %add3A_200 : i32
      %broadcast_in_dim3A_202 = arith.constant 0.000000e+00 : f32
      %broadcast_in_dim3A_203 = vector.broadcast %broadcast_in_dim3A_202 : f32 to vector<16xf32>
      %broadcast_in_dim3A_204 = arith.constant 0.000000e+00 : f32
      %broadcast_in_dim3A_205 = vector.broadcast %broadcast_in_dim3A_204 : f32 to vector<16xf32>
      %broadcast_in_dim3A_206 = arith.constant 0.000000e+00 : f32
      %broadcast_in_dim3A_207 = vector.broadcast %broadcast_in_dim3A_206 : f32 to vector<16xf32>
      %broadcast_in_dim3A_208 = arith.constant 0.000000e+00 : f32
      %broadcast_in_dim3A_209 = vector.broadcast %broadcast_in_dim3A_208 : f32 to vector<16xf32>
      %dma_wait3A_210 = arith.constant 0 : i32
      %dma_wait3A_211 = arith.constant 2 : i32
      %dma_wait3A_212 = arith.constant 2 : i32
      %dma_wait3A_213 = arith.constant 0 : i32
      %dma_wait3A_214 = arith.constant 0 : i32
      %dma_wait3A_215 = tpu.memref_slice %arg6[%dma_wait3A_211, %dma_wait3A_213, %dma_wait3A_214] : memref<8x128x32xf32, #tpu.memory_space<vmem>> -> memref<1x128x32xf32, #tpu.memory_space<vmem>>
      %dma_wait3A_216 = tpu.memref_squeeze %dma_wait3A_215 : memref<1x128x32xf32, #tpu.memory_space<vmem>> -> memref<128x32xf32, #tpu.memory_space<vmem>>
      %dma_wait3A_217 = arith.constant 0 : i32
      %dma_wait3A_218 = tpu.memref_slice %arg5[%dma_wait3A_210, %dma_wait3A_217] : memref<128x200xi32, #tpu.memory_space<vmem>> -> memref<1x128xi32, #tpu.memory_space<vmem>>
      %dma_wait3A_219 = tpu.memref_squeeze %dma_wait3A_218 : memref<1x128xi32, #tpu.memory_space<vmem>> -> memref<128xi32, #tpu.memory_space<vmem>>
      %dma_wait3A_220 = arith.constant 0 : i32
      %dma_wait3A_221 = arith.constant 0 : i32
      %dma_wait3A_222 = tpu.memref_slice %arg3[%dma_wait3A_220, %dma_wait3A_221] : memref<100001x32xf32, #tpu.memory_space<hbm>> -> memref<100001x32xf32, #tpu.memory_space<hbm>>
      %dma_wait3A_223 = tpu.memref_slice %arg8[%dma_wait3A_212] : memref<8x!tpu.dma_semaphore, #tpu.memory_space<semaphore_mem>> -> memref<1x!tpu.dma_semaphore, #tpu.memory_space<semaphore_mem>>
      %dma_wait3A_224 = tpu.memref_squeeze %dma_wait3A_223 : memref<1x!tpu.dma_semaphore, #tpu.memory_space<semaphore_mem>> -> memref<!tpu.dma_semaphore, #tpu.memory_space<semaphore_mem>>
      tpu.wait_indirect_dma semaphore(%dma_wait3A_224 : memref<!tpu.dma_semaphore, #tpu.memory_space<semaphore_mem>>) src(%dma_wait3A_222 : memref<100001x32xf32, #tpu.memory_space<hbm>>) dst(%dma_wait3A_216 : memref<128x32xf32, #tpu.memory_space<vmem>>)
      %scan3A_225 = arith.constant 0 : i32
      %scan3A_226 = arith.constant 32 : i32
      %scan3A_227 = arith.addi %scan3A_225, %scan3A_226 : i32
      %scan3A_228 = arith.constant 1 : i32
      %scan3A_229:4 = scf.for %scan3A_426 = %scan3A_225 to %scan3A_227 step %scan3A_228 iter_args(%scan3A_427 = %broadcast_in_dim3A_203, %scan3A_428 = %broadcast_in_dim3A_205, %scan3A_429 = %broadcast_in_dim3A_207, %scan3A_430 = %broadcast_in_dim3A_209) -> (vector<16xf32>, vector<16xf32>, vector<16xf32>, vector<16xf32>)  : i32 {
        %mul3A_431 = arith.constant 4 : i32
        %mul3A_432 = arith.muli %scan3A_426, %mul3A_431 : i32
        %add3A_433 = arith.constant 0 : i32
        %add3A_434 = arith.addi %mul3A_432, %add3A_433 : i32
        %get3A = arith.constant 2 : i32
        %get3A_435 = arith.index_cast %get3A : i32 to index
        %get3A_436 = arith.index_cast %add3A_434 : i32 to index
        %get3A_437 = arith.constant 0 : index
        %get3A_438 = tpu.vector_load %arg6[%get3A_435, %get3A_436, %get3A_437] {strides = array<i32>} : memref<8x128x32xf32, #tpu.memory_space<vmem>>, vector<16xf32>,
        %add3A_439 = arith.addf %scan3A_427, %get3A_438 : vector<16xf32>
        %get3A_440 = arith.constant 2 : i32
        %get3A_441 = arith.index_cast %get3A_440 : i32 to index
        %get3A_442 = arith.index_cast %add3A_434 : i32 to index
        %get3A_443 = arith.constant 16 : index
        %get3A_444 = tpu.vector_load %arg6[%get3A_441, %get3A_442, %get3A_443] {strides = array<i32>} : memref<8x128x32xf32, #tpu.memory_space<vmem>>, vector<16xf32>,
        %add3A_445 = arith.addf %scan3A_428, %get3A_444 : vector<16xf32>
        %add3A_446 = arith.constant 1 : i32
        %add3A_447 = arith.addi %add3A_434, %add3A_446 : i32
        %get3A_448 = arith.constant 2 : i32
        %get3A_449 = arith.index_cast %get3A_448 : i32 to index
        %get3A_450 = arith.index_cast %add3A_447 : i32 to index
        %get3A_451 = arith.constant 0 : index
        %get3A_452 = tpu.vector_load %arg6[%get3A_449, %get3A_450, %get3A_451] {strides = array<i32>} : memref<8x128x32xf32, #tpu.memory_space<vmem>>, vector<16xf32>,
        %add3A_453 = arith.addf %scan3A_429, %get3A_452 : vector<16xf32>
        %add3A_454 = arith.constant 1 : i32
        %add3A_455 = arith.addi %add3A_434, %add3A_454 : i32
        %get3A_456 = arith.constant 2 : i32
        %get3A_457 = arith.index_cast %get3A_456 : i32 to index
        %get3A_458 = arith.index_cast %add3A_455 : i32 to index
        %get3A_459 = arith.constant 16 : index
        %get3A_460 = tpu.vector_load %arg6[%get3A_457, %get3A_458, %get3A_459] {strides = array<i32>} : memref<8x128x32xf32, #tpu.memory_space<vmem>>, vector<16xf32>,
        %add3A_461 = arith.addf %scan3A_430, %get3A_460 : vector<16xf32>
        %mul3A_462 = arith.constant 4 : i32
        %mul3A_463 = arith.muli %scan3A_426, %mul3A_462 : i32
        %add3A_464 = arith.constant 2 : i32
        %add3A_465 = arith.addi %mul3A_463, %add3A_464 : i32
        %get3A_466 = arith.constant 2 : i32
        %get3A_467 = arith.index_cast %get3A_466 : i32 to index
        %get3A_468 = arith.index_cast %add3A_465 : i32 to index
        %get3A_469 = arith.constant 0 : index
        %get3A_470 = tpu.vector_load %arg6[%get3A_467, %get3A_468, %get3A_469] {strides = array<i32>} : memref<8x128x32xf32, #tpu.memory_space<vmem>>, vector<16xf32>,
        %add3A_471 = arith.addf %add3A_439, %get3A_470 : vector<16xf32>
        %get3A_472 = arith.constant 2 : i32
        %get3A_473 = arith.index_cast %get3A_472 : i32 to index
        %get3A_474 = arith.index_cast %add3A_465 : i32 to index
        %get3A_475 = arith.constant 16 : index
        %get3A_476 = tpu.vector_load %arg6[%get3A_473, %get3A_474, %get3A_475] {strides = array<i32>} : memref<8x128x32xf32, #tpu.memory_space<vmem>>, vector<16xf32>,
        %add3A_477 = arith.addf %add3A_445, %get3A_476 : vector<16xf32>
        %add3A_478 = arith.constant 1 : i32
        %add3A_479 = arith.addi %add3A_465, %add3A_478 : i32
        %get3A_480 = arith.constant 2 : i32
        %get3A_481 = arith.index_cast %get3A_480 : i32 to index
        %get3A_482 = arith.index_cast %add3A_479 : i32 to index
        %get3A_483 = arith.constant 0 : index
        %get3A_484 = tpu.vector_load %arg6[%get3A_481, %get3A_482, %get3A_483] {strides = array<i32>} : memref<8x128x32xf32, #tpu.memory_space<vmem>>, vector<16xf32>,
        %add3A_485 = arith.addf %add3A_453, %get3A_484 : vector<16xf32>
        %add3A_486 = arith.constant 1 : i32
        %add3A_487 = arith.addi %add3A_465, %add3A_486 : i32
        %get3A_488 = arith.constant 2 : i32
        %get3A_489 = arith.index_cast %get3A_488 : i32 to index
        %get3A_490 = arith.index_cast %add3A_487 : i32 to index
        %get3A_491 = arith.constant 16 : index
        %get3A_492 = tpu.vector_load %arg6[%get3A_489, %get3A_490, %get3A_491] {strides = array<i32>} : memref<8x128x32xf32, #tpu.memory_space<vmem>>, vector<16xf32>,
        %add3A_493 = arith.addf %add3A_461, %get3A_492 : vector<16xf32>
        scf.yield %add3A_471, %add3A_477, %add3A_485, %add3A_493 : vector<16xf32>, vector<16xf32>, vector<16xf32>, vector<16xf32>
      }
      %scan3A_230 = arith.constant 32 : i32
      %add3A_231 = arith.constant 4 : i32
      %add3A_232 = arith.addi %add3A_201, %add3A_231 : i32
      %lt3A_233 = arith.constant 128 : i32
      %lt3A_234 = arith.cmpi slt, %add3A_232, %lt3A_233 : i32
      %convert_element_type3A_235 = arith.extui %lt3A_234 : i1 to i32
      %cond3A_236 = arith.constant 0 : i32
      %cond3A_237 = arith.cmpi ne, %convert_element_type3A_235, %cond3A_236 : i32
      scf.if %cond3A_237 {
        %add3A_426 = arith.constant 4 : i32
        %add3A_427 = arith.addi %add3A_201, %add3A_426 : i32
        %dma_start3A_428 = arith.constant 2 : i32
        %dma_start3A_429 = arith.constant 2 : i32
        %dma_start3A_430 = arith.constant 0 : i32
        %dma_start3A_431 = arith.constant 0 : i32
        %dma_start3A_432 = tpu.memref_slice %arg6[%dma_start3A_428, %dma_start3A_430, %dma_start3A_431] : memref<8x128x32xf32, #tpu.memory_space<vmem>> -> memref<1x128x32xf32, #tpu.memory_space<vmem>>
        %dma_start3A_433 = tpu.memref_squeeze %dma_start3A_432 : memref<1x128x32xf32, #tpu.memory_space<vmem>> -> memref<128x32xf32, #tpu.memory_space<vmem>>
        %dma_start3A_434 = arith.constant 0 : i32
        %dma_start3A_435 = tpu.memref_slice %arg5[%add3A_427, %dma_start3A_434] : memref<128x200xi32, #tpu.memory_space<vmem>> -> memref<1x128xi32, #tpu.memory_space<vmem>>
        %dma_start3A_436 = tpu.memref_squeeze %dma_start3A_435 : memref<1x128xi32, #tpu.memory_space<vmem>> -> memref<128xi32, #tpu.memory_space<vmem>>
        %dma_start3A_437 = arith.constant 0 : i32
        %dma_start3A_438 = arith.constant 0 : i32
        %dma_start3A_439 = tpu.memref_slice %arg3[%dma_start3A_437, %dma_start3A_438] : memref<100001x32xf32, #tpu.memory_space<hbm>> -> memref<100001x32xf32, #tpu.memory_space<hbm>>
        %dma_start3A_440 = tpu.memref_slice %arg8[%dma_start3A_429] : memref<8x!tpu.dma_semaphore, #tpu.memory_space<semaphore_mem>> -> memref<1x!tpu.dma_semaphore, #tpu.memory_space<semaphore_mem>>
        %dma_start3A_441 = tpu.memref_squeeze %dma_start3A_440 : memref<1x!tpu.dma_semaphore, #tpu.memory_space<semaphore_mem>> -> memref<!tpu.dma_semaphore, #tpu.memory_space<semaphore_mem>>
        tpu.enqueue_indirect_dma source(%dma_start3A_439 : memref<100001x32xf32, #tpu.memory_space<hbm>>) target(%dma_start3A_433 : memref<128x32xf32, #tpu.memory_space<vmem>>) offsets(%dma_start3A_436 : memref<128xi32, #tpu.memory_space<vmem>>) semaphore(%dma_start3A_441 : memref<!tpu.dma_semaphore, #tpu.memory_space<semaphore_mem>>)
      } else {
      }
      %dma_wait3A_238 = arith.constant 0 : i32
      %dma_wait3A_239 = arith.constant 3 : i32
      %dma_wait3A_240 = arith.constant 3 : i32
      %dma_wait3A_241 = arith.constant 0 : i32
      %dma_wait3A_242 = arith.constant 0 : i32
      %dma_wait3A_243 = tpu.memref_slice %arg6[%dma_wait3A_239, %dma_wait3A_241, %dma_wait3A_242] : memref<8x128x32xf32, #tpu.memory_space<vmem>> -> memref<1x72x32xf32, #tpu.memory_space<vmem>>
      %dma_wait3A_244 = tpu.memref_squeeze %dma_wait3A_243 : memref<1x72x32xf32, #tpu.memory_space<vmem>> -> memref<72x32xf32, #tpu.memory_space<vmem>>
      %dma_wait3A_245 = arith.constant 128 : i32
      %dma_wait3A_246 = tpu.memref_slice %arg5[%dma_wait3A_238, %dma_wait3A_245] : memref<128x200xi32, #tpu.memory_space<vmem>> -> memref<1x72xi32, #tpu.memory_space<vmem>>
      %dma_wait3A_247 = tpu.memref_squeeze %dma_wait3A_246 : memref<1x72xi32, #tpu.memory_space<vmem>> -> memref<72xi32, #tpu.memory_space<vmem>>
      %dma_wait3A_248 = arith.constant 0 : i32
      %dma_wait3A_249 = arith.constant 0 : i32
      %dma_wait3A_250 = tpu.memref_slice %arg3[%dma_wait3A_248, %dma_wait3A_249] : memref<100001x32xf32, #tpu.memory_space<hbm>> -> memref<100001x32xf32, #tpu.memory_space<hbm>>
      %dma_wait3A_251 = tpu.memref_slice %arg8[%dma_wait3A_240] : memref<8x!tpu.dma_semaphore, #tpu.memory_space<semaphore_mem>> -> memref<1x!tpu.dma_semaphore, #tpu.memory_space<semaphore_mem>>
      %dma_wait3A_252 = tpu.memref_squeeze %dma_wait3A_251 : memref<1x!tpu.dma_semaphore, #tpu.memory_space<semaphore_mem>> -> memref<!tpu.dma_semaphore, #tpu.memory_space<semaphore_mem>>
      tpu.wait_indirect_dma semaphore(%dma_wait3A_252 : memref<!tpu.dma_semaphore, #tpu.memory_space<semaphore_mem>>) src(%dma_wait3A_250 : memref<100001x32xf32, #tpu.memory_space<hbm>>) dst(%dma_wait3A_244 : memref<72x32xf32, #tpu.memory_space<vmem>>)
      %scan3A_253 = arith.constant 0 : i32
      %scan3A_254 = arith.constant 18 : i32
      %scan3A_255 = arith.addi %scan3A_253, %scan3A_254 : i32
      %scan3A_256 = arith.constant 1 : i32
      %scan3A_257:4 = scf.for %scan3A_426 = %scan3A_253 to %scan3A_255 step %scan3A_256 iter_args(%scan3A_427 = %scan3A_229#0, %scan3A_428 = %scan3A_229#1, %scan3A_429 = %scan3A_229#2, %scan3A_430 = %scan3A_229#3) -> (vector<16xf32>, vector<16xf32>, vector<16xf32>, vector<16xf32>)  : i32 {
        %mul3A_431 = arith.constant 4 : i32
        %mul3A_432 = arith.muli %scan3A_426, %mul3A_431 : i32
        %add3A_433 = arith.constant 0 : i32
        %add3A_434 = arith.addi %mul3A_432, %add3A_433 : i32
        %get3A = arith.constant 3 : i32
        %get3A_435 = arith.index_cast %get3A : i32 to index
        %get3A_436 = arith.index_cast %add3A_434 : i32 to index
        %get3A_437 = arith.constant 0 : index
        %get3A_438 = tpu.vector_load %arg6[%get3A_435, %get3A_436, %get3A_437] {strides = array<i32>} : memref<8x128x32xf32, #tpu.memory_space<vmem>>, vector<16xf32>,
        %add3A_439 = arith.addf %scan3A_427, %get3A_438 : vector<16xf32>
        %get3A_440 = arith.constant 3 : i32
        %get3A_441 = arith.index_cast %get3A_440 : i32 to index
        %get3A_442 = arith.index_cast %add3A_434 : i32 to index
        %get3A_443 = arith.constant 16 : index
        %get3A_444 = tpu.vector_load %arg6[%get3A_441, %get3A_442, %get3A_443] {strides = array<i32>} : memref<8x128x32xf32, #tpu.memory_space<vmem>>, vector<16xf32>,
        %add3A_445 = arith.addf %scan3A_428, %get3A_444 : vector<16xf32>
        %add3A_446 = arith.constant 1 : i32
        %add3A_447 = arith.addi %add3A_434, %add3A_446 : i32
        %get3A_448 = arith.constant 3 : i32
        %get3A_449 = arith.index_cast %get3A_448 : i32 to index
        %get3A_450 = arith.index_cast %add3A_447 : i32 to index
        %get3A_451 = arith.constant 0 : index
        %get3A_452 = tpu.vector_load %arg6[%get3A_449, %get3A_450, %get3A_451] {strides = array<i32>} : memref<8x128x32xf32, #tpu.memory_space<vmem>>, vector<16xf32>,
        %add3A_453 = arith.addf %scan3A_429, %get3A_452 : vector<16xf32>
        %add3A_454 = arith.constant 1 : i32
        %add3A_455 = arith.addi %add3A_434, %add3A_454 : i32
        %get3A_456 = arith.constant 3 : i32
        %get3A_457 = arith.index_cast %get3A_456 : i32 to index
        %get3A_458 = arith.index_cast %add3A_455 : i32 to index
        %get3A_459 = arith.constant 16 : index
        %get3A_460 = tpu.vector_load %arg6[%get3A_457, %get3A_458, %get3A_459] {strides = array<i32>} : memref<8x128x32xf32, #tpu.memory_space<vmem>>, vector<16xf32>,
        %add3A_461 = arith.addf %scan3A_430, %get3A_460 : vector<16xf32>
        %mul3A_462 = arith.constant 4 : i32
        %mul3A_463 = arith.muli %scan3A_426, %mul3A_462 : i32
        %add3A_464 = arith.constant 2 : i32
        %add3A_465 = arith.addi %mul3A_463, %add3A_464 : i32
        %get3A_466 = arith.constant 3 : i32
        %get3A_467 = arith.index_cast %get3A_466 : i32 to index
        %get3A_468 = arith.index_cast %add3A_465 : i32 to index
        %get3A_469 = arith.constant 0 : index
        %get3A_470 = tpu.vector_load %arg6[%get3A_467, %get3A_468, %get3A_469] {strides = array<i32>} : memref<8x128x32xf32, #tpu.memory_space<vmem>>, vector<16xf32>,
        %add3A_471 = arith.addf %add3A_439, %get3A_470 : vector<16xf32>
        %get3A_472 = arith.constant 3 : i32
        %get3A_473 = arith.index_cast %get3A_472 : i32 to index
        %get3A_474 = arith.index_cast %add3A_465 : i32 to index
        %get3A_475 = arith.constant 16 : index
        %get3A_476 = tpu.vector_load %arg6[%get3A_473, %get3A_474, %get3A_475] {strides = array<i32>} : memref<8x128x32xf32, #tpu.memory_space<vmem>>, vector<16xf32>,
        %add3A_477 = arith.addf %add3A_445, %get3A_476 : vector<16xf32>
        %add3A_478 = arith.constant 1 : i32
        %add3A_479 = arith.addi %add3A_465, %add3A_478 : i32
        %get3A_480 = arith.constant 3 : i32
        %get3A_481 = arith.index_cast %get3A_480 : i32 to index
        %get3A_482 = arith.index_cast %add3A_479 : i32 to index
        %get3A_483 = arith.constant 0 : index
        %get3A_484 = tpu.vector_load %arg6[%get3A_481, %get3A_482, %get3A_483] {strides = array<i32>} : memref<8x128x32xf32, #tpu.memory_space<vmem>>, vector<16xf32>,
        %add3A_485 = arith.addf %add3A_453, %get3A_484 : vector<16xf32>
        %add3A_486 = arith.constant 1 : i32
        %add3A_487 = arith.addi %add3A_465, %add3A_486 : i32
        %get3A_488 = arith.constant 3 : i32
        %get3A_489 = arith.index_cast %get3A_488 : i32 to index
        %get3A_490 = arith.index_cast %add3A_487 : i32 to index
        %get3A_491 = arith.constant 16 : index
        %get3A_492 = tpu.vector_load %arg6[%get3A_489, %get3A_490, %get3A_491] {strides = array<i32>} : memref<8x128x32xf32, #tpu.memory_space<vmem>>, vector<16xf32>,
        %add3A_493 = arith.addf %add3A_461, %get3A_492 : vector<16xf32>
        scf.yield %add3A_471, %add3A_477, %add3A_485, %add3A_493 : vector<16xf32>, vector<16xf32>, vector<16xf32>, vector<16xf32>
      }
      %scan3A_258 = arith.constant 18 : i32
      %add3A_259 = arith.constant 4 : i32
      %add3A_260 = arith.addi %add3A_201, %add3A_259 : i32
      %lt3A_261 = arith.constant 128 : i32
      %lt3A_262 = arith.cmpi slt, %add3A_260, %lt3A_261 : i32
      %convert_element_type3A_263 = arith.extui %lt3A_262 : i1 to i32
      %cond3A_264 = arith.constant 0 : i32
      %cond3A_265 = arith.cmpi ne, %convert_element_type3A_263, %cond3A_264 : i32
      scf.if %cond3A_265 {
        %add3A_426 = arith.constant 4 : i32
        %add3A_427 = arith.addi %add3A_201, %add3A_426 : i32
        %dma_start3A_428 = arith.constant 3 : i32
        %dma_start3A_429 = arith.constant 3 : i32
        %dma_start3A_430 = arith.constant 0 : i32
        %dma_start3A_431 = arith.constant 0 : i32
        %dma_start3A_432 = tpu.memref_slice %arg6[%dma_start3A_428, %dma_start3A_430, %dma_start3A_431] : memref<8x128x32xf32, #tpu.memory_space<vmem>> -> memref<1x72x32xf32, #tpu.memory_space<vmem>>
        %dma_start3A_433 = tpu.memref_squeeze %dma_start3A_432 : memref<1x72x32xf32, #tpu.memory_space<vmem>> -> memref<72x32xf32, #tpu.memory_space<vmem>>
        %dma_start3A_434 = arith.constant 128 : i32
        %dma_start3A_435 = tpu.memref_slice %arg5[%add3A_427, %dma_start3A_434] : memref<128x200xi32, #tpu.memory_space<vmem>> -> memref<1x72xi32, #tpu.memory_space<vmem>>
        %dma_start3A_436 = tpu.memref_squeeze %dma_start3A_435 : memref<1x72xi32, #tpu.memory_space<vmem>> -> memref<72xi32, #tpu.memory_space<vmem>>
        %dma_start3A_437 = arith.constant 0 : i32
        %dma_start3A_438 = arith.constant 0 : i32
        %dma_start3A_439 = tpu.memref_slice %arg3[%dma_start3A_437, %dma_start3A_438] : memref<100001x32xf32, #tpu.memory_space<hbm>> -> memref<100001x32xf32, #tpu.memory_space<hbm>>
        %dma_start3A_440 = tpu.memref_slice %arg8[%dma_start3A_429] : memref<8x!tpu.dma_semaphore, #tpu.memory_space<semaphore_mem>> -> memref<1x!tpu.dma_semaphore, #tpu.memory_space<semaphore_mem>>
        %dma_start3A_441 = tpu.memref_squeeze %dma_start3A_440 : memref<1x!tpu.dma_semaphore, #tpu.memory_space<semaphore_mem>> -> memref<!tpu.dma_semaphore, #tpu.memory_space<semaphore_mem>>
        tpu.enqueue_indirect_dma source(%dma_start3A_439 : memref<100001x32xf32, #tpu.memory_space<hbm>>) target(%dma_start3A_433 : memref<72x32xf32, #tpu.memory_space<vmem>>) offsets(%dma_start3A_436 : memref<72xi32, #tpu.memory_space<vmem>>) semaphore(%dma_start3A_441 : memref<!tpu.dma_semaphore, #tpu.memory_space<semaphore_mem>>)
      } else {
      }
      %add3A_266 = arith.addf %scan3A_257#0, %scan3A_257#2 : vector<16xf32>
      %swap3A_267 = arith.index_cast %add3A_201 : i32 to index
      %swap3A_268 = arith.constant 0 : index
      %swap3A_269 = tpu.vector_load %arg7[%swap3A_267, %swap3A_268] {strides = array<i32>} : memref<128x32xf32, #tpu.memory_space<vmem>>, vector<16xf32>,
      tpu.vector_store %arg7[%swap3A_267, %swap3A_268], %add3A_266 {strides = array<i32>} : memref<128x32xf32, #tpu.memory_space<vmem>>, vector<16xf32>,
      %add3A_270 = arith.addf %scan3A_257#1, %scan3A_257#3 : vector<16xf32>
      %swap3A_271 = arith.index_cast %add3A_201 : i32 to index
      %swap3A_272 = arith.constant 16 : index
      %swap3A_273 = tpu.vector_load %arg7[%swap3A_271, %swap3A_272] {strides = array<i32>} : memref<128x32xf32, #tpu.memory_space<vmem>>, vector<16xf32>,
      tpu.vector_store %arg7[%swap3A_271, %swap3A_272], %add3A_270 {strides = array<i32>} : memref<128x32xf32, #tpu.memory_space<vmem>>, vector<16xf32>,
      %mul3A_274 = arith.constant 4 : i32
      %mul3A_275 = arith.muli %mul3A_274, %scan3A_127 : i32
      %add3A_276 = arith.constant 2 : i32
      %add3A_277 = arith.addi %mul3A_275, %add3A_276 : i32
      %broadcast_in_dim3A_278 = arith.constant 0.000000e+00 : f32
      %broadcast_in_dim3A_279 = vector.broadcast %broadcast_in_dim3A_278 : f32 to vector<16xf32>
      %broadcast_in_dim3A_280 = arith.constant 0.000000e+00 : f32
      %broadcast_in_dim3A_281 = vector.broadcast %broadcast_in_dim3A_280 : f32 to vector<16xf32>
      %broadcast_in_dim3A_282 = arith.constant 0.000000e+00 : f32
      %broadcast_in_dim3A_283 = vector.broadcast %broadcast_in_dim3A_282 : f32 to vector<16xf32>
      %broadcast_in_dim3A_284 = arith.constant 0.000000e+00 : f32
      %broadcast_in_dim3A_285 = vector.broadcast %broadcast_in_dim3A_284 : f32 to vector<16xf32>
      %dma_wait3A_286 = arith.constant 0 : i32
      %dma_wait3A_287 = arith.constant 4 : i32
      %dma_wait3A_288 = arith.constant 4 : i32
      %dma_wait3A_289 = arith.constant 0 : i32
      %dma_wait3A_290 = arith.constant 0 : i32
      %dma_wait3A_291 = tpu.memref_slice %arg6[%dma_wait3A_287, %dma_wait3A_289, %dma_wait3A_290] : memref<8x128x32xf32, #tpu.memory_space<vmem>> -> memref<1x128x32xf32, #tpu.memory_space<vmem>>
      %dma_wait3A_292 = tpu.memref_squeeze %dma_wait3A_291 : memref<1x128x32xf32, #tpu.memory_space<vmem>> -> memref<128x32xf32, #tpu.memory_space<vmem>>
      %dma_wait3A_293 = arith.constant 0 : i32
      %dma_wait3A_294 = tpu.memref_slice %arg5[%dma_wait3A_286, %dma_wait3A_293] : memref<128x200xi32, #tpu.memory_space<vmem>> -> memref<1x128xi32, #tpu.memory_space<vmem>>
      %dma_wait3A_295 = tpu.memref_squeeze %dma_wait3A_294 : memref<1x128xi32, #tpu.memory_space<vmem>> -> memref<128xi32, #tpu.memory_space<vmem>>
      %dma_wait3A_296 = arith.constant 0 : i32
      %dma_wait3A_297 = arith.constant 0 : i32
      %dma_wait3A_298 = tpu.memref_slice %arg3[%dma_wait3A_296, %dma_wait3A_297] : memref<100001x32xf32, #tpu.memory_space<hbm>> -> memref<100001x32xf32, #tpu.memory_space<hbm>>
      %dma_wait3A_299 = tpu.memref_slice %arg8[%dma_wait3A_288] : memref<8x!tpu.dma_semaphore, #tpu.memory_space<semaphore_mem>> -> memref<1x!tpu.dma_semaphore, #tpu.memory_space<semaphore_mem>>
      %dma_wait3A_300 = tpu.memref_squeeze %dma_wait3A_299 : memref<1x!tpu.dma_semaphore, #tpu.memory_space<semaphore_mem>> -> memref<!tpu.dma_semaphore, #tpu.memory_space<semaphore_mem>>
      tpu.wait_indirect_dma semaphore(%dma_wait3A_300 : memref<!tpu.dma_semaphore, #tpu.memory_space<semaphore_mem>>) src(%dma_wait3A_298 : memref<100001x32xf32, #tpu.memory_space<hbm>>) dst(%dma_wait3A_292 : memref<128x32xf32, #tpu.memory_space<vmem>>)
      %scan3A_301 = arith.constant 0 : i32
      %scan3A_302 = arith.constant 32 : i32
      %scan3A_303 = arith.addi %scan3A_301, %scan3A_302 : i32
      %scan3A_304 = arith.constant 1 : i32
      %scan3A_305:4 = scf.for %scan3A_426 = %scan3A_301 to %scan3A_303 step %scan3A_304 iter_args(%scan3A_427 = %broadcast_in_dim3A_279, %scan3A_428 = %broadcast_in_dim3A_281, %scan3A_429 = %broadcast_in_dim3A_283, %scan3A_430 = %broadcast_in_dim3A_285) -> (vector<16xf32>, vector<16xf32>, vector<16xf32>, vector<16xf32>)  : i32 {
        %mul3A_431 = arith.constant 4 : i32
        %mul3A_432 = arith.muli %scan3A_426, %mul3A_431 : i32
        %add3A_433 = arith.constant 0 : i32
        %add3A_434 = arith.addi %mul3A_432, %add3A_433 : i32
        %get3A = arith.constant 4 : i32
        %get3A_435 = arith.index_cast %get3A : i32 to index
        %get3A_436 = arith.index_cast %add3A_434 : i32 to index
        %get3A_437 = arith.constant 0 : index
        %get3A_438 = tpu.vector_load %arg6[%get3A_435, %get3A_436, %get3A_437] {strides = array<i32>} : memref<8x128x32xf32, #tpu.memory_space<vmem>>, vector<16xf32>,
        %add3A_439 = arith.addf %scan3A_427, %get3A_438 : vector<16xf32>
        %get3A_440 = arith.constant 4 : i32
        %get3A_441 = arith.index_cast %get3A_440 : i32 to index
        %get3A_442 = arith.index_cast %add3A_434 : i32 to index
        %get3A_443 = arith.constant 16 : index
        %get3A_444 = tpu.vector_load %arg6[%get3A_441, %get3A_442, %get3A_443] {strides = array<i32>} : memref<8x128x32xf32, #tpu.memory_space<vmem>>, vector<16xf32>,
        %add3A_445 = arith.addf %scan3A_428, %get3A_444 : vector<16xf32>
        %add3A_446 = arith.constant 1 : i32
        %add3A_447 = arith.addi %add3A_434, %add3A_446 : i32
        %get3A_448 = arith.constant 4 : i32
        %get3A_449 = arith.index_cast %get3A_448 : i32 to index
        %get3A_450 = arith.index_cast %add3A_447 : i32 to index
        %get3A_451 = arith.constant 0 : index
        %get3A_452 = tpu.vector_load %arg6[%get3A_449, %get3A_450, %get3A_451] {strides = array<i32>} : memref<8x128x32xf32, #tpu.memory_space<vmem>>, vector<16xf32>,
        %add3A_453 = arith.addf %scan3A_429, %get3A_452 : vector<16xf32>
        %add3A_454 = arith.constant 1 : i32
        %add3A_455 = arith.addi %add3A_434, %add3A_454 : i32
        %get3A_456 = arith.constant 4 : i32
        %get3A_457 = arith.index_cast %get3A_456 : i32 to index
        %get3A_458 = arith.index_cast %add3A_455 : i32 to index
        %get3A_459 = arith.constant 16 : index
        %get3A_460 = tpu.vector_load %arg6[%get3A_457, %get3A_458, %get3A_459] {strides = array<i32>} : memref<8x128x32xf32, #tpu.memory_space<vmem>>, vector<16xf32>,
        %add3A_461 = arith.addf %scan3A_430, %get3A_460 : vector<16xf32>
        %mul3A_462 = arith.constant 4 : i32
        %mul3A_463 = arith.muli %scan3A_426, %mul3A_462 : i32
        %add3A_464 = arith.constant 2 : i32
        %add3A_465 = arith.addi %mul3A_463, %add3A_464 : i32
        %get3A_466 = arith.constant 4 : i32
        %get3A_467 = arith.index_cast %get3A_466 : i32 to index
        %get3A_468 = arith.index_cast %add3A_465 : i32 to index
        %get3A_469 = arith.constant 0 : index
        %get3A_470 = tpu.vector_load %arg6[%get3A_467, %get3A_468, %get3A_469] {strides = array<i32>} : memref<8x128x32xf32, #tpu.memory_space<vmem>>, vector<16xf32>,
        %add3A_471 = arith.addf %add3A_439, %get3A_470 : vector<16xf32>
        %get3A_472 = arith.constant 4 : i32
        %get3A_473 = arith.index_cast %get3A_472 : i32 to index
        %get3A_474 = arith.index_cast %add3A_465 : i32 to index
        %get3A_475 = arith.constant 16 : index
        %get3A_476 = tpu.vector_load %arg6[%get3A_473, %get3A_474, %get3A_475] {strides = array<i32>} : memref<8x128x32xf32, #tpu.memory_space<vmem>>, vector<16xf32>,
        %add3A_477 = arith.addf %add3A_445, %get3A_476 : vector<16xf32>
        %add3A_478 = arith.constant 1 : i32
        %add3A_479 = arith.addi %add3A_465, %add3A_478 : i32
        %get3A_480 = arith.constant 4 : i32
        %get3A_481 = arith.index_cast %get3A_480 : i32 to index
        %get3A_482 = arith.index_cast %add3A_479 : i32 to index
        %get3A_483 = arith.constant 0 : index
        %get3A_484 = tpu.vector_load %arg6[%get3A_481, %get3A_482, %get3A_483] {strides = array<i32>} : memref<8x128x32xf32, #tpu.memory_space<vmem>>, vector<16xf32>,
        %add3A_485 = arith.addf %add3A_453, %get3A_484 : vector<16xf32>
        %add3A_486 = arith.constant 1 : i32
        %add3A_487 = arith.addi %add3A_465, %add3A_486 : i32
        %get3A_488 = arith.constant 4 : i32
        %get3A_489 = arith.index_cast %get3A_488 : i32 to index
        %get3A_490 = arith.index_cast %add3A_487 : i32 to index
        %get3A_491 = arith.constant 16 : index
        %get3A_492 = tpu.vector_load %arg6[%get3A_489, %get3A_490, %get3A_491] {strides = array<i32>} : memref<8x128x32xf32, #tpu.memory_space<vmem>>, vector<16xf32>,
        %add3A_493 = arith.addf %add3A_461, %get3A_492 : vector<16xf32>
        scf.yield %add3A_471, %add3A_477, %add3A_485, %add3A_493 : vector<16xf32>, vector<16xf32>, vector<16xf32>, vector<16xf32>
      }
      %scan3A_306 = arith.constant 32 : i32
      %add3A_307 = arith.constant 4 : i32
      %add3A_308 = arith.addi %add3A_277, %add3A_307 : i32
      %lt3A_309 = arith.constant 128 : i32
      %lt3A_310 = arith.cmpi slt, %add3A_308, %lt3A_309 : i32
      %convert_element_type3A_311 = arith.extui %lt3A_310 : i1 to i32
      %cond3A_312 = arith.constant 0 : i32
      %cond3A_313 = arith.cmpi ne, %convert_element_type3A_311, %cond3A_312 : i32
      scf.if %cond3A_313 {
        %add3A_426 = arith.constant 4 : i32
        %add3A_427 = arith.addi %add3A_277, %add3A_426 : i32
        %dma_start3A_428 = arith.constant 4 : i32
        %dma_start3A_429 = arith.constant 4 : i32
        %dma_start3A_430 = arith.constant 0 : i32
        %dma_start3A_431 = arith.constant 0 : i32
        %dma_start3A_432 = tpu.memref_slice %arg6[%dma_start3A_428, %dma_start3A_430, %dma_start3A_431] : memref<8x128x32xf32, #tpu.memory_space<vmem>> -> memref<1x128x32xf32, #tpu.memory_space<vmem>>
        %dma_start3A_433 = tpu.memref_squeeze %dma_start3A_432 : memref<1x128x32xf32, #tpu.memory_space<vmem>> -> memref<128x32xf32, #tpu.memory_space<vmem>>
        %dma_start3A_434 = arith.constant 0 : i32
        %dma_start3A_435 = tpu.memref_slice %arg5[%add3A_427, %dma_start3A_434] : memref<128x200xi32, #tpu.memory_space<vmem>> -> memref<1x128xi32, #tpu.memory_space<vmem>>
        %dma_start3A_436 = tpu.memref_squeeze %dma_start3A_435 : memref<1x128xi32, #tpu.memory_space<vmem>> -> memref<128xi32, #tpu.memory_space<vmem>>
        %dma_start3A_437 = arith.constant 0 : i32
        %dma_start3A_438 = arith.constant 0 : i32
        %dma_start3A_439 = tpu.memref_slice %arg3[%dma_start3A_437, %dma_start3A_438] : memref<100001x32xf32, #tpu.memory_space<hbm>> -> memref<100001x32xf32, #tpu.memory_space<hbm>>
        %dma_start3A_440 = tpu.memref_slice %arg8[%dma_start3A_429] : memref<8x!tpu.dma_semaphore, #tpu.memory_space<semaphore_mem>> -> memref<1x!tpu.dma_semaphore, #tpu.memory_space<semaphore_mem>>
        %dma_start3A_441 = tpu.memref_squeeze %dma_start3A_440 : memref<1x!tpu.dma_semaphore, #tpu.memory_space<semaphore_mem>> -> memref<!tpu.dma_semaphore, #tpu.memory_space<semaphore_mem>>
        tpu.enqueue_indirect_dma source(%dma_start3A_439 : memref<100001x32xf32, #tpu.memory_space<hbm>>) target(%dma_start3A_433 : memref<128x32xf32, #tpu.memory_space<vmem>>) offsets(%dma_start3A_436 : memref<128xi32, #tpu.memory_space<vmem>>) semaphore(%dma_start3A_441 : memref<!tpu.dma_semaphore, #tpu.memory_space<semaphore_mem>>)
      } else {
      }
      %dma_wait3A_314 = arith.constant 0 : i32
      %dma_wait3A_315 = arith.constant 5 : i32
      %dma_wait3A_316 = arith.constant 5 : i32
      %dma_wait3A_317 = arith.constant 0 : i32
      %dma_wait3A_318 = arith.constant 0 : i32
      %dma_wait3A_319 = tpu.memref_slice %arg6[%dma_wait3A_315, %dma_wait3A_317, %dma_wait3A_318] : memref<8x128x32xf32, #tpu.memory_space<vmem>> -> memref<1x72x32xf32, #tpu.memory_space<vmem>>
      %dma_wait3A_320 = tpu.memref_squeeze %dma_wait3A_319 : memref<1x72x32xf32, #tpu.memory_space<vmem>> -> memref<72x32xf32, #tpu.memory_space<vmem>>
      %dma_wait3A_321 = arith.constant 128 : i32
      %dma_wait3A_322 = tpu.memref_slice %arg5[%dma_wait3A_314, %dma_wait3A_321] : memref<128x200xi32, #tpu.memory_space<vmem>> -> memref<1x72xi32, #tpu.memory_space<vmem>>
      %dma_wait3A_323 = tpu.memref_squeeze %dma_wait3A_322 : memref<1x72xi32, #tpu.memory_space<vmem>> -> memref<72xi32, #tpu.memory_space<vmem>>
      %dma_wait3A_324 = arith.constant 0 : i32
      %dma_wait3A_325 = arith.constant 0 : i32
      %dma_wait3A_326 = tpu.memref_slice %arg3[%dma_wait3A_324, %dma_wait3A_325] : memref<100001x32xf32, #tpu.memory_space<hbm>> -> memref<100001x32xf32, #tpu.memory_space<hbm>>
      %dma_wait3A_327 = tpu.memref_slice %arg8[%dma_wait3A_316] : memref<8x!tpu.dma_semaphore, #tpu.memory_space<semaphore_mem>> -> memref<1x!tpu.dma_semaphore, #tpu.memory_space<semaphore_mem>>
      %dma_wait3A_328 = tpu.memref_squeeze %dma_wait3A_327 : memref<1x!tpu.dma_semaphore, #tpu.memory_space<semaphore_mem>> -> memref<!tpu.dma_semaphore, #tpu.memory_space<semaphore_mem>>
      tpu.wait_indirect_dma semaphore(%dma_wait3A_328 : memref<!tpu.dma_semaphore, #tpu.memory_space<semaphore_mem>>) src(%dma_wait3A_326 : memref<100001x32xf32, #tpu.memory_space<hbm>>) dst(%dma_wait3A_320 : memref<72x32xf32, #tpu.memory_space<vmem>>)
      %scan3A_329 = arith.constant 0 : i32
      %scan3A_330 = arith.constant 18 : i32
      %scan3A_331 = arith.addi %scan3A_329, %scan3A_330 : i32
      %scan3A_332 = arith.constant 1 : i32
      %scan3A_333:4 = scf.for %scan3A_426 = %scan3A_329 to %scan3A_331 step %scan3A_332 iter_args(%scan3A_427 = %scan3A_305#0, %scan3A_428 = %scan3A_305#1, %scan3A_429 = %scan3A_305#2, %scan3A_430 = %scan3A_305#3) -> (vector<16xf32>, vector<16xf32>, vector<16xf32>, vector<16xf32>)  : i32 {
        %mul3A_431 = arith.constant 4 : i32
        %mul3A_432 = arith.muli %scan3A_426, %mul3A_431 : i32
        %add3A_433 = arith.constant 0 : i32
        %add3A_434 = arith.addi %mul3A_432, %add3A_433 : i32
        %get3A = arith.constant 5 : i32
        %get3A_435 = arith.index_cast %get3A : i32 to index
        %get3A_436 = arith.index_cast %add3A_434 : i32 to index
        %get3A_437 = arith.constant 0 : index
        %get3A_438 = tpu.vector_load %arg6[%get3A_435, %get3A_436, %get3A_437] {strides = array<i32>} : memref<8x128x32xf32, #tpu.memory_space<vmem>>, vector<16xf32>,
        %add3A_439 = arith.addf %scan3A_427, %get3A_438 : vector<16xf32>
        %get3A_440 = arith.constant 5 : i32
        %get3A_441 = arith.index_cast %get3A_440 : i32 to index
        %get3A_442 = arith.index_cast %add3A_434 : i32 to index
        %get3A_443 = arith.constant 16 : index
        %get3A_444 = tpu.vector_load %arg6[%get3A_441, %get3A_442, %get3A_443] {strides = array<i32>} : memref<8x128x32xf32, #tpu.memory_space<vmem>>, vector<16xf32>,
        %add3A_445 = arith.addf %scan3A_428, %get3A_444 : vector<16xf32>
        %add3A_446 = arith.constant 1 : i32
        %add3A_447 = arith.addi %add3A_434, %add3A_446 : i32
        %get3A_448 = arith.constant 5 : i32
        %get3A_449 = arith.index_cast %get3A_448 : i32 to index
        %get3A_450 = arith.index_cast %add3A_447 : i32 to index
        %get3A_451 = arith.constant 0 : index
        %get3A_452 = tpu.vector_load %arg6[%get3A_449, %get3A_450, %get3A_451] {strides = array<i32>} : memref<8x128x32xf32, #tpu.memory_space<vmem>>, vector<16xf32>,
        %add3A_453 = arith.addf %scan3A_429, %get3A_452 : vector<16xf32>
        %add3A_454 = arith.constant 1 : i32
        %add3A_455 = arith.addi %add3A_434, %add3A_454 : i32
        %get3A_456 = arith.constant 5 : i32
        %get3A_457 = arith.index_cast %get3A_456 : i32 to index
        %get3A_458 = arith.index_cast %add3A_455 : i32 to index
        %get3A_459 = arith.constant 16 : index
        %get3A_460 = tpu.vector_load %arg6[%get3A_457, %get3A_458, %get3A_459] {strides = array<i32>} : memref<8x128x32xf32, #tpu.memory_space<vmem>>, vector<16xf32>,
        %add3A_461 = arith.addf %scan3A_430, %get3A_460 : vector<16xf32>
        %mul3A_462 = arith.constant 4 : i32
        %mul3A_463 = arith.muli %scan3A_426, %mul3A_462 : i32
        %add3A_464 = arith.constant 2 : i32
        %add3A_465 = arith.addi %mul3A_463, %add3A_464 : i32
        %get3A_466 = arith.constant 5 : i32
        %get3A_467 = arith.index_cast %get3A_466 : i32 to index
        %get3A_468 = arith.index_cast %add3A_465 : i32 to index
        %get3A_469 = arith.constant 0 : index
        %get3A_470 = tpu.vector_load %arg6[%get3A_467, %get3A_468, %get3A_469] {strides = array<i32>} : memref<8x128x32xf32, #tpu.memory_space<vmem>>, vector<16xf32>,
        %add3A_471 = arith.addf %add3A_439, %get3A_470 : vector<16xf32>
        %get3A_472 = arith.constant 5 : i32
        %get3A_473 = arith.index_cast %get3A_472 : i32 to index
        %get3A_474 = arith.index_cast %add3A_465 : i32 to index
        %get3A_475 = arith.constant 16 : index
        %get3A_476 = tpu.vector_load %arg6[%get3A_473, %get3A_474, %get3A_475] {strides = array<i32>} : memref<8x128x32xf32, #tpu.memory_space<vmem>>, vector<16xf32>,
        %add3A_477 = arith.addf %add3A_445, %get3A_476 : vector<16xf32>
        %add3A_478 = arith.constant 1 : i32
        %add3A_479 = arith.addi %add3A_465, %add3A_478 : i32
        %get3A_480 = arith.constant 5 : i32
        %get3A_481 = arith.index_cast %get3A_480 : i32 to index
        %get3A_482 = arith.index_cast %add3A_479 : i32 to index
        %get3A_483 = arith.constant 0 : index
        %get3A_484 = tpu.vector_load %arg6[%get3A_481, %get3A_482, %get3A_483] {strides = array<i32>} : memref<8x128x32xf32, #tpu.memory_space<vmem>>, vector<16xf32>,
        %add3A_485 = arith.addf %add3A_453, %get3A_484 : vector<16xf32>
        %add3A_486 = arith.constant 1 : i32
        %add3A_487 = arith.addi %add3A_465, %add3A_486 : i32
        %get3A_488 = arith.constant 5 : i32
        %get3A_489 = arith.index_cast %get3A_488 : i32 to index
        %get3A_490 = arith.index_cast %add3A_487 : i32 to index
        %get3A_491 = arith.constant 16 : index
        %get3A_492 = tpu.vector_load %arg6[%get3A_489, %get3A_490, %get3A_491] {strides = array<i32>} : memref<8x128x32xf32, #tpu.memory_space<vmem>>, vector<16xf32>,
        %add3A_493 = arith.addf %add3A_461, %get3A_492 : vector<16xf32>
        scf.yield %add3A_471, %add3A_477, %add3A_485, %add3A_493 : vector<16xf32>, vector<16xf32>, vector<16xf32>, vector<16xf32>
      }
      %scan3A_334 = arith.constant 18 : i32
      %add3A_335 = arith.constant 4 : i32
      %add3A_336 = arith.addi %add3A_277, %add3A_335 : i32
      %lt3A_337 = arith.constant 128 : i32
      %lt3A_338 = arith.cmpi slt, %add3A_336, %lt3A_337 : i32
      %convert_element_type3A_339 = arith.extui %lt3A_338 : i1 to i32
      %cond3A_340 = arith.constant 0 : i32
      %cond3A_341 = arith.cmpi ne, %convert_element_type3A_339, %cond3A_340 : i32
      scf.if %cond3A_341 {
        %add3A_426 = arith.constant 4 : i32
        %add3A_427 = arith.addi %add3A_277, %add3A_426 : i32
        %dma_start3A_428 = arith.constant 5 : i32
        %dma_start3A_429 = arith.constant 5 : i32
        %dma_start3A_430 = arith.constant 0 : i32
        %dma_start3A_431 = arith.constant 0 : i32
        %dma_start3A_432 = tpu.memref_slice %arg6[%dma_start3A_428, %dma_start3A_430, %dma_start3A_431] : memref<8x128x32xf32, #tpu.memory_space<vmem>> -> memref<1x72x32xf32, #tpu.memory_space<vmem>>
        %dma_start3A_433 = tpu.memref_squeeze %dma_start3A_432 : memref<1x72x32xf32, #tpu.memory_space<vmem>> -> memref<72x32xf32, #tpu.memory_space<vmem>>
        %dma_start3A_434 = arith.constant 128 : i32
        %dma_start3A_435 = tpu.memref_slice %arg5[%add3A_427, %dma_start3A_434] : memref<128x200xi32, #tpu.memory_space<vmem>> -> memref<1x72xi32, #tpu.memory_space<vmem>>
        %dma_start3A_436 = tpu.memref_squeeze %dma_start3A_435 : memref<1x72xi32, #tpu.memory_space<vmem>> -> memref<72xi32, #tpu.memory_space<vmem>>
        %dma_start3A_437 = arith.constant 0 : i32
        %dma_start3A_438 = arith.constant 0 : i32
        %dma_start3A_439 = tpu.memref_slice %arg3[%dma_start3A_437, %dma_start3A_438] : memref<100001x32xf32, #tpu.memory_space<hbm>> -> memref<100001x32xf32, #tpu.memory_space<hbm>>
        %dma_start3A_440 = tpu.memref_slice %arg8[%dma_start3A_429] : memref<8x!tpu.dma_semaphore, #tpu.memory_space<semaphore_mem>> -> memref<1x!tpu.dma_semaphore, #tpu.memory_space<semaphore_mem>>
        %dma_start3A_441 = tpu.memref_squeeze %dma_start3A_440 : memref<1x!tpu.dma_semaphore, #tpu.memory_space<semaphore_mem>> -> memref<!tpu.dma_semaphore, #tpu.memory_space<semaphore_mem>>
        tpu.enqueue_indirect_dma source(%dma_start3A_439 : memref<100001x32xf32, #tpu.memory_space<hbm>>) target(%dma_start3A_433 : memref<72x32xf32, #tpu.memory_space<vmem>>) offsets(%dma_start3A_436 : memref<72xi32, #tpu.memory_space<vmem>>) semaphore(%dma_start3A_441 : memref<!tpu.dma_semaphore, #tpu.memory_space<semaphore_mem>>)
      } else {
      }
      %add3A_342 = arith.addf %scan3A_333#0, %scan3A_333#2 : vector<16xf32>
      %swap3A_343 = arith.index_cast %add3A_277 : i32 to index
      %swap3A_344 = arith.constant 0 : index
      %swap3A_345 = tpu.vector_load %arg7[%swap3A_343, %swap3A_344] {strides = array<i32>} : memref<128x32xf32, #tpu.memory_space<vmem>>, vector<16xf32>,
      tpu.vector_store %arg7[%swap3A_343, %swap3A_344], %add3A_342 {strides = array<i32>} : memref<128x32xf32, #tpu.memory_space<vmem>>, vector<16xf32>,
      %add3A_346 = arith.addf %scan3A_333#1, %scan3A_333#3 : vector<16xf32>
      %swap3A_347 = arith.index_cast %add3A_277 : i32 to index
      %swap3A_348 = arith.constant 16 : index
      %swap3A_349 = tpu.vector_load %arg7[%swap3A_347, %swap3A_348] {strides = array<i32>} : memref<128x32xf32, #tpu.memory_space<vmem>>, vector<16xf32>,
      tpu.vector_store %arg7[%swap3A_347, %swap3A_348], %add3A_346 {strides = array<i32>} : memref<128x32xf32, #tpu.memory_space<vmem>>, vector<16xf32>,
      %mul3A_350 = arith.constant 4 : i32
      %mul3A_351 = arith.muli %mul3A_350, %scan3A_127 : i32
      %add3A_352 = arith.constant 3 : i32
      %add3A_353 = arith.addi %mul3A_351, %add3A_352 : i32
      %broadcast_in_dim3A_354 = arith.constant 0.000000e+00 : f32
      %broadcast_in_dim3A_355 = vector.broadcast %broadcast_in_dim3A_354 : f32 to vector<16xf32>
      %broadcast_in_dim3A_356 = arith.constant 0.000000e+00 : f32
      %broadcast_in_dim3A_357 = vector.broadcast %broadcast_in_dim3A_356 : f32 to vector<16xf32>
      %broadcast_in_dim3A_358 = arith.constant 0.000000e+00 : f32
      %broadcast_in_dim3A_359 = vector.broadcast %broadcast_in_dim3A_358 : f32 to vector<16xf32>
      %broadcast_in_dim3A_360 = arith.constant 0.000000e+00 : f32
      %broadcast_in_dim3A_361 = vector.broadcast %broadcast_in_dim3A_360 : f32 to vector<16xf32>
      %dma_wait3A_362 = arith.constant 0 : i32
      %dma_wait3A_363 = arith.constant 6 : i32
      %dma_wait3A_364 = arith.constant 6 : i32
      %dma_wait3A_365 = arith.constant 0 : i32
      %dma_wait3A_366 = arith.constant 0 : i32
      %dma_wait3A_367 = tpu.memref_slice %arg6[%dma_wait3A_363, %dma_wait3A_365, %dma_wait3A_366] : memref<8x128x32xf32, #tpu.memory_space<vmem>> -> memref<1x128x32xf32, #tpu.memory_space<vmem>>
      %dma_wait3A_368 = tpu.memref_squeeze %dma_wait3A_367 : memref<1x128x32xf32, #tpu.memory_space<vmem>> -> memref<128x32xf32, #tpu.memory_space<vmem>>
      %dma_wait3A_369 = arith.constant 0 : i32
      %dma_wait3A_370 = tpu.memref_slice %arg5[%dma_wait3A_362, %dma_wait3A_369] : memref<128x200xi32, #tpu.memory_space<vmem>> -> memref<1x128xi32, #tpu.memory_space<vmem>>
      %dma_wait3A_371 = tpu.memref_squeeze %dma_wait3A_370 : memref<1x128xi32, #tpu.memory_space<vmem>> -> memref<128xi32, #tpu.memory_space<vmem>>
      %dma_wait3A_372 = arith.constant 0 : i32
      %dma_wait3A_373 = arith.constant 0 : i32
      %dma_wait3A_374 = tpu.memref_slice %arg3[%dma_wait3A_372, %dma_wait3A_373] : memref<100001x32xf32, #tpu.memory_space<hbm>> -> memref<100001x32xf32, #tpu.memory_space<hbm>>
      %dma_wait3A_375 = tpu.memref_slice %arg8[%dma_wait3A_364] : memref<8x!tpu.dma_semaphore, #tpu.memory_space<semaphore_mem>> -> memref<1x!tpu.dma_semaphore, #tpu.memory_space<semaphore_mem>>
      %dma_wait3A_376 = tpu.memref_squeeze %dma_wait3A_375 : memref<1x!tpu.dma_semaphore, #tpu.memory_space<semaphore_mem>> -> memref<!tpu.dma_semaphore, #tpu.memory_space<semaphore_mem>>
      tpu.wait_indirect_dma semaphore(%dma_wait3A_376 : memref<!tpu.dma_semaphore, #tpu.memory_space<semaphore_mem>>) src(%dma_wait3A_374 : memref<100001x32xf32, #tpu.memory_space<hbm>>) dst(%dma_wait3A_368 : memref<128x32xf32, #tpu.memory_space<vmem>>)
      %scan3A_377 = arith.constant 0 : i32
      %scan3A_378 = arith.constant 32 : i32
      %scan3A_379 = arith.addi %scan3A_377, %scan3A_378 : i32
      %scan3A_380 = arith.constant 1 : i32
      %scan3A_381:4 = scf.for %scan3A_426 = %scan3A_377 to %scan3A_379 step %scan3A_380 iter_args(%scan3A_427 = %broadcast_in_dim3A_355, %scan3A_428 = %broadcast_in_dim3A_357, %scan3A_429 = %broadcast_in_dim3A_359, %scan3A_430 = %broadcast_in_dim3A_361) -> (vector<16xf32>, vector<16xf32>, vector<16xf32>, vector<16xf32>)  : i32 {
        %mul3A_431 = arith.constant 4 : i32
        %mul3A_432 = arith.muli %scan3A_426, %mul3A_431 : i32
        %add3A_433 = arith.constant 0 : i32
        %add3A_434 = arith.addi %mul3A_432, %add3A_433 : i32
        %get3A = arith.constant 6 : i32
        %get3A_435 = arith.index_cast %get3A : i32 to index
        %get3A_436 = arith.index_cast %add3A_434 : i32 to index
        %get3A_437 = arith.constant 0 : index
        %get3A_438 = tpu.vector_load %arg6[%get3A_435, %get3A_436, %get3A_437] {strides = array<i32>} : memref<8x128x32xf32, #tpu.memory_space<vmem>>, vector<16xf32>,
        %add3A_439 = arith.addf %scan3A_427, %get3A_438 : vector<16xf32>
        %get3A_440 = arith.constant 6 : i32
        %get3A_441 = arith.index_cast %get3A_440 : i32 to index
        %get3A_442 = arith.index_cast %add3A_434 : i32 to index
        %get3A_443 = arith.constant 16 : index
        %get3A_444 = tpu.vector_load %arg6[%get3A_441, %get3A_442, %get3A_443] {strides = array<i32>} : memref<8x128x32xf32, #tpu.memory_space<vmem>>, vector<16xf32>,
        %add3A_445 = arith.addf %scan3A_428, %get3A_444 : vector<16xf32>
        %add3A_446 = arith.constant 1 : i32
        %add3A_447 = arith.addi %add3A_434, %add3A_446 : i32
        %get3A_448 = arith.constant 6 : i32
        %get3A_449 = arith.index_cast %get3A_448 : i32 to index
        %get3A_450 = arith.index_cast %add3A_447 : i32 to index
        %get3A_451 = arith.constant 0 : index
        %get3A_452 = tpu.vector_load %arg6[%get3A_449, %get3A_450, %get3A_451] {strides = array<i32>} : memref<8x128x32xf32, #tpu.memory_space<vmem>>, vector<16xf32>,
        %add3A_453 = arith.addf %scan3A_429, %get3A_452 : vector<16xf32>
        %add3A_454 = arith.constant 1 : i32
        %add3A_455 = arith.addi %add3A_434, %add3A_454 : i32
        %get3A_456 = arith.constant 6 : i32
        %get3A_457 = arith.index_cast %get3A_456 : i32 to index
        %get3A_458 = arith.index_cast %add3A_455 : i32 to index
        %get3A_459 = arith.constant 16 : index
        %get3A_460 = tpu.vector_load %arg6[%get3A_457, %get3A_458, %get3A_459] {strides = array<i32>} : memref<8x128x32xf32, #tpu.memory_space<vmem>>, vector<16xf32>,
        %add3A_461 = arith.addf %scan3A_430, %get3A_460 : vector<16xf32>
        %mul3A_462 = arith.constant 4 : i32
        %mul3A_463 = arith.muli %scan3A_426, %mul3A_462 : i32
        %add3A_464 = arith.constant 2 : i32
        %add3A_465 = arith.addi %mul3A_463, %add3A_464 : i32
        %get3A_466 = arith.constant 6 : i32
        %get3A_467 = arith.index_cast %get3A_466 : i32 to index
        %get3A_468 = arith.index_cast %add3A_465 : i32 to index
        %get3A_469 = arith.constant 0 : index
        %get3A_470 = tpu.vector_load %arg6[%get3A_467, %get3A_468, %get3A_469] {strides = array<i32>} : memref<8x128x32xf32, #tpu.memory_space<vmem>>, vector<16xf32>,
        %add3A_471 = arith.addf %add3A_439, %get3A_470 : vector<16xf32>
        %get3A_472 = arith.constant 6 : i32
        %get3A_473 = arith.index_cast %get3A_472 : i32 to index
        %get3A_474 = arith.index_cast %add3A_465 : i32 to index
        %get3A_475 = arith.constant 16 : index
        %get3A_476 = tpu.vector_load %arg6[%get3A_473, %get3A_474, %get3A_475] {strides = array<i32>} : memref<8x128x32xf32, #tpu.memory_space<vmem>>, vector<16xf32>,
        %add3A_477 = arith.addf %add3A_445, %get3A_476 : vector<16xf32>
        %add3A_478 = arith.constant 1 : i32
        %add3A_479 = arith.addi %add3A_465, %add3A_478 : i32
        %get3A_480 = arith.constant 6 : i32
        %get3A_481 = arith.index_cast %get3A_480 : i32 to index
        %get3A_482 = arith.index_cast %add3A_479 : i32 to index
        %get3A_483 = arith.constant 0 : index
        %get3A_484 = tpu.vector_load %arg6[%get3A_481, %get3A_482, %get3A_483] {strides = array<i32>} : memref<8x128x32xf32, #tpu.memory_space<vmem>>, vector<16xf32>,
        %add3A_485 = arith.addf %add3A_453, %get3A_484 : vector<16xf32>
        %add3A_486 = arith.constant 1 : i32
        %add3A_487 = arith.addi %add3A_465, %add3A_486 : i32
        %get3A_488 = arith.constant 6 : i32
        %get3A_489 = arith.index_cast %get3A_488 : i32 to index
        %get3A_490 = arith.index_cast %add3A_487 : i32 to index
        %get3A_491 = arith.constant 16 : index
        %get3A_492 = tpu.vector_load %arg6[%get3A_489, %get3A_490, %get3A_491] {strides = array<i32>} : memref<8x128x32xf32, #tpu.memory_space<vmem>>, vector<16xf32>,
        %add3A_493 = arith.addf %add3A_461, %get3A_492 : vector<16xf32>
        scf.yield %add3A_471, %add3A_477, %add3A_485, %add3A_493 : vector<16xf32>, vector<16xf32>, vector<16xf32>, vector<16xf32>
      }
      %scan3A_382 = arith.constant 32 : i32
      %add3A_383 = arith.constant 4 : i32
      %add3A_384 = arith.addi %add3A_353, %add3A_383 : i32
      %lt3A_385 = arith.constant 128 : i32
      %lt3A_386 = arith.cmpi slt, %add3A_384, %lt3A_385 : i32
      %convert_element_type3A_387 = arith.extui %lt3A_386 : i1 to i32
      %cond3A_388 = arith.constant 0 : i32
      %cond3A_389 = arith.cmpi ne, %convert_element_type3A_387, %cond3A_388 : i32
      scf.if %cond3A_389 {
        %add3A_426 = arith.constant 4 : i32
        %add3A_427 = arith.addi %add3A_353, %add3A_426 : i32
        %dma_start3A_428 = arith.constant 6 : i32
        %dma_start3A_429 = arith.constant 6 : i32
        %dma_start3A_430 = arith.constant 0 : i32
        %dma_start3A_431 = arith.constant 0 : i32
        %dma_start3A_432 = tpu.memref_slice %arg6[%dma_start3A_428, %dma_start3A_430, %dma_start3A_431] : memref<8x128x32xf32, #tpu.memory_space<vmem>> -> memref<1x128x32xf32, #tpu.memory_space<vmem>>
        %dma_start3A_433 = tpu.memref_squeeze %dma_start3A_432 : memref<1x128x32xf32, #tpu.memory_space<vmem>> -> memref<128x32xf32, #tpu.memory_space<vmem>>
        %dma_start3A_434 = arith.constant 0 : i32
        %dma_start3A_435 = tpu.memref_slice %arg5[%add3A_427, %dma_start3A_434] : memref<128x200xi32, #tpu.memory_space<vmem>> -> memref<1x128xi32, #tpu.memory_space<vmem>>
        %dma_start3A_436 = tpu.memref_squeeze %dma_start3A_435 : memref<1x128xi32, #tpu.memory_space<vmem>> -> memref<128xi32, #tpu.memory_space<vmem>>
        %dma_start3A_437 = arith.constant 0 : i32
        %dma_start3A_438 = arith.constant 0 : i32
        %dma_start3A_439 = tpu.memref_slice %arg3[%dma_start3A_437, %dma_start3A_438] : memref<100001x32xf32, #tpu.memory_space<hbm>> -> memref<100001x32xf32, #tpu.memory_space<hbm>>
        %dma_start3A_440 = tpu.memref_slice %arg8[%dma_start3A_429] : memref<8x!tpu.dma_semaphore, #tpu.memory_space<semaphore_mem>> -> memref<1x!tpu.dma_semaphore, #tpu.memory_space<semaphore_mem>>
        %dma_start3A_441 = tpu.memref_squeeze %dma_start3A_440 : memref<1x!tpu.dma_semaphore, #tpu.memory_space<semaphore_mem>> -> memref<!tpu.dma_semaphore, #tpu.memory_space<semaphore_mem>>
        tpu.enqueue_indirect_dma source(%dma_start3A_439 : memref<100001x32xf32, #tpu.memory_space<hbm>>) target(%dma_start3A_433 : memref<128x32xf32, #tpu.memory_space<vmem>>) offsets(%dma_start3A_436 : memref<128xi32, #tpu.memory_space<vmem>>) semaphore(%dma_start3A_441 : memref<!tpu.dma_semaphore, #tpu.memory_space<semaphore_mem>>)
      } else {
      }
      %dma_wait3A_390 = arith.constant 0 : i32
      %dma_wait3A_391 = arith.constant 7 : i32
      %dma_wait3A_392 = arith.constant 7 : i32
      %dma_wait3A_393 = arith.constant 0 : i32
      %dma_wait3A_394 = arith.constant 0 : i32
      %dma_wait3A_395 = tpu.memref_slice %arg6[%dma_wait3A_391, %dma_wait3A_393, %dma_wait3A_394] : memref<8x128x32xf32, #tpu.memory_space<vmem>> -> memref<1x72x32xf32, #tpu.memory_space<vmem>>
      %dma_wait3A_396 = tpu.memref_squeeze %dma_wait3A_395 : memref<1x72x32xf32, #tpu.memory_space<vmem>> -> memref<72x32xf32, #tpu.memory_space<vmem>>
      %dma_wait3A_397 = arith.constant 128 : i32
      %dma_wait3A_398 = tpu.memref_slice %arg5[%dma_wait3A_390, %dma_wait3A_397] : memref<128x200xi32, #tpu.memory_space<vmem>> -> memref<1x72xi32, #tpu.memory_space<vmem>>
      %dma_wait3A_399 = tpu.memref_squeeze %dma_wait3A_398 : memref<1x72xi32, #tpu.memory_space<vmem>> -> memref<72xi32, #tpu.memory_space<vmem>>
      %dma_wait3A_400 = arith.constant 0 : i32
      %dma_wait3A_401 = arith.constant 0 : i32
      %dma_wait3A_402 = tpu.memref_slice %arg3[%dma_wait3A_400, %dma_wait3A_401] : memref<100001x32xf32, #tpu.memory_space<hbm>> -> memref<100001x32xf32, #tpu.memory_space<hbm>>
      %dma_wait3A_403 = tpu.memref_slice %arg8[%dma_wait3A_392] : memref<8x!tpu.dma_semaphore, #tpu.memory_space<semaphore_mem>> -> memref<1x!tpu.dma_semaphore, #tpu.memory_space<semaphore_mem>>
      %dma_wait3A_404 = tpu.memref_squeeze %dma_wait3A_403 : memref<1x!tpu.dma_semaphore, #tpu.memory_space<semaphore_mem>> -> memref<!tpu.dma_semaphore, #tpu.memory_space<semaphore_mem>>
      tpu.wait_indirect_dma semaphore(%dma_wait3A_404 : memref<!tpu.dma_semaphore, #tpu.memory_space<semaphore_mem>>) src(%dma_wait3A_402 : memref<100001x32xf32, #tpu.memory_space<hbm>>) dst(%dma_wait3A_396 : memref<72x32xf32, #tpu.memory_space<vmem>>)
      %scan3A_405 = arith.constant 0 : i32
      %scan3A_406 = arith.constant 18 : i32
      %scan3A_407 = arith.addi %scan3A_405, %scan3A_406 : i32
      %scan3A_408 = arith.constant 1 : i32
      %scan3A_409:4 = scf.for %scan3A_426 = %scan3A_405 to %scan3A_407 step %scan3A_408 iter_args(%scan3A_427 = %scan3A_381#0, %scan3A_428 = %scan3A_381#1, %scan3A_429 = %scan3A_381#2, %scan3A_430 = %scan3A_381#3) -> (vector<16xf32>, vector<16xf32>, vector<16xf32>, vector<16xf32>)  : i32 {
        %mul3A_431 = arith.constant 4 : i32
        %mul3A_432 = arith.muli %scan3A_426, %mul3A_431 : i32
        %add3A_433 = arith.constant 0 : i32
        %add3A_434 = arith.addi %mul3A_432, %add3A_433 : i32
        %get3A = arith.constant 7 : i32
        %get3A_435 = arith.index_cast %get3A : i32 to index
        %get3A_436 = arith.index_cast %add3A_434 : i32 to index
        %get3A_437 = arith.constant 0 : index
        %get3A_438 = tpu.vector_load %arg6[%get3A_435, %get3A_436, %get3A_437] {strides = array<i32>} : memref<8x128x32xf32, #tpu.memory_space<vmem>>, vector<16xf32>,
        %add3A_439 = arith.addf %scan3A_427, %get3A_438 : vector<16xf32>
        %get3A_440 = arith.constant 7 : i32
        %get3A_441 = arith.index_cast %get3A_440 : i32 to index
        %get3A_442 = arith.index_cast %add3A_434 : i32 to index
        %get3A_443 = arith.constant 16 : index
        %get3A_444 = tpu.vector_load %arg6[%get3A_441, %get3A_442, %get3A_443] {strides = array<i32>} : memref<8x128x32xf32, #tpu.memory_space<vmem>>, vector<16xf32>,
        %add3A_445 = arith.addf %scan3A_428, %get3A_444 : vector<16xf32>
        %add3A_446 = arith.constant 1 : i32
        %add3A_447 = arith.addi %add3A_434, %add3A_446 : i32
        %get3A_448 = arith.constant 7 : i32
        %get3A_449 = arith.index_cast %get3A_448 : i32 to index
        %get3A_450 = arith.index_cast %add3A_447 : i32 to index
        %get3A_451 = arith.constant 0 : index
        %get3A_452 = tpu.vector_load %arg6[%get3A_449, %get3A_450, %get3A_451] {strides = array<i32>} : memref<8x128x32xf32, #tpu.memory_space<vmem>>, vector<16xf32>,
        %add3A_453 = arith.addf %scan3A_429, %get3A_452 : vector<16xf32>
        %add3A_454 = arith.constant 1 : i32
        %add3A_455 = arith.addi %add3A_434, %add3A_454 : i32
        %get3A_456 = arith.constant 7 : i32
        %get3A_457 = arith.index_cast %get3A_456 : i32 to index
        %get3A_458 = arith.index_cast %add3A_455 : i32 to index
        %get3A_459 = arith.constant 16 : index
        %get3A_460 = tpu.vector_load %arg6[%get3A_457, %get3A_458, %get3A_459] {strides = array<i32>} : memref<8x128x32xf32, #tpu.memory_space<vmem>>, vector<16xf32>,
        %add3A_461 = arith.addf %scan3A_430, %get3A_460 : vector<16xf32>
        %mul3A_462 = arith.constant 4 : i32
        %mul3A_463 = arith.muli %scan3A_426, %mul3A_462 : i32
        %add3A_464 = arith.constant 2 : i32
        %add3A_465 = arith.addi %mul3A_463, %add3A_464 : i32
        %get3A_466 = arith.constant 7 : i32
        %get3A_467 = arith.index_cast %get3A_466 : i32 to index
        %get3A_468 = arith.index_cast %add3A_465 : i32 to index
        %get3A_469 = arith.constant 0 : index
        %get3A_470 = tpu.vector_load %arg6[%get3A_467, %get3A_468, %get3A_469] {strides = array<i32>} : memref<8x128x32xf32, #tpu.memory_space<vmem>>, vector<16xf32>,
        %add3A_471 = arith.addf %add3A_439, %get3A_470 : vector<16xf32>
        %get3A_472 = arith.constant 7 : i32
        %get3A_473 = arith.index_cast %get3A_472 : i32 to index
        %get3A_474 = arith.index_cast %add3A_465 : i32 to index
        %get3A_475 = arith.constant 16 : index
        %get3A_476 = tpu.vector_load %arg6[%get3A_473, %get3A_474, %get3A_475] {strides = array<i32>} : memref<8x128x32xf32, #tpu.memory_space<vmem>>, vector<16xf32>,
        %add3A_477 = arith.addf %add3A_445, %get3A_476 : vector<16xf32>
        %add3A_478 = arith.constant 1 : i32
        %add3A_479 = arith.addi %add3A_465, %add3A_478 : i32
        %get3A_480 = arith.constant 7 : i32
        %get3A_481 = arith.index_cast %get3A_480 : i32 to index
        %get3A_482 = arith.index_cast %add3A_479 : i32 to index
        %get3A_483 = arith.constant 0 : index
        %get3A_484 = tpu.vector_load %arg6[%get3A_481, %get3A_482, %get3A_483] {strides = array<i32>} : memref<8x128x32xf32, #tpu.memory_space<vmem>>, vector<16xf32>,
        %add3A_485 = arith.addf %add3A_453, %get3A_484 : vector<16xf32>
        %add3A_486 = arith.constant 1 : i32
        %add3A_487 = arith.addi %add3A_465, %add3A_486 : i32
        %get3A_488 = arith.constant 7 : i32
        %get3A_489 = arith.index_cast %get3A_488 : i32 to index
        %get3A_490 = arith.index_cast %add3A_487 : i32 to index
        %get3A_491 = arith.constant 16 : index
        %get3A_492 = tpu.vector_load %arg6[%get3A_489, %get3A_490, %get3A_491] {strides = array<i32>} : memref<8x128x32xf32, #tpu.memory_space<vmem>>, vector<16xf32>,
        %add3A_493 = arith.addf %add3A_461, %get3A_492 : vector<16xf32>
        scf.yield %add3A_471, %add3A_477, %add3A_485, %add3A_493 : vector<16xf32>, vector<16xf32>, vector<16xf32>, vector<16xf32>
      }
      %scan3A_410 = arith.constant 18 : i32
      %add3A_411 = arith.constant 4 : i32
      %add3A_412 = arith.addi %add3A_353, %add3A_411 : i32
      %lt3A_413 = arith.constant 128 : i32
      %lt3A_414 = arith.cmpi slt, %add3A_412, %lt3A_413 : i32
      %convert_element_type3A_415 = arith.extui %lt3A_414 : i1 to i32
      %cond3A_416 = arith.constant 0 : i32
      %cond3A_417 = arith.cmpi ne, %convert_element_type3A_415, %cond3A_416 : i32
      scf.if %cond3A_417 {
        %add3A_426 = arith.constant 4 : i32
        %add3A_427 = arith.addi %add3A_353, %add3A_426 : i32
        %dma_start3A_428 = arith.constant 7 : i32
        %dma_start3A_429 = arith.constant 7 : i32
        %dma_start3A_430 = arith.constant 0 : i32
        %dma_start3A_431 = arith.constant 0 : i32
        %dma_start3A_432 = tpu.memref_slice %arg6[%dma_start3A_428, %dma_start3A_430, %dma_start3A_431] : memref<8x128x32xf32, #tpu.memory_space<vmem>> -> memref<1x72x32xf32, #tpu.memory_space<vmem>>
        %dma_start3A_433 = tpu.memref_squeeze %dma_start3A_432 : memref<1x72x32xf32, #tpu.memory_space<vmem>> -> memref<72x32xf32, #tpu.memory_space<vmem>>
        %dma_start3A_434 = arith.constant 128 : i32
        %dma_start3A_435 = tpu.memref_slice %arg5[%add3A_427, %dma_start3A_434] : memref<128x200xi32, #tpu.memory_space<vmem>> -> memref<1x72xi32, #tpu.memory_space<vmem>>
        %dma_start3A_436 = tpu.memref_squeeze %dma_start3A_435 : memref<1x72xi32, #tpu.memory_space<vmem>> -> memref<72xi32, #tpu.memory_space<vmem>>
        %dma_start3A_437 = arith.constant 0 : i32
        %dma_start3A_438 = arith.constant 0 : i32
        %dma_start3A_439 = tpu.memref_slice %arg3[%dma_start3A_437, %dma_start3A_438] : memref<100001x32xf32, #tpu.memory_space<hbm>> -> memref<100001x32xf32, #tpu.memory_space<hbm>>
        %dma_start3A_440 = tpu.memref_slice %arg8[%dma_start3A_429] : memref<8x!tpu.dma_semaphore, #tpu.memory_space<semaphore_mem>> -> memref<1x!tpu.dma_semaphore, #tpu.memory_space<semaphore_mem>>
        %dma_start3A_441 = tpu.memref_squeeze %dma_start3A_440 : memref<1x!tpu.dma_semaphore, #tpu.memory_space<semaphore_mem>> -> memref<!tpu.dma_semaphore, #tpu.memory_space<semaphore_mem>>
        tpu.enqueue_indirect_dma source(%dma_start3A_439 : memref<100001x32xf32, #tpu.memory_space<hbm>>) target(%dma_start3A_433 : memref<72x32xf32, #tpu.memory_space<vmem>>) offsets(%dma_start3A_436 : memref<72xi32, #tpu.memory_space<vmem>>) semaphore(%dma_start3A_441 : memref<!tpu.dma_semaphore, #tpu.memory_space<semaphore_mem>>)
      } else {
      }
      %add3A_418 = arith.addf %scan3A_409#0, %scan3A_409#2 : vector<16xf32>
      %swap3A_419 = arith.index_cast %add3A_353 : i32 to index
      %swap3A_420 = arith.constant 0 : index
      %swap3A_421 = tpu.vector_load %arg7[%swap3A_419, %swap3A_420] {strides = array<i32>} : memref<128x32xf32, #tpu.memory_space<vmem>>, vector<16xf32>,
      tpu.vector_store %arg7[%swap3A_419, %swap3A_420], %add3A_418 {strides = array<i32>} : memref<128x32xf32, #tpu.memory_space<vmem>>, vector<16xf32>,
      %add3A_422 = arith.addf %scan3A_409#1, %scan3A_409#3 : vector<16xf32>
      %swap3A_423 = arith.index_cast %add3A_353 : i32 to index
      %swap3A_424 = arith.constant 16 : index
      %swap3A_425 = tpu.vector_load %arg7[%swap3A_423, %swap3A_424] {strides = array<i32>} : memref<128x32xf32, #tpu.memory_space<vmem>>, vector<16xf32>,
      tpu.vector_store %arg7[%swap3A_423, %swap3A_424], %add3A_422 {strides = array<i32>} : memref<128x32xf32, #tpu.memory_space<vmem>>, vector<16xf32>,
    }
    %scan3A_126 = arith.constant 32 : i32
    "tpu.region"() ({
      %run_scoped3A = tpu.sem_alloc : memref<!tpu.dma_semaphore, #tpu.memory_space<semaphore_mem>>
      %dma_start3A_127 = arith.constant 0 : i32
      %dma_start3A_128 = tpu.memref_slice %arg4[%mul3A_2, %dma_start3A_127] : memref<4096x32xf32, #tpu.memory_space<hbm>> -> memref<128x32xf32, #tpu.memory_space<hbm>>
      %dma_start3A_129 = arith.constant 0 : i32
      %dma_start3A_130 = tpu.memref_slice %arg4[%mul3A_2, %dma_start3A_129] : memref<4096x32xf32, #tpu.memory_space<hbm>> -> memref<128x32xf32, #tpu.memory_space<hbm>>
      tpu.enqueue_dma source(%arg7 : memref<128x32xf32, #tpu.memory_space<vmem>>) target(%dma_start3A_130 : memref<128x32xf32, #tpu.memory_space<hbm>>) target_semaphore(%run_scoped3A : memref<!tpu.dma_semaphore, #tpu.memory_space<semaphore_mem>>)
      %dma_wait3A = arith.constant 0 : i32
      %dma_wait3A_131 = tpu.memref_slice %arg4[%mul3A_2, %dma_wait3A] : memref<4096x32xf32, #tpu.memory_space<hbm>> -> memref<128x32xf32, #tpu.memory_space<hbm>>
      %dma_wait3A_132 = arith.constant 0 : i32
      %dma_wait3A_133 = tpu.memref_slice %arg4[%mul3A_2, %dma_wait3A_132] : memref<4096x32xf32, #tpu.memory_space<hbm>> -> memref<128x32xf32, #tpu.memory_space<hbm>>
      tpu.wait_dma2 semaphore(%run_scoped3A : memref<!tpu.dma_semaphore, #tpu.memory_space<semaphore_mem>>) src(%arg7 : memref<128x32xf32, #tpu.memory_space<vmem>>) dst(%dma_wait3A_133 : memref<128x32xf32, #tpu.memory_space<hbm>>)
      tpu.yield
    }) : () -> ()
    return
  }
}

module attributes {stable_mosaic.version = 14 : i64} {
  func.func @body(%arg0: i32, %arg1: memref<256x32xf32, #tpu.memory_space<vmem>>, %arg2: memref<256x32xf32, #tpu.memory_space<vmem>>, %arg3: memref<256x32xf32, #tpu.memory_space<vmem>>, %arg4: memref<256x200xf32, #tpu.memory_space<vmem>>, %arg5: memref<96x64xf32, #tpu.memory_space<vmem>>, %arg6: memref<1x64xf32, #tpu.memory_space<vmem>>, %arg7: memref<64x100xf32, #tpu.memory_space<vmem>>, %arg8: memref<1x100xf32, #tpu.memory_space<vmem>>, %arg9: memref<256x100xf32, #tpu.memory_space<vmem>>) attributes {dimension_semantics = [#tpu.dimension_semantics<arbitrary>], iteration_bounds = array<i64: 16>, scalar_prefetch = 0 : i64, scratch_operands = 0 : i64, tpu.core_type = #tpu.core_type<tc>, window_params = [{transform_indices = @transform_0, window_bounds = array<i64: 256, 32>}, {transform_indices = @transform_1, window_bounds = array<i64: 256, 32>}, {transform_indices = @transform_2, window_bounds = array<i64: 256, 32>}, {transform_indices = @transform_3, window_bounds = array<i64: 256, 200>}, {pipeline_mode = #tpu.pipeline_mode<synchronous>, transform_indices = @transform_4, window_bounds = array<i64: 96, 64>}, {pipeline_mode = #tpu.pipeline_mode<synchronous>, transform_indices = @transform_5, window_bounds = array<i64: 1, 64>}, {pipeline_mode = #tpu.pipeline_mode<synchronous>, transform_indices = @transform_6, window_bounds = array<i64: 64, 100>}, {pipeline_mode = #tpu.pipeline_mode<synchronous>, transform_indices = @transform_7, window_bounds = array<i64: 1, 100>}, {transform_indices = @transform_8, window_bounds = array<i64: 256, 100>}]} {
    %get3A = arith.constant 0 : index
    %get3A_0 = arith.constant 0 : index
    %get3A_1 = vector.load %arg4[%get3A, %get3A_0] : memref<256x200xf32, #tpu.memory_space<vmem>>, vector<256x200xf32>
    %reduce_sum3A = arith.constant dense<0.000000e+00> : vector<256xf32>
    %reduce_sum3A_2 = vector.multi_reduction <add>, %get3A_1, %reduce_sum3A [1] : vector<256x200xf32> to vector<256xf32>
    %broadcast_in_dim3A = vector.shape_cast %reduce_sum3A_2 : vector<256xf32> to vector<256x1xf32>
    %get3A_3 = arith.constant 0 : index
    %get3A_4 = arith.constant 0 : index
    %get3A_5 = vector.load %arg1[%get3A_3, %get3A_4] : memref<256x32xf32, #tpu.memory_space<vmem>>, vector<256x32xf32>
    %get3A_6 = arith.constant 0 : index
    %get3A_7 = arith.constant 0 : index
    %get3A_8 = vector.load %arg2[%get3A_6, %get3A_7] : memref<256x32xf32, #tpu.memory_space<vmem>>, vector<256x32xf32>
    %get3A_9 = arith.constant 0 : index
    %get3A_10 = arith.constant 0 : index
    %get3A_11 = vector.load %arg3[%get3A_9, %get3A_10] : memref<256x32xf32, #tpu.memory_space<vmem>>, vector<256x32xf32>
    %concatenate3A = tpu.concatenate %get3A_5, %get3A_8, %get3A_11 in 1 : vector<256x32xf32>, vector<256x32xf32>, vector<256x32xf32> -> vector<256x96xf32>
    %div3A = vector.broadcast %broadcast_in_dim3A : vector<256x1xf32> to vector<256x96xf32>
    %div3A_12 = arith.divf %concatenate3A, %div3A : vector<256x96xf32>
    %get3A_13 = arith.constant 0 : index
    %get3A_14 = arith.constant 0 : index
    %get3A_15 = vector.load %arg5[%get3A_13, %get3A_14] : memref<96x64xf32, #tpu.memory_space<vmem>>, vector<96x64xf32>
    %dot_general3A = arith.constant dense<0.000000e+00> : vector<256x64xf32>
    %dot_general3A_16 = tpu.matmul %div3A_12, %get3A_15, %dot_general3A {dimension_numbers = #tpu.dot_dimension_numbers<[1], [0], [0], [1], [0, 0, 1, 1], [], []>, transpose_lhs_hint = false} : vector<256x96xf32>, vector<96x64xf32>, vector<256x64xf32> -> vector<256x64xf32>
    %get3A_17 = arith.constant 0 : index
    %get3A_18 = arith.constant 0 : index
    %get3A_19 = vector.load %arg6[%get3A_17, %get3A_18] : memref<1x64xf32, #tpu.memory_space<vmem>>, vector<1x64xf32>
    %add3A = vector.broadcast %get3A_19 : vector<1x64xf32> to vector<256x64xf32>
    %add3A_20 = arith.addf %dot_general3A_16, %add3A : vector<256x64xf32>
    %max3A = arith.constant 0.000000e+00 : f32
    %max3A_21 = vector.broadcast %max3A : f32 to vector<256x64xf32>
    %max3A_22 = arith.maximumf %add3A_20, %max3A_21 : vector<256x64xf32>
    %get3A_23 = arith.constant 0 : index
    %get3A_24 = arith.constant 0 : index
    %get3A_25 = vector.load %arg7[%get3A_23, %get3A_24] : memref<64x100xf32, #tpu.memory_space<vmem>>, vector<64x100xf32>
    %dot_general3A_26 = arith.constant dense<0.000000e+00> : vector<256x100xf32>
    %dot_general3A_27 = tpu.matmul %max3A_22, %get3A_25, %dot_general3A_26 {dimension_numbers = #tpu.dot_dimension_numbers<[1], [0], [0], [1], [0, 0, 1, 1], [], []>, transpose_lhs_hint = false} : vector<256x64xf32>, vector<64x100xf32>, vector<256x100xf32> -> vector<256x100xf32>
    %get3A_28 = arith.constant 0 : index
    %get3A_29 = arith.constant 0 : index
    %get3A_30 = vector.load %arg8[%get3A_28, %get3A_29] : memref<1x100xf32, #tpu.memory_space<vmem>>, vector<1x100xf32>
    %add3A_31 = vector.broadcast %get3A_30 : vector<1x100xf32> to vector<256x100xf32>
    %add3A_32 = arith.addf %dot_general3A_27, %add3A_31 : vector<256x100xf32>
    %swap3A = arith.constant 0 : index
    %swap3A_33 = arith.constant 0 : index
    %swap3A_34 = vector.load %arg9[%swap3A, %swap3A_33] : memref<256x100xf32, #tpu.memory_space<vmem>>, vector<256x100xf32>
    tpu.vector_store %arg9[%swap3A, %swap3A_33], %add3A_32 {strides = array<i32>} : memref<256x100xf32, #tpu.memory_space<vmem>>, vector<256x100xf32>,
    return
  }
  func.func @transform_0(%arg0: i32) -> (i32, i32) {
    %c0_i32 = arith.constant 0 : i32
    %c0_i32_0 = arith.constant 0 : i32
    return %arg0, %c0_i32 : i32, i32
  }
  func.func @transform_1(%arg0: i32) -> (i32, i32) {
    %c0_i32 = arith.constant 0 : i32
    %c0_i32_0 = arith.constant 0 : i32
    return %arg0, %c0_i32 : i32, i32
  }
  func.func @transform_2(%arg0: i32) -> (i32, i32) {
    %c0_i32 = arith.constant 0 : i32
    %c0_i32_0 = arith.constant 0 : i32
    return %arg0, %c0_i32 : i32, i32
  }
  func.func @transform_3(%arg0: i32) -> (i32, i32) {
    %c0_i32 = arith.constant 0 : i32
    %c0_i32_0 = arith.constant 0 : i32
    return %arg0, %c0_i32 : i32, i32
  }
  func.func @transform_4(%arg0: i32) -> (i32, i32) {
    %c0_i32 = arith.constant 0 : i32
    %c0_i32_0 = arith.constant 0 : i32
    %c0_i32_1 = arith.constant 0 : i32
    return %c0_i32, %c0_i32_0 : i32, i32
  }
  func.func @transform_5(%arg0: i32) -> (i32, i32) {
    %c0_i32 = arith.constant 0 : i32
    %c0_i32_0 = arith.constant 0 : i32
    %c0_i32_1 = arith.constant 0 : i32
    return %c0_i32, %c0_i32_0 : i32, i32
  }
  func.func @transform_6(%arg0: i32) -> (i32, i32) {
    %c0_i32 = arith.constant 0 : i32
    %c0_i32_0 = arith.constant 0 : i32
    %c0_i32_1 = arith.constant 0 : i32
    return %c0_i32, %c0_i32_0 : i32, i32
  }
  func.func @transform_7(%arg0: i32) -> (i32, i32) {
    %c0_i32 = arith.constant 0 : i32
    %c0_i32_0 = arith.constant 0 : i32
    %c0_i32_1 = arith.constant 0 : i32
    return %c0_i32, %c0_i32_0 : i32, i32
  }
  func.func @transform_8(%arg0: i32) -> (i32, i32) {
    %c0_i32 = arith.constant 0 : i32
    %c0_i32_0 = arith.constant 0 : i32
    return %arg0, %c0_i32 : i32, i32
  }
}

</mosaic_0001>

<sc_bundles>
// kernel: kernel.12.cloned.1.call-start
scs
__scs_entry_jumppad:
0x0: {  	(pc) =	sbr.rel $0x88, $3  }
0x1: {  	(tag) =	ssettag $0x0;
	lr =	simm.s32 $0x1  }
0x2: {  	[smem:$0x3F96] =	sst lr;
	_ =	strace $0xD0000000  }
0x3: {  	_ = 	snop  }
0x4: {  	_ = 	snop  }
0x5: {  	_ = 	snop  }
0x6: {  	_ = 	snop  }
0x7: {  	_ = 	snop  }
__scs_overlays_trampoline_lowered:
0x8: {  	[smem:$0x3FA5] =	sst s0  }
0x9: {  	[smem:$0x3FA6] =	sst s1  }
0xa: {  	[smem:$0x3FA7] =	sst s2  }
0xb: {  	[smem:$0x3FA8] =	sst s3  }
0xc: {  	[smem:$0x3FA9] =	sst s4  }
0xd: {  	[smem:$0x3FAA] =	sst s5  }
0xe: {  	[smem:$0x3FAB] =	sst s6  }
0xf: {  	[smem:$0x3FAC] =	sst s7  }
0x10: {  	[smem:$0x3FAD] =	sst s8  }
0x11: {  	[smem:$0x3FAE] =	sst s9;
	s0 =	simm.s32 @!p0 $0x0  }
0x12: {  	s1 =	sld [smem:$0x3F94];
	s0 =	simm.s32 @p0 $0x1  }
0x13: {  	[smem:$0x3FAF] =	sst s0;
	s0 =	simm.s32 @!p1 $0x0  }
0x14: {  	s2 =	sld [smem:$0x3F93];
	s0 =	simm.s32 @p1 $0x1  }
0x15: {  	[smem:$0x3FB0] =	sst s0;
	s0 =	simm.s32 @!p2 $0x0  }
0x16: {  	s3 =	sld [smem:$0x3FDB];
	s0 =	simm.s32 @p2 $0x1  }
0x17: {  	s4 =	simm.s32 $0x1BF5;
	[smem:$0x3FB2] =	sst s0  }
0x18: {  	s0 =	sld [smem:$0x3F95];
	_ =	swait.ge [sflag:s4], $0x0  }
0x19: {  	s7 =	sld [smem:$0x3F96]  }
0x1a: {  	s8 =	sadd.s32 $0xFFFFE003, lr  }
0x1b: {  	s9 =	sadd.s32 $0xFFFFFEF7, lr;
	s5 =	simm.s32 $0xFFFFFFFF;
	p2 =	slt.u32 s8, $0xFFFFF086  }
0x1c: {  	p1 =	slt.u32 s9, $0xF7A;
	s5 =	simm.s32 @!p2 $0x0  }
0x1d: {  	s5 =	simm.s32 @p1 $0x1;
	p0 =	seq.s32 s7, s2  }
0x1e: {  	s7 =	smul.u32 @!p0 $0xF7A, s2;
	p2 =	seq.s32 @!p0 s5, $0x0  }
0x1f: {  	s9 =	smul.u32 $0xF7A, s1;
	s8 =	simm.s32 @!p0 $0x1BF5;
	p2 =	por !p2, p0  }
0x20: {  	[sflag:s8] =	ssyncset.s32 @!p0 $0xFFFFF086;
	s6 =	sadd.s32 @!p0 s3, s7;
	s7 =	simm.s32 @!p0 $0x108  }
0x21: {  	s3 =	sadd.s32 s3, s9;
	s6 =	sadd.s32 @!p0 $0x88, s6;
	s7 =	simm.s32 @p2 $0x1082  }
0x22: {  	[simem:s7], [sflag:s8] =	dma.local @!p0 [hbm:s6], $0xF7A  }
0x23: {  	s9 =	sor.u32 $0xD0000000, s2;
	s6 =	simm.s32 $0x108;
	_ =	swait.ge @!p0 [sflag:s8], $0x0  }
0x24: {  	s3 =	sadd.s32 $0x88, s3;
	s6 =	simm.s32 @!p1 $0x1082;
	[sflag:s4] =	ssyncset.s32 $0xFFFFF086  }
0x25: {  	[simem:s6], [sflag:s4] =	dma.local [hbm:s3], $0xF7A  }
0x26: {  	[smem:$0x3F96] =	sst s1;
	(tag) =	ssettag s2;
	_ =	strace s9  }
0x27: {  	s1 =	sld [smem:$0x3FA6]  }
0x28: {  	s2 =	sld [smem:$0x3FA7]  }
0x29: {  	s4 =	sld [smem:$0x3FA9]  }
0x2a: {  	p0 =	seq.s32 s5, $0x0;
	s5 =	sld [smem:$0x3FAA]  }
0x2b: {  	s6 =	sld [smem:$0x3FAB]  }
0x2c: {  	s7 =	sld [smem:$0x3FAC]  }
0x2d: {  	s3 =	simm.s32 $0x108;
	s8 =	sld [smem:$0x3FAD]  }
0x2e: {  	s3 =	simm.s32 @!p0 $0x1082;
	s9 =	sld [smem:$0x3FAE]  }
0x2f: {  	lr =	sadd.s32 s0, s3;
	s0 =	sld [smem:$0x3FA5]  }
0x30: {  	s3 =	sld [smem:$0x3FA8]  }
0x31: {  	[smem:$0x3FB1] =	sst s10  }
0x32: {  	s10 =	sld [smem:$0x3FAF];
	_ =	sdelay $0x3  }
0x33: {  	p0 =	seq.s32 s10, $0x1;
	s10 =	sld [smem:$0x3FB1];
	_ =	sdelay $0x3  }
0x34: {  	[smem:$0x3FB1] =	sst s10  }
0x35: {  	s10 =	sld [smem:$0x3FB0];
	_ =	sdelay $0x3  }
0x36: {  	p1 =	seq.s32 s10, $0x1;
	s10 =	sld [smem:$0x3FB1];
	_ =	sdelay $0x3  }
0x37: {  	[smem:$0x3FB1] =	sst s10  }
0x38: {  	s10 =	sld [smem:$0x3FB2]  }
0x39: {  	_ = 	snop;
	(pc) =	sbr.ind lr, $3  }
0x3a: {  	_ = 	snop  }
0x3b: {  	_ = 	snop  }
0x3c: {  	p2 =	seq.s32 s10, $0x1;
	s10 =	sld [smem:$0x3FB1]  }
0x3d: {  	_ =	shalt  }
0x3e: {  	_ =	shalt  }
0x3f: {  	_ =	shalt  }
0x40: {  	_ =	shalt  }
0x41: {  	_ =	shalt  }
0x42: {  	_ =	shalt  }
0x43: {  	_ =	shalt  }
0x44: {  	_ =	shalt  }
0x45: {  	_ =	shalt  }
0x46: {  	_ =	shalt  }
0x47: {  	_ =	shalt  }
0x48: {  	_ =	shalt  }
0x49: {  	_ =	shalt  }
0x4a: {  	_ =	shalt  }
0x4b: {  	_ =	shalt  }
0x4c: {  	_ =	shalt  }
0x4d: {  	_ =	shalt  }
0x4e: {  	_ =	shalt  }
0x4f: {  	_ =	shalt  }
0x50: {  	_ =	shalt  }
0x51: {  	_ =	shalt  }
0x52: {  	_ =	shalt  }
0x53: {  	_ =	shalt  }
0x54: {  	_ =	shalt  }
0x55: {  	_ =	shalt  }
0x56: {  	_ =	shalt  }
0x57: {  	_ =	shalt  }
0x58: {  	_ =	shalt  }
0x59: {  	_ =	shalt  }
0x5a: {  	_ =	shalt  }
0x5b: {  	_ =	shalt  }
0x5c: {  	_ =	shalt  }
0x5d: {  	_ =	shalt  }
0x5e: {  	_ =	shalt  }
0x5f: {  	_ =	shalt  }
0x60: {  	_ =	shalt  }
0x61: {  	_ =	shalt  }
0x62: {  	_ =	shalt  }
0x63: {  	_ =	shalt  }
0x64: {  	_ =	shalt  }
0x65: {  	_ =	shalt  }
0x66: {  	_ =	shalt  }
0x67: {  	_ =	shalt  }
0x68: {  	_ =	shalt  }
0x69: {  	_ =	shalt  }
0x6a: {  	_ =	shalt  }
0x6b: {  	_ =	shalt  }
0x6c: {  	_ =	shalt  }
0x6d: {  	_ =	shalt  }
0x6e: {  	_ =	shalt  }
0x6f: {  	_ =	shalt  }
0x70: {  	_ =	shalt  }
0x71: {  	_ =	shalt  }
0x72: {  	_ =	shalt  }
0x73: {  	_ =	shalt  }
0x74: {  	_ =	shalt  }
0x75: {  	_ =	shalt  }
0x76: {  	_ =	shalt  }
0x77: {  	_ =	shalt  }
0x78: {  	_ =	shalt  }
0x79: {  	_ =	shalt  }
0x7a: {  	_ =	shalt  }
0x7b: {  	_ =	shalt  }
0x7c: {  	_ =	shalt  }
0x7d: {  	_ =	shalt  }
0x7e: {  	_ =	shalt  }
0x7f: {  	_ =	shalt  }
0x80: {  	_ =	shalt  }
0x81: {  	_ =	shalt  }
0x82: {  	_ =	shalt  }
0x83: {  	_ =	shalt  }
0x84: {  	_ =	shalt  }
0x85: {  	_ =	shalt  }
0x86: {  	_ =	shalt  }
0x87: {  	_ =	shalt  }
.Lfunc_end0:
.L_simem_size_0:
called_computation.2_lowered:
.L_overlay_start_0:
0x88: {  	s2 =	sld [smem:$0x3FD9]  }
0x89: {  	s3 =	sld [smem:$0x3FFE];
	_ =	sdelay $0x1  }
0x8a: {  	s1 =	srdreg.scid  }
0x8b: {  	s0 =	sand.u32 $0x1, s1  }
0x8c: {  	s16 =	sshll.u32 s0, $0xA;
	s2 =	sadd.s32 s3, s2  }
0x8d: {  	s2 =	sadd.s32 s2, s16  }
0x8e: {  	[smem:$0x3FBD] =	sst s2  }
0x8f: {  	_ = 	snop  }
0x90: {  	(tm) =	ssettm $0x1  }
0x91: {  	s17 =	sld [smem:$0x3FFB];
	_ =	sdelay $0x3  }
0x92: {  	_ =	strace s17  }
0x93: {  	s2 =	sld [smem:$0x3FFC];
	_ =	sdelay $0x3  }
0x94: {  	_ =	strace s2  }
0x95: {  	s2 =	sld [smem:$0x3FFD];
	_ =	sdelay $0x3  }
0x96: {  	_ =	strace s2  }
0x97: {  	_ =	strace $0x8FFFFFFF  }
0x98: {  	s18 =	sld [smem:$0x3FDB];
	_ =	sdelay $0x1  }
0x99: {  	s19 =	simm.s32 $_scs_section_size  }
0x9a: {  	s4 =	simm.s32 $_size__tile_overlayer_lowered;
	s5 =	simm.s32 $_tile_overlayer_lowered  }
0x9b: {  	s22 =	simm.s32 $0x1BFF;
	s21 =	sshll.u32 s5, $0x1;
	s2 =	sadd.s32 s19, s18  }
0x9c: {  	s6 =	simm.s32 $0x0;
	s20 =	sshll.u32 s4, $0x1;
	s4 =	sadd.s32 s21, s2  }
0x9d: {  	[timem:s6], [sflag:s22] =	dma.local [hbm:s4], s20  }
0x9e: {  	_ =	swait.ge [sflag:s22], s20  }
0x9f: {  	s3 =	ssub.s32 $0x0, s20;
	[sflag:s22] =	ssyncset.done $0x0  }
0xa0: {  	[sflag:s22] =	ssyncadd.s32 s3;
	_ =	sdelay $0x1  }
0xa1: {  	s23 =	simm.s32 $0x1B8B  }
0xa2: {  	_ =	swait.ge [sflag:s23], $0x1  }
0xa3: {  	[sflag:s23] =	ssyncset.done $0x0  }
0xa4: {  	s25 =	simm.s32 $0x1B8E;
	s24 =	sld [smem:$0x3FFE];
	[sflag:s23] =	ssyncadd.s32 $0xFFFFFFFF  }
0xa5: {  	s26 =	simm.s32 $execute0_lowered;
	[smem:$0x3FD2] =	sst s25  }
0xa6: {  	s4 =	sshll.u32 s26, $0x1;
	_ =	strace $0x80000046;
	[dreg:$0x1] =	wrdreg $0xFFFFFFFF  }
0xa7: {  	s28 =	simm.s32 $_size_execute0_lowered;
	s2 =	sadd.s32 s2, s4;
	[dreg:$0x0] =	wrdreg $0x0  }
0xa8: {  	s4 =	sshll.u32 s28, $0x1;
	[dreg:$0x2] =	wrdreg s2  }
0xa9: {  	[dreg:$0x3] =	wrdreg s4  }
0xaa: {  	[dreg:$0x4] =	wrdreg $0xC0  }
0xab: {  	_ =	task [dreg:s6], $0x5FFFF  }
0xac: {  	[dreg:$0x1] =	wrdreg $0xFFFFFFFF  }
0xad: {  	[dreg:$0x0] =	wrdreg $0x60  }
0xae: {  	[dreg:$0x2] =	wrdreg s24  }
0xaf: {  	[dreg:$0x3] =	wrdreg $0xB  }
0xb0: {  	_ =	task.clear_ibuf [dreg:s6], $0x4FFFF;
	_ =	strace $0x90000046  }
0xb1: {  	s29 =	simm.s32 $0xB;
	_ =	strace $0x80000048  }
0xb2: {  	_ =	swait.ge [sflag:s29], $0x1  }
0xb3: {  	[sflag:s29] =	ssyncadd.s32 $0xFFFFFFFF  }
0xb4: {  	_ =	strace $0x90000048  }
0xb5: {  	_ =	sfence  }
0xb6: {  	s30 =	sld [smem:$0x0];
	_ =	sdelay $0x2  }
0xb7: {  	s31 =	sshll.u32 s1, $0xD;
	s1 =	sshrl.u32 s1, $0x2  }
0xb8: {  	s3 =	sand.u32 $0x4000, s31;
	s1 =	sadd.s32 s1, s30  }
0xb9: {  	s0 =	sor.u32 s3, s0;
	s1 =	sshll.u32 s1, $0x11  }
0xba: {  	s0 =	sor.u32 s1, s0  }
0xbb: {  	s0 =	sadd.s32 $0x8F2B, s0  }
0xbc: {  	[sflag:s0] =	ssyncadd.remote.s32 $0x1  }
0xbd: {  	_ =	sfence.sel $0xFFFF  }
0xbe: {  	[dreg:$0x0] =	wrdreg $0xFFFFFFFF;
	(pc) =	sbr.abs _section_cstart, $3  }
0xbf: {  	[dreg:$0x1] =	wrdreg $0xFFFFFFFF  }
0xc0: {  	_ =	task.clear_ibuf [dreg:s6], $0x2FFFF;
	_ =	strace $0x9FFFFFFF  }
0xc1: {  	(tm) =	ssettm $0x7FFFFFFF  }
tec
execute0_lowered:
.L_overlay_start_1:
0x0: {  	(tag) =	ssettag $0x1  }
0x1: {  	s0 =	srdreg.scid  }
0x2: {  	s2 =	stileid.u32;
	s1 =	rddreg [dreg:$0x0]  }
0x3: {  	s7 =	simm.s32 $0x9;
	s8 =	simm.s32 $0x80;
	s10 =	simm.s32 $0x48  }
0x4: {  	s17 =	simm.s32 $0xA400;
	s18 =	simm.s32 $0x210;
	s19 =	simm.s32 $0xB400  }
0x5: {  	s20 =	simm.s32 $0x258;
	s21 =	simm.s32 $0xC400;
	s22 =	simm.s32 $0x2D8  }
0x6: {  	s23 =	simm.s32 $0xD400;
	s24 =	simm.s32 $0x1;
	s25 =	simm.s32 $0x2  }
0x7: {  	s26 =	simm.s32 $0x3;
	s28 =	simm.s32 $0x4;
	s29 =	simm.s32 $0x5  }
0x8: {  	s30 =	simm.s32 $0x6;
	s31 =	simm.s32 $0x7;
	s9 =	simm.s32 $0x0  }
0x9: {  	s0 =	sand.u32 $0x1, s0;
	s4 =	sshll.u32 s2, $0x7;
	s2 =	simm.s32 $0x0  }
0xa: {  	s3 =	sshll.u32 s0, $0xB;
	[smem:$0x7FF] =	sst s2;
	s0 =	ssub.s32 $0x2, s0  }
.Ltmp0:
0xb: {  	s3 =	sor.u32 s4, s3;
	s6 =	sshrl.u32 s0, $0x1;
	(pc) =	sbr.rel .LBB2_1-.Ltmp0, $4  }
0xc: {  	_ =	strace $0x80000047;
	s4 =	smul.u32 $0x19, s3;
	s0 =	ssub.s32 s0, s6  }
0xd: {  	s5 =	sshll.u32 s3, $0x2;
	s3 =	sadd.s32 $0x18A800, s1;
	s6 =	smax.u32 s0, $0x1  }
0xe: {  	s0 =	simm.s32 $0xE400;
	s4 =	sadd.s32 s4, s1;
	s1 =	sadd.s32 s5, s1  }
0xf: {  	s4 =	sadd.s32 $0x3C00, s4;
	s5 =	sadd.s32 $0x1CC00, s1;
	s1 =	simm.s32 $0x8  }
.LBB2_20:
0x10: {  	s9 =	sadd.s32 $0x1, s9  }
0x11: {  	[tilespmem:s12+$0xE460] =	vst v1;
	p0 =	sne.s32 s9, s6  }
.Ltmp1:
0x12: {  	[tilespmem:s12+$0xE470] =	vst v0;
	(pc) =	sbr.rel @!p0 .LBB2_21-.Ltmp1, $4  }
0x13: {  	[hbm4b:s5+s2] =	stream.linear.scatter [tilespmem:s0], [sflag:$0x9], $0x1000, $0x38;
	[tilespmem:$0xF400] =	vst v63  }
0x14: {  	_ =	swait.ge [sflag:s7], $0x1000  }
0x15: {  	[sflag:s7] =	ssyncset.done $0x0  }
0x16: {  	[sflag:s7] =	ssyncadd.s32 $0xFFFFF000  }
.LBB2_1:
0x17: {  	[tilespmem:s2], [sflag:$0x9] =	stream.linear.gather [hbm4b:s4+s2], $0x6400, $0x38;
	[tilespmem:$0xF400] =	vst v63  }
0x18: {  	_ =	swait.ge [sflag:s7], $0x6400  }
0x19: {  	[sflag:s7] =	ssyncset.done $0x0  }
0x1a: {  	s11 =	simm.s32 $0x6400;
	[sflag:s7] =	ssyncadd.s32 $0xFFFF9C00  }
0x1b: {  	[tilespmem:s11], [sflag:$0x1] =	stream.indirect.gather [hbm4b:s3+s8], $0x20, s2, s8, $0xb8;
	[tilespmem:$0xF400] =	vst v63  }
0x1c: {  	s12 =	simm.s32 $0x7400  }
0x1d: {  	[tilespmem:s12], [sflag:$0x2] =	stream.indirect.gather [hbm4b:s3+s10], $0x20, s8, s10, $0xb8;
	[tilespmem:$0xF400] =	vst v63  }
0x1e: {  	s13 =	simm.s32 $0xC8;
	s12 =	simm.s32 $0x8400  }
0x1f: {  	[tilespmem:s12], [sflag:$0x3] =	stream.indirect.gather [hbm4b:s3+s8], $0x20, s13, s8, $0xb8;
	[tilespmem:$0xF400] =	vst v63  }
0x20: {  	s14 =	simm.s32 $0x148;
	s15 =	simm.s32 $0x9400  }
0x21: {  	[tilespmem:s15], [sflag:$0x4] =	stream.indirect.gather [hbm4b:s3+s10], $0x20, s14, s10, $0xb8;
	[tilespmem:$0xF400] =	vst v63  }
0x22: {  	s16 =	simm.s32 $0x190  }
0x23: {  	[tilespmem:s17], [sflag:$0x5] =	stream.indirect.gather [hbm4b:s3+s8], $0x20, s16, s8, $0xb8;
	[tilespmem:$0xF400] =	vst v63  }
0x24: {  	_ = 	snop  }
0x25: {  	[tilespmem:s19], [sflag:$0x6] =	stream.indirect.gather [hbm4b:s3+s10], $0x20, s18, s10, $0xb8;
	[tilespmem:$0xF400] =	vst v63  }
0x26: {  	_ = 	snop  }
0x27: {  	[tilespmem:s21], [sflag:$0x7] =	stream.indirect.gather [hbm4b:s3+s8], $0x20, s20, s8, $0xb8;
	[tilespmem:$0xF400] =	vst v63  }
0x28: {  	s11 =	simm.s32 $0x0  }
0x29: {  	[tilespmem:s23], [sflag:$0x8] =	stream.indirect.gather [hbm4b:s3+s10], $0x20, s22, s10, $0xb8;
	[tilespmem:$0xF400] =	vst v63  }
.LBB2_2:
0x2a: {  	_ =	swait.ge [sflag:s24], $0x1000  }
0x2b: {  	[sflag:s24] =	ssyncset.done $0x0  }
0x2c: {  	s12 =	simm.s32 $0x0;
	[sflag:s24] =	ssyncadd.s32 $0xFFFFF000  }
0x2d: {  	v1 =	vld [tilespmem:s12+$0x6440]  }
0x2e: {  	v0 =	vld [tilespmem:s12+$0x6450]  }
0x2f: {  	v2 =	vld [tilespmem:s12+$0x6400]  }
0x30: {  	v5 =	vimm.f32 $0.0e+00;
	v3 =	vld [tilespmem:s12+$0x6410]  }
0x31: {  	s13 =	simm.s32 $0x200;
	v7 =	vimm.f32 $0.0e+00;
	v8 =	vimm.f32 $0.0e+00;
	v9 =	vimm.f32 $0.0e+00;
	v4 =	vld [tilespmem:s12+$0x6420]  }
.LBB2_3:
0x32: {  	p0 =	sne.s32 s13, $0x3E00;
	v6 =	vld [tilespmem:s12+$0x6430];
	v10 =	vmov v1  }
0x33: {  	v11 =	vld [tilespmem:s12+$0x6460];
	v12 =	vmov v0  }
0x34: {  	v13 =	vld [tilespmem:s12+$0x6470];
	s12 =	sshra.s32 s13, $0x2  }
.Ltmp2:
0x35: {  	v1 =	vld [tilespmem:s12+$0x6440];
	(pc) =	sbr.rel @p0 .LBB2_3-.Ltmp2, $4  }
0x36: {  	v5 =	vadd.f32 v2, v5;
	v7 =	vadd.f32 v3, v7;
	v0 =	vld [tilespmem:s12+$0x6450]  }
0x37: {  	v8 =	vadd.f32 v4, v8;
	v2 =	vld [tilespmem:s12+$0x6400];
	v6 =	vadd.f32 v6, v9  }
0x38: {  	v5 =	vadd.f32 v10, v5;
	v7 =	vadd.f32 v12, v7;
	v3 =	vld [tilespmem:s12+$0x6410]  }
0x39: {  	s13 =	sadd.s32 $0x200, s13;
	v8 =	vadd.f32 v11, v8;
	v4 =	vld [tilespmem:s12+$0x6420];
	v9 =	vadd.f32 v13, v6  }
0x3a: {  	s13 =	sshll.u32 s11, $0x2  }
0x3b: {  	p0 =	seq.s32 s11, $0x1F;
	s14 =	sadd.s32 $0x4, s13  }
0x3c: {  	v10 =	vld [tilespmem:s12+$0x6430];
	s14 =	smul.u32 @!p0 $0x320, s14  }
0x3d: {  	v11 =	vld [tilespmem:s12+$0x6460]  }
0x3e: {  	v12 =	vld [tilespmem:s12+$0x6470];
	s15 =	simm.s32 @!p0 $0x6400;
	s12 =	sshra.s32 @!p0 s14, $0x2;
	s14 =	simm.s32 @!p0 $0x80  }
0x3f: {  	[tilespmem:s15], [sflag:$0x1] =	stream.indirect.gather @!p0 [hbm4b:s3+s14], $0x20, s12, s14, $0xb8;
	[tilespmem:$0xF400] =	vst v63  }
0x40: {  	_ =	swait.ge [sflag:s25], $0x900  }
0x41: {  	[sflag:s25] =	ssyncset.done $0x0  }
0x42: {  	s14 =	simm.s32 $0x0;
	[sflag:s25] =	ssyncadd.s32 $0xFFFFF700  }
0x43: {  	v6 =	vld [tilespmem:s14+$0x7440]  }
0x44: {  	v5 =	vadd.f32 v2, v5;
	v7 =	vadd.f32 v3, v7;
	v2 =	vld [tilespmem:s14+$0x7450]  }
0x45: {  	v8 =	vadd.f32 v4, v8;
	v9 =	vadd.f32 v10, v9;
	v3 =	vld [tilespmem:s14+$0x7400]  }
0x46: {  	v4 =	vadd.f32 v1, v5;
	v1 =	vadd.f32 v0, v7;
	v0 =	vld [tilespmem:s14+$0x7410]  }
0x47: {  	s15 =	simm.s32 $0x200;
	v7 =	vadd.f32 v11, v8;
	v5 =	vadd.f32 v12, v9;
	v8 =	vld [tilespmem:s14+$0x7420]  }
.LBB2_5:
0x48: {  	p1 =	sne.s32 s15, $0x2200;
	v9 =	vld [tilespmem:s14+$0x7430];
	v10 =	vmov v6  }
0x49: {  	v11 =	vld [tilespmem:s14+$0x7460];
	v12 =	vmov v2  }
0x4a: {  	v13 =	vld [tilespmem:s14+$0x7470];
	s14 =	sshra.s32 s15, $0x2  }
.Ltmp3:
0x4b: {  	v6 =	vld [tilespmem:s14+$0x7440];
	(pc) =	sbr.rel @p1 .LBB2_5-.Ltmp3, $4  }
0x4c: {  	v4 =	vadd.f32 v3, v4;
	v1 =	vadd.f32 v0, v1;
	v2 =	vld [tilespmem:s14+$0x7450]  }
0x4d: {  	v7 =	vadd.f32 v8, v7;
	v3 =	vld [tilespmem:s14+$0x7400];
	v5 =	vadd.f32 v9, v5  }
0x4e: {  	v4 =	vadd.f32 v10, v4;
	v1 =	vadd.f32 v12, v1;
	v0 =	vld [tilespmem:s14+$0x7410]  }
0x4f: {  	s15 =	sadd.s32 $0x200, s15;
	v7 =	vadd.f32 v11, v7;
	v8 =	vld [tilespmem:s14+$0x7420];
	v5 =	vadd.f32 v13, v5  }
0x50: {  	v9 =	vld [tilespmem:s14+$0x7430]  }
0x51: {  	v10 =	vld [tilespmem:s14+$0x7460]  }
0x52: {  	v11 =	vld [tilespmem:s14+$0x7470];
	_ =	sdelay $0x1  }
0x53: {  	v3 =	vadd.f32 v3, v4;
	v4 =	vadd.f32 v8, v7  }
0x54: {  	v0 =	vadd.f32 v0, v1;
	v1 =	vadd.f32 v9, v5  }
0x55: {  	s12 =	sadd.s32 @!p0 $0x80, s12;
	v3 =	vadd.f32 v6, v3;
	v4 =	vadd.f32 v10, v4  }
0x56: {  	s14 =	simm.s32 @!p0 $0x48;
	s15 =	simm.s32 @!p0 $0x7400;
	s16 =	sshll.u32 s11, $0x7;
	v0 =	vadd.f32 v2, v0;
	v1 =	vadd.f32 v11, v1  }
0x57: {  	[tilespmem:s15], [sflag:$0x2] =	stream.indirect.gather @!p0 [hbm4b:s3+s14], $0x20, s12, s14, $0xb8;
	v2 =	vadd.f32 v4, v3;
	[tilespmem:$0xF400] =	vst v63  }
0x58: {  	s12 =	sand.u32 $0x3FFFFF80, s16;
	v0 =	vadd.f32 v1, v0  }
0x59: {  	[tilespmem:s12+$0xE400] =	vst v2  }
0x5a: {  	[tilespmem:s12+$0xE410] =	vst v0  }
0x5b: {  	_ =	swait.ge [sflag:s26], $0x1000  }
0x5c: {  	[sflag:s26] =	ssyncset.done $0x0  }
0x5d: {  	s14 =	simm.s32 $0x0;
	[sflag:s26] =	ssyncadd.s32 $0xFFFFF000  }
0x5e: {  	v1 =	vld [tilespmem:s14+$0x8440]  }
0x5f: {  	v0 =	vld [tilespmem:s14+$0x8450]  }
0x60: {  	v2 =	vld [tilespmem:s14+$0x8400]  }
0x61: {  	v7 =	vimm.f32 $0.0e+00;
	v3 =	vld [tilespmem:s14+$0x8410]  }
0x62: {  	s15 =	simm.s32 $0x200;
	v8 =	vimm.f32 $0.0e+00;
	v5 =	vimm.f32 $0.0e+00;
	v9 =	vimm.f32 $0.0e+00;
	v4 =	vld [tilespmem:s14+$0x8420]  }
.LBB2_7:
0x63: {  	p1 =	sne.s32 s15, $0x3E00;
	v6 =	vld [tilespmem:s14+$0x8430];
	v10 =	vmov v1  }
0x64: {  	v11 =	vld [tilespmem:s14+$0x8460];
	v12 =	vmov v0  }
0x65: {  	v13 =	vld [tilespmem:s14+$0x8470];
	s14 =	sshra.s32 s15, $0x2  }
.Ltmp4:
0x66: {  	v1 =	vld [tilespmem:s14+$0x8440];
	(pc) =	sbr.rel @p1 .LBB2_7-.Ltmp4, $4  }
0x67: {  	v5 =	vadd.f32 v2, v5;
	v7 =	vadd.f32 v3, v7;
	v0 =	vld [tilespmem:s14+$0x8450]  }
0x68: {  	v8 =	vadd.f32 v4, v8;
	v2 =	vld [tilespmem:s14+$0x8400];
	v6 =	vadd.f32 v6, v9  }
0x69: {  	v5 =	vadd.f32 v10, v5;
	v7 =	vadd.f32 v12, v7;
	v3 =	vld [tilespmem:s14+$0x8410]  }
0x6a: {  	s15 =	sadd.s32 $0x200, s15;
	v8 =	vadd.f32 v11, v8;
	v4 =	vld [tilespmem:s14+$0x8420];
	v9 =	vadd.f32 v13, v6  }
0x6b: {  	s15 =	sadd.s32 $0x5, s13  }
0x6c: {  	v10 =	vld [tilespmem:s14+$0x8430];
	s15 =	smul.u32 @!p0 $0x320, s15  }
0x6d: {  	v11 =	vld [tilespmem:s14+$0x8460]  }
0x6e: {  	v12 =	vld [tilespmem:s14+$0x8470];
	s16 =	simm.s32 @!p0 $0x8400;
	s14 =	sshra.s32 @!p0 s15, $0x2;
	s15 =	simm.s32 @!p0 $0x80  }
0x6f: {  	[tilespmem:s16], [sflag:$0x3] =	stream.indirect.gather @!p0 [hbm4b:s3+s15], $0x20, s14, s15, $0xb8;
	[tilespmem:$0xF400] =	vst v63  }
0x70: {  	_ =	swait.ge [sflag:s28], $0x900  }
0x71: {  	[sflag:s28] =	ssyncset.done $0x0  }
0x72: {  	s15 =	simm.s32 $0x0;
	[sflag:s28] =	ssyncadd.s32 $0xFFFFF700  }
0x73: {  	v6 =	vld [tilespmem:s15+$0x9440]  }
0x74: {  	v5 =	vadd.f32 v2, v5;
	v7 =	vadd.f32 v3, v7;
	v2 =	vld [tilespmem:s15+$0x9450]  }
0x75: {  	v8 =	vadd.f32 v4, v8;
	v9 =	vadd.f32 v10, v9;
	v3 =	vld [tilespmem:s15+$0x9400]  }
0x76: {  	v4 =	vadd.f32 v1, v5;
	v1 =	vadd.f32 v0, v7;
	v0 =	vld [tilespmem:s15+$0x9410]  }
0x77: {  	s16 =	simm.s32 $0x200;
	v7 =	vadd.f32 v11, v8;
	v5 =	vadd.f32 v12, v9;
	v8 =	vld [tilespmem:s15+$0x9420]  }
.LBB2_9:
0x78: {  	p1 =	sne.s32 s16, $0x2200;
	v9 =	vld [tilespmem:s15+$0x9430];
	v10 =	vmov v6  }
0x79: {  	v11 =	vld [tilespmem:s15+$0x9460];
	v12 =	vmov v2  }
0x7a: {  	v13 =	vld [tilespmem:s15+$0x9470];
	s15 =	sshra.s32 s16, $0x2  }
.Ltmp5:
0x7b: {  	v6 =	vld [tilespmem:s15+$0x9440];
	(pc) =	sbr.rel @p1 .LBB2_9-.Ltmp5, $4  }
0x7c: {  	v4 =	vadd.f32 v3, v4;
	v1 =	vadd.f32 v0, v1;
	v2 =	vld [tilespmem:s15+$0x9450]  }
0x7d: {  	v7 =	vadd.f32 v8, v7;
	v3 =	vld [tilespmem:s15+$0x9400];
	v5 =	vadd.f32 v9, v5  }
0x7e: {  	v4 =	vadd.f32 v10, v4;
	v1 =	vadd.f32 v12, v1;
	v0 =	vld [tilespmem:s15+$0x9410]  }
0x7f: {  	s16 =	sadd.s32 $0x200, s16;
	v7 =	vadd.f32 v11, v7;
	v8 =	vld [tilespmem:s15+$0x9420];
	v5 =	vadd.f32 v13, v5  }
0x80: {  	v9 =	vld [tilespmem:s15+$0x9430]  }
0x81: {  	v10 =	vld [tilespmem:s15+$0x9460]  }
0x82: {  	v11 =	vld [tilespmem:s15+$0x9470];
	_ =	sdelay $0x1  }
0x83: {  	v3 =	vadd.f32 v3, v4;
	v4 =	vadd.f32 v8, v7  }
0x84: {  	v0 =	vadd.f32 v0, v1;
	v1 =	vadd.f32 v9, v5  }
0x85: {  	v3 =	vadd.f32 v6, v3;
	v4 =	vadd.f32 v10, v4  }
0x86: {  	v0 =	vadd.f32 v2, v0;
	v1 =	vadd.f32 v11, v1  }
0x87: {  	s14 =	sadd.s32 @!p0 $0x80, s14;
	s15 =	simm.s32 @!p0 $0x48;
	s16 =	simm.s32 @!p0 $0x9400;
	v2 =	vadd.f32 v4, v3  }
0x88: {  	[tilespmem:s16], [sflag:$0x4] =	stream.indirect.gather @!p0 [hbm4b:s3+s15], $0x20, s14, s15, $0xb8;
	v0 =	vadd.f32 v1, v0;
	[tilespmem:$0xF400] =	vst v63  }
0x89: {  	[tilespmem:s12+$0xE420] =	vst v2  }
0x8a: {  	[tilespmem:s12+$0xE430] =	vst v0  }
0x8b: {  	_ =	swait.ge [sflag:s29], $0x1000  }
0x8c: {  	[sflag:s29] =	ssyncset.done $0x0  }
0x8d: {  	s14 =	simm.s32 $0x0;
	[sflag:s29] =	ssyncadd.s32 $0xFFFFF000  }
0x8e: {  	v1 =	vld [tilespmem:s14+$0xA440]  }
0x8f: {  	v0 =	vld [tilespmem:s14+$0xA450]  }
0x90: {  	v2 =	vld [tilespmem:s14+$0xA400]  }
0x91: {  	v7 =	vimm.f32 $0.0e+00;
	v3 =	vld [tilespmem:s14+$0xA410]  }
0x92: {  	s15 =	simm.s32 $0x200;
	v8 =	vimm.f32 $0.0e+00;
	v5 =	vimm.f32 $0.0e+00;
	v9 =	vimm.f32 $0.0e+00;
	v4 =	vld [tilespmem:s14+$0xA420]  }
.LBB2_11:
0x93: {  	p1 =	sne.s32 s15, $0x3E00;
	v6 =	vld [tilespmem:s14+$0xA430];
	v10 =	vmov v1  }
0x94: {  	v11 =	vld [tilespmem:s14+$0xA460];
	v12 =	vmov v0  }
0x95: {  	v13 =	vld [tilespmem:s14+$0xA470];
	s14 =	sshra.s32 s15, $0x2  }
.Ltmp6:
0x96: {  	v1 =	vld [tilespmem:s14+$0xA440];
	(pc) =	sbr.rel @p1 .LBB2_11-.Ltmp6, $4  }
0x97: {  	v5 =	vadd.f32 v2, v5;
	v7 =	vadd.f32 v3, v7;
	v0 =	vld [tilespmem:s14+$0xA450]  }
0x98: {  	v8 =	vadd.f32 v4, v8;
	v2 =	vld [tilespmem:s14+$0xA400];
	v6 =	vadd.f32 v6, v9  }
0x99: {  	v5 =	vadd.f32 v10, v5;
	v7 =	vadd.f32 v12, v7;
	v3 =	vld [tilespmem:s14+$0xA410]  }
0x9a: {  	s15 =	sadd.s32 $0x200, s15;
	v8 =	vadd.f32 v11, v8;
	v4 =	vld [tilespmem:s14+$0xA420];
	v9 =	vadd.f32 v13, v6  }
0x9b: {  	s15 =	sadd.s32 $0x6, s13  }
0x9c: {  	v10 =	vld [tilespmem:s14+$0xA430];
	s15 =	smul.u32 @!p0 $0x320, s15  }
0x9d: {  	v11 =	vld [tilespmem:s14+$0xA460]  }
0x9e: {  	v12 =	vld [tilespmem:s14+$0xA470];
	s16 =	simm.s32 @!p0 $0xA400;
	s14 =	sshra.s32 @!p0 s15, $0x2;
	s15 =	simm.s32 @!p0 $0x80  }
0x9f: {  	[tilespmem:s16], [sflag:$0x5] =	stream.indirect.gather @!p0 [hbm4b:s3+s15], $0x20, s14, s15, $0xb8;
	[tilespmem:$0xF400] =	vst v63  }
0xa0: {  	_ =	swait.ge [sflag:s30], $0x900  }
0xa1: {  	[sflag:s30] =	ssyncset.done $0x0  }
0xa2: {  	s15 =	simm.s32 $0x0;
	[sflag:s30] =	ssyncadd.s32 $0xFFFFF700  }
0xa3: {  	v6 =	vld [tilespmem:s15+$0xB440]  }
0xa4: {  	v5 =	vadd.f32 v2, v5;
	v7 =	vadd.f32 v3, v7;
	v2 =	vld [tilespmem:s15+$0xB450]  }
0xa5: {  	v8 =	vadd.f32 v4, v8;
	v9 =	vadd.f32 v10, v9;
	v3 =	vld [tilespmem:s15+$0xB400]  }
0xa6: {  	v4 =	vadd.f32 v1, v5;
	v1 =	vadd.f32 v0, v7;
	v0 =	vld [tilespmem:s15+$0xB410]  }
0xa7: {  	s16 =	simm.s32 $0x200;
	v7 =	vadd.f32 v11, v8;
	v5 =	vadd.f32 v12, v9;
	v8 =	vld [tilespmem:s15+$0xB420]  }
.LBB2_13:
0xa8: {  	p1 =	sne.s32 s16, $0x2200;
	v9 =	vld [tilespmem:s15+$0xB430];
	v10 =	vmov v6  }
0xa9: {  	v11 =	vld [tilespmem:s15+$0xB460];
	v12 =	vmov v2  }
0xaa: {  	v13 =	vld [tilespmem:s15+$0xB470];
	s15 =	sshra.s32 s16, $0x2  }
.Ltmp7:
0xab: {  	v6 =	vld [tilespmem:s15+$0xB440];
	(pc) =	sbr.rel @p1 .LBB2_13-.Ltmp7, $4  }
0xac: {  	v4 =	vadd.f32 v3, v4;
	v1 =	vadd.f32 v0, v1;
	v2 =	vld [tilespmem:s15+$0xB450]  }
0xad: {  	v7 =	vadd.f32 v8, v7;
	v3 =	vld [tilespmem:s15+$0xB400];
	v5 =	vadd.f32 v9, v5  }
0xae: {  	v4 =	vadd.f32 v10, v4;
	v1 =	vadd.f32 v12, v1;
	v0 =	vld [tilespmem:s15+$0xB410]  }
0xaf: {  	s16 =	sadd.s32 $0x200, s16;
	v7 =	vadd.f32 v11, v7;
	v8 =	vld [tilespmem:s15+$0xB420];
	v5 =	vadd.f32 v13, v5  }
0xb0: {  	v9 =	vld [tilespmem:s15+$0xB430]  }
0xb1: {  	v10 =	vld [tilespmem:s15+$0xB460]  }
0xb2: {  	v11 =	vld [tilespmem:s15+$0xB470];
	_ =	sdelay $0x1  }
0xb3: {  	v3 =	vadd.f32 v3, v4;
	v4 =	vadd.f32 v8, v7  }
0xb4: {  	v0 =	vadd.f32 v0, v1;
	v1 =	vadd.f32 v9, v5  }
0xb5: {  	v3 =	vadd.f32 v6, v3;
	v4 =	vadd.f32 v10, v4  }
0xb6: {  	v0 =	vadd.f32 v2, v0;
	v1 =	vadd.f32 v11, v1  }
0xb7: {  	s14 =	sadd.s32 @!p0 $0x80, s14;
	s15 =	simm.s32 @!p0 $0x48;
	s16 =	simm.s32 @!p0 $0xB400;
	v2 =	vadd.f32 v4, v3  }
0xb8: {  	[tilespmem:s16], [sflag:$0x6] =	stream.indirect.gather @!p0 [hbm4b:s3+s15], $0x20, s14, s15, $0xb8;
	v0 =	vadd.f32 v1, v0;
	[tilespmem:$0xF400] =	vst v63  }
0xb9: {  	[tilespmem:s12+$0xE440] =	vst v2  }
0xba: {  	[tilespmem:s12+$0xE450] =	vst v0  }
0xbb: {  	_ =	swait.ge [sflag:s31], $0x1000  }
0xbc: {  	[sflag:s31] =	ssyncset.done $0x0  }
0xbd: {  	s14 =	simm.s32 $0x0;
	[sflag:s31] =	ssyncadd.s32 $0xFFFFF000  }
0xbe: {  	v1 =	vld [tilespmem:s14+$0xC440]  }
0xbf: {  	v0 =	vld [tilespmem:s14+$0xC450]  }
0xc0: {  	v2 =	vld [tilespmem:s14+$0xC400]  }
0xc1: {  	v7 =	vimm.f32 $0.0e+00;
	v3 =	vld [tilespmem:s14+$0xC410]  }
0xc2: {  	s15 =	simm.s32 $0x200;
	v8 =	vimm.f32 $0.0e+00;
	v5 =	vimm.f32 $0.0e+00;
	v9 =	vimm.f32 $0.0e+00;
	v4 =	vld [tilespmem:s14+$0xC420]  }
.LBB2_15:
0xc3: {  	p1 =	sne.s32 s15, $0x3E00;
	v6 =	vld [tilespmem:s14+$0xC430];
	v10 =	vmov v1  }
0xc4: {  	v11 =	vld [tilespmem:s14+$0xC460];
	v12 =	vmov v0  }
0xc5: {  	v13 =	vld [tilespmem:s14+$0xC470];
	s14 =	sshra.s32 s15, $0x2  }
.Ltmp8:
0xc6: {  	v1 =	vld [tilespmem:s14+$0xC440];
	(pc) =	sbr.rel @p1 .LBB2_15-.Ltmp8, $4  }
0xc7: {  	v5 =	vadd.f32 v2, v5;
	v7 =	vadd.f32 v3, v7;
	v0 =	vld [tilespmem:s14+$0xC450]  }
0xc8: {  	v8 =	vadd.f32 v4, v8;
	v2 =	vld [tilespmem:s14+$0xC400];
	v6 =	vadd.f32 v6, v9  }
0xc9: {  	v5 =	vadd.f32 v10, v5;
	v7 =	vadd.f32 v12, v7;
	v3 =	vld [tilespmem:s14+$0xC410]  }
0xca: {  	s15 =	sadd.s32 $0x200, s15;
	v8 =	vadd.f32 v11, v8;
	v4 =	vld [tilespmem:s14+$0xC420];
	v9 =	vadd.f32 v13, v6  }
0xcb: {  	s13 =	sadd.s32 $0x7, s13  }
0xcc: {  	v10 =	vld [tilespmem:s14+$0xC430];
	s15 =	smul.u32 @!p0 $0x320, s13  }
0xcd: {  	v11 =	vld [tilespmem:s14+$0xC460]  }
0xce: {  	v12 =	vld [tilespmem:s14+$0xC470];
	s16 =	simm.s32 @!p0 $0xC400;
	s14 =	sshra.s32 @!p0 s15, $0x2;
	s15 =	simm.s32 @!p0 $0x80  }
0xcf: {  	[tilespmem:s16], [sflag:$0x7] =	stream.indirect.gather @!p0 [hbm4b:s3+s15], $0x20, s14, s15, $0xb8;
	[tilespmem:$0xF400] =	vst v63  }
0xd0: {  	_ =	swait.ge [sflag:s1], $0x900  }
0xd1: {  	[sflag:s1] =	ssyncset.done $0x0  }
0xd2: {  	s14 =	simm.s32 $0x0;
	[sflag:s1] =	ssyncadd.s32 $0xFFFFF700  }
0xd3: {  	v6 =	vld [tilespmem:s14+$0xD440]  }
0xd4: {  	v5 =	vadd.f32 v2, v5;
	v7 =	vadd.f32 v3, v7;
	v2 =	vld [tilespmem:s14+$0xD450]  }
0xd5: {  	v8 =	vadd.f32 v4, v8;
	v9 =	vadd.f32 v10, v9;
	v3 =	vld [tilespmem:s14+$0xD400]  }
0xd6: {  	v1 =	vadd.f32 v1, v5;
	v4 =	vadd.f32 v0, v7;
	v0 =	vld [tilespmem:s14+$0xD410]  }
0xd7: {  	s15 =	simm.s32 $0x200;
	v5 =	vadd.f32 v11, v8;
	v8 =	vadd.f32 v12, v9;
	v7 =	vld [tilespmem:s14+$0xD420]  }
.LBB2_17:
0xd8: {  	p1 =	sne.s32 s15, $0x2200;
	v9 =	vld [tilespmem:s14+$0xD430];
	v10 =	vmov v6  }
0xd9: {  	v11 =	vld [tilespmem:s14+$0xD460];
	v12 =	vmov v2  }
0xda: {  	v13 =	vld [tilespmem:s14+$0xD470];
	s14 =	sshra.s32 s15, $0x2  }
.Ltmp9:
0xdb: {  	v6 =	vld [tilespmem:s14+$0xD440];
	(pc) =	sbr.rel @p1 .LBB2_17-.Ltmp9, $4  }
0xdc: {  	v1 =	vadd.f32 v3, v1;
	v4 =	vadd.f32 v0, v4;
	v2 =	vld [tilespmem:s14+$0xD450]  }
0xdd: {  	v5 =	vadd.f32 v7, v5;
	v3 =	vld [tilespmem:s14+$0xD400];
	v8 =	vadd.f32 v9, v8  }
0xde: {  	v1 =	vadd.f32 v10, v1;
	v4 =	vadd.f32 v12, v4;
	v0 =	vld [tilespmem:s14+$0xD410]  }
0xdf: {  	s15 =	sadd.s32 $0x200, s15;
	v5 =	vadd.f32 v11, v5;
	v7 =	vld [tilespmem:s14+$0xD420];
	v8 =	vadd.f32 v13, v8  }
0xe0: {  	v9 =	vld [tilespmem:s14+$0xD430]  }
0xe1: {  	v10 =	vld [tilespmem:s14+$0xD460]  }
0xe2: {  	v11 =	vld [tilespmem:s14+$0xD470];
	_ =	sdelay $0x1  }
0xe3: {  	v1 =	vadd.f32 v3, v1;
	v0 =	vadd.f32 v0, v4  }
.Ltmp10:
0xe4: {  	v3 =	vadd.f32 v7, v5;
	v63 =	vadd.f32 v9, v8;
	(pc) =	sbr.rel @p0 .LBB2_20-.Ltmp10, $3  }
0xe5: {  	v1 =	vadd.f32 v6, v1;
	v0 =	vadd.f32 v2, v0  }
0xe6: {  	v2 =	vadd.f32 v10, v3;
	v3 =	vadd.f32 v11, v63;
	_ =	sdelay $0x1  }
0xe7: {  	v1 =	vadd.f32 v2, v1;
	v0 =	vadd.f32 v3, v0  }
0xe8: {  	s13 =	smul.u32 $0x320, s13;
	_ =	sdelay $0x1  }
.Ltmp11:
0xe9: {  	s13 =	sshra.s32 s13, $0x2;
	(pc) =	sbr.rel .LBB2_2-.Ltmp11, $4  }
0xea: {  	s13 =	sadd.s32 $0x80, s13  }
0xeb: {  	[tilespmem:s23], [sflag:$0x8] =	stream.indirect.gather [hbm4b:s3+s10], $0x20, s13, s10, $0xb8;
	[tilespmem:$0xF400] =	vst v63  }
0xec: {  	[tilespmem:s12+$0xE460] =	vst v1  }
0xed: {  	s11 =	sadd.s32 $0x1, s11;
	[tilespmem:s12+$0xE470] =	vst v0  }
.LBB2_21:
0xee: {  	_ =	sfence.sel $0x180000  }
0xef: {  	[bflag:$0x0] =	sbarrier.arrive $0xFFFF  }
0xf0: {  	_ =	strace $0x90000047  }
0xf1: {  	s0 =	stileid.u32;
	[bflag:$0x2] =	sbarrier.arrive $0xFFFF  }
0xf2: {  	p0 =	sne.s32 s0, $0x0;
	s0 =	rddreg [dreg:$0x1]  }
0xf3: {  	s0 =	sadd.s32 @!p0 $0x100000, s0  }
0xf4: {  	[sflag:s0] =	ssyncadd.tile.s32 @!p0 $0x1;
	_ =	shalt  }
.Lfunc_end2:
_tile_overlayer_lowered:
.L_overlay_start_2:
0xf5: {  	(tag) =	ssettag $0x2  }
0xf6: {  	s0 =	rddreg [dreg:$0x0];
	s2 =	stileid.u32  }
0xf7: {  	s1 =	rddreg [dreg:$0x1];
	p0 =	sne.s32 s2, $0x0  }
0xf8: {  	s3 =	rddreg [dreg:$0x2];
	[bflag:$0x3] =	sbarrier.arrive $0xFFFF;
	s2 =	simm.s32 @!p0 $0x1C09  }
0xf9: {  	[timem:s3], [sflag:s2] =	dma.local @!p0 [hbm:s0], s1  }
0xfa: {  	s0 =	simm.s32 @!p0 $0x9  }
0xfb: {  	_ =	swait.ge @!p0 [sflag:s0], s1  }
0xfc: {  	s1 =	ssub.s32 @!p0 $0x0, s1;
	[sflag:s0] =	ssyncset.done @!p0 $0x0  }
0xfd: {  	[sflag:s0] =	ssyncadd.s32 @!p0 s1  }
0xfe: {  	[bflag:$0x3] =	sbarrier.arrive $0xFFFF  }
0xff: {  	_ =	shalt  }

// kernel: kernel.6.cloned.1.call-start
scs
__scs_entry_jumppad:
0x0: {  	(pc) =	sbr.rel $0x88, $3  }
0x1: {  	(tag) =	ssettag $0x0;
	lr =	simm.s32 $0x1  }
0x2: {  	[smem:$0x3F96] =	sst lr;
	_ =	strace $0xD0000000  }
0x3: {  	_ = 	snop  }
0x4: {  	_ = 	snop  }
0x5: {  	_ = 	snop  }
0x6: {  	_ = 	snop  }
0x7: {  	_ = 	snop  }
__scs_overlays_trampoline_lowered:
0x8: {  	[smem:$0x3FA5] =	sst s0  }
0x9: {  	[smem:$0x3FA6] =	sst s1  }
0xa: {  	[smem:$0x3FA7] =	sst s2  }
0xb: {  	[smem:$0x3FA8] =	sst s3  }
0xc: {  	[smem:$0x3FA9] =	sst s4  }
0xd: {  	[smem:$0x3FAA] =	sst s5  }
0xe: {  	[smem:$0x3FAB] =	sst s6  }
0xf: {  	[smem:$0x3FAC] =	sst s7  }
0x10: {  	[smem:$0x3FAD] =	sst s8  }
0x11: {  	[smem:$0x3FAE] =	sst s9;
	s0 =	simm.s32 @!p0 $0x0  }
0x12: {  	s1 =	sld [smem:$0x3F94];
	s0 =	simm.s32 @p0 $0x1  }
0x13: {  	[smem:$0x3FAF] =	sst s0;
	s0 =	simm.s32 @!p1 $0x0  }
0x14: {  	s2 =	sld [smem:$0x3F93];
	s0 =	simm.s32 @p1 $0x1  }
0x15: {  	[smem:$0x3FB0] =	sst s0;
	s0 =	simm.s32 @!p2 $0x0  }
0x16: {  	s3 =	sld [smem:$0x3FDB];
	s0 =	simm.s32 @p2 $0x1  }
0x17: {  	s4 =	simm.s32 $0x1BF5;
	[smem:$0x3FB2] =	sst s0  }
0x18: {  	s0 =	sld [smem:$0x3F95];
	_ =	swait.ge [sflag:s4], $0x0  }
0x19: {  	s7 =	sld [smem:$0x3F96]  }
0x1a: {  	s8 =	sadd.s32 $0xFFFFE003, lr  }
0x1b: {  	s9 =	sadd.s32 $0xFFFFFEF7, lr;
	s5 =	simm.s32 $0xFFFFFFFF;
	p2 =	slt.u32 s8, $0xFFFFF086  }
0x1c: {  	p1 =	slt.u32 s9, $0xF7A;
	s5 =	simm.s32 @!p2 $0x0  }
0x1d: {  	s5 =	simm.s32 @p1 $0x1;
	p0 =	seq.s32 s7, s2  }
0x1e: {  	s7 =	smul.u32 @!p0 $0xF7A, s2;
	p2 =	seq.s32 @!p0 s5, $0x0  }
0x1f: {  	s9 =	smul.u32 $0xF7A, s1;
	s8 =	simm.s32 @!p0 $0x1BF5;
	p2 =	por !p2, p0  }
0x20: {  	[sflag:s8] =	ssyncset.s32 @!p0 $0xFFFFF086;
	s6 =	sadd.s32 @!p0 s3, s7;
	s7 =	simm.s32 @!p0 $0x108  }
0x21: {  	s3 =	sadd.s32 s3, s9;
	s6 =	sadd.s32 @!p0 $0x88, s6;
	s7 =	simm.s32 @p2 $0x1082  }
0x22: {  	[simem:s7], [sflag:s8] =	dma.local @!p0 [hbm:s6], $0xF7A  }
0x23: {  	s9 =	sor.u32 $0xD0000000, s2;
	s6 =	simm.s32 $0x108;
	_ =	swait.ge @!p0 [sflag:s8], $0x0  }
0x24: {  	s3 =	sadd.s32 $0x88, s3;
	s6 =	simm.s32 @!p1 $0x1082;
	[sflag:s4] =	ssyncset.s32 $0xFFFFF086  }
0x25: {  	[simem:s6], [sflag:s4] =	dma.local [hbm:s3], $0xF7A  }
0x26: {  	[smem:$0x3F96] =	sst s1;
	(tag) =	ssettag s2;
	_ =	strace s9  }
0x27: {  	s1 =	sld [smem:$0x3FA6]  }
0x28: {  	s2 =	sld [smem:$0x3FA7]  }
0x29: {  	s4 =	sld [smem:$0x3FA9]  }
0x2a: {  	p0 =	seq.s32 s5, $0x0;
	s5 =	sld [smem:$0x3FAA]  }
0x2b: {  	s6 =	sld [smem:$0x3FAB]  }
0x2c: {  	s7 =	sld [smem:$0x3FAC]  }
0x2d: {  	s3 =	simm.s32 $0x108;
	s8 =	sld [smem:$0x3FAD]  }
0x2e: {  	s3 =	simm.s32 @!p0 $0x1082;
	s9 =	sld [smem:$0x3FAE]  }
0x2f: {  	lr =	sadd.s32 s0, s3;
	s0 =	sld [smem:$0x3FA5]  }
0x30: {  	s3 =	sld [smem:$0x3FA8]  }
0x31: {  	[smem:$0x3FB1] =	sst s10  }
0x32: {  	s10 =	sld [smem:$0x3FAF];
	_ =	sdelay $0x3  }
0x33: {  	p0 =	seq.s32 s10, $0x1;
	s10 =	sld [smem:$0x3FB1];
	_ =	sdelay $0x3  }
0x34: {  	[smem:$0x3FB1] =	sst s10  }
0x35: {  	s10 =	sld [smem:$0x3FB0];
	_ =	sdelay $0x3  }
0x36: {  	p1 =	seq.s32 s10, $0x1;
	s10 =	sld [smem:$0x3FB1];
	_ =	sdelay $0x3  }
0x37: {  	[smem:$0x3FB1] =	sst s10  }
0x38: {  	s10 =	sld [smem:$0x3FB2]  }
0x39: {  	_ = 	snop;
	(pc) =	sbr.ind lr, $3  }
0x3a: {  	_ = 	snop  }
0x3b: {  	_ = 	snop  }
0x3c: {  	p2 =	seq.s32 s10, $0x1;
	s10 =	sld [smem:$0x3FB1]  }
0x3d: {  	_ =	shalt  }
0x3e: {  	_ =	shalt  }
0x3f: {  	_ =	shalt  }
0x40: {  	_ =	shalt  }
0x41: {  	_ =	shalt  }
0x42: {  	_ =	shalt  }
0x43: {  	_ =	shalt  }
0x44: {  	_ =	shalt  }
0x45: {  	_ =	shalt  }
0x46: {  	_ =	shalt  }
0x47: {  	_ =	shalt  }
0x48: {  	_ =	shalt  }
0x49: {  	_ =	shalt  }
0x4a: {  	_ =	shalt  }
0x4b: {  	_ =	shalt  }
0x4c: {  	_ =	shalt  }
0x4d: {  	_ =	shalt  }
0x4e: {  	_ =	shalt  }
0x4f: {  	_ =	shalt  }
0x50: {  	_ =	shalt  }
0x51: {  	_ =	shalt  }
0x52: {  	_ =	shalt  }
0x53: {  	_ =	shalt  }
0x54: {  	_ =	shalt  }
0x55: {  	_ =	shalt  }
0x56: {  	_ =	shalt  }
0x57: {  	_ =	shalt  }
0x58: {  	_ =	shalt  }
0x59: {  	_ =	shalt  }
0x5a: {  	_ =	shalt  }
0x5b: {  	_ =	shalt  }
0x5c: {  	_ =	shalt  }
0x5d: {  	_ =	shalt  }
0x5e: {  	_ =	shalt  }
0x5f: {  	_ =	shalt  }
0x60: {  	_ =	shalt  }
0x61: {  	_ =	shalt  }
0x62: {  	_ =	shalt  }
0x63: {  	_ =	shalt  }
0x64: {  	_ =	shalt  }
0x65: {  	_ =	shalt  }
0x66: {  	_ =	shalt  }
0x67: {  	_ =	shalt  }
0x68: {  	_ =	shalt  }
0x69: {  	_ =	shalt  }
0x6a: {  	_ =	shalt  }
0x6b: {  	_ =	shalt  }
0x6c: {  	_ =	shalt  }
0x6d: {  	_ =	shalt  }
0x6e: {  	_ =	shalt  }
0x6f: {  	_ =	shalt  }
0x70: {  	_ =	shalt  }
0x71: {  	_ =	shalt  }
0x72: {  	_ =	shalt  }
0x73: {  	_ =	shalt  }
0x74: {  	_ =	shalt  }
0x75: {  	_ =	shalt  }
0x76: {  	_ =	shalt  }
0x77: {  	_ =	shalt  }
0x78: {  	_ =	shalt  }
0x79: {  	_ =	shalt  }
0x7a: {  	_ =	shalt  }
0x7b: {  	_ =	shalt  }
0x7c: {  	_ =	shalt  }
0x7d: {  	_ =	shalt  }
0x7e: {  	_ =	shalt  }
0x7f: {  	_ =	shalt  }
0x80: {  	_ =	shalt  }
0x81: {  	_ =	shalt  }
0x82: {  	_ =	shalt  }
0x83: {  	_ =	shalt  }
0x84: {  	_ =	shalt  }
0x85: {  	_ =	shalt  }
0x86: {  	_ =	shalt  }
0x87: {  	_ =	shalt  }
.Lfunc_end0:
.L_simem_size_0:
called_computation_lowered:
.L_overlay_start_0:
0x88: {  	s2 =	sld [smem:$0x3FD9]  }
0x89: {  	s3 =	sld [smem:$0x3FFE];
	_ =	sdelay $0x1  }
0x8a: {  	s1 =	srdreg.scid  }
0x8b: {  	s0 =	sand.u32 $0x1, s1  }
0x8c: {  	s17 =	sshll.u32 s0, $0xA;
	s2 =	sadd.s32 s3, s2  }
0x8d: {  	s2 =	sadd.s32 s2, s17  }
0x8e: {  	[smem:$0x3FBD] =	sst s2  }
0x8f: {  	_ = 	snop  }
0x90: {  	s18 =	sld [smem:$0x3FD0];
	(tm) =	ssettm $0x1  }
0x91: {  	s19 =	sld [smem:$0x3FFB];
	_ =	sdelay $0x3  }
0x92: {  	_ =	strace s19  }
0x93: {  	s2 =	sld [smem:$0x3FFC];
	_ =	sdelay $0x3  }
0x94: {  	_ =	strace s2  }
0x95: {  	s2 =	sld [smem:$0x3FFD];
	_ =	sdelay $0x3  }
0x96: {  	_ =	strace s2  }
0x97: {  	_ =	strace $0x8FFFFFFF  }
0x98: {  	s20 =	sld [smem:$0x3FDB];
	_ =	sdelay $0x1  }
0x99: {  	s4 =	simm.s32 $_scs_section_size  }
0x9a: {  	s5 =	simm.s32 $_size__tile_overlayer_lowered;
	s6 =	simm.s32 $_tile_overlayer_lowered  }
0x9b: {  	s7 =	simm.s32 $0x1BFF;
	s21 =	sshll.u32 s6, $0x1;
	s4 =	sadd.s32 s4, s20  }
0x9c: {  	s22 =	simm.s32 $0x0;
	s5 =	sshll.u32 s5, $0x1;
	s6 =	sadd.s32 s21, s4  }
0x9d: {  	[timem:s22], [sflag:s7] =	dma.local [hbm:s6], s5  }
0x9e: {  	_ =	swait.ge [sflag:s7], s5  }
0x9f: {  	s5 =	ssub.s32 $0x0, s5;
	[sflag:s7] =	ssyncset.done $0x0  }
0xa0: {  	[sflag:s7] =	ssyncadd.s32 s5;
	_ =	sdelay $0x1  }
0xa1: {  	s23 =	simm.s32 $0x1B8B  }
0xa2: {  	_ =	swait.ge [sflag:s23], $0x1  }
0xa3: {  	[sflag:s23] =	ssyncset.done $0x0  }
0xa4: {  	[sflag:s23] =	ssyncadd.s32 $0xFFFFFFFF  }
0xa5: {  	s5 =	sld [smem:$0x0]  }
0xa6: {  	s6 =	sand.u32 $0xFFFFFFFE, s1  }
0xa7: {  	p0 =	sne.s32 s1, s6  }
0xa8: {  	s6 =	sshll.u32 @p0 s6, $0xE  }
0xa9: {  	s6 =	sadd.s32 @p0 $0x11B8D, s6;
	s7 =	sshll.u32 @p0 s5, $0x11  }
0xaa: {  	s6 =	sor.u32 @p0 s7, s6  }
0xab: {  	[sflag:s6] =	ssyncadd.remote.s32 @p0 $0x1;
	_ =	sdelay $0x1  }
0xac: {  	s6 =	simm.s32 @p0 $0x1B8D  }
0xad: {  	_ =	swait.eq @p0 [sflag:s6], $0x1  }
0xae: {  	[sflag:s6] =	ssyncadd.s32 @p0 $0xFFFFFFFF  }
0xaf: {  	s7 =	sshll.u32 @!p0 s1, $0xE  }
0xb0: {  	s7 =	sor.u32 @!p0 $0x4000, s7;
	s6 =	simm.s32 @!p0 $0x1B8D  }
0xb1: {  	s5 =	sshll.u32 @!p0 s5, $0x11;
	s7 =	sadd.s32 @!p0 $0x11B8D, s7;
	_ =	swait.eq @!p0 [sflag:s6], $0x1  }
0xb2: {  	s5 =	sor.u32 @!p0 s5, s7;
	[sflag:s6] =	ssyncadd.s32 @!p0 $0xFFFFFFFF  }
0xb3: {  	s25 =	simm.s32 $0x1B8E;
	s24 =	sld [smem:$0x3FFE];
	[sflag:s5] =	ssyncadd.remote.s32 @!p0 $0x1  }
0xb4: {  	s26 =	simm.s32 $execute0_lowered;
	[smem:$0x3FD2] =	sst s25  }
0xb5: {  	s6 =	sshll.u32 s26, $0x1;
	_ =	strace $0x8000004C;
	[dreg:$0x1] =	wrdreg $0xFFFFFFFF  }
0xb6: {  	s28 =	simm.s32 $_size_execute0_lowered;
	s4 =	sadd.s32 s4, s6;
	[dreg:$0x0] =	wrdreg $0x0  }
0xb7: {  	s6 =	sshll.u32 s28, $0x1;
	[dreg:$0x2] =	wrdreg s4  }
0xb8: {  	[dreg:$0x3] =	wrdreg s6  }
0xb9: {  	[dreg:$0x4] =	wrdreg $0xC0  }
0xba: {  	_ =	task [dreg:s22], $0x5FFFF  }
0xbb: {  	[dreg:$0x1] =	wrdreg $0xFFFFFFFF  }
0xbc: {  	[dreg:$0x0] =	wrdreg $0x60  }
0xbd: {  	[dreg:$0x2] =	wrdreg s24  }
0xbe: {  	[dreg:$0x3] =	wrdreg s18  }
0xbf: {  	[dreg:$0x4] =	wrdreg $0x9  }
0xc0: {  	_ =	task.clear_ibuf [dreg:s22], $0x5FFFF;
	_ =	strace $0x9000004C  }
0xc1: {  	s29 =	simm.s32 $0x9;
	_ =	strace $0x8000004E  }
0xc2: {  	_ =	swait.ge [sflag:s29], $0x1  }
0xc3: {  	[sflag:s29] =	ssyncadd.s32 $0xFFFFFFFF  }
0xc4: {  	_ =	strace $0x9000004E  }
0xc5: {  	_ =	sfence  }
0xc6: {  	s30 =	sld [smem:$0x0];
	_ =	sdelay $0x2  }
0xc7: {  	s31 =	sshll.u32 s1, $0xD;
	s1 =	sshrl.u32 s1, $0x2  }
0xc8: {  	s4 =	sand.u32 $0x4000, s31;
	s1 =	sadd.s32 s1, s30  }
0xc9: {  	s0 =	sor.u32 s4, s0;
	s1 =	sshll.u32 s1, $0x11  }
0xca: {  	s0 =	sor.u32 s1, s0  }
0xcb: {  	s0 =	sadd.s32 $0x8F2B, s0  }
0xcc: {  	[sflag:s0] =	ssyncadd.remote.s32 $0x1  }
0xcd: {  	_ =	sfence.sel $0xFFFF  }
0xce: {  	[dreg:$0x0] =	wrdreg $0xFFFFFFFF;
	(pc) =	sbr.abs _section_cstart, $3  }
0xcf: {  	[dreg:$0x1] =	wrdreg $0xFFFFFFFF  }
0xd0: {  	_ =	task.clear_ibuf [dreg:s22], $0x2FFFF;
	_ =	strace $0x9FFFFFFF  }
0xd1: {  	(tm) =	ssettm $0x7FFFFFFF  }
tec
execute0_lowered:
.L_overlay_start_1:
0x0: {  	(tag) =	ssettag $0x1  }
0x1: {  	s0 =	srdreg.scid  }
0x2: {  	s3 =	stileid.u32;
	s1 =	rddreg [dreg:$0x0]  }
0x3: {  	s5 =	rddreg [dreg:$0x1];
	s8 =	simm.s32 $0x80;
	s10 =	simm.s32 $0x48  }
0x4: {  	s17 =	simm.s32 $0xA400;
	s18 =	simm.s32 $0x210;
	s19 =	simm.s32 $0xB400  }
0x5: {  	s20 =	simm.s32 $0x258;
	s21 =	simm.s32 $0xC400;
	s22 =	simm.s32 $0x2D8  }
0x6: {  	s23 =	simm.s32 $0xD400;
	s24 =	simm.s32 $0x1;
	s25 =	simm.s32 $0x2  }
0x7: {  	s28 =	simm.s32 $0x4;
	s29 =	simm.s32 $0x5;
	s0 =	sand.u32 $0x1, s0  }
0x8: {  	s30 =	simm.s32 $0x6;
	s3 =	sshll.u32 s3, $0x7;
	s2 =	sshll.u32 s0, $0xB  }
0x9: {  	s31 =	simm.s32 $0x7;
	s9 =	simm.s32 $0x0;
	s4 =	sor.u32 s3, s2  }
0xa: {  	s0 =	ssub.s32 $0x2, s0;
	s2 =	simm.s32 $0x0;
	s3 =	smul.u32 $0x19, s4  }
.Ltmp0:
0xb: {  	s7 =	sshrl.u32 s0, $0x1;
	[smem:$0x7FF] =	sst s2;
	(pc) =	sbr.rel .LBB2_1-.Ltmp0, $4  }
0xc: {  	s0 =	ssub.s32 s0, s7;
	s26 =	sshll.u32 s4, $0x2;
	s7 =	simm.s32 $0x9  }
0xd: {  	_ =	strace $0x8000004D;
	s5 =	sadd.s32 s5, s26;
	s26 =	simm.s32 $0x3  }
0xe: {  	s6 =	sadd.s32 s3, s1;
	s3 =	sadd.s32 $0x9F800, s1;
	s1 =	simm.s32 $0x8  }
0xf: {  	s4 =	sadd.s32 $0x101400, s6;
	s6 =	smax.u32 s0, $0x1;
	s0 =	simm.s32 $0xE400  }
.LBB2_20:
0x10: {  	s9 =	sadd.s32 $0x1, s9  }
0x11: {  	[tilespmem:s12+$0xE460] =	vst v1;
	p0 =	sne.s32 s9, s6  }
.Ltmp1:
0x12: {  	[tilespmem:s12+$0xE470] =	vst v0;
	(pc) =	sbr.rel @!p0 .LBB2_21-.Ltmp1, $4  }
0x13: {  	[hbm4b:s5+s2] =	stream.linear.scatter [tilespmem:s0], [sflag:$0x9], $0x1000, $0x38;
	[tilespmem:$0xF400] =	vst v63  }
0x14: {  	_ =	swait.ge [sflag:s7], $0x1000  }
0x15: {  	[sflag:s7] =	ssyncset.done $0x0  }
0x16: {  	[sflag:s7] =	ssyncadd.s32 $0xFFFFF000  }
.LBB2_1:
0x17: {  	[tilespmem:s2], [sflag:$0x9] =	stream.linear.gather [hbm4b:s4+s2], $0x6400, $0x38;
	[tilespmem:$0xF400] =	vst v63  }
0x18: {  	_ =	swait.ge [sflag:s7], $0x6400  }
0x19: {  	[sflag:s7] =	ssyncset.done $0x0  }
0x1a: {  	s11 =	simm.s32 $0x6400;
	[sflag:s7] =	ssyncadd.s32 $0xFFFF9C00  }
0x1b: {  	[tilespmem:s11], [sflag:$0x1] =	stream.indirect.gather [hbm4b:s3+s8], $0x20, s2, s8, $0xb8;
	[tilespmem:$0xF400] =	vst v63  }
0x1c: {  	s12 =	simm.s32 $0x7400  }
0x1d: {  	[tilespmem:s12], [sflag:$0x2] =	stream.indirect.gather [hbm4b:s3+s10], $0x20, s8, s10, $0xb8;
	[tilespmem:$0xF400] =	vst v63  }
0x1e: {  	s13 =	simm.s32 $0xC8;
	s12 =	simm.s32 $0x8400  }
0x1f: {  	[tilespmem:s12], [sflag:$0x3] =	stream.indirect.gather [hbm4b:s3+s8], $0x20, s13, s8, $0xb8;
	[tilespmem:$0xF400] =	vst v63  }
0x20: {  	s14 =	simm.s32 $0x148;
	s15 =	simm.s32 $0x9400  }
0x21: {  	[tilespmem:s15], [sflag:$0x4] =	stream.indirect.gather [hbm4b:s3+s10], $0x20, s14, s10, $0xb8;
	[tilespmem:$0xF400] =	vst v63  }
0x22: {  	s16 =	simm.s32 $0x190  }
0x23: {  	[tilespmem:s17], [sflag:$0x5] =	stream.indirect.gather [hbm4b:s3+s8], $0x20, s16, s8, $0xb8;
	[tilespmem:$0xF400] =	vst v63  }
0x24: {  	_ = 	snop  }
0x25: {  	[tilespmem:s19], [sflag:$0x6] =	stream.indirect.gather [hbm4b:s3+s10], $0x20, s18, s10, $0xb8;
	[tilespmem:$0xF400] =	vst v63  }
0x26: {  	_ = 	snop  }
0x27: {  	[tilespmem:s21], [sflag:$0x7] =	stream.indirect.gather [hbm4b:s3+s8], $0x20, s20, s8, $0xb8;
	[tilespmem:$0xF400] =	vst v63  }
0x28: {  	s11 =	simm.s32 $0x0  }
0x29: {  	[tilespmem:s23], [sflag:$0x8] =	stream.indirect.gather [hbm4b:s3+s10], $0x20, s22, s10, $0xb8;
	[tilespmem:$0xF400] =	vst v63  }
.LBB2_2:
0x2a: {  	_ =	swait.ge [sflag:s24], $0x1000  }
0x2b: {  	[sflag:s24] =	ssyncset.done $0x0  }
0x2c: {  	s12 =	simm.s32 $0x0;
	[sflag:s24] =	ssyncadd.s32 $0xFFFFF000  }
0x2d: {  	v1 =	vld [tilespmem:s12+$0x6440]  }
0x2e: {  	v0 =	vld [tilespmem:s12+$0x6450]  }
0x2f: {  	v2 =	vld [tilespmem:s12+$0x6400]  }
0x30: {  	v5 =	vimm.f32 $0.0e+00;
	v3 =	vld [tilespmem:s12+$0x6410]  }
0x31: {  	s13 =	simm.s32 $0x200;
	v7 =	vimm.f32 $0.0e+00;
	v8 =	vimm.f32 $0.0e+00;
	v9 =	vimm.f32 $0.0e+00;
	v4 =	vld [tilespmem:s12+$0x6420]  }
.LBB2_3:
0x32: {  	p0 =	sne.s32 s13, $0x3E00;
	v6 =	vld [tilespmem:s12+$0x6430];
	v10 =	vmov v1  }
0x33: {  	v11 =	vld [tilespmem:s12+$0x6460];
	v12 =	vmov v0  }
0x34: {  	v13 =	vld [tilespmem:s12+$0x6470];
	s12 =	sshra.s32 s13, $0x2  }
.Ltmp2:
0x35: {  	v1 =	vld [tilespmem:s12+$0x6440];
	(pc) =	sbr.rel @p0 .LBB2_3-.Ltmp2, $4  }
0x36: {  	v5 =	vadd.f32 v2, v5;
	v7 =	vadd.f32 v3, v7;
	v0 =	vld [tilespmem:s12+$0x6450]  }
0x37: {  	v8 =	vadd.f32 v4, v8;
	v2 =	vld [tilespmem:s12+$0x6400];
	v6 =	vadd.f32 v6, v9  }
0x38: {  	v5 =	vadd.f32 v10, v5;
	v7 =	vadd.f32 v12, v7;
	v3 =	vld [tilespmem:s12+$0x6410]  }
0x39: {  	s13 =	sadd.s32 $0x200, s13;
	v8 =	vadd.f32 v11, v8;
	v4 =	vld [tilespmem:s12+$0x6420];
	v9 =	vadd.f32 v13, v6  }
0x3a: {  	s13 =	sshll.u32 s11, $0x2  }
0x3b: {  	p0 =	seq.s32 s11, $0x1F;
	s14 =	sadd.s32 $0x4, s13  }
0x3c: {  	v10 =	vld [tilespmem:s12+$0x6430];
	s14 =	smul.u32 @!p0 $0x320, s14  }
0x3d: {  	v11 =	vld [tilespmem:s12+$0x6460]  }
0x3e: {  	v12 =	vld [tilespmem:s12+$0x6470];
	s15 =	simm.s32 @!p0 $0x6400;
	s12 =	sshra.s32 @!p0 s14, $0x2;
	s14 =	simm.s32 @!p0 $0x80  }
0x3f: {  	[tilespmem:s15], [sflag:$0x1] =	stream.indirect.gather @!p0 [hbm4b:s3+s14], $0x20, s12, s14, $0xb8;
	[tilespmem:$0xF400] =	vst v63  }
0x40: {  	_ =	swait.ge [sflag:s25], $0x900  }
0x41: {  	[sflag:s25] =	ssyncset.done $0x0  }
0x42: {  	s14 =	simm.s32 $0x0;
	[sflag:s25] =	ssyncadd.s32 $0xFFFFF700  }
0x43: {  	v6 =	vld [tilespmem:s14+$0x7440]  }
0x44: {  	v5 =	vadd.f32 v2, v5;
	v7 =	vadd.f32 v3, v7;
	v2 =	vld [tilespmem:s14+$0x7450]  }
0x45: {  	v8 =	vadd.f32 v4, v8;
	v9 =	vadd.f32 v10, v9;
	v3 =	vld [tilespmem:s14+$0x7400]  }
0x46: {  	v4 =	vadd.f32 v1, v5;
	v1 =	vadd.f32 v0, v7;
	v0 =	vld [tilespmem:s14+$0x7410]  }
0x47: {  	s15 =	simm.s32 $0x200;
	v7 =	vadd.f32 v11, v8;
	v5 =	vadd.f32 v12, v9;
	v8 =	vld [tilespmem:s14+$0x7420]  }
.LBB2_5:
0x48: {  	p1 =	sne.s32 s15, $0x2200;
	v9 =	vld [tilespmem:s14+$0x7430];
	v10 =	vmov v6  }
0x49: {  	v11 =	vld [tilespmem:s14+$0x7460];
	v12 =	vmov v2  }
0x4a: {  	v13 =	vld [tilespmem:s14+$0x7470];
	s14 =	sshra.s32 s15, $0x2  }
.Ltmp3:
0x4b: {  	v6 =	vld [tilespmem:s14+$0x7440];
	(pc) =	sbr.rel @p1 .LBB2_5-.Ltmp3, $4  }
0x4c: {  	v4 =	vadd.f32 v3, v4;
	v1 =	vadd.f32 v0, v1;
	v2 =	vld [tilespmem:s14+$0x7450]  }
0x4d: {  	v7 =	vadd.f32 v8, v7;
	v3 =	vld [tilespmem:s14+$0x7400];
	v5 =	vadd.f32 v9, v5  }
0x4e: {  	v4 =	vadd.f32 v10, v4;
	v1 =	vadd.f32 v12, v1;
	v0 =	vld [tilespmem:s14+$0x7410]  }
0x4f: {  	s15 =	sadd.s32 $0x200, s15;
	v7 =	vadd.f32 v11, v7;
	v8 =	vld [tilespmem:s14+$0x7420];
	v5 =	vadd.f32 v13, v5  }
0x50: {  	v9 =	vld [tilespmem:s14+$0x7430]  }
0x51: {  	v10 =	vld [tilespmem:s14+$0x7460]  }
0x52: {  	v11 =	vld [tilespmem:s14+$0x7470];
	_ =	sdelay $0x1  }
0x53: {  	v3 =	vadd.f32 v3, v4;
	v4 =	vadd.f32 v8, v7  }
0x54: {  	v0 =	vadd.f32 v0, v1;
	v1 =	vadd.f32 v9, v5  }
0x55: {  	s12 =	sadd.s32 @!p0 $0x80, s12;
	v3 =	vadd.f32 v6, v3;
	v4 =	vadd.f32 v10, v4  }
0x56: {  	s14 =	simm.s32 @!p0 $0x48;
	s15 =	simm.s32 @!p0 $0x7400;
	s16 =	sshll.u32 s11, $0x7;
	v0 =	vadd.f32 v2, v0;
	v1 =	vadd.f32 v11, v1  }
0x57: {  	[tilespmem:s15], [sflag:$0x2] =	stream.indirect.gather @!p0 [hbm4b:s3+s14], $0x20, s12, s14, $0xb8;
	v2 =	vadd.f32 v4, v3;
	[tilespmem:$0xF400] =	vst v63  }
0x58: {  	s12 =	sand.u32 $0x3FFFFF80, s16;
	v0 =	vadd.f32 v1, v0  }
0x59: {  	[tilespmem:s12+$0xE400] =	vst v2  }
0x5a: {  	[tilespmem:s12+$0xE410] =	vst v0  }
0x5b: {  	_ =	swait.ge [sflag:s26], $0x1000  }
0x5c: {  	[sflag:s26] =	ssyncset.done $0x0  }
0x5d: {  	s14 =	simm.s32 $0x0;
	[sflag:s26] =	ssyncadd.s32 $0xFFFFF000  }
0x5e: {  	v1 =	vld [tilespmem:s14+$0x8440]  }
0x5f: {  	v0 =	vld [tilespmem:s14+$0x8450]  }
0x60: {  	v2 =	vld [tilespmem:s14+$0x8400]  }
0x61: {  	v7 =	vimm.f32 $0.0e+00;
	v3 =	vld [tilespmem:s14+$0x8410]  }
0x62: {  	s15 =	simm.s32 $0x200;
	v8 =	vimm.f32 $0.0e+00;
	v5 =	vimm.f32 $0.0e+00;
	v9 =	vimm.f32 $0.0e+00;
	v4 =	vld [tilespmem:s14+$0x8420]  }
.LBB2_7:
0x63: {  	p1 =	sne.s32 s15, $0x3E00;
	v6 =	vld [tilespmem:s14+$0x8430];
	v10 =	vmov v1  }
0x64: {  	v11 =	vld [tilespmem:s14+$0x8460];
	v12 =	vmov v0  }
0x65: {  	v13 =	vld [tilespmem:s14+$0x8470];
	s14 =	sshra.s32 s15, $0x2  }
.Ltmp4:
0x66: {  	v1 =	vld [tilespmem:s14+$0x8440];
	(pc) =	sbr.rel @p1 .LBB2_7-.Ltmp4, $4  }
0x67: {  	v5 =	vadd.f32 v2, v5;
	v7 =	vadd.f32 v3, v7;
	v0 =	vld [tilespmem:s14+$0x8450]  }
0x68: {  	v8 =	vadd.f32 v4, v8;
	v2 =	vld [tilespmem:s14+$0x8400];
	v6 =	vadd.f32 v6, v9  }
0x69: {  	v5 =	vadd.f32 v10, v5;
	v7 =	vadd.f32 v12, v7;
	v3 =	vld [tilespmem:s14+$0x8410]  }
0x6a: {  	s15 =	sadd.s32 $0x200, s15;
	v8 =	vadd.f32 v11, v8;
	v4 =	vld [tilespmem:s14+$0x8420];
	v9 =	vadd.f32 v13, v6  }
0x6b: {  	s15 =	sadd.s32 $0x5, s13  }
0x6c: {  	v10 =	vld [tilespmem:s14+$0x8430];
	s15 =	smul.u32 @!p0 $0x320, s15  }
0x6d: {  	v11 =	vld [tilespmem:s14+$0x8460]  }
0x6e: {  	v12 =	vld [tilespmem:s14+$0x8470];
	s16 =	simm.s32 @!p0 $0x8400;
	s14 =	sshra.s32 @!p0 s15, $0x2;
	s15 =	simm.s32 @!p0 $0x80  }
0x6f: {  	[tilespmem:s16], [sflag:$0x3] =	stream.indirect.gather @!p0 [hbm4b:s3+s15], $0x20, s14, s15, $0xb8;
	[tilespmem:$0xF400] =	vst v63  }
0x70: {  	_ =	swait.ge [sflag:s28], $0x900  }
0x71: {  	[sflag:s28] =	ssyncset.done $0x0  }
0x72: {  	s15 =	simm.s32 $0x0;
	[sflag:s28] =	ssyncadd.s32 $0xFFFFF700  }
0x73: {  	v6 =	vld [tilespmem:s15+$0x9440]  }
0x74: {  	v5 =	vadd.f32 v2, v5;
	v7 =	vadd.f32 v3, v7;
	v2 =	vld [tilespmem:s15+$0x9450]  }
0x75: {  	v8 =	vadd.f32 v4, v8;
	v9 =	vadd.f32 v10, v9;
	v3 =	vld [tilespmem:s15+$0x9400]  }
0x76: {  	v4 =	vadd.f32 v1, v5;
	v1 =	vadd.f32 v0, v7;
	v0 =	vld [tilespmem:s15+$0x9410]  }
0x77: {  	s16 =	simm.s32 $0x200;
	v7 =	vadd.f32 v11, v8;
	v5 =	vadd.f32 v12, v9;
	v8 =	vld [tilespmem:s15+$0x9420]  }
.LBB2_9:
0x78: {  	p1 =	sne.s32 s16, $0x2200;
	v9 =	vld [tilespmem:s15+$0x9430];
	v10 =	vmov v6  }
0x79: {  	v11 =	vld [tilespmem:s15+$0x9460];
	v12 =	vmov v2  }
0x7a: {  	v13 =	vld [tilespmem:s15+$0x9470];
	s15 =	sshra.s32 s16, $0x2  }
.Ltmp5:
0x7b: {  	v6 =	vld [tilespmem:s15+$0x9440];
	(pc) =	sbr.rel @p1 .LBB2_9-.Ltmp5, $4  }
0x7c: {  	v4 =	vadd.f32 v3, v4;
	v1 =	vadd.f32 v0, v1;
	v2 =	vld [tilespmem:s15+$0x9450]  }
0x7d: {  	v7 =	vadd.f32 v8, v7;
	v3 =	vld [tilespmem:s15+$0x9400];
	v5 =	vadd.f32 v9, v5  }
0x7e: {  	v4 =	vadd.f32 v10, v4;
	v1 =	vadd.f32 v12, v1;
	v0 =	vld [tilespmem:s15+$0x9410]  }
0x7f: {  	s16 =	sadd.s32 $0x200, s16;
	v7 =	vadd.f32 v11, v7;
	v8 =	vld [tilespmem:s15+$0x9420];
	v5 =	vadd.f32 v13, v5  }
0x80: {  	v9 =	vld [tilespmem:s15+$0x9430]  }
0x81: {  	v10 =	vld [tilespmem:s15+$0x9460]  }
0x82: {  	v11 =	vld [tilespmem:s15+$0x9470];
	_ =	sdelay $0x1  }
0x83: {  	v3 =	vadd.f32 v3, v4;
	v4 =	vadd.f32 v8, v7  }
0x84: {  	v0 =	vadd.f32 v0, v1;
	v1 =	vadd.f32 v9, v5  }
0x85: {  	v3 =	vadd.f32 v6, v3;
	v4 =	vadd.f32 v10, v4  }
0x86: {  	v0 =	vadd.f32 v2, v0;
	v1 =	vadd.f32 v11, v1  }
0x87: {  	s14 =	sadd.s32 @!p0 $0x80, s14;
	s15 =	simm.s32 @!p0 $0x48;
	s16 =	simm.s32 @!p0 $0x9400;
	v2 =	vadd.f32 v4, v3  }
0x88: {  	[tilespmem:s16], [sflag:$0x4] =	stream.indirect.gather @!p0 [hbm4b:s3+s15], $0x20, s14, s15, $0xb8;
	v0 =	vadd.f32 v1, v0;
	[tilespmem:$0xF400] =	vst v63  }
0x89: {  	[tilespmem:s12+$0xE420] =	vst v2  }
0x8a: {  	[tilespmem:s12+$0xE430] =	vst v0  }
0x8b: {  	_ =	swait.ge [sflag:s29], $0x1000  }
0x8c: {  	[sflag:s29] =	ssyncset.done $0x0  }
0x8d: {  	s14 =	simm.s32 $0x0;
	[sflag:s29] =	ssyncadd.s32 $0xFFFFF000  }
0x8e: {  	v1 =	vld [tilespmem:s14+$0xA440]  }
0x8f: {  	v0 =	vld [tilespmem:s14+$0xA450]  }
0x90: {  	v2 =	vld [tilespmem:s14+$0xA400]  }
0x91: {  	v7 =	vimm.f32 $0.0e+00;
	v3 =	vld [tilespmem:s14+$0xA410]  }
0x92: {  	s15 =	simm.s32 $0x200;
	v8 =	vimm.f32 $0.0e+00;
	v5 =	vimm.f32 $0.0e+00;
	v9 =	vimm.f32 $0.0e+00;
	v4 =	vld [tilespmem:s14+$0xA420]  }
.LBB2_11:
0x93: {  	p1 =	sne.s32 s15, $0x3E00;
	v6 =	vld [tilespmem:s14+$0xA430];
	v10 =	vmov v1  }
0x94: {  	v11 =	vld [tilespmem:s14+$0xA460];
	v12 =	vmov v0  }
0x95: {  	v13 =	vld [tilespmem:s14+$0xA470];
	s14 =	sshra.s32 s15, $0x2  }
.Ltmp6:
0x96: {  	v1 =	vld [tilespmem:s14+$0xA440];
	(pc) =	sbr.rel @p1 .LBB2_11-.Ltmp6, $4  }
0x97: {  	v5 =	vadd.f32 v2, v5;
	v7 =	vadd.f32 v3, v7;
	v0 =	vld [tilespmem:s14+$0xA450]  }
0x98: {  	v8 =	vadd.f32 v4, v8;
	v2 =	vld [tilespmem:s14+$0xA400];
	v6 =	vadd.f32 v6, v9  }
0x99: {  	v5 =	vadd.f32 v10, v5;
	v7 =	vadd.f32 v12, v7;
	v3 =	vld [tilespmem:s14+$0xA410]  }
0x9a: {  	s15 =	sadd.s32 $0x200, s15;
	v8 =	vadd.f32 v11, v8;
	v4 =	vld [tilespmem:s14+$0xA420];
	v9 =	vadd.f32 v13, v6  }
0x9b: {  	s15 =	sadd.s32 $0x6, s13  }
0x9c: {  	v10 =	vld [tilespmem:s14+$0xA430];
	s15 =	smul.u32 @!p0 $0x320, s15  }
0x9d: {  	v11 =	vld [tilespmem:s14+$0xA460]  }
0x9e: {  	v12 =	vld [tilespmem:s14+$0xA470];
	s16 =	simm.s32 @!p0 $0xA400;
	s14 =	sshra.s32 @!p0 s15, $0x2;
	s15 =	simm.s32 @!p0 $0x80  }
0x9f: {  	[tilespmem:s16], [sflag:$0x5] =	stream.indirect.gather @!p0 [hbm4b:s3+s15], $0x20, s14, s15, $0xb8;
	[tilespmem:$0xF400] =	vst v63  }
0xa0: {  	_ =	swait.ge [sflag:s30], $0x900  }
0xa1: {  	[sflag:s30] =	ssyncset.done $0x0  }
0xa2: {  	s15 =	simm.s32 $0x0;
	[sflag:s30] =	ssyncadd.s32 $0xFFFFF700  }
0xa3: {  	v6 =	vld [tilespmem:s15+$0xB440]  }
0xa4: {  	v5 =	vadd.f32 v2, v5;
	v7 =	vadd.f32 v3, v7;
	v2 =	vld [tilespmem:s15+$0xB450]  }
0xa5: {  	v8 =	vadd.f32 v4, v8;
	v9 =	vadd.f32 v10, v9;
	v3 =	vld [tilespmem:s15+$0xB400]  }
0xa6: {  	v4 =	vadd.f32 v1, v5;
	v1 =	vadd.f32 v0, v7;
	v0 =	vld [tilespmem:s15+$0xB410]  }
0xa7: {  	s16 =	simm.s32 $0x200;
	v7 =	vadd.f32 v11, v8;
	v5 =	vadd.f32 v12, v9;
	v8 =	vld [tilespmem:s15+$0xB420]  }
.LBB2_13:
0xa8: {  	p1 =	sne.s32 s16, $0x2200;
	v9 =	vld [tilespmem:s15+$0xB430];
	v10 =	vmov v6  }
0xa9: {  	v11 =	vld [tilespmem:s15+$0xB460];
	v12 =	vmov v2  }
0xaa: {  	v13 =	vld [tilespmem:s15+$0xB470];
	s15 =	sshra.s32 s16, $0x2  }
.Ltmp7:
0xab: {  	v6 =	vld [tilespmem:s15+$0xB440];
	(pc) =	sbr.rel @p1 .LBB2_13-.Ltmp7, $4  }
0xac: {  	v4 =	vadd.f32 v3, v4;
	v1 =	vadd.f32 v0, v1;
	v2 =	vld [tilespmem:s15+$0xB450]  }
0xad: {  	v7 =	vadd.f32 v8, v7;
	v3 =	vld [tilespmem:s15+$0xB400];
	v5 =	vadd.f32 v9, v5  }
0xae: {  	v4 =	vadd.f32 v10, v4;
	v1 =	vadd.f32 v12, v1;
	v0 =	vld [tilespmem:s15+$0xB410]  }
0xaf: {  	s16 =	sadd.s32 $0x200, s16;
	v7 =	vadd.f32 v11, v7;
	v8 =	vld [tilespmem:s15+$0xB420];
	v5 =	vadd.f32 v13, v5  }
0xb0: {  	v9 =	vld [tilespmem:s15+$0xB430]  }
0xb1: {  	v10 =	vld [tilespmem:s15+$0xB460]  }
0xb2: {  	v11 =	vld [tilespmem:s15+$0xB470];
	_ =	sdelay $0x1  }
0xb3: {  	v3 =	vadd.f32 v3, v4;
	v4 =	vadd.f32 v8, v7  }
0xb4: {  	v0 =	vadd.f32 v0, v1;
	v1 =	vadd.f32 v9, v5  }
0xb5: {  	v3 =	vadd.f32 v6, v3;
	v4 =	vadd.f32 v10, v4  }
0xb6: {  	v0 =	vadd.f32 v2, v0;
	v1 =	vadd.f32 v11, v1  }
0xb7: {  	s14 =	sadd.s32 @!p0 $0x80, s14;
	s15 =	simm.s32 @!p0 $0x48;
	s16 =	simm.s32 @!p0 $0xB400;
	v2 =	vadd.f32 v4, v3  }
0xb8: {  	[tilespmem:s16], [sflag:$0x6] =	stream.indirect.gather @!p0 [hbm4b:s3+s15], $0x20, s14, s15, $0xb8;
	v0 =	vadd.f32 v1, v0;
	[tilespmem:$0xF400] =	vst v63  }
0xb9: {  	[tilespmem:s12+$0xE440] =	vst v2  }
0xba: {  	[tilespmem:s12+$0xE450] =	vst v0  }
0xbb: {  	_ =	swait.ge [sflag:s31], $0x1000  }
0xbc: {  	[sflag:s31] =	ssyncset.done $0x0  }
0xbd: {  	s14 =	simm.s32 $0x0;
	[sflag:s31] =	ssyncadd.s32 $0xFFFFF000  }
0xbe: {  	v1 =	vld [tilespmem:s14+$0xC440]  }
0xbf: {  	v0 =	vld [tilespmem:s14+$0xC450]  }
0xc0: {  	v2 =	vld [tilespmem:s14+$0xC400]  }
0xc1: {  	v7 =	vimm.f32 $0.0e+00;
	v3 =	vld [tilespmem:s14+$0xC410]  }
0xc2: {  	s15 =	simm.s32 $0x200;
	v8 =	vimm.f32 $0.0e+00;
	v5 =	vimm.f32 $0.0e+00;
	v9 =	vimm.f32 $0.0e+00;
	v4 =	vld [tilespmem:s14+$0xC420]  }
.LBB2_15:
0xc3: {  	p1 =	sne.s32 s15, $0x3E00;
	v6 =	vld [tilespmem:s14+$0xC430];
	v10 =	vmov v1  }
0xc4: {  	v11 =	vld [tilespmem:s14+$0xC460];
	v12 =	vmov v0  }
0xc5: {  	v13 =	vld [tilespmem:s14+$0xC470];
	s14 =	sshra.s32 s15, $0x2  }
.Ltmp8:
0xc6: {  	v1 =	vld [tilespmem:s14+$0xC440];
	(pc) =	sbr.rel @p1 .LBB2_15-.Ltmp8, $4  }
0xc7: {  	v5 =	vadd.f32 v2, v5;
	v7 =	vadd.f32 v3, v7;
	v0 =	vld [tilespmem:s14+$0xC450]  }
0xc8: {  	v8 =	vadd.f32 v4, v8;
	v2 =	vld [tilespmem:s14+$0xC400];
	v6 =	vadd.f32 v6, v9  }
0xc9: {  	v5 =	vadd.f32 v10, v5;
	v7 =	vadd.f32 v12, v7;
	v3 =	vld [tilespmem:s14+$0xC410]  }
0xca: {  	s15 =	sadd.s32 $0x200, s15;
	v8 =	vadd.f32 v11, v8;
	v4 =	vld [tilespmem:s14+$0xC420];
	v9 =	vadd.f32 v13, v6  }
0xcb: {  	s13 =	sadd.s32 $0x7, s13  }
0xcc: {  	v10 =	vld [tilespmem:s14+$0xC430];
	s15 =	smul.u32 @!p0 $0x320, s13  }
0xcd: {  	v11 =	vld [tilespmem:s14+$0xC460]  }
0xce: {  	v12 =	vld [tilespmem:s14+$0xC470];
	s16 =	simm.s32 @!p0 $0xC400;
	s14 =	sshra.s32 @!p0 s15, $0x2;
	s15 =	simm.s32 @!p0 $0x80  }
0xcf: {  	[tilespmem:s16], [sflag:$0x7] =	stream.indirect.gather @!p0 [hbm4b:s3+s15], $0x20, s14, s15, $0xb8;
	[tilespmem:$0xF400] =	vst v63  }
0xd0: {  	_ =	swait.ge [sflag:s1], $0x900  }
0xd1: {  	[sflag:s1] =	ssyncset.done $0x0  }
0xd2: {  	s14 =	simm.s32 $0x0;
	[sflag:s1] =	ssyncadd.s32 $0xFFFFF700  }
0xd3: {  	v6 =	vld [tilespmem:s14+$0xD440]  }
0xd4: {  	v5 =	vadd.f32 v2, v5;
	v7 =	vadd.f32 v3, v7;
	v2 =	vld [tilespmem:s14+$0xD450]  }
0xd5: {  	v8 =	vadd.f32 v4, v8;
	v9 =	vadd.f32 v10, v9;
	v3 =	vld [tilespmem:s14+$0xD400]  }
0xd6: {  	v1 =	vadd.f32 v1, v5;
	v4 =	vadd.f32 v0, v7;
	v0 =	vld [tilespmem:s14+$0xD410]  }
0xd7: {  	s15 =	simm.s32 $0x200;
	v5 =	vadd.f32 v11, v8;
	v8 =	vadd.f32 v12, v9;
	v7 =	vld [tilespmem:s14+$0xD420]  }
.LBB2_17:
0xd8: {  	p1 =	sne.s32 s15, $0x2200;
	v9 =	vld [tilespmem:s14+$0xD430];
	v10 =	vmov v6  }
0xd9: {  	v11 =	vld [tilespmem:s14+$0xD460];
	v12 =	vmov v2  }
0xda: {  	v13 =	vld [tilespmem:s14+$0xD470];
	s14 =	sshra.s32 s15, $0x2  }
.Ltmp9:
0xdb: {  	v6 =	vld [tilespmem:s14+$0xD440];
	(pc) =	sbr.rel @p1 .LBB2_17-.Ltmp9, $4  }
0xdc: {  	v1 =	vadd.f32 v3, v1;
	v4 =	vadd.f32 v0, v4;
	v2 =	vld [tilespmem:s14+$0xD450]  }
0xdd: {  	v5 =	vadd.f32 v7, v5;
	v3 =	vld [tilespmem:s14+$0xD400];
	v8 =	vadd.f32 v9, v8  }
0xde: {  	v1 =	vadd.f32 v10, v1;
	v4 =	vadd.f32 v12, v4;
	v0 =	vld [tilespmem:s14+$0xD410]  }
0xdf: {  	s15 =	sadd.s32 $0x200, s15;
	v5 =	vadd.f32 v11, v5;
	v7 =	vld [tilespmem:s14+$0xD420];
	v8 =	vadd.f32 v13, v8  }
0xe0: {  	v9 =	vld [tilespmem:s14+$0xD430]  }
0xe1: {  	v10 =	vld [tilespmem:s14+$0xD460]  }
0xe2: {  	v11 =	vld [tilespmem:s14+$0xD470];
	_ =	sdelay $0x1  }
0xe3: {  	v1 =	vadd.f32 v3, v1;
	v0 =	vadd.f32 v0, v4  }
.Ltmp10:
0xe4: {  	v3 =	vadd.f32 v7, v5;
	v63 =	vadd.f32 v9, v8;
	(pc) =	sbr.rel @p0 .LBB2_20-.Ltmp10, $3  }
0xe5: {  	v1 =	vadd.f32 v6, v1;
	v0 =	vadd.f32 v2, v0  }
0xe6: {  	v2 =	vadd.f32 v10, v3;
	v3 =	vadd.f32 v11, v63;
	_ =	sdelay $0x1  }
0xe7: {  	v1 =	vadd.f32 v2, v1;
	v0 =	vadd.f32 v3, v0  }
0xe8: {  	s13 =	smul.u32 $0x320, s13;
	_ =	sdelay $0x1  }
.Ltmp11:
0xe9: {  	s13 =	sshra.s32 s13, $0x2;
	(pc) =	sbr.rel .LBB2_2-.Ltmp11, $4  }
0xea: {  	s13 =	sadd.s32 $0x80, s13  }
0xeb: {  	[tilespmem:s23], [sflag:$0x8] =	stream.indirect.gather [hbm4b:s3+s10], $0x20, s13, s10, $0xb8;
	[tilespmem:$0xF400] =	vst v63  }
0xec: {  	[tilespmem:s12+$0xE460] =	vst v1  }
0xed: {  	s11 =	sadd.s32 $0x1, s11;
	[tilespmem:s12+$0xE470] =	vst v0  }
.LBB2_21:
0xee: {  	_ =	sfence.sel $0x180000  }
0xef: {  	[bflag:$0x0] =	sbarrier.arrive $0xFFFF  }
0xf0: {  	_ =	strace $0x9000004D  }
0xf1: {  	s0 =	stileid.u32;
	[bflag:$0x2] =	sbarrier.arrive $0xFFFF  }
0xf2: {  	p0 =	sne.s32 s0, $0x0;
	s0 =	rddreg [dreg:$0x2]  }
0xf3: {  	s0 =	sadd.s32 @!p0 $0x100000, s0  }
0xf4: {  	[sflag:s0] =	ssyncadd.tile.s32 @!p0 $0x1;
	_ =	shalt  }
.Lfunc_end2:
_tile_overlayer_lowered:
.L_overlay_start_2:
0xf5: {  	(tag) =	ssettag $0x2  }
0xf6: {  	s0 =	rddreg [dreg:$0x0];
	s2 =	stileid.u32  }
0xf7: {  	s1 =	rddreg [dreg:$0x1];
	p0 =	sne.s32 s2, $0x0  }
0xf8: {  	s3 =	rddreg [dreg:$0x2];
	[bflag:$0x3] =	sbarrier.arrive $0xFFFF;
	s2 =	simm.s32 @!p0 $0x1C09  }
0xf9: {  	[timem:s3], [sflag:s2] =	dma.local @!p0 [hbm:s0], s1  }
0xfa: {  	s0 =	simm.s32 @!p0 $0x9  }
0xfb: {  	_ =	swait.ge @!p0 [sflag:s0], s1  }
0xfc: {  	s1 =	ssub.s32 @!p0 $0x0, s1;
	[sflag:s0] =	ssyncset.done @!p0 $0x0  }
0xfd: {  	[sflag:s0] =	ssyncadd.s32 @!p0 s1  }
0xfe: {  	[bflag:$0x3] =	sbarrier.arrive $0xFFFF  }
0xff: {  	_ =	shalt  }

// kernel: kernel.9.cloned.1.call-start
scs
__scs_entry_jumppad:
0x0: {  	(pc) =	sbr.rel $0x88, $3  }
0x1: {  	(tag) =	ssettag $0x0;
	lr =	simm.s32 $0x1  }
0x2: {  	[smem:$0x3F96] =	sst lr;
	_ =	strace $0xD0000000  }
0x3: {  	_ = 	snop  }
0x4: {  	_ = 	snop  }
0x5: {  	_ = 	snop  }
0x6: {  	_ = 	snop  }
0x7: {  	_ = 	snop  }
__scs_overlays_trampoline_lowered:
0x8: {  	[smem:$0x3FA5] =	sst s0  }
0x9: {  	[smem:$0x3FA6] =	sst s1  }
0xa: {  	[smem:$0x3FA7] =	sst s2  }
0xb: {  	[smem:$0x3FA8] =	sst s3  }
0xc: {  	[smem:$0x3FA9] =	sst s4  }
0xd: {  	[smem:$0x3FAA] =	sst s5  }
0xe: {  	[smem:$0x3FAB] =	sst s6  }
0xf: {  	[smem:$0x3FAC] =	sst s7  }
0x10: {  	[smem:$0x3FAD] =	sst s8  }
0x11: {  	[smem:$0x3FAE] =	sst s9;
	s0 =	simm.s32 @!p0 $0x0  }
0x12: {  	s1 =	sld [smem:$0x3F94];
	s0 =	simm.s32 @p0 $0x1  }
0x13: {  	[smem:$0x3FAF] =	sst s0;
	s0 =	simm.s32 @!p1 $0x0  }
0x14: {  	s2 =	sld [smem:$0x3F93];
	s0 =	simm.s32 @p1 $0x1  }
0x15: {  	[smem:$0x3FB0] =	sst s0;
	s0 =	simm.s32 @!p2 $0x0  }
0x16: {  	s3 =	sld [smem:$0x3FDB];
	s0 =	simm.s32 @p2 $0x1  }
0x17: {  	s4 =	simm.s32 $0x1BF5;
	[smem:$0x3FB2] =	sst s0  }
0x18: {  	s0 =	sld [smem:$0x3F95];
	_ =	swait.ge [sflag:s4], $0x0  }
0x19: {  	s7 =	sld [smem:$0x3F96]  }
0x1a: {  	s8 =	sadd.s32 $0xFFFFE003, lr  }
0x1b: {  	s9 =	sadd.s32 $0xFFFFFEF7, lr;
	s5 =	simm.s32 $0xFFFFFFFF;
	p2 =	slt.u32 s8, $0xFFFFF086  }
0x1c: {  	p1 =	slt.u32 s9, $0xF7A;
	s5 =	simm.s32 @!p2 $0x0  }
0x1d: {  	s5 =	simm.s32 @p1 $0x1;
	p0 =	seq.s32 s7, s2  }
0x1e: {  	s7 =	smul.u32 @!p0 $0xF7A, s2;
	p2 =	seq.s32 @!p0 s5, $0x0  }
0x1f: {  	s9 =	smul.u32 $0xF7A, s1;
	s8 =	simm.s32 @!p0 $0x1BF5;
	p2 =	por !p2, p0  }
0x20: {  	[sflag:s8] =	ssyncset.s32 @!p0 $0xFFFFF086;
	s6 =	sadd.s32 @!p0 s3, s7;
	s7 =	simm.s32 @!p0 $0x108  }
0x21: {  	s3 =	sadd.s32 s3, s9;
	s6 =	sadd.s32 @!p0 $0x88, s6;
	s7 =	simm.s32 @p2 $0x1082  }
0x22: {  	[simem:s7], [sflag:s8] =	dma.local @!p0 [hbm:s6], $0xF7A  }
0x23: {  	s9 =	sor.u32 $0xD0000000, s2;
	s6 =	simm.s32 $0x108;
	_ =	swait.ge @!p0 [sflag:s8], $0x0  }
0x24: {  	s3 =	sadd.s32 $0x88, s3;
	s6 =	simm.s32 @!p1 $0x1082;
	[sflag:s4] =	ssyncset.s32 $0xFFFFF086  }
0x25: {  	[simem:s6], [sflag:s4] =	dma.local [hbm:s3], $0xF7A  }
0x26: {  	[smem:$0x3F96] =	sst s1;
	(tag) =	ssettag s2;
	_ =	strace s9  }
0x27: {  	s1 =	sld [smem:$0x3FA6]  }
0x28: {  	s2 =	sld [smem:$0x3FA7]  }
0x29: {  	s4 =	sld [smem:$0x3FA9]  }
0x2a: {  	p0 =	seq.s32 s5, $0x0;
	s5 =	sld [smem:$0x3FAA]  }
0x2b: {  	s6 =	sld [smem:$0x3FAB]  }
0x2c: {  	s7 =	sld [smem:$0x3FAC]  }
0x2d: {  	s3 =	simm.s32 $0x108;
	s8 =	sld [smem:$0x3FAD]  }
0x2e: {  	s3 =	simm.s32 @!p0 $0x1082;
	s9 =	sld [smem:$0x3FAE]  }
0x2f: {  	lr =	sadd.s32 s0, s3;
	s0 =	sld [smem:$0x3FA5]  }
0x30: {  	s3 =	sld [smem:$0x3FA8]  }
0x31: {  	[smem:$0x3FB1] =	sst s10  }
0x32: {  	s10 =	sld [smem:$0x3FAF];
	_ =	sdelay $0x3  }
0x33: {  	p0 =	seq.s32 s10, $0x1;
	s10 =	sld [smem:$0x3FB1];
	_ =	sdelay $0x3  }
0x34: {  	[smem:$0x3FB1] =	sst s10  }
0x35: {  	s10 =	sld [smem:$0x3FB0];
	_ =	sdelay $0x3  }
0x36: {  	p1 =	seq.s32 s10, $0x1;
	s10 =	sld [smem:$0x3FB1];
	_ =	sdelay $0x3  }
0x37: {  	[smem:$0x3FB1] =	sst s10  }
0x38: {  	s10 =	sld [smem:$0x3FB2]  }
0x39: {  	_ = 	snop;
	(pc) =	sbr.ind lr, $3  }
0x3a: {  	_ = 	snop  }
0x3b: {  	_ = 	snop  }
0x3c: {  	p2 =	seq.s32 s10, $0x1;
	s10 =	sld [smem:$0x3FB1]  }
0x3d: {  	_ =	shalt  }
0x3e: {  	_ =	shalt  }
0x3f: {  	_ =	shalt  }
0x40: {  	_ =	shalt  }
0x41: {  	_ =	shalt  }
0x42: {  	_ =	shalt  }
0x43: {  	_ =	shalt  }
0x44: {  	_ =	shalt  }
0x45: {  	_ =	shalt  }
0x46: {  	_ =	shalt  }
0x47: {  	_ =	shalt  }
0x48: {  	_ =	shalt  }
0x49: {  	_ =	shalt  }
0x4a: {  	_ =	shalt  }
0x4b: {  	_ =	shalt  }
0x4c: {  	_ =	shalt  }
0x4d: {  	_ =	shalt  }
0x4e: {  	_ =	shalt  }
0x4f: {  	_ =	shalt  }
0x50: {  	_ =	shalt  }
0x51: {  	_ =	shalt  }
0x52: {  	_ =	shalt  }
0x53: {  	_ =	shalt  }
0x54: {  	_ =	shalt  }
0x55: {  	_ =	shalt  }
0x56: {  	_ =	shalt  }
0x57: {  	_ =	shalt  }
0x58: {  	_ =	shalt  }
0x59: {  	_ =	shalt  }
0x5a: {  	_ =	shalt  }
0x5b: {  	_ =	shalt  }
0x5c: {  	_ =	shalt  }
0x5d: {  	_ =	shalt  }
0x5e: {  	_ =	shalt  }
0x5f: {  	_ =	shalt  }
0x60: {  	_ =	shalt  }
0x61: {  	_ =	shalt  }
0x62: {  	_ =	shalt  }
0x63: {  	_ =	shalt  }
0x64: {  	_ =	shalt  }
0x65: {  	_ =	shalt  }
0x66: {  	_ =	shalt  }
0x67: {  	_ =	shalt  }
0x68: {  	_ =	shalt  }
0x69: {  	_ =	shalt  }
0x6a: {  	_ =	shalt  }
0x6b: {  	_ =	shalt  }
0x6c: {  	_ =	shalt  }
0x6d: {  	_ =	shalt  }
0x6e: {  	_ =	shalt  }
0x6f: {  	_ =	shalt  }
0x70: {  	_ =	shalt  }
0x71: {  	_ =	shalt  }
0x72: {  	_ =	shalt  }
0x73: {  	_ =	shalt  }
0x74: {  	_ =	shalt  }
0x75: {  	_ =	shalt  }
0x76: {  	_ =	shalt  }
0x77: {  	_ =	shalt  }
0x78: {  	_ =	shalt  }
0x79: {  	_ =	shalt  }
0x7a: {  	_ =	shalt  }
0x7b: {  	_ =	shalt  }
0x7c: {  	_ =	shalt  }
0x7d: {  	_ =	shalt  }
0x7e: {  	_ =	shalt  }
0x7f: {  	_ =	shalt  }
0x80: {  	_ =	shalt  }
0x81: {  	_ =	shalt  }
0x82: {  	_ =	shalt  }
0x83: {  	_ =	shalt  }
0x84: {  	_ =	shalt  }
0x85: {  	_ =	shalt  }
0x86: {  	_ =	shalt  }
0x87: {  	_ =	shalt  }
.Lfunc_end0:
.L_simem_size_0:
called_computation.1_lowered:
.L_overlay_start_0:
0x88: {  	s2 =	sld [smem:$0x3FD9]  }
0x89: {  	s3 =	sld [smem:$0x3FFE];
	_ =	sdelay $0x1  }
0x8a: {  	s1 =	srdreg.scid  }
0x8b: {  	s0 =	sand.u32 $0x1, s1  }
0x8c: {  	s17 =	sshll.u32 s0, $0xA;
	s2 =	sadd.s32 s3, s2  }
0x8d: {  	s2 =	sadd.s32 s2, s17  }
0x8e: {  	[smem:$0x3FBD] =	sst s2  }
0x8f: {  	_ = 	snop  }
0x90: {  	(tm) =	ssettm $0x1  }
0x91: {  	s18 =	sld [smem:$0x3FFB];
	_ =	sdelay $0x3  }
0x92: {  	_ =	strace s18  }
0x93: {  	s2 =	sld [smem:$0x3FFC];
	_ =	sdelay $0x3  }
0x94: {  	_ =	strace s2  }
0x95: {  	s2 =	sld [smem:$0x3FFD];
	_ =	sdelay $0x3  }
0x96: {  	_ =	strace s2  }
0x97: {  	_ =	strace $0x8FFFFFFF  }
0x98: {  	s19 =	sld [smem:$0x3FDB];
	_ =	sdelay $0x1  }
0x99: {  	s20 =	simm.s32 $_scs_section_size  }
0x9a: {  	s4 =	simm.s32 $_size__tile_overlayer_lowered;
	s5 =	simm.s32 $_tile_overlayer_lowered  }
0x9b: {  	s6 =	simm.s32 $0x1BFF;
	s21 =	sshll.u32 s5, $0x1;
	s3 =	sadd.s32 s20, s19  }
0x9c: {  	s22 =	simm.s32 $0x0;
	s4 =	sshll.u32 s4, $0x1;
	s5 =	sadd.s32 s21, s3  }
0x9d: {  	[timem:s22], [sflag:s6] =	dma.local [hbm:s5], s4  }
0x9e: {  	_ =	swait.ge [sflag:s6], s4  }
0x9f: {  	s4 =	ssub.s32 $0x0, s4;
	[sflag:s6] =	ssyncset.done $0x0  }
0xa0: {  	[sflag:s6] =	ssyncadd.s32 s4;
	_ =	sdelay $0x1  }
0xa1: {  	s23 =	simm.s32 $0x1B8B  }
0xa2: {  	_ =	swait.ge [sflag:s23], $0x1  }
0xa3: {  	[sflag:s23] =	ssyncset.done $0x0  }
0xa4: {  	[sflag:s23] =	ssyncadd.s32 $0xFFFFFFFF  }
0xa5: {  	s4 =	sld [smem:$0x0]  }
0xa6: {  	s5 =	sand.u32 $0xFFFFFFFE, s1  }
0xa7: {  	p0 =	sne.s32 s1, s5  }
0xa8: {  	s5 =	sshll.u32 @p0 s5, $0xE  }
0xa9: {  	s5 =	sadd.s32 @p0 $0x11B8D, s5;
	s6 =	sshll.u32 @p0 s4, $0x11  }
0xaa: {  	s5 =	sor.u32 @p0 s6, s5  }
0xab: {  	[sflag:s5] =	ssyncadd.remote.s32 @p0 $0x1;
	_ =	sdelay $0x1  }
0xac: {  	s5 =	simm.s32 @p0 $0x1B8D  }
0xad: {  	_ =	swait.eq @p0 [sflag:s5], $0x1  }
0xae: {  	[sflag:s5] =	ssyncadd.s32 @p0 $0xFFFFFFFF  }
0xaf: {  	s6 =	sshll.u32 @!p0 s1, $0xE  }
0xb0: {  	s6 =	sor.u32 @!p0 $0x4000, s6;
	s5 =	simm.s32 @!p0 $0x1B8D  }
0xb1: {  	s4 =	sshll.u32 @!p0 s4, $0x11;
	s6 =	sadd.s32 @!p0 $0x11B8D, s6;
	_ =	swait.eq @!p0 [sflag:s5], $0x1  }
0xb2: {  	s4 =	sor.u32 @!p0 s4, s6;
	[sflag:s5] =	ssyncadd.s32 @!p0 $0xFFFFFFFF  }
0xb3: {  	s25 =	simm.s32 $0x1B8E;
	s24 =	sld [smem:$0x3FFE];
	[sflag:s4] =	ssyncadd.remote.s32 @!p0 $0x1  }
0xb4: {  	s26 =	simm.s32 $execute0_lowered;
	[smem:$0x3FD2] =	sst s25  }
0xb5: {  	s5 =	sshll.u32 s26, $0x1;
	_ =	strace $0x80000049;
	[dreg:$0x1] =	wrdreg $0xFFFFFFFF  }
0xb6: {  	s28 =	simm.s32 $_size_execute0_lowered;
	s3 =	sadd.s32 s3, s5;
	[dreg:$0x0] =	wrdreg $0x0  }
0xb7: {  	s5 =	sshll.u32 s28, $0x1;
	[dreg:$0x2] =	wrdreg s3  }
0xb8: {  	[dreg:$0x3] =	wrdreg s5  }
0xb9: {  	[dreg:$0x4] =	wrdreg $0xC0  }
0xba: {  	_ =	task [dreg:s22], $0x5FFFF  }
0xbb: {  	[dreg:$0x1] =	wrdreg $0xFFFFFFFF  }
0xbc: {  	[dreg:$0x0] =	wrdreg $0x60  }
0xbd: {  	[dreg:$0x2] =	wrdreg s24  }
0xbe: {  	[dreg:$0x3] =	wrdreg $0xA  }
0xbf: {  	_ =	task.clear_ibuf [dreg:s22], $0x4FFFF;
	_ =	strace $0x90000049  }
0xc0: {  	s29 =	simm.s32 $0xA;
	_ =	strace $0x8000004B  }
0xc1: {  	_ =	swait.ge [sflag:s29], $0x1  }
0xc2: {  	[sflag:s29] =	ssyncadd.s32 $0xFFFFFFFF  }
0xc3: {  	_ =	strace $0x9000004B  }
0xc4: {  	_ =	sfence  }
0xc5: {  	s30 =	sld [smem:$0x0];
	_ =	sdelay $0x2  }
0xc6: {  	s31 =	sshll.u32 s1, $0xD;
	s1 =	sshrl.u32 s1, $0x2  }
0xc7: {  	s4 =	sand.u32 $0x4000, s31;
	s1 =	sadd.s32 s1, s30  }
0xc8: {  	s0 =	sor.u32 s4, s0;
	s1 =	sshll.u32 s1, $0x11  }
0xc9: {  	s0 =	sor.u32 s1, s0  }
0xca: {  	s0 =	sadd.s32 $0x8F2B, s0  }
0xcb: {  	[sflag:s0] =	ssyncadd.remote.s32 $0x1  }
0xcc: {  	_ =	sfence.sel $0xFFFF  }
0xcd: {  	[dreg:$0x0] =	wrdreg $0xFFFFFFFF;
	(pc) =	sbr.abs _section_cstart, $3  }
0xce: {  	[dreg:$0x1] =	wrdreg $0xFFFFFFFF  }
0xcf: {  	_ =	task.clear_ibuf [dreg:s22], $0x2FFFF;
	_ =	strace $0x9FFFFFFF  }
0xd0: {  	(tm) =	ssettm $0x7FFFFFFF  }
0xd1: {  	_ =	shalt  }
tec
execute0_lowered:
.L_overlay_start_1:
0x0: {  	(tag) =	ssettag $0x1  }
0x1: {  	s0 =	srdreg.scid  }
0x2: {  	s2 =	stileid.u32;
	s1 =	rddreg [dreg:$0x0]  }
0x3: {  	s7 =	simm.s32 $0x9;
	s8 =	simm.s32 $0x80;
	s10 =	simm.s32 $0x48  }
0x4: {  	s17 =	simm.s32 $0xA400;
	s18 =	simm.s32 $0x210;
	s19 =	simm.s32 $0xB400  }
0x5: {  	s20 =	simm.s32 $0x258;
	s21 =	simm.s32 $0xC400;
	s22 =	simm.s32 $0x2D8  }
0x6: {  	s23 =	simm.s32 $0xD400;
	s24 =	simm.s32 $0x1;
	s25 =	simm.s32 $0x2  }
0x7: {  	s26 =	simm.s32 $0x3;
	s28 =	simm.s32 $0x4;
	s29 =	simm.s32 $0x5  }
0x8: {  	s30 =	simm.s32 $0x6;
	s31 =	simm.s32 $0x7;
	s9 =	simm.s32 $0x0  }
0x9: {  	s0 =	sand.u32 $0x1, s0;
	s4 =	sshll.u32 s2, $0x7;
	s2 =	simm.s32 $0x0  }
0xa: {  	s3 =	sshll.u32 s0, $0xB;
	[smem:$0x7FF] =	sst s2;
	s0 =	ssub.s32 $0x2, s0  }
.Ltmp0:
0xb: {  	s3 =	sor.u32 s4, s3;
	s6 =	sshrl.u32 s0, $0x1;
	(pc) =	sbr.rel .LBB2_1-.Ltmp0, $4  }
0xc: {  	_ =	strace $0x8000004A;
	s4 =	smul.u32 $0x19, s3;
	s0 =	ssub.s32 s0, s6  }
0xd: {  	s5 =	sshll.u32 s3, $0x2;
	s3 =	sadd.s32 $0x20C00, s1;
	s6 =	smax.u32 s0, $0x1  }
0xe: {  	s0 =	simm.s32 $0xE400;
	s4 =	sadd.s32 s4, s1;
	s1 =	sadd.s32 s5, s1  }
0xf: {  	s4 =	sadd.s32 $0x82800, s4;
	s5 =	sadd.s32 $0x9B800, s1;
	s1 =	simm.s32 $0x8  }
.LBB2_20:
0x10: {  	s9 =	sadd.s32 $0x1, s9  }
0x11: {  	[tilespmem:s12+$0xE460] =	vst v1;
	p0 =	sne.s32 s9, s6  }
.Ltmp1:
0x12: {  	[tilespmem:s12+$0xE470] =	vst v0;
	(pc) =	sbr.rel @!p0 .LBB2_21-.Ltmp1, $4  }
0x13: {  	[hbm4b:s5+s2] =	stream.linear.scatter [tilespmem:s0], [sflag:$0x9], $0x1000, $0x38;
	[tilespmem:$0xF400] =	vst v63  }
0x14: {  	_ =	swait.ge [sflag:s7], $0x1000  }
0x15: {  	[sflag:s7] =	ssyncset.done $0x0  }
0x16: {  	[sflag:s7] =	ssyncadd.s32 $0xFFFFF000  }
.LBB2_1:
0x17: {  	[tilespmem:s2], [sflag:$0x9] =	stream.linear.gather [hbm4b:s4+s2], $0x6400, $0x38;
	[tilespmem:$0xF400] =	vst v63  }
0x18: {  	_ =	swait.ge [sflag:s7], $0x6400  }
0x19: {  	[sflag:s7] =	ssyncset.done $0x0  }
0x1a: {  	s11 =	simm.s32 $0x6400;
	[sflag:s7] =	ssyncadd.s32 $0xFFFF9C00  }
0x1b: {  	[tilespmem:s11], [sflag:$0x1] =	stream.indirect.gather [hbm4b:s3+s8], $0x20, s2, s8, $0xb8;
	[tilespmem:$0xF400] =	vst v63  }
0x1c: {  	s12 =	simm.s32 $0x7400  }
0x1d: {  	[tilespmem:s12], [sflag:$0x2] =	stream.indirect.gather [hbm4b:s3+s10], $0x20, s8, s10, $0xb8;
	[tilespmem:$0xF400] =	vst v63  }
0x1e: {  	s13 =	simm.s32 $0xC8;
	s12 =	simm.s32 $0x8400  }
0x1f: {  	[tilespmem:s12], [sflag:$0x3] =	stream.indirect.gather [hbm4b:s3+s8], $0x20, s13, s8, $0xb8;
	[tilespmem:$0xF400] =	vst v63  }
0x20: {  	s14 =	simm.s32 $0x148;
	s15 =	simm.s32 $0x9400  }
0x21: {  	[tilespmem:s15], [sflag:$0x4] =	stream.indirect.gather [hbm4b:s3+s10], $0x20, s14, s10, $0xb8;
	[tilespmem:$0xF400] =	vst v63  }
0x22: {  	s16 =	simm.s32 $0x190  }
0x23: {  	[tilespmem:s17], [sflag:$0x5] =	stream.indirect.gather [hbm4b:s3+s8], $0x20, s16, s8, $0xb8;
	[tilespmem:$0xF400] =	vst v63  }
0x24: {  	_ = 	snop  }
0x25: {  	[tilespmem:s19], [sflag:$0x6] =	stream.indirect.gather [hbm4b:s3+s10], $0x20, s18, s10, $0xb8;
	[tilespmem:$0xF400] =	vst v63  }
0x26: {  	_ = 	snop  }
0x27: {  	[tilespmem:s21], [sflag:$0x7] =	stream.indirect.gather [hbm4b:s3+s8], $0x20, s20, s8, $0xb8;
	[tilespmem:$0xF400] =	vst v63  }
0x28: {  	s11 =	simm.s32 $0x0  }
0x29: {  	[tilespmem:s23], [sflag:$0x8] =	stream.indirect.gather [hbm4b:s3+s10], $0x20, s22, s10, $0xb8;
	[tilespmem:$0xF400] =	vst v63  }
.LBB2_2:
0x2a: {  	_ =	swait.ge [sflag:s24], $0x1000  }
0x2b: {  	[sflag:s24] =	ssyncset.done $0x0  }
0x2c: {  	s12 =	simm.s32 $0x0;
	[sflag:s24] =	ssyncadd.s32 $0xFFFFF000  }
0x2d: {  	v1 =	vld [tilespmem:s12+$0x6440]  }
0x2e: {  	v0 =	vld [tilespmem:s12+$0x6450]  }
0x2f: {  	v2 =	vld [tilespmem:s12+$0x6400]  }
0x30: {  	v5 =	vimm.f32 $0.0e+00;
	v3 =	vld [tilespmem:s12+$0x6410]  }
0x31: {  	s13 =	simm.s32 $0x200;
	v7 =	vimm.f32 $0.0e+00;
	v8 =	vimm.f32 $0.0e+00;
	v9 =	vimm.f32 $0.0e+00;
	v4 =	vld [tilespmem:s12+$0x6420]  }
.LBB2_3:
0x32: {  	p0 =	sne.s32 s13, $0x3E00;
	v6 =	vld [tilespmem:s12+$0x6430];
	v10 =	vmov v1  }
0x33: {  	v11 =	vld [tilespmem:s12+$0x6460];
	v12 =	vmov v0  }
0x34: {  	v13 =	vld [tilespmem:s12+$0x6470];
	s12 =	sshra.s32 s13, $0x2  }
.Ltmp2:
0x35: {  	v1 =	vld [tilespmem:s12+$0x6440];
	(pc) =	sbr.rel @p0 .LBB2_3-.Ltmp2, $4  }
0x36: {  	v5 =	vadd.f32 v2, v5;
	v7 =	vadd.f32 v3, v7;
	v0 =	vld [tilespmem:s12+$0x6450]  }
0x37: {  	v8 =	vadd.f32 v4, v8;
	v2 =	vld [tilespmem:s12+$0x6400];
	v6 =	vadd.f32 v6, v9  }
0x38: {  	v5 =	vadd.f32 v10, v5;
	v7 =	vadd.f32 v12, v7;
	v3 =	vld [tilespmem:s12+$0x6410]  }
0x39: {  	s13 =	sadd.s32 $0x200, s13;
	v8 =	vadd.f32 v11, v8;
	v4 =	vld [tilespmem:s12+$0x6420];
	v9 =	vadd.f32 v13, v6  }
0x3a: {  	s13 =	sshll.u32 s11, $0x2  }
0x3b: {  	p0 =	seq.s32 s11, $0x1F;
	s14 =	sadd.s32 $0x4, s13  }
0x3c: {  	v10 =	vld [tilespmem:s12+$0x6430];
	s14 =	smul.u32 @!p0 $0x320, s14  }
0x3d: {  	v11 =	vld [tilespmem:s12+$0x6460]  }
0x3e: {  	v12 =	vld [tilespmem:s12+$0x6470];
	s15 =	simm.s32 @!p0 $0x6400;
	s12 =	sshra.s32 @!p0 s14, $0x2;
	s14 =	simm.s32 @!p0 $0x80  }
0x3f: {  	[tilespmem:s15], [sflag:$0x1] =	stream.indirect.gather @!p0 [hbm4b:s3+s14], $0x20, s12, s14, $0xb8;
	[tilespmem:$0xF400] =	vst v63  }
0x40: {  	_ =	swait.ge [sflag:s25], $0x900  }
0x41: {  	[sflag:s25] =	ssyncset.done $0x0  }
0x42: {  	s14 =	simm.s32 $0x0;
	[sflag:s25] =	ssyncadd.s32 $0xFFFFF700  }
0x43: {  	v6 =	vld [tilespmem:s14+$0x7440]  }
0x44: {  	v5 =	vadd.f32 v2, v5;
	v7 =	vadd.f32 v3, v7;
	v2 =	vld [tilespmem:s14+$0x7450]  }
0x45: {  	v8 =	vadd.f32 v4, v8;
	v9 =	vadd.f32 v10, v9;
	v3 =	vld [tilespmem:s14+$0x7400]  }
0x46: {  	v4 =	vadd.f32 v1, v5;
	v1 =	vadd.f32 v0, v7;
	v0 =	vld [tilespmem:s14+$0x7410]  }
0x47: {  	s15 =	simm.s32 $0x200;
	v7 =	vadd.f32 v11, v8;
	v5 =	vadd.f32 v12, v9;
	v8 =	vld [tilespmem:s14+$0x7420]  }
.LBB2_5:
0x48: {  	p1 =	sne.s32 s15, $0x2200;
	v9 =	vld [tilespmem:s14+$0x7430];
	v10 =	vmov v6  }
0x49: {  	v11 =	vld [tilespmem:s14+$0x7460];
	v12 =	vmov v2  }
0x4a: {  	v13 =	vld [tilespmem:s14+$0x7470];
	s14 =	sshra.s32 s15, $0x2  }
.Ltmp3:
0x4b: {  	v6 =	vld [tilespmem:s14+$0x7440];
	(pc) =	sbr.rel @p1 .LBB2_5-.Ltmp3, $4  }
0x4c: {  	v4 =	vadd.f32 v3, v4;
	v1 =	vadd.f32 v0, v1;
	v2 =	vld [tilespmem:s14+$0x7450]  }
0x4d: {  	v7 =	vadd.f32 v8, v7;
	v3 =	vld [tilespmem:s14+$0x7400];
	v5 =	vadd.f32 v9, v5  }
0x4e: {  	v4 =	vadd.f32 v10, v4;
	v1 =	vadd.f32 v12, v1;
	v0 =	vld [tilespmem:s14+$0x7410]  }
0x4f: {  	s15 =	sadd.s32 $0x200, s15;
	v7 =	vadd.f32 v11, v7;
	v8 =	vld [tilespmem:s14+$0x7420];
	v5 =	vadd.f32 v13, v5  }
0x50: {  	v9 =	vld [tilespmem:s14+$0x7430]  }
0x51: {  	v10 =	vld [tilespmem:s14+$0x7460]  }
0x52: {  	v11 =	vld [tilespmem:s14+$0x7470];
	_ =	sdelay $0x1  }
0x53: {  	v3 =	vadd.f32 v3, v4;
	v4 =	vadd.f32 v8, v7  }
0x54: {  	v0 =	vadd.f32 v0, v1;
	v1 =	vadd.f32 v9, v5  }
0x55: {  	s12 =	sadd.s32 @!p0 $0x80, s12;
	v3 =	vadd.f32 v6, v3;
	v4 =	vadd.f32 v10, v4  }
0x56: {  	s14 =	simm.s32 @!p0 $0x48;
	s15 =	simm.s32 @!p0 $0x7400;
	s16 =	sshll.u32 s11, $0x7;
	v0 =	vadd.f32 v2, v0;
	v1 =	vadd.f32 v11, v1  }
0x57: {  	[tilespmem:s15], [sflag:$0x2] =	stream.indirect.gather @!p0 [hbm4b:s3+s14], $0x20, s12, s14, $0xb8;
	v2 =	vadd.f32 v4, v3;
	[tilespmem:$0xF400] =	vst v63  }
0x58: {  	s12 =	sand.u32 $0x3FFFFF80, s16;
	v0 =	vadd.f32 v1, v0  }
0x59: {  	[tilespmem:s12+$0xE400] =	vst v2  }
0x5a: {  	[tilespmem:s12+$0xE410] =	vst v0  }
0x5b: {  	_ =	swait.ge [sflag:s26], $0x1000  }
0x5c: {  	[sflag:s26] =	ssyncset.done $0x0  }
0x5d: {  	s14 =	simm.s32 $0x0;
	[sflag:s26] =	ssyncadd.s32 $0xFFFFF000  }
0x5e: {  	v1 =	vld [tilespmem:s14+$0x8440]  }
0x5f: {  	v0 =	vld [tilespmem:s14+$0x8450]  }
0x60: {  	v2 =	vld [tilespmem:s14+$0x8400]  }
0x61: {  	v7 =	vimm.f32 $0.0e+00;
	v3 =	vld [tilespmem:s14+$0x8410]  }
0x62: {  	s15 =	simm.s32 $0x200;
	v8 =	vimm.f32 $0.0e+00;
	v5 =	vimm.f32 $0.0e+00;
	v9 =	vimm.f32 $0.0e+00;
	v4 =	vld [tilespmem:s14+$0x8420]  }
.LBB2_7:
0x63: {  	p1 =	sne.s32 s15, $0x3E00;
	v6 =	vld [tilespmem:s14+$0x8430];
	v10 =	vmov v1  }
0x64: {  	v11 =	vld [tilespmem:s14+$0x8460];
	v12 =	vmov v0  }
0x65: {  	v13 =	vld [tilespmem:s14+$0x8470];
	s14 =	sshra.s32 s15, $0x2  }
.Ltmp4:
0x66: {  	v1 =	vld [tilespmem:s14+$0x8440];
	(pc) =	sbr.rel @p1 .LBB2_7-.Ltmp4, $4  }
0x67: {  	v5 =	vadd.f32 v2, v5;
	v7 =	vadd.f32 v3, v7;
	v0 =	vld [tilespmem:s14+$0x8450]  }
0x68: {  	v8 =	vadd.f32 v4, v8;
	v2 =	vld [tilespmem:s14+$0x8400];
	v6 =	vadd.f32 v6, v9  }
0x69: {  	v5 =	vadd.f32 v10, v5;
	v7 =	vadd.f32 v12, v7;
	v3 =	vld [tilespmem:s14+$0x8410]  }
0x6a: {  	s15 =	sadd.s32 $0x200, s15;
	v8 =	vadd.f32 v11, v8;
	v4 =	vld [tilespmem:s14+$0x8420];
	v9 =	vadd.f32 v13, v6  }
0x6b: {  	s15 =	sadd.s32 $0x5, s13  }
0x6c: {  	v10 =	vld [tilespmem:s14+$0x8430];
	s15 =	smul.u32 @!p0 $0x320, s15  }
0x6d: {  	v11 =	vld [tilespmem:s14+$0x8460]  }
0x6e: {  	v12 =	vld [tilespmem:s14+$0x8470];
	s16 =	simm.s32 @!p0 $0x8400;
	s14 =	sshra.s32 @!p0 s15, $0x2;
	s15 =	simm.s32 @!p0 $0x80  }
0x6f: {  	[tilespmem:s16], [sflag:$0x3] =	stream.indirect.gather @!p0 [hbm4b:s3+s15], $0x20, s14, s15, $0xb8;
	[tilespmem:$0xF400] =	vst v63  }
0x70: {  	_ =	swait.ge [sflag:s28], $0x900  }
0x71: {  	[sflag:s28] =	ssyncset.done $0x0  }
0x72: {  	s15 =	simm.s32 $0x0;
	[sflag:s28] =	ssyncadd.s32 $0xFFFFF700  }
0x73: {  	v6 =	vld [tilespmem:s15+$0x9440]  }
0x74: {  	v5 =	vadd.f32 v2, v5;
	v7 =	vadd.f32 v3, v7;
	v2 =	vld [tilespmem:s15+$0x9450]  }
0x75: {  	v8 =	vadd.f32 v4, v8;
	v9 =	vadd.f32 v10, v9;
	v3 =	vld [tilespmem:s15+$0x9400]  }
0x76: {  	v4 =	vadd.f32 v1, v5;
	v1 =	vadd.f32 v0, v7;
	v0 =	vld [tilespmem:s15+$0x9410]  }
0x77: {  	s16 =	simm.s32 $0x200;
	v7 =	vadd.f32 v11, v8;
	v5 =	vadd.f32 v12, v9;
	v8 =	vld [tilespmem:s15+$0x9420]  }
.LBB2_9:
0x78: {  	p1 =	sne.s32 s16, $0x2200;
	v9 =	vld [tilespmem:s15+$0x9430];
	v10 =	vmov v6  }
0x79: {  	v11 =	vld [tilespmem:s15+$0x9460];
	v12 =	vmov v2  }
0x7a: {  	v13 =	vld [tilespmem:s15+$0x9470];
	s15 =	sshra.s32 s16, $0x2  }
.Ltmp5:
0x7b: {  	v6 =	vld [tilespmem:s15+$0x9440];
	(pc) =	sbr.rel @p1 .LBB2_9-.Ltmp5, $4  }
0x7c: {  	v4 =	vadd.f32 v3, v4;
	v1 =	vadd.f32 v0, v1;
	v2 =	vld [tilespmem:s15+$0x9450]  }
0x7d: {  	v7 =	vadd.f32 v8, v7;
	v3 =	vld [tilespmem:s15+$0x9400];
	v5 =	vadd.f32 v9, v5  }
0x7e: {  	v4 =	vadd.f32 v10, v4;
	v1 =	vadd.f32 v12, v1;
	v0 =	vld [tilespmem:s15+$0x9410]  }
0x7f: {  	s16 =	sadd.s32 $0x200, s16;
	v7 =	vadd.f32 v11, v7;
	v8 =	vld [tilespmem:s15+$0x9420];
	v5 =	vadd.f32 v13, v5  }
0x80: {  	v9 =	vld [tilespmem:s15+$0x9430]  }
0x81: {  	v10 =	vld [tilespmem:s15+$0x9460]  }
0x82: {  	v11 =	vld [tilespmem:s15+$0x9470];
	_ =	sdelay $0x1  }
0x83: {  	v3 =	vadd.f32 v3, v4;
	v4 =	vadd.f32 v8, v7  }
0x84: {  	v0 =	vadd.f32 v0, v1;
	v1 =	vadd.f32 v9, v5  }
0x85: {  	v3 =	vadd.f32 v6, v3;
	v4 =	vadd.f32 v10, v4  }
0x86: {  	v0 =	vadd.f32 v2, v0;
	v1 =	vadd.f32 v11, v1  }
0x87: {  	s14 =	sadd.s32 @!p0 $0x80, s14;
	s15 =	simm.s32 @!p0 $0x48;
	s16 =	simm.s32 @!p0 $0x9400;
	v2 =	vadd.f32 v4, v3  }
0x88: {  	[tilespmem:s16], [sflag:$0x4] =	stream.indirect.gather @!p0 [hbm4b:s3+s15], $0x20, s14, s15, $0xb8;
	v0 =	vadd.f32 v1, v0;
	[tilespmem:$0xF400] =	vst v63  }
0x89: {  	[tilespmem:s12+$0xE420] =	vst v2  }
0x8a: {  	[tilespmem:s12+$0xE430] =	vst v0  }
0x8b: {  	_ =	swait.ge [sflag:s29], $0x1000  }
0x8c: {  	[sflag:s29] =	ssyncset.done $0x0  }
0x8d: {  	s14 =	simm.s32 $0x0;
	[sflag:s29] =	ssyncadd.s32 $0xFFFFF000  }
0x8e: {  	v1 =	vld [tilespmem:s14+$0xA440]  }
0x8f: {  	v0 =	vld [tilespmem:s14+$0xA450]  }
0x90: {  	v2 =	vld [tilespmem:s14+$0xA400]  }
0x91: {  	v7 =	vimm.f32 $0.0e+00;
	v3 =	vld [tilespmem:s14+$0xA410]  }
0x92: {  	s15 =	simm.s32 $0x200;
	v8 =	vimm.f32 $0.0e+00;
	v5 =	vimm.f32 $0.0e+00;
	v9 =	vimm.f32 $0.0e+00;
	v4 =	vld [tilespmem:s14+$0xA420]  }
.LBB2_11:
0x93: {  	p1 =	sne.s32 s15, $0x3E00;
	v6 =	vld [tilespmem:s14+$0xA430];
	v10 =	vmov v1  }
0x94: {  	v11 =	vld [tilespmem:s14+$0xA460];
	v12 =	vmov v0  }
0x95: {  	v13 =	vld [tilespmem:s14+$0xA470];
	s14 =	sshra.s32 s15, $0x2  }
.Ltmp6:
0x96: {  	v1 =	vld [tilespmem:s14+$0xA440];
	(pc) =	sbr.rel @p1 .LBB2_11-.Ltmp6, $4  }
0x97: {  	v5 =	vadd.f32 v2, v5;
	v7 =	vadd.f32 v3, v7;
	v0 =	vld [tilespmem:s14+$0xA450]  }
0x98: {  	v8 =	vadd.f32 v4, v8;
	v2 =	vld [tilespmem:s14+$0xA400];
	v6 =	vadd.f32 v6, v9  }
0x99: {  	v5 =	vadd.f32 v10, v5;
	v7 =	vadd.f32 v12, v7;
	v3 =	vld [tilespmem:s14+$0xA410]  }
0x9a: {  	s15 =	sadd.s32 $0x200, s15;
	v8 =	vadd.f32 v11, v8;
	v4 =	vld [tilespmem:s14+$0xA420];
	v9 =	vadd.f32 v13, v6  }
0x9b: {  	s15 =	sadd.s32 $0x6, s13  }
0x9c: {  	v10 =	vld [tilespmem:s14+$0xA430];
	s15 =	smul.u32 @!p0 $0x320, s15  }
0x9d: {  	v11 =	vld [tilespmem:s14+$0xA460]  }
0x9e: {  	v12 =	vld [tilespmem:s14+$0xA470];
	s16 =	simm.s32 @!p0 $0xA400;
	s14 =	sshra.s32 @!p0 s15, $0x2;
	s15 =	simm.s32 @!p0 $0x80  }
0x9f: {  	[tilespmem:s16], [sflag:$0x5] =	stream.indirect.gather @!p0 [hbm4b:s3+s15], $0x20, s14, s15, $0xb8;
	[tilespmem:$0xF400] =	vst v63  }
0xa0: {  	_ =	swait.ge [sflag:s30], $0x900  }
0xa1: {  	[sflag:s30] =	ssyncset.done $0x0  }
0xa2: {  	s15 =	simm.s32 $0x0;
	[sflag:s30] =	ssyncadd.s32 $0xFFFFF700  }
0xa3: {  	v6 =	vld [tilespmem:s15+$0xB440]  }
0xa4: {  	v5 =	vadd.f32 v2, v5;
	v7 =	vadd.f32 v3, v7;
	v2 =	vld [tilespmem:s15+$0xB450]  }
0xa5: {  	v8 =	vadd.f32 v4, v8;
	v9 =	vadd.f32 v10, v9;
	v3 =	vld [tilespmem:s15+$0xB400]  }
0xa6: {  	v4 =	vadd.f32 v1, v5;
	v1 =	vadd.f32 v0, v7;
	v0 =	vld [tilespmem:s15+$0xB410]  }
0xa7: {  	s16 =	simm.s32 $0x200;
	v7 =	vadd.f32 v11, v8;
	v5 =	vadd.f32 v12, v9;
	v8 =	vld [tilespmem:s15+$0xB420]  }
.LBB2_13:
0xa8: {  	p1 =	sne.s32 s16, $0x2200;
	v9 =	vld [tilespmem:s15+$0xB430];
	v10 =	vmov v6  }
0xa9: {  	v11 =	vld [tilespmem:s15+$0xB460];
	v12 =	vmov v2  }
0xaa: {  	v13 =	vld [tilespmem:s15+$0xB470];
	s15 =	sshra.s32 s16, $0x2  }
.Ltmp7:
0xab: {  	v6 =	vld [tilespmem:s15+$0xB440];
	(pc) =	sbr.rel @p1 .LBB2_13-.Ltmp7, $4  }
0xac: {  	v4 =	vadd.f32 v3, v4;
	v1 =	vadd.f32 v0, v1;
	v2 =	vld [tilespmem:s15+$0xB450]  }
0xad: {  	v7 =	vadd.f32 v8, v7;
	v3 =	vld [tilespmem:s15+$0xB400];
	v5 =	vadd.f32 v9, v5  }
0xae: {  	v4 =	vadd.f32 v10, v4;
	v1 =	vadd.f32 v12, v1;
	v0 =	vld [tilespmem:s15+$0xB410]  }
0xaf: {  	s16 =	sadd.s32 $0x200, s16;
	v7 =	vadd.f32 v11, v7;
	v8 =	vld [tilespmem:s15+$0xB420];
	v5 =	vadd.f32 v13, v5  }
0xb0: {  	v9 =	vld [tilespmem:s15+$0xB430]  }
0xb1: {  	v10 =	vld [tilespmem:s15+$0xB460]  }
0xb2: {  	v11 =	vld [tilespmem:s15+$0xB470];
	_ =	sdelay $0x1  }
0xb3: {  	v3 =	vadd.f32 v3, v4;
	v4 =	vadd.f32 v8, v7  }
0xb4: {  	v0 =	vadd.f32 v0, v1;
	v1 =	vadd.f32 v9, v5  }
0xb5: {  	v3 =	vadd.f32 v6, v3;
	v4 =	vadd.f32 v10, v4  }
0xb6: {  	v0 =	vadd.f32 v2, v0;
	v1 =	vadd.f32 v11, v1  }
0xb7: {  	s14 =	sadd.s32 @!p0 $0x80, s14;
	s15 =	simm.s32 @!p0 $0x48;
	s16 =	simm.s32 @!p0 $0xB400;
	v2 =	vadd.f32 v4, v3  }
0xb8: {  	[tilespmem:s16], [sflag:$0x6] =	stream.indirect.gather @!p0 [hbm4b:s3+s15], $0x20, s14, s15, $0xb8;
	v0 =	vadd.f32 v1, v0;
	[tilespmem:$0xF400] =	vst v63  }
0xb9: {  	[tilespmem:s12+$0xE440] =	vst v2  }
0xba: {  	[tilespmem:s12+$0xE450] =	vst v0  }
0xbb: {  	_ =	swait.ge [sflag:s31], $0x1000  }
0xbc: {  	[sflag:s31] =	ssyncset.done $0x0  }
0xbd: {  	s14 =	simm.s32 $0x0;
	[sflag:s31] =	ssyncadd.s32 $0xFFFFF000  }
0xbe: {  	v1 =	vld [tilespmem:s14+$0xC440]  }
0xbf: {  	v0 =	vld [tilespmem:s14+$0xC450]  }
0xc0: {  	v2 =	vld [tilespmem:s14+$0xC400]  }
0xc1: {  	v7 =	vimm.f32 $0.0e+00;
	v3 =	vld [tilespmem:s14+$0xC410]  }
0xc2: {  	s15 =	simm.s32 $0x200;
	v8 =	vimm.f32 $0.0e+00;
	v5 =	vimm.f32 $0.0e+00;
	v9 =	vimm.f32 $0.0e+00;
	v4 =	vld [tilespmem:s14+$0xC420]  }
.LBB2_15:
0xc3: {  	p1 =	sne.s32 s15, $0x3E00;
	v6 =	vld [tilespmem:s14+$0xC430];
	v10 =	vmov v1  }
0xc4: {  	v11 =	vld [tilespmem:s14+$0xC460];
	v12 =	vmov v0  }
0xc5: {  	v13 =	vld [tilespmem:s14+$0xC470];
	s14 =	sshra.s32 s15, $0x2  }
.Ltmp8:
0xc6: {  	v1 =	vld [tilespmem:s14+$0xC440];
	(pc) =	sbr.rel @p1 .LBB2_15-.Ltmp8, $4  }
0xc7: {  	v5 =	vadd.f32 v2, v5;
	v7 =	vadd.f32 v3, v7;
	v0 =	vld [tilespmem:s14+$0xC450]  }
0xc8: {  	v8 =	vadd.f32 v4, v8;
	v2 =	vld [tilespmem:s14+$0xC400];
	v6 =	vadd.f32 v6, v9  }
0xc9: {  	v5 =	vadd.f32 v10, v5;
	v7 =	vadd.f32 v12, v7;
	v3 =	vld [tilespmem:s14+$0xC410]  }
0xca: {  	s15 =	sadd.s32 $0x200, s15;
	v8 =	vadd.f32 v11, v8;
	v4 =	vld [tilespmem:s14+$0xC420];
	v9 =	vadd.f32 v13, v6  }
0xcb: {  	s13 =	sadd.s32 $0x7, s13  }
0xcc: {  	v10 =	vld [tilespmem:s14+$0xC430];
	s15 =	smul.u32 @!p0 $0x320, s13  }
0xcd: {  	v11 =	vld [tilespmem:s14+$0xC460]  }
0xce: {  	v12 =	vld [tilespmem:s14+$0xC470];
	s16 =	simm.s32 @!p0 $0xC400;
	s14 =	sshra.s32 @!p0 s15, $0x2;
	s15 =	simm.s32 @!p0 $0x80  }
0xcf: {  	[tilespmem:s16], [sflag:$0x7] =	stream.indirect.gather @!p0 [hbm4b:s3+s15], $0x20, s14, s15, $0xb8;
	[tilespmem:$0xF400] =	vst v63  }
0xd0: {  	_ =	swait.ge [sflag:s1], $0x900  }
0xd1: {  	[sflag:s1] =	ssyncset.done $0x0  }
0xd2: {  	s14 =	simm.s32 $0x0;
	[sflag:s1] =	ssyncadd.s32 $0xFFFFF700  }
0xd3: {  	v6 =	vld [tilespmem:s14+$0xD440]  }
0xd4: {  	v5 =	vadd.f32 v2, v5;
	v7 =	vadd.f32 v3, v7;
	v2 =	vld [tilespmem:s14+$0xD450]  }
0xd5: {  	v8 =	vadd.f32 v4, v8;
	v9 =	vadd.f32 v10, v9;
	v3 =	vld [tilespmem:s14+$0xD400]  }
0xd6: {  	v1 =	vadd.f32 v1, v5;
	v4 =	vadd.f32 v0, v7;
	v0 =	vld [tilespmem:s14+$0xD410]  }
0xd7: {  	s15 =	simm.s32 $0x200;
	v5 =	vadd.f32 v11, v8;
	v8 =	vadd.f32 v12, v9;
	v7 =	vld [tilespmem:s14+$0xD420]  }
.LBB2_17:
0xd8: {  	p1 =	sne.s32 s15, $0x2200;
	v9 =	vld [tilespmem:s14+$0xD430];
	v10 =	vmov v6  }
0xd9: {  	v11 =	vld [tilespmem:s14+$0xD460];
	v12 =	vmov v2  }
0xda: {  	v13 =	vld [tilespmem:s14+$0xD470];
	s14 =	sshra.s32 s15, $0x2  }
.Ltmp9:
0xdb: {  	v6 =	vld [tilespmem:s14+$0xD440];
	(pc) =	sbr.rel @p1 .LBB2_17-.Ltmp9, $4  }
0xdc: {  	v1 =	vadd.f32 v3, v1;
	v4 =	vadd.f32 v0, v4;
	v2 =	vld [tilespmem:s14+$0xD450]  }
0xdd: {  	v5 =	vadd.f32 v7, v5;
	v3 =	vld [tilespmem:s14+$0xD400];
	v8 =	vadd.f32 v9, v8  }
0xde: {  	v1 =	vadd.f32 v10, v1;
	v4 =	vadd.f32 v12, v4;
	v0 =	vld [tilespmem:s14+$0xD410]  }
0xdf: {  	s15 =	sadd.s32 $0x200, s15;
	v5 =	vadd.f32 v11, v5;
	v7 =	vld [tilespmem:s14+$0xD420];
	v8 =	vadd.f32 v13, v8  }
0xe0: {  	v9 =	vld [tilespmem:s14+$0xD430]  }
0xe1: {  	v10 =	vld [tilespmem:s14+$0xD460]  }
0xe2: {  	v11 =	vld [tilespmem:s14+$0xD470];
	_ =	sdelay $0x1  }
0xe3: {  	v1 =	vadd.f32 v3, v1;
	v0 =	vadd.f32 v0, v4  }
.Ltmp10:
0xe4: {  	v3 =	vadd.f32 v7, v5;
	v63 =	vadd.f32 v9, v8;
	(pc) =	sbr.rel @p0 .LBB2_20-.Ltmp10, $3  }
0xe5: {  	v1 =	vadd.f32 v6, v1;
	v0 =	vadd.f32 v2, v0  }
0xe6: {  	v2 =	vadd.f32 v10, v3;
	v3 =	vadd.f32 v11, v63;
	_ =	sdelay $0x1  }
0xe7: {  	v1 =	vadd.f32 v2, v1;
	v0 =	vadd.f32 v3, v0  }
0xe8: {  	s13 =	smul.u32 $0x320, s13;
	_ =	sdelay $0x1  }
.Ltmp11:
0xe9: {  	s13 =	sshra.s32 s13, $0x2;
	(pc) =	sbr.rel .LBB2_2-.Ltmp11, $4  }
0xea: {  	s13 =	sadd.s32 $0x80, s13  }
0xeb: {  	[tilespmem:s23], [sflag:$0x8] =	stream.indirect.gather [hbm4b:s3+s10], $0x20, s13, s10, $0xb8;
	[tilespmem:$0xF400] =	vst v63  }
0xec: {  	[tilespmem:s12+$0xE460] =	vst v1  }
0xed: {  	s11 =	sadd.s32 $0x1, s11;
	[tilespmem:s12+$0xE470] =	vst v0  }
.LBB2_21:
0xee: {  	_ =	sfence.sel $0x180000  }
0xef: {  	[bflag:$0x0] =	sbarrier.arrive $0xFFFF  }
0xf0: {  	_ =	strace $0x9000004A  }
0xf1: {  	s0 =	stileid.u32;
	[bflag:$0x2] =	sbarrier.arrive $0xFFFF  }
0xf2: {  	p0 =	sne.s32 s0, $0x0;
	s0 =	rddreg [dreg:$0x1]  }
0xf3: {  	s0 =	sadd.s32 @!p0 $0x100000, s0  }
0xf4: {  	[sflag:s0] =	ssyncadd.tile.s32 @!p0 $0x1;
	_ =	shalt  }
.Lfunc_end2:
_tile_overlayer_lowered:
.L_overlay_start_2:
0xf5: {  	(tag) =	ssettag $0x2  }
0xf6: {  	s0 =	rddreg [dreg:$0x0];
	s2 =	stileid.u32  }
0xf7: {  	s1 =	rddreg [dreg:$0x1];
	p0 =	sne.s32 s2, $0x0  }
0xf8: {  	s3 =	rddreg [dreg:$0x2];
	[bflag:$0x3] =	sbarrier.arrive $0xFFFF;
	s2 =	simm.s32 @!p0 $0x1C09  }
0xf9: {  	[timem:s3], [sflag:s2] =	dma.local @!p0 [hbm:s0], s1  }
0xfa: {  	s0 =	simm.s32 @!p0 $0x9  }
0xfb: {  	_ =	swait.ge @!p0 [sflag:s0], s1  }
0xfc: {  	s1 =	ssub.s32 @!p0 $0x0, s1;
	[sflag:s0] =	ssyncset.done @!p0 $0x0  }
0xfd: {  	[sflag:s0] =	ssyncadd.s32 @!p0 s1  }
0xfe: {  	[bflag:$0x3] =	sbarrier.arrive $0xFFFF  }
0xff: {  	_ =	shalt  }

</sc_bundles>
